<compile_context>
chip_gen: v7x
topology: tpu7x:2x2x1
jax: 0.10.2.dev20260603
libtpu: 0.0.44.dev20260713+nightly
codegen_flags: <defaults>
</compile_context>

<pallas_src>
import functools

import jax
import jax.numpy as jnp
from jax import lax
from jax.experimental import pallas as pl
from jax.experimental.pallas import tpu as pltpu
from jax.experimental.pallas import tpu_sc as plsc

D_MODEL = 768
NUM_CORES = 2
NUM_SUBCORES = 16
NW = NUM_CORES * NUM_SUBCORES
LANES = 16
GROUPS = D_MODEL // LANES

_mesh = plsc.VectorSubcoreMesh(core_axis_name="c", subcore_axis_name="s")


@functools.cache
def _build(n_seq: int, seq_len: int, rpc: int, nbuf: int, prefetch: int):
    ppw = seq_len // NW
    cpc = ppw // rpc
    n_chunks = n_seq * cpc
    total = n_seq * seq_len
    assert nbuf % cpc == 0 and n_chunks % nbuf == 0

    @functools.partial(
        pl.kernel,
        mesh=_mesh,
        out_type=jax.ShapeDtypeStruct((total, D_MODEL), jnp.float32),
        scratch_types=[
            pltpu.VMEM((n_seq * ppw,), jnp.int32),
            pltpu.VMEM((ppw, D_MODEL), jnp.float32),
        ]
        + [pltpu.VMEM((rpc, D_MODEL), jnp.float32) for _ in range(nbuf)]
        + [pltpu.SemaphoreType.DMA for _ in range(2 * nbuf + 1)],
    )
    def emb(x_hbm, tok_hbm, pos_hbm, out_hbm, idx_all, pos_v, *bufs_sems):
        rows = bufs_sems[:nbuf]
        gsem = bufs_sems[nbuf:2 * nbuf]
        osem = bufs_sems[2 * nbuf:3 * nbuf]
        isem = bufs_sems[3 * nbuf]
        wid = lax.axis_index("s") * NUM_CORES + lax.axis_index("c")
        p_lo = pl.multiple_of(wid * ppw, ppw)

        def idx_copy(s):
            pltpu.async_copy(
                x_hbm.at[pl.ds(s * seq_len + p_lo, ppw)],
                idx_all.at[pl.ds(s * ppw, ppw)],
                isem,
            )

        n_first = (prefetch * rpc + ppw - 1) // ppw
        for s0 in range(n_first):
            idx_copy(s0)
        pltpu.make_async_copy(x_hbm.at[pl.ds(0, n_first * ppw)],
                              idx_all.at[pl.ds(0, n_first * ppw)],
                              isem).wait()

        def start_gather(b, k):
            pltpu.async_copy(
                tok_hbm.at[idx_all.at[pl.ds(k * rpc, rpc)]], rows[b], gsem[b]
            )

        def wait_gather(b):
            pltpu.make_async_copy(
                tok_hbm.at[idx_all.at[pl.ds(0, rpc)]], rows[b], gsem[b]
            ).wait()

        def wait_out(b):
            pltpu.make_async_copy(rows[b], out_hbm.at[pl.ds(0, rpc)], osem[b]).wait()

        for k0 in range(prefetch):
            start_gather(k0, k0)

        def idx_body(s, _):
            idx_copy(s)
            return 0

        lax.fori_loop(n_first, n_seq, idx_body, 0)
        pltpu.sync_copy(pos_hbm.at[pl.ds(p_lo, ppw)], pos_v)
        pltpu.make_async_copy(
            x_hbm.at[pl.ds(0, (n_seq - n_first) * ppw)],
            idx_all.at[pl.ds(0, (n_seq - n_first) * ppw)],
            isem,
        ).wait()

        def body(j, _):
            for b in range(nbuf):
                k = nbuf * j + b
                h_base = (b % cpc) * rpc
                wait_gather(b)

                def row_body(r, _):
                    for g in range(GROUPS):
                        sl = pl.ds(g * LANES, LANES)
                        rows[b][r, sl] = rows[b][r, sl] + pos_v[h_base + r, sl]
                    return 0

                lax.fori_loop(0, rpc, row_body, 0)

                s = (nbuf // cpc) * j + b // cpc
                pltpu.async_copy(
                    rows[b],
                    out_hbm.at[pl.ds(s * seq_len + p_lo + h_base, rpc)],
                    osem[b],
                )

                kn = k + prefetch
                bn = (b + prefetch) % nbuf

                @pl.when(kn < n_chunks)
                def _prefetch():
                    @pl.when(k >= nbuf - prefetch)
                    def _drain():
                        wait_out(bn)

                    start_gather(bn, kn)

            return 0

        lax.fori_loop(0, n_chunks // nbuf, body, 0)

        for b in range(nbuf):
            wait_out(b)

    return emb


def kernel(x, tok_table, pos_table):
    B, T = x.shape
    emb = _build(B, T, 32, 4, 3)
    out = emb(x.reshape(B * T).astype(jnp.int32), tok_table, pos_table)
    return out.reshape(B, T, D_MODEL)

# --- scband reference (transcript-rebuilt; emitter-appended) ---
"""Pipeline reference for scband-transformer-embeddings-30872224923936 (READ-ONLY COPY).

The authoritative reference and input builder live on the scoring server;
editing this copy changes nothing except your own understanding.
"""

import jax, jax.numpy as jnp
import numpy as np

VOCAB = 50257
D_MODEL = 768
MAX_SEQ = 1024
B = 64
T = 1024

def setup_inputs(seed: int = 0) -> dict:
    key = jax.random.key(seed)
    k1, k2, k3 = jax.random.split(key, 3)
    x = jax.random.randint(k1, (B, T), 0, VOCAB, dtype=jnp.int64 if jax.config.jax_enable_x64 else jnp.int32)
    tok_table = jax.random.normal(k2, (VOCAB, D_MODEL), dtype=jnp.float32) * 0.02
    pos_table = jax.random.normal(k3, (MAX_SEQ, D_MODEL), dtype=jnp.float32) * 0.02
    return {"x": x, "tok_table": tok_table, "pos_table": pos_table}

def reference(x, tok_table, pos_table):
    # TransformerEmbeddings.forward (eval mode: dropout is identity)
    Tlen = x.shape[1]
    positions = jnp.arange(0, Tlen)
    tok_emb = jnp.take(tok_table, x, axis=0)          # [B, T, d_model] gather
    pos_emb = jnp.take(pos_table, positions, axis=0)  # [T, d_model]
    out = tok_emb + pos_emb[None, :, :]
    return out

if __name__ == "__main__":
    import jax
    _d = setup_inputs()
    print(jax.jit(kernel)(*tuple(_d.values())))

</pallas_src>

<mosaic_0001>
#map = affine_map<(d0, d1) -> (0)>
#map1 = affine_map<(d0, d1) -> (0, 0)>
module attributes {stable_mosaic.version = 14 : i64} {
  func.func @emb(%arg0: i32, %arg1: i32, %arg2: memref<65536xi32, #tpu.memory_space<hbm>>, %arg3: memref<50257x768xf32, #tpu.memory_space<hbm>>, %arg4: memref<1024x768xf32, #tpu.memory_space<hbm>>, %arg5: memref<65536x768xf32, #tpu.memory_space<hbm>>, %arg6: memref<2048xi32, #tpu.memory_space<vmem>>, %arg7: memref<32x768xf32, #tpu.memory_space<vmem>>, %arg8: memref<32x768xf32, #tpu.memory_space<vmem>>, %arg9: memref<32x768xf32, #tpu.memory_space<vmem>>, %arg10: memref<32x768xf32, #tpu.memory_space<vmem>>, %arg11: memref<32x768xf32, #tpu.memory_space<vmem>>, %arg12: memref<!tpu.dma_semaphore, #tpu.memory_space<semaphore_mem>>, %arg13: memref<!tpu.dma_semaphore, #tpu.memory_space<semaphore_mem>>, %arg14: memref<!tpu.dma_semaphore, #tpu.memory_space<semaphore_mem>>, %arg15: memref<!tpu.dma_semaphore, #tpu.memory_space<semaphore_mem>>, %arg16: memref<!tpu.dma_semaphore, #tpu.memory_space<semaphore_mem>>, %arg17: memref<!tpu.dma_semaphore, #tpu.memory_space<semaphore_mem>>, %arg18: memref<!tpu.dma_semaphore, #tpu.memory_space<semaphore_mem>>, %arg19: memref<!tpu.dma_semaphore, #tpu.memory_space<semaphore_mem>>, %arg20: memref<!tpu.dma_semaphore, #tpu.memory_space<semaphore_mem>>) attributes {dimension_semantics = [#tpu.dimension_semantics<core_parallel>, #tpu.dimension_semantics<subcore_parallel>], iteration_bounds = array<i64: 2, 16>, scalar_prefetch = 0 : i64, scratch_operands = 15 : i64, tpu.core_type = #tpu.core_type<sc_vector_subcore>, window_params = [{transform_indices = #map}, {transform_indices = #map1}, {transform_indices = #map1}, {transform_indices = #map1}]} {
    %mul3A = arith.constant 2 : i32
    %mul3A_0 = arith.muli %arg1, %mul3A : i32
    %add3A = arith.addi %mul3A_0, %arg0 : i32
    %mul3A_1 = arith.constant 32 : i32
    %mul3A_2 = arith.muli %add3A, %mul3A_1 : i32
    %multiple_of3A = tpu.assume_multiple %mul3A_2, 32 : i32
    %add3A_3 = arith.constant 0 : i32
    %add3A_4 = arith.addi %add3A_3, %multiple_of3A : i32
    %dma_start3A = arith.constant 0 : i32
    %dma_start3A_5 = tpu.memref_slice %arg6[%dma_start3A] : memref<2048xi32, #tpu.memory_space<vmem>> -> memref<32xi32, #tpu.memory_space<vmem>>
    %dma_start3A_6 = tpu.memref_slice %arg2[%add3A_4] : memref<65536xi32, #tpu.memory_space<hbm>> -> memref<32xi32, #tpu.memory_space<hbm>>
    %dma_start3A_7 = arith.constant 0 : i32
    %dma_start3A_8 = tpu.memref_slice %arg6[%dma_start3A_7] : memref<2048xi32, #tpu.memory_space<vmem>> -> memref<32xi32, #tpu.memory_space<vmem>>
    %dma_start3A_9 = tpu.memref_slice %arg2[%add3A_4] : memref<65536xi32, #tpu.memory_space<hbm>> -> memref<32xi32, #tpu.memory_space<hbm>>
    tpu.enqueue_dma source(%dma_start3A_9 : memref<32xi32, #tpu.memory_space<hbm>>) target(%dma_start3A_8 : memref<32xi32, #tpu.memory_space<vmem>>) target_semaphore(%arg20 : memref<!tpu.dma_semaphore, #tpu.memory_space<semaphore_mem>>)
    %add3A_10 = arith.constant 1024 : i32
    %add3A_11 = arith.addi %add3A_10, %multiple_of3A : i32
    %dma_start3A_12 = arith.constant 32 : i32
    %dma_start3A_13 = tpu.memref_slice %arg6[%dma_start3A_12] : memref<2048xi32, #tpu.memory_space<vmem>> -> memref<32xi32, #tpu.memory_space<vmem>>
    %dma_start3A_14 = tpu.memref_slice %arg2[%add3A_11] : memref<65536xi32, #tpu.memory_space<hbm>> -> memref<32xi32, #tpu.memory_space<hbm>>
    %dma_start3A_15 = arith.constant 32 : i32
    %dma_start3A_16 = tpu.memref_slice %arg6[%dma_start3A_15] : memref<2048xi32, #tpu.memory_space<vmem>> -> memref<32xi32, #tpu.memory_space<vmem>>
    %dma_start3A_17 = tpu.memref_slice %arg2[%add3A_11] : memref<65536xi32, #tpu.memory_space<hbm>> -> memref<32xi32, #tpu.memory_space<hbm>>
    tpu.enqueue_dma source(%dma_start3A_17 : memref<32xi32, #tpu.memory_space<hbm>>) target(%dma_start3A_16 : memref<32xi32, #tpu.memory_space<vmem>>) target_semaphore(%arg20 : memref<!tpu.dma_semaphore, #tpu.memory_space<semaphore_mem>>)
    %add3A_18 = arith.constant 2048 : i32
    %add3A_19 = arith.addi %add3A_18, %multiple_of3A : i32
    %dma_start3A_20 = arith.constant 64 : i32
    %dma_start3A_21 = tpu.memref_slice %arg6[%dma_start3A_20] : memref<2048xi32, #tpu.memory_space<vmem>> -> memref<32xi32, #tpu.memory_space<vmem>>
    %dma_start3A_22 = tpu.memref_slice %arg2[%add3A_19] : memref<65536xi32, #tpu.memory_space<hbm>> -> memref<32xi32, #tpu.memory_space<hbm>>
    %dma_start3A_23 = arith.constant 64 : i32
    %dma_start3A_24 = tpu.memref_slice %arg6[%dma_start3A_23] : memref<2048xi32, #tpu.memory_space<vmem>> -> memref<32xi32, #tpu.memory_space<vmem>>
    %dma_start3A_25 = tpu.memref_slice %arg2[%add3A_19] : memref<65536xi32, #tpu.memory_space<hbm>> -> memref<32xi32, #tpu.memory_space<hbm>>
    tpu.enqueue_dma source(%dma_start3A_25 : memref<32xi32, #tpu.memory_space<hbm>>) target(%dma_start3A_24 : memref<32xi32, #tpu.memory_space<vmem>>) target_semaphore(%arg20 : memref<!tpu.dma_semaphore, #tpu.memory_space<semaphore_mem>>)
    %dma_wait3A = arith.constant 0 : i32
    %dma_wait3A_26 = tpu.memref_slice %arg6[%dma_wait3A] : memref<2048xi32, #tpu.memory_space<vmem>> -> memref<96xi32, #tpu.memory_space<vmem>>
    %dma_wait3A_27 = arith.constant 0 : i32
    %dma_wait3A_28 = tpu.memref_slice %arg2[%dma_wait3A_27] : memref<65536xi32, #tpu.memory_space<hbm>> -> memref<96xi32, #tpu.memory_space<hbm>>
    %dma_wait3A_29 = arith.constant 0 : i32
    %dma_wait3A_30 = tpu.memref_slice %arg6[%dma_wait3A_29] : memref<2048xi32, #tpu.memory_space<vmem>> -> memref<96xi32, #tpu.memory_space<vmem>>
    %dma_wait3A_31 = arith.constant 0 : i32
    %dma_wait3A_32 = tpu.memref_slice %arg2[%dma_wait3A_31] : memref<65536xi32, #tpu.memory_space<hbm>> -> memref<96xi32, #tpu.memory_space<hbm>>
    tpu.wait_dma2 semaphore(%arg20 : memref<!tpu.dma_semaphore, #tpu.memory_space<semaphore_mem>>) src(%dma_wait3A_32 : memref<96xi32, #tpu.memory_space<hbm>>) dst(%dma_wait3A_30 : memref<96xi32, #tpu.memory_space<vmem>>)
    %dma_start3A_33 = arith.constant 0 : i32
    %dma_start3A_34 = tpu.memref_slice %arg6[%dma_start3A_33] : memref<2048xi32, #tpu.memory_space<vmem>> -> memref<32xi32, #tpu.memory_space<vmem>>
    %dma_start3A_35 = arith.constant 0 : i32
    %dma_start3A_36 = arith.constant 0 : i32
    %dma_start3A_37 = tpu.memref_slice %arg3[%dma_start3A_35, %dma_start3A_36] : memref<50257x768xf32, #tpu.memory_space<hbm>> -> memref<50257x768xf32, #tpu.memory_space<hbm>>
    tpu.enqueue_indirect_dma source(%dma_start3A_37 : memref<50257x768xf32, #tpu.memory_space<hbm>>) target(%arg8 : memref<32x768xf32, #tpu.memory_space<vmem>>) offsets(%dma_start3A_34 : memref<32xi32, #tpu.memory_space<vmem>>) semaphore(%arg12 : memref<!tpu.dma_semaphore, #tpu.memory_space<semaphore_mem>>)
    %dma_start3A_38 = arith.constant 32 : i32
    %dma_start3A_39 = tpu.memref_slice %arg6[%dma_start3A_38] : memref<2048xi32, #tpu.memory_space<vmem>> -> memref<32xi32, #tpu.memory_space<vmem>>
    %dma_start3A_40 = arith.constant 0 : i32
    %dma_start3A_41 = arith.constant 0 : i32
    %dma_start3A_42 = tpu.memref_slice %arg3[%dma_start3A_40, %dma_start3A_41] : memref<50257x768xf32, #tpu.memory_space<hbm>> -> memref<50257x768xf32, #tpu.memory_space<hbm>>
    tpu.enqueue_indirect_dma source(%dma_start3A_42 : memref<50257x768xf32, #tpu.memory_space<hbm>>) target(%arg9 : memref<32x768xf32, #tpu.memory_space<vmem>>) offsets(%dma_start3A_39 : memref<32xi32, #tpu.memory_space<vmem>>) semaphore(%arg13 : memref<!tpu.dma_semaphore, #tpu.memory_space<semaphore_mem>>)
    %dma_start3A_43 = arith.constant 64 : i32
    %dma_start3A_44 = tpu.memref_slice %arg6[%dma_start3A_43] : memref<2048xi32, #tpu.memory_space<vmem>> -> memref<32xi32, #tpu.memory_space<vmem>>
    %dma_start3A_45 = arith.constant 0 : i32
    %dma_start3A_46 = arith.constant 0 : i32
    %dma_start3A_47 = tpu.memref_slice %arg3[%dma_start3A_45, %dma_start3A_46] : memref<50257x768xf32, #tpu.memory_space<hbm>> -> memref<50257x768xf32, #tpu.memory_space<hbm>>
    tpu.enqueue_indirect_dma source(%dma_start3A_47 : memref<50257x768xf32, #tpu.memory_space<hbm>>) target(%arg10 : memref<32x768xf32, #tpu.memory_space<vmem>>) offsets(%dma_start3A_44 : memref<32xi32, #tpu.memory_space<vmem>>) semaphore(%arg14 : memref<!tpu.dma_semaphore, #tpu.memory_space<semaphore_mem>>)
    %scan3A = arith.constant 0 : i32
    %scan3A_48 = arith.constant 3 : i32
    %scan3A_49 = arith.constant 61 : i32
    %scan3A_50 = arith.addi %scan3A_48, %scan3A_49 : i32
    %scan3A_51 = arith.constant 1 : i32
    %scan3A_52 = scf.for %scan3A_93 = %scan3A_48 to %scan3A_50 step %scan3A_51 iter_args(%scan3A_94 = %scan3A) -> (i32)  : i32 {
      %mul3A_95 = arith.constant 1024 : i32
      %mul3A_96 = arith.muli %scan3A_93, %mul3A_95 : i32
      %add3A_97 = arith.addi %mul3A_96, %multiple_of3A : i32
      %mul3A_98 = arith.constant 32 : i32
      %mul3A_99 = arith.muli %scan3A_93, %mul3A_98 : i32
      %dma_start3A_100 = tpu.memref_slice %arg6[%mul3A_99] : memref<2048xi32, #tpu.memory_space<vmem>> -> memref<32xi32, #tpu.memory_space<vmem>>
      %dma_start3A_101 = tpu.memref_slice %arg2[%add3A_97] : memref<65536xi32, #tpu.memory_space<hbm>> -> memref<32xi32, #tpu.memory_space<hbm>>
      %dma_start3A_102 = tpu.memref_slice %arg6[%mul3A_99] : memref<2048xi32, #tpu.memory_space<vmem>> -> memref<32xi32, #tpu.memory_space<vmem>>
      %dma_start3A_103 = tpu.memref_slice %arg2[%add3A_97] : memref<65536xi32, #tpu.memory_space<hbm>> -> memref<32xi32, #tpu.memory_space<hbm>>
      tpu.enqueue_dma source(%dma_start3A_103 : memref<32xi32, #tpu.memory_space<hbm>>) target(%dma_start3A_102 : memref<32xi32, #tpu.memory_space<vmem>>) target_semaphore(%arg20 : memref<!tpu.dma_semaphore, #tpu.memory_space<semaphore_mem>>)
      %scan3A_104 = arith.constant 0 : i32
      scf.yield %scan3A_104 : i32
    }
    %scan3A_53 = arith.constant 61 : i32
    "tpu.region"() ({
      %run_scoped3A = tpu.sem_alloc : memref<!tpu.dma_semaphore, #tpu.memory_space<semaphore_mem>>
      %dma_start3A_93 = arith.constant 0 : i32
      %dma_start3A_94 = tpu.memref_slice %arg4[%multiple_of3A, %dma_start3A_93] : memref<1024x768xf32, #tpu.memory_space<hbm>> -> memref<32x768xf32, #tpu.memory_space<hbm>>
      %dma_start3A_95 = arith.constant 0 : i32
      %dma_start3A_96 = tpu.memref_slice %arg4[%multiple_of3A, %dma_start3A_95] : memref<1024x768xf32, #tpu.memory_space<hbm>> -> memref<32x768xf32, #tpu.memory_space<hbm>>
      tpu.enqueue_dma source(%dma_start3A_96 : memref<32x768xf32, #tpu.memory_space<hbm>>) target(%arg7 : memref<32x768xf32, #tpu.memory_space<vmem>>) target_semaphore(%run_scoped3A : memref<!tpu.dma_semaphore, #tpu.memory_space<semaphore_mem>>)
      %dma_wait3A_97 = arith.constant 0 : i32
      %dma_wait3A_98 = tpu.memref_slice %arg4[%multiple_of3A, %dma_wait3A_97] : memref<1024x768xf32, #tpu.memory_space<hbm>> -> memref<32x768xf32, #tpu.memory_space<hbm>>
      %dma_wait3A_99 = arith.constant 0 : i32
      %dma_wait3A_100 = tpu.memref_slice %arg4[%multiple_of3A, %dma_wait3A_99] : memref<1024x768xf32, #tpu.memory_space<hbm>> -> memref<32x768xf32, #tpu.memory_space<hbm>>
      tpu.wait_dma2 semaphore(%run_scoped3A : memref<!tpu.dma_semaphore, #tpu.memory_space<semaphore_mem>>) src(%dma_wait3A_100 : memref<32x768xf32, #tpu.memory_space<hbm>>) dst(%arg7 : memref<32x768xf32, #tpu.memory_space<vmem>>)
      tpu.yield
    }) : () -> ()
    %dma_wait3A_54 = arith.constant 0 : i32
    %dma_wait3A_55 = tpu.memref_slice %arg6[%dma_wait3A_54] : memref<2048xi32, #tpu.memory_space<vmem>> -> memref<1952xi32, #tpu.memory_space<vmem>>
    %dma_wait3A_56 = arith.constant 0 : i32
    %dma_wait3A_57 = tpu.memref_slice %arg2[%dma_wait3A_56] : memref<65536xi32, #tpu.memory_space<hbm>> -> memref<1952xi32, #tpu.memory_space<hbm>>
    %dma_wait3A_58 = arith.constant 0 : i32
    %dma_wait3A_59 = tpu.memref_slice %arg6[%dma_wait3A_58] : memref<2048xi32, #tpu.memory_space<vmem>> -> memref<1952xi32, #tpu.memory_space<vmem>>
    %dma_wait3A_60 = arith.constant 0 : i32
    %dma_wait3A_61 = tpu.memref_slice %arg2[%dma_wait3A_60] : memref<65536xi32, #tpu.memory_space<hbm>> -> memref<1952xi32, #tpu.memory_space<hbm>>
    tpu.wait_dma2 semaphore(%arg20 : memref<!tpu.dma_semaphore, #tpu.memory_space<semaphore_mem>>) src(%dma_wait3A_61 : memref<1952xi32, #tpu.memory_space<hbm>>) dst(%dma_wait3A_59 : memref<1952xi32, #tpu.memory_space<vmem>>)
    %scan3A_62 = arith.constant 0 : i32
    %scan3A_63 = arith.constant 0 : i32
    %scan3A_64 = arith.constant 16 : i32
    %scan3A_65 = arith.addi %scan3A_63, %scan3A_64 : i32
    %scan3A_66 = arith.constant 1 : i32
    %scan3A_67 = scf.for %scan3A_93 = %scan3A_63 to %scan3A_65 step %scan3A_66 iter_args(%scan3A_94 = %scan3A_62) -> (i32)  : i32 {
      %mul3A_95 = arith.constant 4 : i32
      %mul3A_96 = arith.muli %mul3A_95, %scan3A_93 : i32
      %add3A_97 = arith.constant 0 : i32
      %add3A_98 = arith.addi %mul3A_96, %add3A_97 : i32
      %dma_wait3A_99 = arith.constant 0 : i32
      %dma_wait3A_100 = tpu.memref_slice %arg6[%dma_wait3A_99] : memref<2048xi32, #tpu.memory_space<vmem>> -> memref<32xi32, #tpu.memory_space<vmem>>
      %dma_wait3A_101 = arith.constant 0 : i32
      %dma_wait3A_102 = arith.constant 0 : i32
      %dma_wait3A_103 = tpu.memref_slice %arg3[%dma_wait3A_101, %dma_wait3A_102] : memref<50257x768xf32, #tpu.memory_space<hbm>> -> memref<50257x768xf32, #tpu.memory_space<hbm>>
      tpu.wait_indirect_dma semaphore(%arg12 : memref<!tpu.dma_semaphore, #tpu.memory_space<semaphore_mem>>) src(%dma_wait3A_103 : memref<50257x768xf32, #tpu.memory_space<hbm>>) dst(%arg8 : memref<32x768xf32, #tpu.memory_space<vmem>>)
      %scan3A_104 = arith.constant 0 : i32
      %scan3A_105 = arith.constant 0 : i32
      %scan3A_106 = arith.constant 32 : i32
      %scan3A_107 = arith.addi %scan3A_105, %scan3A_106 : i32
      %scan3A_108 = arith.constant 1 : i32
      %scan3A_109 = scf.for %scan3A_237 = %scan3A_105 to %scan3A_107 step %scan3A_108 iter_args(%scan3A_238 = %scan3A_104) -> (i32)  : i32 {
        %get3A = arith.index_cast %scan3A_237 : i32 to index
        %get3A_239 = arith.constant 0 : index
        %get3A_240 = tpu.vector_load %arg8[%get3A, %get3A_239] {strides = array<i32>} : memref<32x768xf32, #tpu.memory_space<vmem>>, vector<1x16xf32>,
        %get3A_241 = vector.shape_cast %get3A_240 : vector<1x16xf32> to vector<16xf32>
        %add3A_242 = arith.constant 0 : i32
        %add3A_243 = arith.addi %add3A_242, %scan3A_237 : i32
        %get3A_244 = arith.index_cast %add3A_243 : i32 to index
        %get3A_245 = arith.constant 0 : index
        %get3A_246 = tpu.vector_load %arg7[%get3A_244, %get3A_245] {strides = array<i32>} : memref<32x768xf32, #tpu.memory_space<vmem>>, vector<1x16xf32>,
        %get3A_247 = vector.shape_cast %get3A_246 : vector<1x16xf32> to vector<16xf32>
        %add3A_248 = arith.addf %get3A_241, %get3A_247 : vector<16xf32>
        %swap3A = arith.index_cast %scan3A_237 : i32 to index
        %swap3A_249 = arith.constant 0 : index
        %swap3A_250 = tpu.vector_load %arg8[%swap3A, %swap3A_249] {strides = array<i32>} : memref<32x768xf32, #tpu.memory_space<vmem>>, vector<1x16xf32>,
        %swap3A_251 = vector.shape_cast %swap3A_250 : vector<1x16xf32> to vector<16xf32>
        %swap3A_252 = vector.shape_cast %add3A_248 : vector<16xf32> to vector<1x16xf32>
        tpu.vector_store %arg8[%swap3A, %swap3A_249], %swap3A_252 {strides = array<i32>} : memref<32x768xf32, #tpu.memory_space<vmem>>, vector<1x16xf32>,
        %get3A_253 = arith.index_cast %scan3A_237 : i32 to index
        %get3A_254 = arith.constant 16 : index
        %get3A_255 = tpu.vector_load %arg8[%get3A_253, %get3A_254] {strides = array<i32>} : memref<32x768xf32, #tpu.memory_space<vmem>>, vector<1x16xf32>,
        %get3A_256 = vector.shape_cast %get3A_255 : vector<1x16xf32> to vector<16xf32>
        %add3A_257 = arith.constant 0 : i32
        %add3A_258 = arith.addi %add3A_257, %scan3A_237 : i32
        %get3A_259 = arith.index_cast %add3A_258 : i32 to index
        %get3A_260 = arith.constant 16 : index
        %get3A_261 = tpu.vector_load %arg7[%get3A_259, %get3A_260] {strides = array<i32>} : memref<32x768xf32, #tpu.memory_space<vmem>>, vector<1x16xf32>,
        %get3A_262 = vector.shape_cast %get3A_261 : vector<1x16xf32> to vector<16xf32>
        %add3A_263 = arith.addf %get3A_256, %get3A_262 : vector<16xf32>
        %swap3A_264 = arith.index_cast %scan3A_237 : i32 to index
        %swap3A_265 = arith.constant 16 : index
        %swap3A_266 = tpu.vector_load %arg8[%swap3A_264, %swap3A_265] {strides = array<i32>} : memref<32x768xf32, #tpu.memory_space<vmem>>, vector<1x16xf32>,
        %swap3A_267 = vector.shape_cast %swap3A_266 : vector<1x16xf32> to vector<16xf32>
        %swap3A_268 = vector.shape_cast %add3A_263 : vector<16xf32> to vector<1x16xf32>
        tpu.vector_store %arg8[%swap3A_264, %swap3A_265], %swap3A_268 {strides = array<i32>} : memref<32x768xf32, #tpu.memory_space<vmem>>, vector<1x16xf32>,
        %get3A_269 = arith.index_cast %scan3A_237 : i32 to index
        %get3A_270 = arith.constant 32 : index
        %get3A_271 = tpu.vector_load %arg8[%get3A_269, %get3A_270] {strides = array<i32>} : memref<32x768xf32, #tpu.memory_space<vmem>>, vector<1x16xf32>,
        %get3A_272 = vector.shape_cast %get3A_271 : vector<1x16xf32> to vector<16xf32>
        %add3A_273 = arith.constant 0 : i32
        %add3A_274 = arith.addi %add3A_273, %scan3A_237 : i32
        %get3A_275 = arith.index_cast %add3A_274 : i32 to index
        %get3A_276 = arith.constant 32 : index
        %get3A_277 = tpu.vector_load %arg7[%get3A_275, %get3A_276] {strides = array<i32>} : memref<32x768xf32, #tpu.memory_space<vmem>>, vector<1x16xf32>,
        %get3A_278 = vector.shape_cast %get3A_277 : vector<1x16xf32> to vector<16xf32>
        %add3A_279 = arith.addf %get3A_272, %get3A_278 : vector<16xf32>
        %swap3A_280 = arith.index_cast %scan3A_237 : i32 to index
        %swap3A_281 = arith.constant 32 : index
        %swap3A_282 = tpu.vector_load %arg8[%swap3A_280, %swap3A_281] {strides = array<i32>} : memref<32x768xf32, #tpu.memory_space<vmem>>, vector<1x16xf32>,
        %swap3A_283 = vector.shape_cast %swap3A_282 : vector<1x16xf32> to vector<16xf32>
        %swap3A_284 = vector.shape_cast %add3A_279 : vector<16xf32> to vector<1x16xf32>
        tpu.vector_store %arg8[%swap3A_280, %swap3A_281], %swap3A_284 {strides = array<i32>} : memref<32x768xf32, #tpu.memory_space<vmem>>, vector<1x16xf32>,
        %get3A_285 = arith.index_cast %scan3A_237 : i32 to index
        %get3A_286 = arith.constant 48 : index
        %get3A_287 = tpu.vector_load %arg8[%get3A_285, %get3A_286] {strides = array<i32>} : memref<32x768xf32, #tpu.memory_space<vmem>>, vector<1x16xf32>,
        %get3A_288 = vector.shape_cast %get3A_287 : vector<1x16xf32> to vector<16xf32>
        %add3A_289 = arith.constant 0 : i32
        %add3A_290 = arith.addi %add3A_289, %scan3A_237 : i32
        %get3A_291 = arith.index_cast %add3A_290 : i32 to index
        %get3A_292 = arith.constant 48 : index
        %get3A_293 = tpu.vector_load %arg7[%get3A_291, %get3A_292] {strides = array<i32>} : memref<32x768xf32, #tpu.memory_space<vmem>>, vector<1x16xf32>,
        %get3A_294 = vector.shape_cast %get3A_293 : vector<1x16xf32> to vector<16xf32>
        %add3A_295 = arith.addf %get3A_288, %get3A_294 : vector<16xf32>
        %swap3A_296 = arith.index_cast %scan3A_237 : i32 to index
        %swap3A_297 = arith.constant 48 : index
        %swap3A_298 = tpu.vector_load %arg8[%swap3A_296, %swap3A_297] {strides = array<i32>} : memref<32x768xf32, #tpu.memory_space<vmem>>, vector<1x16xf32>,
        %swap3A_299 = vector.shape_cast %swap3A_298 : vector<1x16xf32> to vector<16xf32>
        %swap3A_300 = vector.shape_cast %add3A_295 : vector<16xf32> to vector<1x16xf32>
        tpu.vector_store %arg8[%swap3A_296, %swap3A_297], %swap3A_300 {strides = array<i32>} : memref<32x768xf32, #tpu.memory_space<vmem>>, vector<1x16xf32>,
        %get3A_301 = arith.index_cast %scan3A_237 : i32 to index
        %get3A_302 = arith.constant 64 : index
        %get3A_303 = tpu.vector_load %arg8[%get3A_301, %get3A_302] {strides = array<i32>} : memref<32x768xf32, #tpu.memory_space<vmem>>, vector<1x16xf32>,
        %get3A_304 = vector.shape_cast %get3A_303 : vector<1x16xf32> to vector<16xf32>
        %add3A_305 = arith.constant 0 : i32
        %add3A_306 = arith.addi %add3A_305, %scan3A_237 : i32
        %get3A_307 = arith.index_cast %add3A_306 : i32 to index
        %get3A_308 = arith.constant 64 : index
        %get3A_309 = tpu.vector_load %arg7[%get3A_307, %get3A_308] {strides = array<i32>} : memref<32x768xf32, #tpu.memory_space<vmem>>, vector<1x16xf32>,
        %get3A_310 = vector.shape_cast %get3A_309 : vector<1x16xf32> to vector<16xf32>
        %add3A_311 = arith.addf %get3A_304, %get3A_310 : vector<16xf32>
        %swap3A_312 = arith.index_cast %scan3A_237 : i32 to index
        %swap3A_313 = arith.constant 64 : index
        %swap3A_314 = tpu.vector_load %arg8[%swap3A_312, %swap3A_313] {strides = array<i32>} : memref<32x768xf32, #tpu.memory_space<vmem>>, vector<1x16xf32>,
        %swap3A_315 = vector.shape_cast %swap3A_314 : vector<1x16xf32> to vector<16xf32>
        %swap3A_316 = vector.shape_cast %add3A_311 : vector<16xf32> to vector<1x16xf32>
        tpu.vector_store %arg8[%swap3A_312, %swap3A_313], %swap3A_316 {strides = array<i32>} : memref<32x768xf32, #tpu.memory_space<vmem>>, vector<1x16xf32>,
        %get3A_317 = arith.index_cast %scan3A_237 : i32 to index
        %get3A_318 = arith.constant 80 : index
        %get3A_319 = tpu.vector_load %arg8[%get3A_317, %get3A_318] {strides = array<i32>} : memref<32x768xf32, #tpu.memory_space<vmem>>, vector<1x16xf32>,
        %get3A_320 = vector.shape_cast %get3A_319 : vector<1x16xf32> to vector<16xf32>
        %add3A_321 = arith.constant 0 : i32
        %add3A_322 = arith.addi %add3A_321, %scan3A_237 : i32
        %get3A_323 = arith.index_cast %add3A_322 : i32 to index
        %get3A_324 = arith.constant 80 : index
        %get3A_325 = tpu.vector_load %arg7[%get3A_323, %get3A_324] {strides = array<i32>} : memref<32x768xf32, #tpu.memory_space<vmem>>, vector<1x16xf32>,
        %get3A_326 = vector.shape_cast %get3A_325 : vector<1x16xf32> to vector<16xf32>
        %add3A_327 = arith.addf %get3A_320, %get3A_326 : vector<16xf32>
        %swap3A_328 = arith.index_cast %scan3A_237 : i32 to index
        %swap3A_329 = arith.constant 80 : index
        %swap3A_330 = tpu.vector_load %arg8[%swap3A_328, %swap3A_329] {strides = array<i32>} : memref<32x768xf32, #tpu.memory_space<vmem>>, vector<1x16xf32>,
        %swap3A_331 = vector.shape_cast %swap3A_330 : vector<1x16xf32> to vector<16xf32>
        %swap3A_332 = vector.shape_cast %add3A_327 : vector<16xf32> to vector<1x16xf32>
        tpu.vector_store %arg8[%swap3A_328, %swap3A_329], %swap3A_332 {strides = array<i32>} : memref<32x768xf32, #tpu.memory_space<vmem>>, vector<1x16xf32>,
        %get3A_333 = arith.index_cast %scan3A_237 : i32 to index
        %get3A_334 = arith.constant 96 : index
        %get3A_335 = tpu.vector_load %arg8[%get3A_333, %get3A_334] {strides = array<i32>} : memref<32x768xf32, #tpu.memory_space<vmem>>, vector<1x16xf32>,
        %get3A_336 = vector.shape_cast %get3A_335 : vector<1x16xf32> to vector<16xf32>
        %add3A_337 = arith.constant 0 : i32
        %add3A_338 = arith.addi %add3A_337, %scan3A_237 : i32
        %get3A_339 = arith.index_cast %add3A_338 : i32 to index
        %get3A_340 = arith.constant 96 : index
        %get3A_341 = tpu.vector_load %arg7[%get3A_339, %get3A_340] {strides = array<i32>} : memref<32x768xf32, #tpu.memory_space<vmem>>, vector<1x16xf32>,
        %get3A_342 = vector.shape_cast %get3A_341 : vector<1x16xf32> to vector<16xf32>
        %add3A_343 = arith.addf %get3A_336, %get3A_342 : vector<16xf32>
        %swap3A_344 = arith.index_cast %scan3A_237 : i32 to index
        %swap3A_345 = arith.constant 96 : index
        %swap3A_346 = tpu.vector_load %arg8[%swap3A_344, %swap3A_345] {strides = array<i32>} : memref<32x768xf32, #tpu.memory_space<vmem>>, vector<1x16xf32>,
        %swap3A_347 = vector.shape_cast %swap3A_346 : vector<1x16xf32> to vector<16xf32>
        %swap3A_348 = vector.shape_cast %add3A_343 : vector<16xf32> to vector<1x16xf32>
        tpu.vector_store %arg8[%swap3A_344, %swap3A_345], %swap3A_348 {strides = array<i32>} : memref<32x768xf32, #tpu.memory_space<vmem>>, vector<1x16xf32>,
        %get3A_349 = arith.index_cast %scan3A_237 : i32 to index
        %get3A_350 = arith.constant 112 : index
        %get3A_351 = tpu.vector_load %arg8[%get3A_349, %get3A_350] {strides = array<i32>} : memref<32x768xf32, #tpu.memory_space<vmem>>, vector<1x16xf32>,
        %get3A_352 = vector.shape_cast %get3A_351 : vector<1x16xf32> to vector<16xf32>
        %add3A_353 = arith.constant 0 : i32
        %add3A_354 = arith.addi %add3A_353, %scan3A_237 : i32
        %get3A_355 = arith.index_cast %add3A_354 : i32 to index
        %get3A_356 = arith.constant 112 : index
        %get3A_357 = tpu.vector_load %arg7[%get3A_355, %get3A_356] {strides = array<i32>} : memref<32x768xf32, #tpu.memory_space<vmem>>, vector<1x16xf32>,
        %get3A_358 = vector.shape_cast %get3A_357 : vector<1x16xf32> to vector<16xf32>
        %add3A_359 = arith.addf %get3A_352, %get3A_358 : vector<16xf32>
        %swap3A_360 = arith.index_cast %scan3A_237 : i32 to index
        %swap3A_361 = arith.constant 112 : index
        %swap3A_362 = tpu.vector_load %arg8[%swap3A_360, %swap3A_361] {strides = array<i32>} : memref<32x768xf32, #tpu.memory_space<vmem>>, vector<1x16xf32>,
        %swap3A_363 = vector.shape_cast %swap3A_362 : vector<1x16xf32> to vector<16xf32>
        %swap3A_364 = vector.shape_cast %add3A_359 : vector<16xf32> to vector<1x16xf32>
        tpu.vector_store %arg8[%swap3A_360, %swap3A_361], %swap3A_364 {strides = array<i32>} : memref<32x768xf32, #tpu.memory_space<vmem>>, vector<1x16xf32>,
        %get3A_365 = arith.index_cast %scan3A_237 : i32 to index
        %get3A_366 = arith.constant 128 : index
        %get3A_367 = tpu.vector_load %arg8[%get3A_365, %get3A_366] {strides = array<i32>} : memref<32x768xf32, #tpu.memory_space<vmem>>, vector<1x16xf32>,
        %get3A_368 = vector.shape_cast %get3A_367 : vector<1x16xf32> to vector<16xf32>
        %add3A_369 = arith.constant 0 : i32
        %add3A_370 = arith.addi %add3A_369, %scan3A_237 : i32
        %get3A_371 = arith.index_cast %add3A_370 : i32 to index
        %get3A_372 = arith.constant 128 : index
        %get3A_373 = tpu.vector_load %arg7[%get3A_371, %get3A_372] {strides = array<i32>} : memref<32x768xf32, #tpu.memory_space<vmem>>, vector<1x16xf32>,
        %get3A_374 = vector.shape_cast %get3A_373 : vector<1x16xf32> to vector<16xf32>
        %add3A_375 = arith.addf %get3A_368, %get3A_374 : vector<16xf32>
        %swap3A_376 = arith.index_cast %scan3A_237 : i32 to index
        %swap3A_377 = arith.constant 128 : index
        %swap3A_378 = tpu.vector_load %arg8[%swap3A_376, %swap3A_377] {strides = array<i32>} : memref<32x768xf32, #tpu.memory_space<vmem>>, vector<1x16xf32>,
        %swap3A_379 = vector.shape_cast %swap3A_378 : vector<1x16xf32> to vector<16xf32>
        %swap3A_380 = vector.shape_cast %add3A_375 : vector<16xf32> to vector<1x16xf32>
        tpu.vector_store %arg8[%swap3A_376, %swap3A_377], %swap3A_380 {strides = array<i32>} : memref<32x768xf32, #tpu.memory_space<vmem>>, vector<1x16xf32>,
        %get3A_381 = arith.index_cast %scan3A_237 : i32 to index
        %get3A_382 = arith.constant 144 : index
        %get3A_383 = tpu.vector_load %arg8[%get3A_381, %get3A_382] {strides = array<i32>} : memref<32x768xf32, #tpu.memory_space<vmem>>, vector<1x16xf32>,
        %get3A_384 = vector.shape_cast %get3A_383 : vector<1x16xf32> to vector<16xf32>
        %add3A_385 = arith.constant 0 : i32
        %add3A_386 = arith.addi %add3A_385, %scan3A_237 : i32
        %get3A_387 = arith.index_cast %add3A_386 : i32 to index
        %get3A_388 = arith.constant 144 : index
        %get3A_389 = tpu.vector_load %arg7[%get3A_387, %get3A_388] {strides = array<i32>} : memref<32x768xf32, #tpu.memory_space<vmem>>, vector<1x16xf32>,
        %get3A_390 = vector.shape_cast %get3A_389 : vector<1x16xf32> to vector<16xf32>
        %add3A_391 = arith.addf %get3A_384, %get3A_390 : vector<16xf32>
        %swap3A_392 = arith.index_cast %scan3A_237 : i32 to index
        %swap3A_393 = arith.constant 144 : index
        %swap3A_394 = tpu.vector_load %arg8[%swap3A_392, %swap3A_393] {strides = array<i32>} : memref<32x768xf32, #tpu.memory_space<vmem>>, vector<1x16xf32>,
        %swap3A_395 = vector.shape_cast %swap3A_394 : vector<1x16xf32> to vector<16xf32>
        %swap3A_396 = vector.shape_cast %add3A_391 : vector<16xf32> to vector<1x16xf32>
        tpu.vector_store %arg8[%swap3A_392, %swap3A_393], %swap3A_396 {strides = array<i32>} : memref<32x768xf32, #tpu.memory_space<vmem>>, vector<1x16xf32>,
        %get3A_397 = arith.index_cast %scan3A_237 : i32 to index
        %get3A_398 = arith.constant 160 : index
        %get3A_399 = tpu.vector_load %arg8[%get3A_397, %get3A_398] {strides = array<i32>} : memref<32x768xf32, #tpu.memory_space<vmem>>, vector<1x16xf32>,
        %get3A_400 = vector.shape_cast %get3A_399 : vector<1x16xf32> to vector<16xf32>
        %add3A_401 = arith.constant 0 : i32
        %add3A_402 = arith.addi %add3A_401, %scan3A_237 : i32
        %get3A_403 = arith.index_cast %add3A_402 : i32 to index
        %get3A_404 = arith.constant 160 : index
        %get3A_405 = tpu.vector_load %arg7[%get3A_403, %get3A_404] {strides = array<i32>} : memref<32x768xf32, #tpu.memory_space<vmem>>, vector<1x16xf32>,
        %get3A_406 = vector.shape_cast %get3A_405 : vector<1x16xf32> to vector<16xf32>
        %add3A_407 = arith.addf %get3A_400, %get3A_406 : vector<16xf32>
        %swap3A_408 = arith.index_cast %scan3A_237 : i32 to index
        %swap3A_409 = arith.constant 160 : index
        %swap3A_410 = tpu.vector_load %arg8[%swap3A_408, %swap3A_409] {strides = array<i32>} : memref<32x768xf32, #tpu.memory_space<vmem>>, vector<1x16xf32>,
        %swap3A_411 = vector.shape_cast %swap3A_410 : vector<1x16xf32> to vector<16xf32>
        %swap3A_412 = vector.shape_cast %add3A_407 : vector<16xf32> to vector<1x16xf32>
        tpu.vector_store %arg8[%swap3A_408, %swap3A_409], %swap3A_412 {strides = array<i32>} : memref<32x768xf32, #tpu.memory_space<vmem>>, vector<1x16xf32>,
        %get3A_413 = arith.index_cast %scan3A_237 : i32 to index
        %get3A_414 = arith.constant 176 : index
        %get3A_415 = tpu.vector_load %arg8[%get3A_413, %get3A_414] {strides = array<i32>} : memref<32x768xf32, #tpu.memory_space<vmem>>, vector<1x16xf32>,
        %get3A_416 = vector.shape_cast %get3A_415 : vector<1x16xf32> to vector<16xf32>
        %add3A_417 = arith.constant 0 : i32
        %add3A_418 = arith.addi %add3A_417, %scan3A_237 : i32
        %get3A_419 = arith.index_cast %add3A_418 : i32 to index
        %get3A_420 = arith.constant 176 : index
        %get3A_421 = tpu.vector_load %arg7[%get3A_419, %get3A_420] {strides = array<i32>} : memref<32x768xf32, #tpu.memory_space<vmem>>, vector<1x16xf32>,
        %get3A_422 = vector.shape_cast %get3A_421 : vector<1x16xf32> to vector<16xf32>
        %add3A_423 = arith.addf %get3A_416, %get3A_422 : vector<16xf32>
        %swap3A_424 = arith.index_cast %scan3A_237 : i32 to index
        %swap3A_425 = arith.constant 176 : index
        %swap3A_426 = tpu.vector_load %arg8[%swap3A_424, %swap3A_425] {strides = array<i32>} : memref<32x768xf32, #tpu.memory_space<vmem>>, vector<1x16xf32>,
        %swap3A_427 = vector.shape_cast %swap3A_426 : vector<1x16xf32> to vector<16xf32>
        %swap3A_428 = vector.shape_cast %add3A_423 : vector<16xf32> to vector<1x16xf32>
        tpu.vector_store %arg8[%swap3A_424, %swap3A_425], %swap3A_428 {strides = array<i32>} : memref<32x768xf32, #tpu.memory_space<vmem>>, vector<1x16xf32>,
        %get3A_429 = arith.index_cast %scan3A_237 : i32 to index
        %get3A_430 = arith.constant 192 : index
        %get3A_431 = tpu.vector_load %arg8[%get3A_429, %get3A_430] {strides = array<i32>} : memref<32x768xf32, #tpu.memory_space<vmem>>, vector<1x16xf32>,
        %get3A_432 = vector.shape_cast %get3A_431 : vector<1x16xf32> to vector<16xf32>
        %add3A_433 = arith.constant 0 : i32
        %add3A_434 = arith.addi %add3A_433, %scan3A_237 : i32
        %get3A_435 = arith.index_cast %add3A_434 : i32 to index
        %get3A_436 = arith.constant 192 : index
        %get3A_437 = tpu.vector_load %arg7[%get3A_435, %get3A_436] {strides = array<i32>} : memref<32x768xf32, #tpu.memory_space<vmem>>, vector<1x16xf32>,
        %get3A_438 = vector.shape_cast %get3A_437 : vector<1x16xf32> to vector<16xf32>
        %add3A_439 = arith.addf %get3A_432, %get3A_438 : vector<16xf32>
        %swap3A_440 = arith.index_cast %scan3A_237 : i32 to index
        %swap3A_441 = arith.constant 192 : index
        %swap3A_442 = tpu.vector_load %arg8[%swap3A_440, %swap3A_441] {strides = array<i32>} : memref<32x768xf32, #tpu.memory_space<vmem>>, vector<1x16xf32>,
        %swap3A_443 = vector.shape_cast %swap3A_442 : vector<1x16xf32> to vector<16xf32>
        %swap3A_444 = vector.shape_cast %add3A_439 : vector<16xf32> to vector<1x16xf32>
        tpu.vector_store %arg8[%swap3A_440, %swap3A_441], %swap3A_444 {strides = array<i32>} : memref<32x768xf32, #tpu.memory_space<vmem>>, vector<1x16xf32>,
        %get3A_445 = arith.index_cast %scan3A_237 : i32 to index
        %get3A_446 = arith.constant 208 : index
        %get3A_447 = tpu.vector_load %arg8[%get3A_445, %get3A_446] {strides = array<i32>} : memref<32x768xf32, #tpu.memory_space<vmem>>, vector<1x16xf32>,
        %get3A_448 = vector.shape_cast %get3A_447 : vector<1x16xf32> to vector<16xf32>
        %add3A_449 = arith.constant 0 : i32
        %add3A_450 = arith.addi %add3A_449, %scan3A_237 : i32
        %get3A_451 = arith.index_cast %add3A_450 : i32 to index
        %get3A_452 = arith.constant 208 : index
        %get3A_453 = tpu.vector_load %arg7[%get3A_451, %get3A_452] {strides = array<i32>} : memref<32x768xf32, #tpu.memory_space<vmem>>, vector<1x16xf32>,
        %get3A_454 = vector.shape_cast %get3A_453 : vector<1x16xf32> to vector<16xf32>
        %add3A_455 = arith.addf %get3A_448, %get3A_454 : vector<16xf32>
        %swap3A_456 = arith.index_cast %scan3A_237 : i32 to index
        %swap3A_457 = arith.constant 208 : index
        %swap3A_458 = tpu.vector_load %arg8[%swap3A_456, %swap3A_457] {strides = array<i32>} : memref<32x768xf32, #tpu.memory_space<vmem>>, vector<1x16xf32>,
        %swap3A_459 = vector.shape_cast %swap3A_458 : vector<1x16xf32> to vector<16xf32>
        %swap3A_460 = vector.shape_cast %add3A_455 : vector<16xf32> to vector<1x16xf32>
        tpu.vector_store %arg8[%swap3A_456, %swap3A_457], %swap3A_460 {strides = array<i32>} : memref<32x768xf32, #tpu.memory_space<vmem>>, vector<1x16xf32>,
        %get3A_461 = arith.index_cast %scan3A_237 : i32 to index
        %get3A_462 = arith.constant 224 : index
        %get3A_463 = tpu.vector_load %arg8[%get3A_461, %get3A_462] {strides = array<i32>} : memref<32x768xf32, #tpu.memory_space<vmem>>, vector<1x16xf32>,
        %get3A_464 = vector.shape_cast %get3A_463 : vector<1x16xf32> to vector<16xf32>
        %add3A_465 = arith.constant 0 : i32
        %add3A_466 = arith.addi %add3A_465, %scan3A_237 : i32
        %get3A_467 = arith.index_cast %add3A_466 : i32 to index
        %get3A_468 = arith.constant 224 : index
        %get3A_469 = tpu.vector_load %arg7[%get3A_467, %get3A_468] {strides = array<i32>} : memref<32x768xf32, #tpu.memory_space<vmem>>, vector<1x16xf32>,
        %get3A_470 = vector.shape_cast %get3A_469 : vector<1x16xf32> to vector<16xf32>
        %add3A_471 = arith.addf %get3A_464, %get3A_470 : vector<16xf32>
        %swap3A_472 = arith.index_cast %scan3A_237 : i32 to index
        %swap3A_473 = arith.constant 224 : index
        %swap3A_474 = tpu.vector_load %arg8[%swap3A_472, %swap3A_473] {strides = array<i32>} : memref<32x768xf32, #tpu.memory_space<vmem>>, vector<1x16xf32>,
        %swap3A_475 = vector.shape_cast %swap3A_474 : vector<1x16xf32> to vector<16xf32>
        %swap3A_476 = vector.shape_cast %add3A_471 : vector<16xf32> to vector<1x16xf32>
        tpu.vector_store %arg8[%swap3A_472, %swap3A_473], %swap3A_476 {strides = array<i32>} : memref<32x768xf32, #tpu.memory_space<vmem>>, vector<1x16xf32>,
        %get3A_477 = arith.index_cast %scan3A_237 : i32 to index
        %get3A_478 = arith.constant 240 : index
        %get3A_479 = tpu.vector_load %arg8[%get3A_477, %get3A_478] {strides = array<i32>} : memref<32x768xf32, #tpu.memory_space<vmem>>, vector<1x16xf32>,
        %get3A_480 = vector.shape_cast %get3A_479 : vector<1x16xf32> to vector<16xf32>
        %add3A_481 = arith.constant 0 : i32
        %add3A_482 = arith.addi %add3A_481, %scan3A_237 : i32
        %get3A_483 = arith.index_cast %add3A_482 : i32 to index
        %get3A_484 = arith.constant 240 : index
        %get3A_485 = tpu.vector_load %arg7[%get3A_483, %get3A_484] {strides = array<i32>} : memref<32x768xf32, #tpu.memory_space<vmem>>, vector<1x16xf32>,
        %get3A_486 = vector.shape_cast %get3A_485 : vector<1x16xf32> to vector<16xf32>
        %add3A_487 = arith.addf %get3A_480, %get3A_486 : vector<16xf32>
        %swap3A_488 = arith.index_cast %scan3A_237 : i32 to index
        %swap3A_489 = arith.constant 240 : index
        %swap3A_490 = tpu.vector_load %arg8[%swap3A_488, %swap3A_489] {strides = array<i32>} : memref<32x768xf32, #tpu.memory_space<vmem>>, vector<1x16xf32>,
        %swap3A_491 = vector.shape_cast %swap3A_490 : vector<1x16xf32> to vector<16xf32>
        %swap3A_492 = vector.shape_cast %add3A_487 : vector<16xf32> to vector<1x16xf32>
        tpu.vector_store %arg8[%swap3A_488, %swap3A_489], %swap3A_492 {strides = array<i32>} : memref<32x768xf32, #tpu.memory_space<vmem>>, vector<1x16xf32>,
        %get3A_493 = arith.index_cast %scan3A_237 : i32 to index
        %get3A_494 = arith.constant 256 : index
        %get3A_495 = tpu.vector_load %arg8[%get3A_493, %get3A_494] {strides = array<i32>} : memref<32x768xf32, #tpu.memory_space<vmem>>, vector<1x16xf32>,
        %get3A_496 = vector.shape_cast %get3A_495 : vector<1x16xf32> to vector<16xf32>
        %add3A_497 = arith.constant 0 : i32
        %add3A_498 = arith.addi %add3A_497, %scan3A_237 : i32
        %get3A_499 = arith.index_cast %add3A_498 : i32 to index
        %get3A_500 = arith.constant 256 : index
        %get3A_501 = tpu.vector_load %arg7[%get3A_499, %get3A_500] {strides = array<i32>} : memref<32x768xf32, #tpu.memory_space<vmem>>, vector<1x16xf32>,
        %get3A_502 = vector.shape_cast %get3A_501 : vector<1x16xf32> to vector<16xf32>
        %add3A_503 = arith.addf %get3A_496, %get3A_502 : vector<16xf32>
        %swap3A_504 = arith.index_cast %scan3A_237 : i32 to index
        %swap3A_505 = arith.constant 256 : index
        %swap3A_506 = tpu.vector_load %arg8[%swap3A_504, %swap3A_505] {strides = array<i32>} : memref<32x768xf32, #tpu.memory_space<vmem>>, vector<1x16xf32>,
        %swap3A_507 = vector.shape_cast %swap3A_506 : vector<1x16xf32> to vector<16xf32>
        %swap3A_508 = vector.shape_cast %add3A_503 : vector<16xf32> to vector<1x16xf32>
        tpu.vector_store %arg8[%swap3A_504, %swap3A_505], %swap3A_508 {strides = array<i32>} : memref<32x768xf32, #tpu.memory_space<vmem>>, vector<1x16xf32>,
        %get3A_509 = arith.index_cast %scan3A_237 : i32 to index
        %get3A_510 = arith.constant 272 : index
        %get3A_511 = tpu.vector_load %arg8[%get3A_509, %get3A_510] {strides = array<i32>} : memref<32x768xf32, #tpu.memory_space<vmem>>, vector<1x16xf32>,
        %get3A_512 = vector.shape_cast %get3A_511 : vector<1x16xf32> to vector<16xf32>
        %add3A_513 = arith.constant 0 : i32
        %add3A_514 = arith.addi %add3A_513, %scan3A_237 : i32
        %get3A_515 = arith.index_cast %add3A_514 : i32 to index
        %get3A_516 = arith.constant 272 : index
        %get3A_517 = tpu.vector_load %arg7[%get3A_515, %get3A_516] {strides = array<i32>} : memref<32x768xf32, #tpu.memory_space<vmem>>, vector<1x16xf32>,
        %get3A_518 = vector.shape_cast %get3A_517 : vector<1x16xf32> to vector<16xf32>
        %add3A_519 = arith.addf %get3A_512, %get3A_518 : vector<16xf32>
        %swap3A_520 = arith.index_cast %scan3A_237 : i32 to index
        %swap3A_521 = arith.constant 272 : index
        %swap3A_522 = tpu.vector_load %arg8[%swap3A_520, %swap3A_521] {strides = array<i32>} : memref<32x768xf32, #tpu.memory_space<vmem>>, vector<1x16xf32>,
        %swap3A_523 = vector.shape_cast %swap3A_522 : vector<1x16xf32> to vector<16xf32>
        %swap3A_524 = vector.shape_cast %add3A_519 : vector<16xf32> to vector<1x16xf32>
        tpu.vector_store %arg8[%swap3A_520, %swap3A_521], %swap3A_524 {strides = array<i32>} : memref<32x768xf32, #tpu.memory_space<vmem>>, vector<1x16xf32>,
        %get3A_525 = arith.index_cast %scan3A_237 : i32 to index
        %get3A_526 = arith.constant 288 : index
        %get3A_527 = tpu.vector_load %arg8[%get3A_525, %get3A_526] {strides = array<i32>} : memref<32x768xf32, #tpu.memory_space<vmem>>, vector<1x16xf32>,
        %get3A_528 = vector.shape_cast %get3A_527 : vector<1x16xf32> to vector<16xf32>
        %add3A_529 = arith.constant 0 : i32
        %add3A_530 = arith.addi %add3A_529, %scan3A_237 : i32
        %get3A_531 = arith.index_cast %add3A_530 : i32 to index
        %get3A_532 = arith.constant 288 : index
        %get3A_533 = tpu.vector_load %arg7[%get3A_531, %get3A_532] {strides = array<i32>} : memref<32x768xf32, #tpu.memory_space<vmem>>, vector<1x16xf32>,
        %get3A_534 = vector.shape_cast %get3A_533 : vector<1x16xf32> to vector<16xf32>
        %add3A_535 = arith.addf %get3A_528, %get3A_534 : vector<16xf32>
        %swap3A_536 = arith.index_cast %scan3A_237 : i32 to index
        %swap3A_537 = arith.constant 288 : index
        %swap3A_538 = tpu.vector_load %arg8[%swap3A_536, %swap3A_537] {strides = array<i32>} : memref<32x768xf32, #tpu.memory_space<vmem>>, vector<1x16xf32>,
        %swap3A_539 = vector.shape_cast %swap3A_538 : vector<1x16xf32> to vector<16xf32>
        %swap3A_540 = vector.shape_cast %add3A_535 : vector<16xf32> to vector<1x16xf32>
        tpu.vector_store %arg8[%swap3A_536, %swap3A_537], %swap3A_540 {strides = array<i32>} : memref<32x768xf32, #tpu.memory_space<vmem>>, vector<1x16xf32>,
        %get3A_541 = arith.index_cast %scan3A_237 : i32 to index
        %get3A_542 = arith.constant 304 : index
        %get3A_543 = tpu.vector_load %arg8[%get3A_541, %get3A_542] {strides = array<i32>} : memref<32x768xf32, #tpu.memory_space<vmem>>, vector<1x16xf32>,
        %get3A_544 = vector.shape_cast %get3A_543 : vector<1x16xf32> to vector<16xf32>
        %add3A_545 = arith.constant 0 : i32
        %add3A_546 = arith.addi %add3A_545, %scan3A_237 : i32
        %get3A_547 = arith.index_cast %add3A_546 : i32 to index
        %get3A_548 = arith.constant 304 : index
        %get3A_549 = tpu.vector_load %arg7[%get3A_547, %get3A_548] {strides = array<i32>} : memref<32x768xf32, #tpu.memory_space<vmem>>, vector<1x16xf32>,
        %get3A_550 = vector.shape_cast %get3A_549 : vector<1x16xf32> to vector<16xf32>
        %add3A_551 = arith.addf %get3A_544, %get3A_550 : vector<16xf32>
        %swap3A_552 = arith.index_cast %scan3A_237 : i32 to index
        %swap3A_553 = arith.constant 304 : index
        %swap3A_554 = tpu.vector_load %arg8[%swap3A_552, %swap3A_553] {strides = array<i32>} : memref<32x768xf32, #tpu.memory_space<vmem>>, vector<1x16xf32>,
        %swap3A_555 = vector.shape_cast %swap3A_554 : vector<1x16xf32> to vector<16xf32>
        %swap3A_556 = vector.shape_cast %add3A_551 : vector<16xf32> to vector<1x16xf32>
        tpu.vector_store %arg8[%swap3A_552, %swap3A_553], %swap3A_556 {strides = array<i32>} : memref<32x768xf32, #tpu.memory_space<vmem>>, vector<1x16xf32>,
        %get3A_557 = arith.index_cast %scan3A_237 : i32 to index
        %get3A_558 = arith.constant 320 : index
        %get3A_559 = tpu.vector_load %arg8[%get3A_557, %get3A_558] {strides = array<i32>} : memref<32x768xf32, #tpu.memory_space<vmem>>, vector<1x16xf32>,
        %get3A_560 = vector.shape_cast %get3A_559 : vector<1x16xf32> to vector<16xf32>
        %add3A_561 = arith.constant 0 : i32
        %add3A_562 = arith.addi %add3A_561, %scan3A_237 : i32
        %get3A_563 = arith.index_cast %add3A_562 : i32 to index
        %get3A_564 = arith.constant 320 : index
        %get3A_565 = tpu.vector_load %arg7[%get3A_563, %get3A_564] {strides = array<i32>} : memref<32x768xf32, #tpu.memory_space<vmem>>, vector<1x16xf32>,
        %get3A_566 = vector.shape_cast %get3A_565 : vector<1x16xf32> to vector<16xf32>
        %add3A_567 = arith.addf %get3A_560, %get3A_566 : vector<16xf32>
        %swap3A_568 = arith.index_cast %scan3A_237 : i32 to index
        %swap3A_569 = arith.constant 320 : index
        %swap3A_570 = tpu.vector_load %arg8[%swap3A_568, %swap3A_569] {strides = array<i32>} : memref<32x768xf32, #tpu.memory_space<vmem>>, vector<1x16xf32>,
        %swap3A_571 = vector.shape_cast %swap3A_570 : vector<1x16xf32> to vector<16xf32>
        %swap3A_572 = vector.shape_cast %add3A_567 : vector<16xf32> to vector<1x16xf32>
        tpu.vector_store %arg8[%swap3A_568, %swap3A_569], %swap3A_572 {strides = array<i32>} : memref<32x768xf32, #tpu.memory_space<vmem>>, vector<1x16xf32>,
        %get3A_573 = arith.index_cast %scan3A_237 : i32 to index
        %get3A_574 = arith.constant 336 : index
        %get3A_575 = tpu.vector_load %arg8[%get3A_573, %get3A_574] {strides = array<i32>} : memref<32x768xf32, #tpu.memory_space<vmem>>, vector<1x16xf32>,
        %get3A_576 = vector.shape_cast %get3A_575 : vector<1x16xf32> to vector<16xf32>
        %add3A_577 = arith.constant 0 : i32
        %add3A_578 = arith.addi %add3A_577, %scan3A_237 : i32
        %get3A_579 = arith.index_cast %add3A_578 : i32 to index
        %get3A_580 = arith.constant 336 : index
        %get3A_581 = tpu.vector_load %arg7[%get3A_579, %get3A_580] {strides = array<i32>} : memref<32x768xf32, #tpu.memory_space<vmem>>, vector<1x16xf32>,
        %get3A_582 = vector.shape_cast %get3A_581 : vector<1x16xf32> to vector<16xf32>
        %add3A_583 = arith.addf %get3A_576, %get3A_582 : vector<16xf32>
        %swap3A_584 = arith.index_cast %scan3A_237 : i32 to index
        %swap3A_585 = arith.constant 336 : index
        %swap3A_586 = tpu.vector_load %arg8[%swap3A_584, %swap3A_585] {strides = array<i32>} : memref<32x768xf32, #tpu.memory_space<vmem>>, vector<1x16xf32>,
        %swap3A_587 = vector.shape_cast %swap3A_586 : vector<1x16xf32> to vector<16xf32>
        %swap3A_588 = vector.shape_cast %add3A_583 : vector<16xf32> to vector<1x16xf32>
        tpu.vector_store %arg8[%swap3A_584, %swap3A_585], %swap3A_588 {strides = array<i32>} : memref<32x768xf32, #tpu.memory_space<vmem>>, vector<1x16xf32>,
        %get3A_589 = arith.index_cast %scan3A_237 : i32 to index
        %get3A_590 = arith.constant 352 : index
        %get3A_591 = tpu.vector_load %arg8[%get3A_589, %get3A_590] {strides = array<i32>} : memref<32x768xf32, #tpu.memory_space<vmem>>, vector<1x16xf32>,
        %get3A_592 = vector.shape_cast %get3A_591 : vector<1x16xf32> to vector<16xf32>
        %add3A_593 = arith.constant 0 : i32
        %add3A_594 = arith.addi %add3A_593, %scan3A_237 : i32
        %get3A_595 = arith.index_cast %add3A_594 : i32 to index
        %get3A_596 = arith.constant 352 : index
        %get3A_597 = tpu.vector_load %arg7[%get3A_595, %get3A_596] {strides = array<i32>} : memref<32x768xf32, #tpu.memory_space<vmem>>, vector<1x16xf32>,
        %get3A_598 = vector.shape_cast %get3A_597 : vector<1x16xf32> to vector<16xf32>
        %add3A_599 = arith.addf %get3A_592, %get3A_598 : vector<16xf32>
        %swap3A_600 = arith.index_cast %scan3A_237 : i32 to index
        %swap3A_601 = arith.constant 352 : index
        %swap3A_602 = tpu.vector_load %arg8[%swap3A_600, %swap3A_601] {strides = array<i32>} : memref<32x768xf32, #tpu.memory_space<vmem>>, vector<1x16xf32>,
        %swap3A_603 = vector.shape_cast %swap3A_602 : vector<1x16xf32> to vector<16xf32>
        %swap3A_604 = vector.shape_cast %add3A_599 : vector<16xf32> to vector<1x16xf32>
        tpu.vector_store %arg8[%swap3A_600, %swap3A_601], %swap3A_604 {strides = array<i32>} : memref<32x768xf32, #tpu.memory_space<vmem>>, vector<1x16xf32>,
        %get3A_605 = arith.index_cast %scan3A_237 : i32 to index
        %get3A_606 = arith.constant 368 : index
        %get3A_607 = tpu.vector_load %arg8[%get3A_605, %get3A_606] {strides = array<i32>} : memref<32x768xf32, #tpu.memory_space<vmem>>, vector<1x16xf32>,
        %get3A_608 = vector.shape_cast %get3A_607 : vector<1x16xf32> to vector<16xf32>
        %add3A_609 = arith.constant 0 : i32
        %add3A_610 = arith.addi %add3A_609, %scan3A_237 : i32
        %get3A_611 = arith.index_cast %add3A_610 : i32 to index
        %get3A_612 = arith.constant 368 : index
        %get3A_613 = tpu.vector_load %arg7[%get3A_611, %get3A_612] {strides = array<i32>} : memref<32x768xf32, #tpu.memory_space<vmem>>, vector<1x16xf32>,
        %get3A_614 = vector.shape_cast %get3A_613 : vector<1x16xf32> to vector<16xf32>
        %add3A_615 = arith.addf %get3A_608, %get3A_614 : vector<16xf32>
        %swap3A_616 = arith.index_cast %scan3A_237 : i32 to index
        %swap3A_617 = arith.constant 368 : index
        %swap3A_618 = tpu.vector_load %arg8[%swap3A_616, %swap3A_617] {strides = array<i32>} : memref<32x768xf32, #tpu.memory_space<vmem>>, vector<1x16xf32>,
        %swap3A_619 = vector.shape_cast %swap3A_618 : vector<1x16xf32> to vector<16xf32>
        %swap3A_620 = vector.shape_cast %add3A_615 : vector<16xf32> to vector<1x16xf32>
        tpu.vector_store %arg8[%swap3A_616, %swap3A_617], %swap3A_620 {strides = array<i32>} : memref<32x768xf32, #tpu.memory_space<vmem>>, vector<1x16xf32>,
        %get3A_621 = arith.index_cast %scan3A_237 : i32 to index
        %get3A_622 = arith.constant 384 : index
        %get3A_623 = tpu.vector_load %arg8[%get3A_621, %get3A_622] {strides = array<i32>} : memref<32x768xf32, #tpu.memory_space<vmem>>, vector<1x16xf32>,
        %get3A_624 = vector.shape_cast %get3A_623 : vector<1x16xf32> to vector<16xf32>
        %add3A_625 = arith.constant 0 : i32
        %add3A_626 = arith.addi %add3A_625, %scan3A_237 : i32
        %get3A_627 = arith.index_cast %add3A_626 : i32 to index
        %get3A_628 = arith.constant 384 : index
        %get3A_629 = tpu.vector_load %arg7[%get3A_627, %get3A_628] {strides = array<i32>} : memref<32x768xf32, #tpu.memory_space<vmem>>, vector<1x16xf32>,
        %get3A_630 = vector.shape_cast %get3A_629 : vector<1x16xf32> to vector<16xf32>
        %add3A_631 = arith.addf %get3A_624, %get3A_630 : vector<16xf32>
        %swap3A_632 = arith.index_cast %scan3A_237 : i32 to index
        %swap3A_633 = arith.constant 384 : index
        %swap3A_634 = tpu.vector_load %arg8[%swap3A_632, %swap3A_633] {strides = array<i32>} : memref<32x768xf32, #tpu.memory_space<vmem>>, vector<1x16xf32>,
        %swap3A_635 = vector.shape_cast %swap3A_634 : vector<1x16xf32> to vector<16xf32>
        %swap3A_636 = vector.shape_cast %add3A_631 : vector<16xf32> to vector<1x16xf32>
        tpu.vector_store %arg8[%swap3A_632, %swap3A_633], %swap3A_636 {strides = array<i32>} : memref<32x768xf32, #tpu.memory_space<vmem>>, vector<1x16xf32>,
        %get3A_637 = arith.index_cast %scan3A_237 : i32 to index
        %get3A_638 = arith.constant 400 : index
        %get3A_639 = tpu.vector_load %arg8[%get3A_637, %get3A_638] {strides = array<i32>} : memref<32x768xf32, #tpu.memory_space<vmem>>, vector<1x16xf32>,
        %get3A_640 = vector.shape_cast %get3A_639 : vector<1x16xf32> to vector<16xf32>
        %add3A_641 = arith.constant 0 : i32
        %add3A_642 = arith.addi %add3A_641, %scan3A_237 : i32
        %get3A_643 = arith.index_cast %add3A_642 : i32 to index
        %get3A_644 = arith.constant 400 : index
        %get3A_645 = tpu.vector_load %arg7[%get3A_643, %get3A_644] {strides = array<i32>} : memref<32x768xf32, #tpu.memory_space<vmem>>, vector<1x16xf32>,
        %get3A_646 = vector.shape_cast %get3A_645 : vector<1x16xf32> to vector<16xf32>
        %add3A_647 = arith.addf %get3A_640, %get3A_646 : vector<16xf32>
        %swap3A_648 = arith.index_cast %scan3A_237 : i32 to index
        %swap3A_649 = arith.constant 400 : index
        %swap3A_650 = tpu.vector_load %arg8[%swap3A_648, %swap3A_649] {strides = array<i32>} : memref<32x768xf32, #tpu.memory_space<vmem>>, vector<1x16xf32>,
        %swap3A_651 = vector.shape_cast %swap3A_650 : vector<1x16xf32> to vector<16xf32>
        %swap3A_652 = vector.shape_cast %add3A_647 : vector<16xf32> to vector<1x16xf32>
        tpu.vector_store %arg8[%swap3A_648, %swap3A_649], %swap3A_652 {strides = array<i32>} : memref<32x768xf32, #tpu.memory_space<vmem>>, vector<1x16xf32>,
        %get3A_653 = arith.index_cast %scan3A_237 : i32 to index
        %get3A_654 = arith.constant 416 : index
        %get3A_655 = tpu.vector_load %arg8[%get3A_653, %get3A_654] {strides = array<i32>} : memref<32x768xf32, #tpu.memory_space<vmem>>, vector<1x16xf32>,
        %get3A_656 = vector.shape_cast %get3A_655 : vector<1x16xf32> to vector<16xf32>
        %add3A_657 = arith.constant 0 : i32
        %add3A_658 = arith.addi %add3A_657, %scan3A_237 : i32
        %get3A_659 = arith.index_cast %add3A_658 : i32 to index
        %get3A_660 = arith.constant 416 : index
        %get3A_661 = tpu.vector_load %arg7[%get3A_659, %get3A_660] {strides = array<i32>} : memref<32x768xf32, #tpu.memory_space<vmem>>, vector<1x16xf32>,
        %get3A_662 = vector.shape_cast %get3A_661 : vector<1x16xf32> to vector<16xf32>
        %add3A_663 = arith.addf %get3A_656, %get3A_662 : vector<16xf32>
        %swap3A_664 = arith.index_cast %scan3A_237 : i32 to index
        %swap3A_665 = arith.constant 416 : index
        %swap3A_666 = tpu.vector_load %arg8[%swap3A_664, %swap3A_665] {strides = array<i32>} : memref<32x768xf32, #tpu.memory_space<vmem>>, vector<1x16xf32>,
        %swap3A_667 = vector.shape_cast %swap3A_666 : vector<1x16xf32> to vector<16xf32>
        %swap3A_668 = vector.shape_cast %add3A_663 : vector<16xf32> to vector<1x16xf32>
        tpu.vector_store %arg8[%swap3A_664, %swap3A_665], %swap3A_668 {strides = array<i32>} : memref<32x768xf32, #tpu.memory_space<vmem>>, vector<1x16xf32>,
        %get3A_669 = arith.index_cast %scan3A_237 : i32 to index
        %get3A_670 = arith.constant 432 : index
        %get3A_671 = tpu.vector_load %arg8[%get3A_669, %get3A_670] {strides = array<i32>} : memref<32x768xf32, #tpu.memory_space<vmem>>, vector<1x16xf32>,
        %get3A_672 = vector.shape_cast %get3A_671 : vector<1x16xf32> to vector<16xf32>
        %add3A_673 = arith.constant 0 : i32
        %add3A_674 = arith.addi %add3A_673, %scan3A_237 : i32
        %get3A_675 = arith.index_cast %add3A_674 : i32 to index
        %get3A_676 = arith.constant 432 : index
        %get3A_677 = tpu.vector_load %arg7[%get3A_675, %get3A_676] {strides = array<i32>} : memref<32x768xf32, #tpu.memory_space<vmem>>, vector<1x16xf32>,
        %get3A_678 = vector.shape_cast %get3A_677 : vector<1x16xf32> to vector<16xf32>
        %add3A_679 = arith.addf %get3A_672, %get3A_678 : vector<16xf32>
        %swap3A_680 = arith.index_cast %scan3A_237 : i32 to index
        %swap3A_681 = arith.constant 432 : index
        %swap3A_682 = tpu.vector_load %arg8[%swap3A_680, %swap3A_681] {strides = array<i32>} : memref<32x768xf32, #tpu.memory_space<vmem>>, vector<1x16xf32>,
        %swap3A_683 = vector.shape_cast %swap3A_682 : vector<1x16xf32> to vector<16xf32>
        %swap3A_684 = vector.shape_cast %add3A_679 : vector<16xf32> to vector<1x16xf32>
        tpu.vector_store %arg8[%swap3A_680, %swap3A_681], %swap3A_684 {strides = array<i32>} : memref<32x768xf32, #tpu.memory_space<vmem>>, vector<1x16xf32>,
        %get3A_685 = arith.index_cast %scan3A_237 : i32 to index
        %get3A_686 = arith.constant 448 : index
        %get3A_687 = tpu.vector_load %arg8[%get3A_685, %get3A_686] {strides = array<i32>} : memref<32x768xf32, #tpu.memory_space<vmem>>, vector<1x16xf32>,
        %get3A_688 = vector.shape_cast %get3A_687 : vector<1x16xf32> to vector<16xf32>
        %add3A_689 = arith.constant 0 : i32
        %add3A_690 = arith.addi %add3A_689, %scan3A_237 : i32
        %get3A_691 = arith.index_cast %add3A_690 : i32 to index
        %get3A_692 = arith.constant 448 : index
        %get3A_693 = tpu.vector_load %arg7[%get3A_691, %get3A_692] {strides = array<i32>} : memref<32x768xf32, #tpu.memory_space<vmem>>, vector<1x16xf32>,
        %get3A_694 = vector.shape_cast %get3A_693 : vector<1x16xf32> to vector<16xf32>
        %add3A_695 = arith.addf %get3A_688, %get3A_694 : vector<16xf32>
        %swap3A_696 = arith.index_cast %scan3A_237 : i32 to index
        %swap3A_697 = arith.constant 448 : index
        %swap3A_698 = tpu.vector_load %arg8[%swap3A_696, %swap3A_697] {strides = array<i32>} : memref<32x768xf32, #tpu.memory_space<vmem>>, vector<1x16xf32>,
        %swap3A_699 = vector.shape_cast %swap3A_698 : vector<1x16xf32> to vector<16xf32>
        %swap3A_700 = vector.shape_cast %add3A_695 : vector<16xf32> to vector<1x16xf32>
        tpu.vector_store %arg8[%swap3A_696, %swap3A_697], %swap3A_700 {strides = array<i32>} : memref<32x768xf32, #tpu.memory_space<vmem>>, vector<1x16xf32>,
        %get3A_701 = arith.index_cast %scan3A_237 : i32 to index
        %get3A_702 = arith.constant 464 : index
        %get3A_703 = tpu.vector_load %arg8[%get3A_701, %get3A_702] {strides = array<i32>} : memref<32x768xf32, #tpu.memory_space<vmem>>, vector<1x16xf32>,
        %get3A_704 = vector.shape_cast %get3A_703 : vector<1x16xf32> to vector<16xf32>
        %add3A_705 = arith.constant 0 : i32
        %add3A_706 = arith.addi %add3A_705, %scan3A_237 : i32
        %get3A_707 = arith.index_cast %add3A_706 : i32 to index
        %get3A_708 = arith.constant 464 : index
        %get3A_709 = tpu.vector_load %arg7[%get3A_707, %get3A_708] {strides = array<i32>} : memref<32x768xf32, #tpu.memory_space<vmem>>, vector<1x16xf32>,
        %get3A_710 = vector.shape_cast %get3A_709 : vector<1x16xf32> to vector<16xf32>
        %add3A_711 = arith.addf %get3A_704, %get3A_710 : vector<16xf32>
        %swap3A_712 = arith.index_cast %scan3A_237 : i32 to index
        %swap3A_713 = arith.constant 464 : index
        %swap3A_714 = tpu.vector_load %arg8[%swap3A_712, %swap3A_713] {strides = array<i32>} : memref<32x768xf32, #tpu.memory_space<vmem>>, vector<1x16xf32>,
        %swap3A_715 = vector.shape_cast %swap3A_714 : vector<1x16xf32> to vector<16xf32>
        %swap3A_716 = vector.shape_cast %add3A_711 : vector<16xf32> to vector<1x16xf32>
        tpu.vector_store %arg8[%swap3A_712, %swap3A_713], %swap3A_716 {strides = array<i32>} : memref<32x768xf32, #tpu.memory_space<vmem>>, vector<1x16xf32>,
        %get3A_717 = arith.index_cast %scan3A_237 : i32 to index
        %get3A_718 = arith.constant 480 : index
        %get3A_719 = tpu.vector_load %arg8[%get3A_717, %get3A_718] {strides = array<i32>} : memref<32x768xf32, #tpu.memory_space<vmem>>, vector<1x16xf32>,
        %get3A_720 = vector.shape_cast %get3A_719 : vector<1x16xf32> to vector<16xf32>
        %add3A_721 = arith.constant 0 : i32
        %add3A_722 = arith.addi %add3A_721, %scan3A_237 : i32
        %get3A_723 = arith.index_cast %add3A_722 : i32 to index
        %get3A_724 = arith.constant 480 : index
        %get3A_725 = tpu.vector_load %arg7[%get3A_723, %get3A_724] {strides = array<i32>} : memref<32x768xf32, #tpu.memory_space<vmem>>, vector<1x16xf32>,
        %get3A_726 = vector.shape_cast %get3A_725 : vector<1x16xf32> to vector<16xf32>
        %add3A_727 = arith.addf %get3A_720, %get3A_726 : vector<16xf32>
        %swap3A_728 = arith.index_cast %scan3A_237 : i32 to index
        %swap3A_729 = arith.constant 480 : index
        %swap3A_730 = tpu.vector_load %arg8[%swap3A_728, %swap3A_729] {strides = array<i32>} : memref<32x768xf32, #tpu.memory_space<vmem>>, vector<1x16xf32>,
        %swap3A_731 = vector.shape_cast %swap3A_730 : vector<1x16xf32> to vector<16xf32>
        %swap3A_732 = vector.shape_cast %add3A_727 : vector<16xf32> to vector<1x16xf32>
        tpu.vector_store %arg8[%swap3A_728, %swap3A_729], %swap3A_732 {strides = array<i32>} : memref<32x768xf32, #tpu.memory_space<vmem>>, vector<1x16xf32>,
        %get3A_733 = arith.index_cast %scan3A_237 : i32 to index
        %get3A_734 = arith.constant 496 : index
        %get3A_735 = tpu.vector_load %arg8[%get3A_733, %get3A_734] {strides = array<i32>} : memref<32x768xf32, #tpu.memory_space<vmem>>, vector<1x16xf32>,
        %get3A_736 = vector.shape_cast %get3A_735 : vector<1x16xf32> to vector<16xf32>
        %add3A_737 = arith.constant 0 : i32
        %add3A_738 = arith.addi %add3A_737, %scan3A_237 : i32
        %get3A_739 = arith.index_cast %add3A_738 : i32 to index
        %get3A_740 = arith.constant 496 : index
        %get3A_741 = tpu.vector_load %arg7[%get3A_739, %get3A_740] {strides = array<i32>} : memref<32x768xf32, #tpu.memory_space<vmem>>, vector<1x16xf32>,
        %get3A_742 = vector.shape_cast %get3A_741 : vector<1x16xf32> to vector<16xf32>
        %add3A_743 = arith.addf %get3A_736, %get3A_742 : vector<16xf32>
        %swap3A_744 = arith.index_cast %scan3A_237 : i32 to index
        %swap3A_745 = arith.constant 496 : index
        %swap3A_746 = tpu.vector_load %arg8[%swap3A_744, %swap3A_745] {strides = array<i32>} : memref<32x768xf32, #tpu.memory_space<vmem>>, vector<1x16xf32>,
        %swap3A_747 = vector.shape_cast %swap3A_746 : vector<1x16xf32> to vector<16xf32>
        %swap3A_748 = vector.shape_cast %add3A_743 : vector<16xf32> to vector<1x16xf32>
        tpu.vector_store %arg8[%swap3A_744, %swap3A_745], %swap3A_748 {strides = array<i32>} : memref<32x768xf32, #tpu.memory_space<vmem>>, vector<1x16xf32>,
        %get3A_749 = arith.index_cast %scan3A_237 : i32 to index
        %get3A_750 = arith.constant 512 : index
        %get3A_751 = tpu.vector_load %arg8[%get3A_749, %get3A_750] {strides = array<i32>} : memref<32x768xf32, #tpu.memory_space<vmem>>, vector<1x16xf32>,
        %get3A_752 = vector.shape_cast %get3A_751 : vector<1x16xf32> to vector<16xf32>
        %add3A_753 = arith.constant 0 : i32
        %add3A_754 = arith.addi %add3A_753, %scan3A_237 : i32
        %get3A_755 = arith.index_cast %add3A_754 : i32 to index
        %get3A_756 = arith.constant 512 : index
        %get3A_757 = tpu.vector_load %arg7[%get3A_755, %get3A_756] {strides = array<i32>} : memref<32x768xf32, #tpu.memory_space<vmem>>, vector<1x16xf32>,
        %get3A_758 = vector.shape_cast %get3A_757 : vector<1x16xf32> to vector<16xf32>
        %add3A_759 = arith.addf %get3A_752, %get3A_758 : vector<16xf32>
        %swap3A_760 = arith.index_cast %scan3A_237 : i32 to index
        %swap3A_761 = arith.constant 512 : index
        %swap3A_762 = tpu.vector_load %arg8[%swap3A_760, %swap3A_761] {strides = array<i32>} : memref<32x768xf32, #tpu.memory_space<vmem>>, vector<1x16xf32>,
        %swap3A_763 = vector.shape_cast %swap3A_762 : vector<1x16xf32> to vector<16xf32>
        %swap3A_764 = vector.shape_cast %add3A_759 : vector<16xf32> to vector<1x16xf32>
        tpu.vector_store %arg8[%swap3A_760, %swap3A_761], %swap3A_764 {strides = array<i32>} : memref<32x768xf32, #tpu.memory_space<vmem>>, vector<1x16xf32>,
        %get3A_765 = arith.index_cast %scan3A_237 : i32 to index
        %get3A_766 = arith.constant 528 : index
        %get3A_767 = tpu.vector_load %arg8[%get3A_765, %get3A_766] {strides = array<i32>} : memref<32x768xf32, #tpu.memory_space<vmem>>, vector<1x16xf32>,
        %get3A_768 = vector.shape_cast %get3A_767 : vector<1x16xf32> to vector<16xf32>
        %add3A_769 = arith.constant 0 : i32
        %add3A_770 = arith.addi %add3A_769, %scan3A_237 : i32
        %get3A_771 = arith.index_cast %add3A_770 : i32 to index
        %get3A_772 = arith.constant 528 : index
        %get3A_773 = tpu.vector_load %arg7[%get3A_771, %get3A_772] {strides = array<i32>} : memref<32x768xf32, #tpu.memory_space<vmem>>, vector<1x16xf32>,
        %get3A_774 = vector.shape_cast %get3A_773 : vector<1x16xf32> to vector<16xf32>
        %add3A_775 = arith.addf %get3A_768, %get3A_774 : vector<16xf32>
        %swap3A_776 = arith.index_cast %scan3A_237 : i32 to index
        %swap3A_777 = arith.constant 528 : index
        %swap3A_778 = tpu.vector_load %arg8[%swap3A_776, %swap3A_777] {strides = array<i32>} : memref<32x768xf32, #tpu.memory_space<vmem>>, vector<1x16xf32>,
        %swap3A_779 = vector.shape_cast %swap3A_778 : vector<1x16xf32> to vector<16xf32>
        %swap3A_780 = vector.shape_cast %add3A_775 : vector<16xf32> to vector<1x16xf32>
        tpu.vector_store %arg8[%swap3A_776, %swap3A_777], %swap3A_780 {strides = array<i32>} : memref<32x768xf32, #tpu.memory_space<vmem>>, vector<1x16xf32>,
        %get3A_781 = arith.index_cast %scan3A_237 : i32 to index
        %get3A_782 = arith.constant 544 : index
        %get3A_783 = tpu.vector_load %arg8[%get3A_781, %get3A_782] {strides = array<i32>} : memref<32x768xf32, #tpu.memory_space<vmem>>, vector<1x16xf32>,
        %get3A_784 = vector.shape_cast %get3A_783 : vector<1x16xf32> to vector<16xf32>
        %add3A_785 = arith.constant 0 : i32
        %add3A_786 = arith.addi %add3A_785, %scan3A_237 : i32
        %get3A_787 = arith.index_cast %add3A_786 : i32 to index
        %get3A_788 = arith.constant 544 : index
        %get3A_789 = tpu.vector_load %arg7[%get3A_787, %get3A_788] {strides = array<i32>} : memref<32x768xf32, #tpu.memory_space<vmem>>, vector<1x16xf32>,
        %get3A_790 = vector.shape_cast %get3A_789 : vector<1x16xf32> to vector<16xf32>
        %add3A_791 = arith.addf %get3A_784, %get3A_790 : vector<16xf32>
        %swap3A_792 = arith.index_cast %scan3A_237 : i32 to index
        %swap3A_793 = arith.constant 544 : index
        %swap3A_794 = tpu.vector_load %arg8[%swap3A_792, %swap3A_793] {strides = array<i32>} : memref<32x768xf32, #tpu.memory_space<vmem>>, vector<1x16xf32>,
        %swap3A_795 = vector.shape_cast %swap3A_794 : vector<1x16xf32> to vector<16xf32>
        %swap3A_796 = vector.shape_cast %add3A_791 : vector<16xf32> to vector<1x16xf32>
        tpu.vector_store %arg8[%swap3A_792, %swap3A_793], %swap3A_796 {strides = array<i32>} : memref<32x768xf32, #tpu.memory_space<vmem>>, vector<1x16xf32>,
        %get3A_797 = arith.index_cast %scan3A_237 : i32 to index
        %get3A_798 = arith.constant 560 : index
        %get3A_799 = tpu.vector_load %arg8[%get3A_797, %get3A_798] {strides = array<i32>} : memref<32x768xf32, #tpu.memory_space<vmem>>, vector<1x16xf32>,
        %get3A_800 = vector.shape_cast %get3A_799 : vector<1x16xf32> to vector<16xf32>
        %add3A_801 = arith.constant 0 : i32
        %add3A_802 = arith.addi %add3A_801, %scan3A_237 : i32
        %get3A_803 = arith.index_cast %add3A_802 : i32 to index
        %get3A_804 = arith.constant 560 : index
        %get3A_805 = tpu.vector_load %arg7[%get3A_803, %get3A_804] {strides = array<i32>} : memref<32x768xf32, #tpu.memory_space<vmem>>, vector<1x16xf32>,
        %get3A_806 = vector.shape_cast %get3A_805 : vector<1x16xf32> to vector<16xf32>
        %add3A_807 = arith.addf %get3A_800, %get3A_806 : vector<16xf32>
        %swap3A_808 = arith.index_cast %scan3A_237 : i32 to index
        %swap3A_809 = arith.constant 560 : index
        %swap3A_810 = tpu.vector_load %arg8[%swap3A_808, %swap3A_809] {strides = array<i32>} : memref<32x768xf32, #tpu.memory_space<vmem>>, vector<1x16xf32>,
        %swap3A_811 = vector.shape_cast %swap3A_810 : vector<1x16xf32> to vector<16xf32>
        %swap3A_812 = vector.shape_cast %add3A_807 : vector<16xf32> to vector<1x16xf32>
        tpu.vector_store %arg8[%swap3A_808, %swap3A_809], %swap3A_812 {strides = array<i32>} : memref<32x768xf32, #tpu.memory_space<vmem>>, vector<1x16xf32>,
        %get3A_813 = arith.index_cast %scan3A_237 : i32 to index
        %get3A_814 = arith.constant 576 : index
        %get3A_815 = tpu.vector_load %arg8[%get3A_813, %get3A_814] {strides = array<i32>} : memref<32x768xf32, #tpu.memory_space<vmem>>, vector<1x16xf32>,
        %get3A_816 = vector.shape_cast %get3A_815 : vector<1x16xf32> to vector<16xf32>
        %add3A_817 = arith.constant 0 : i32
        %add3A_818 = arith.addi %add3A_817, %scan3A_237 : i32
        %get3A_819 = arith.index_cast %add3A_818 : i32 to index
        %get3A_820 = arith.constant 576 : index
        %get3A_821 = tpu.vector_load %arg7[%get3A_819, %get3A_820] {strides = array<i32>} : memref<32x768xf32, #tpu.memory_space<vmem>>, vector<1x16xf32>,
        %get3A_822 = vector.shape_cast %get3A_821 : vector<1x16xf32> to vector<16xf32>
        %add3A_823 = arith.addf %get3A_816, %get3A_822 : vector<16xf32>
        %swap3A_824 = arith.index_cast %scan3A_237 : i32 to index
        %swap3A_825 = arith.constant 576 : index
        %swap3A_826 = tpu.vector_load %arg8[%swap3A_824, %swap3A_825] {strides = array<i32>} : memref<32x768xf32, #tpu.memory_space<vmem>>, vector<1x16xf32>,
        %swap3A_827 = vector.shape_cast %swap3A_826 : vector<1x16xf32> to vector<16xf32>
        %swap3A_828 = vector.shape_cast %add3A_823 : vector<16xf32> to vector<1x16xf32>
        tpu.vector_store %arg8[%swap3A_824, %swap3A_825], %swap3A_828 {strides = array<i32>} : memref<32x768xf32, #tpu.memory_space<vmem>>, vector<1x16xf32>,
        %get3A_829 = arith.index_cast %scan3A_237 : i32 to index
        %get3A_830 = arith.constant 592 : index
        %get3A_831 = tpu.vector_load %arg8[%get3A_829, %get3A_830] {strides = array<i32>} : memref<32x768xf32, #tpu.memory_space<vmem>>, vector<1x16xf32>,
        %get3A_832 = vector.shape_cast %get3A_831 : vector<1x16xf32> to vector<16xf32>
        %add3A_833 = arith.constant 0 : i32
        %add3A_834 = arith.addi %add3A_833, %scan3A_237 : i32
        %get3A_835 = arith.index_cast %add3A_834 : i32 to index
        %get3A_836 = arith.constant 592 : index
        %get3A_837 = tpu.vector_load %arg7[%get3A_835, %get3A_836] {strides = array<i32>} : memref<32x768xf32, #tpu.memory_space<vmem>>, vector<1x16xf32>,
        %get3A_838 = vector.shape_cast %get3A_837 : vector<1x16xf32> to vector<16xf32>
        %add3A_839 = arith.addf %get3A_832, %get3A_838 : vector<16xf32>
        %swap3A_840 = arith.index_cast %scan3A_237 : i32 to index
        %swap3A_841 = arith.constant 592 : index
        %swap3A_842 = tpu.vector_load %arg8[%swap3A_840, %swap3A_841] {strides = array<i32>} : memref<32x768xf32, #tpu.memory_space<vmem>>, vector<1x16xf32>,
        %swap3A_843 = vector.shape_cast %swap3A_842 : vector<1x16xf32> to vector<16xf32>
        %swap3A_844 = vector.shape_cast %add3A_839 : vector<16xf32> to vector<1x16xf32>
        tpu.vector_store %arg8[%swap3A_840, %swap3A_841], %swap3A_844 {strides = array<i32>} : memref<32x768xf32, #tpu.memory_space<vmem>>, vector<1x16xf32>,
        %get3A_845 = arith.index_cast %scan3A_237 : i32 to index
        %get3A_846 = arith.constant 608 : index
        %get3A_847 = tpu.vector_load %arg8[%get3A_845, %get3A_846] {strides = array<i32>} : memref<32x768xf32, #tpu.memory_space<vmem>>, vector<1x16xf32>,
        %get3A_848 = vector.shape_cast %get3A_847 : vector<1x16xf32> to vector<16xf32>
        %add3A_849 = arith.constant 0 : i32
        %add3A_850 = arith.addi %add3A_849, %scan3A_237 : i32
        %get3A_851 = arith.index_cast %add3A_850 : i32 to index
        %get3A_852 = arith.constant 608 : index
        %get3A_853 = tpu.vector_load %arg7[%get3A_851, %get3A_852] {strides = array<i32>} : memref<32x768xf32, #tpu.memory_space<vmem>>, vector<1x16xf32>,
        %get3A_854 = vector.shape_cast %get3A_853 : vector<1x16xf32> to vector<16xf32>
        %add3A_855 = arith.addf %get3A_848, %get3A_854 : vector<16xf32>
        %swap3A_856 = arith.index_cast %scan3A_237 : i32 to index
        %swap3A_857 = arith.constant 608 : index
        %swap3A_858 = tpu.vector_load %arg8[%swap3A_856, %swap3A_857] {strides = array<i32>} : memref<32x768xf32, #tpu.memory_space<vmem>>, vector<1x16xf32>,
        %swap3A_859 = vector.shape_cast %swap3A_858 : vector<1x16xf32> to vector<16xf32>
        %swap3A_860 = vector.shape_cast %add3A_855 : vector<16xf32> to vector<1x16xf32>
        tpu.vector_store %arg8[%swap3A_856, %swap3A_857], %swap3A_860 {strides = array<i32>} : memref<32x768xf32, #tpu.memory_space<vmem>>, vector<1x16xf32>,
        %get3A_861 = arith.index_cast %scan3A_237 : i32 to index
        %get3A_862 = arith.constant 624 : index
        %get3A_863 = tpu.vector_load %arg8[%get3A_861, %get3A_862] {strides = array<i32>} : memref<32x768xf32, #tpu.memory_space<vmem>>, vector<1x16xf32>,
        %get3A_864 = vector.shape_cast %get3A_863 : vector<1x16xf32> to vector<16xf32>
        %add3A_865 = arith.constant 0 : i32
        %add3A_866 = arith.addi %add3A_865, %scan3A_237 : i32
        %get3A_867 = arith.index_cast %add3A_866 : i32 to index
        %get3A_868 = arith.constant 624 : index
        %get3A_869 = tpu.vector_load %arg7[%get3A_867, %get3A_868] {strides = array<i32>} : memref<32x768xf32, #tpu.memory_space<vmem>>, vector<1x16xf32>,
        %get3A_870 = vector.shape_cast %get3A_869 : vector<1x16xf32> to vector<16xf32>
        %add3A_871 = arith.addf %get3A_864, %get3A_870 : vector<16xf32>
        %swap3A_872 = arith.index_cast %scan3A_237 : i32 to index
        %swap3A_873 = arith.constant 624 : index
        %swap3A_874 = tpu.vector_load %arg8[%swap3A_872, %swap3A_873] {strides = array<i32>} : memref<32x768xf32, #tpu.memory_space<vmem>>, vector<1x16xf32>,
        %swap3A_875 = vector.shape_cast %swap3A_874 : vector<1x16xf32> to vector<16xf32>
        %swap3A_876 = vector.shape_cast %add3A_871 : vector<16xf32> to vector<1x16xf32>
        tpu.vector_store %arg8[%swap3A_872, %swap3A_873], %swap3A_876 {strides = array<i32>} : memref<32x768xf32, #tpu.memory_space<vmem>>, vector<1x16xf32>,
        %get3A_877 = arith.index_cast %scan3A_237 : i32 to index
        %get3A_878 = arith.constant 640 : index
        %get3A_879 = tpu.vector_load %arg8[%get3A_877, %get3A_878] {strides = array<i32>} : memref<32x768xf32, #tpu.memory_space<vmem>>, vector<1x16xf32>,
        %get3A_880 = vector.shape_cast %get3A_879 : vector<1x16xf32> to vector<16xf32>
        %add3A_881 = arith.constant 0 : i32
        %add3A_882 = arith.addi %add3A_881, %scan3A_237 : i32
        %get3A_883 = arith.index_cast %add3A_882 : i32 to index
        %get3A_884 = arith.constant 640 : index
        %get3A_885 = tpu.vector_load %arg7[%get3A_883, %get3A_884] {strides = array<i32>} : memref<32x768xf32, #tpu.memory_space<vmem>>, vector<1x16xf32>,
        %get3A_886 = vector.shape_cast %get3A_885 : vector<1x16xf32> to vector<16xf32>
        %add3A_887 = arith.addf %get3A_880, %get3A_886 : vector<16xf32>
        %swap3A_888 = arith.index_cast %scan3A_237 : i32 to index
        %swap3A_889 = arith.constant 640 : index
        %swap3A_890 = tpu.vector_load %arg8[%swap3A_888, %swap3A_889] {strides = array<i32>} : memref<32x768xf32, #tpu.memory_space<vmem>>, vector<1x16xf32>,
        %swap3A_891 = vector.shape_cast %swap3A_890 : vector<1x16xf32> to vector<16xf32>
        %swap3A_892 = vector.shape_cast %add3A_887 : vector<16xf32> to vector<1x16xf32>
        tpu.vector_store %arg8[%swap3A_888, %swap3A_889], %swap3A_892 {strides = array<i32>} : memref<32x768xf32, #tpu.memory_space<vmem>>, vector<1x16xf32>,
        %get3A_893 = arith.index_cast %scan3A_237 : i32 to index
        %get3A_894 = arith.constant 656 : index
        %get3A_895 = tpu.vector_load %arg8[%get3A_893, %get3A_894] {strides = array<i32>} : memref<32x768xf32, #tpu.memory_space<vmem>>, vector<1x16xf32>,
        %get3A_896 = vector.shape_cast %get3A_895 : vector<1x16xf32> to vector<16xf32>
        %add3A_897 = arith.constant 0 : i32
        %add3A_898 = arith.addi %add3A_897, %scan3A_237 : i32
        %get3A_899 = arith.index_cast %add3A_898 : i32 to index
        %get3A_900 = arith.constant 656 : index
        %get3A_901 = tpu.vector_load %arg7[%get3A_899, %get3A_900] {strides = array<i32>} : memref<32x768xf32, #tpu.memory_space<vmem>>, vector<1x16xf32>,
        %get3A_902 = vector.shape_cast %get3A_901 : vector<1x16xf32> to vector<16xf32>
        %add3A_903 = arith.addf %get3A_896, %get3A_902 : vector<16xf32>
        %swap3A_904 = arith.index_cast %scan3A_237 : i32 to index
        %swap3A_905 = arith.constant 656 : index
        %swap3A_906 = tpu.vector_load %arg8[%swap3A_904, %swap3A_905] {strides = array<i32>} : memref<32x768xf32, #tpu.memory_space<vmem>>, vector<1x16xf32>,
        %swap3A_907 = vector.shape_cast %swap3A_906 : vector<1x16xf32> to vector<16xf32>
        %swap3A_908 = vector.shape_cast %add3A_903 : vector<16xf32> to vector<1x16xf32>
        tpu.vector_store %arg8[%swap3A_904, %swap3A_905], %swap3A_908 {strides = array<i32>} : memref<32x768xf32, #tpu.memory_space<vmem>>, vector<1x16xf32>,
        %get3A_909 = arith.index_cast %scan3A_237 : i32 to index
        %get3A_910 = arith.constant 672 : index
        %get3A_911 = tpu.vector_load %arg8[%get3A_909, %get3A_910] {strides = array<i32>} : memref<32x768xf32, #tpu.memory_space<vmem>>, vector<1x16xf32>,
        %get3A_912 = vector.shape_cast %get3A_911 : vector<1x16xf32> to vector<16xf32>
        %add3A_913 = arith.constant 0 : i32
        %add3A_914 = arith.addi %add3A_913, %scan3A_237 : i32
        %get3A_915 = arith.index_cast %add3A_914 : i32 to index
        %get3A_916 = arith.constant 672 : index
        %get3A_917 = tpu.vector_load %arg7[%get3A_915, %get3A_916] {strides = array<i32>} : memref<32x768xf32, #tpu.memory_space<vmem>>, vector<1x16xf32>,
        %get3A_918 = vector.shape_cast %get3A_917 : vector<1x16xf32> to vector<16xf32>
        %add3A_919 = arith.addf %get3A_912, %get3A_918 : vector<16xf32>
        %swap3A_920 = arith.index_cast %scan3A_237 : i32 to index
        %swap3A_921 = arith.constant 672 : index
        %swap3A_922 = tpu.vector_load %arg8[%swap3A_920, %swap3A_921] {strides = array<i32>} : memref<32x768xf32, #tpu.memory_space<vmem>>, vector<1x16xf32>,
        %swap3A_923 = vector.shape_cast %swap3A_922 : vector<1x16xf32> to vector<16xf32>
        %swap3A_924 = vector.shape_cast %add3A_919 : vector<16xf32> to vector<1x16xf32>
        tpu.vector_store %arg8[%swap3A_920, %swap3A_921], %swap3A_924 {strides = array<i32>} : memref<32x768xf32, #tpu.memory_space<vmem>>, vector<1x16xf32>,
        %get3A_925 = arith.index_cast %scan3A_237 : i32 to index
        %get3A_926 = arith.constant 688 : index
        %get3A_927 = tpu.vector_load %arg8[%get3A_925, %get3A_926] {strides = array<i32>} : memref<32x768xf32, #tpu.memory_space<vmem>>, vector<1x16xf32>,
        %get3A_928 = vector.shape_cast %get3A_927 : vector<1x16xf32> to vector<16xf32>
        %add3A_929 = arith.constant 0 : i32
        %add3A_930 = arith.addi %add3A_929, %scan3A_237 : i32
        %get3A_931 = arith.index_cast %add3A_930 : i32 to index
        %get3A_932 = arith.constant 688 : index
        %get3A_933 = tpu.vector_load %arg7[%get3A_931, %get3A_932] {strides = array<i32>} : memref<32x768xf32, #tpu.memory_space<vmem>>, vector<1x16xf32>,
        %get3A_934 = vector.shape_cast %get3A_933 : vector<1x16xf32> to vector<16xf32>
        %add3A_935 = arith.addf %get3A_928, %get3A_934 : vector<16xf32>
        %swap3A_936 = arith.index_cast %scan3A_237 : i32 to index
        %swap3A_937 = arith.constant 688 : index
        %swap3A_938 = tpu.vector_load %arg8[%swap3A_936, %swap3A_937] {strides = array<i32>} : memref<32x768xf32, #tpu.memory_space<vmem>>, vector<1x16xf32>,
        %swap3A_939 = vector.shape_cast %swap3A_938 : vector<1x16xf32> to vector<16xf32>
        %swap3A_940 = vector.shape_cast %add3A_935 : vector<16xf32> to vector<1x16xf32>
        tpu.vector_store %arg8[%swap3A_936, %swap3A_937], %swap3A_940 {strides = array<i32>} : memref<32x768xf32, #tpu.memory_space<vmem>>, vector<1x16xf32>,
        %get3A_941 = arith.index_cast %scan3A_237 : i32 to index
        %get3A_942 = arith.constant 704 : index
        %get3A_943 = tpu.vector_load %arg8[%get3A_941, %get3A_942] {strides = array<i32>} : memref<32x768xf32, #tpu.memory_space<vmem>>, vector<1x16xf32>,
        %get3A_944 = vector.shape_cast %get3A_943 : vector<1x16xf32> to vector<16xf32>
        %add3A_945 = arith.constant 0 : i32
        %add3A_946 = arith.addi %add3A_945, %scan3A_237 : i32
        %get3A_947 = arith.index_cast %add3A_946 : i32 to index
        %get3A_948 = arith.constant 704 : index
        %get3A_949 = tpu.vector_load %arg7[%get3A_947, %get3A_948] {strides = array<i32>} : memref<32x768xf32, #tpu.memory_space<vmem>>, vector<1x16xf32>,
        %get3A_950 = vector.shape_cast %get3A_949 : vector<1x16xf32> to vector<16xf32>
        %add3A_951 = arith.addf %get3A_944, %get3A_950 : vector<16xf32>
        %swap3A_952 = arith.index_cast %scan3A_237 : i32 to index
        %swap3A_953 = arith.constant 704 : index
        %swap3A_954 = tpu.vector_load %arg8[%swap3A_952, %swap3A_953] {strides = array<i32>} : memref<32x768xf32, #tpu.memory_space<vmem>>, vector<1x16xf32>,
        %swap3A_955 = vector.shape_cast %swap3A_954 : vector<1x16xf32> to vector<16xf32>
        %swap3A_956 = vector.shape_cast %add3A_951 : vector<16xf32> to vector<1x16xf32>
        tpu.vector_store %arg8[%swap3A_952, %swap3A_953], %swap3A_956 {strides = array<i32>} : memref<32x768xf32, #tpu.memory_space<vmem>>, vector<1x16xf32>,
        %get3A_957 = arith.index_cast %scan3A_237 : i32 to index
        %get3A_958 = arith.constant 720 : index
        %get3A_959 = tpu.vector_load %arg8[%get3A_957, %get3A_958] {strides = array<i32>} : memref<32x768xf32, #tpu.memory_space<vmem>>, vector<1x16xf32>,
        %get3A_960 = vector.shape_cast %get3A_959 : vector<1x16xf32> to vector<16xf32>
        %add3A_961 = arith.constant 0 : i32
        %add3A_962 = arith.addi %add3A_961, %scan3A_237 : i32
        %get3A_963 = arith.index_cast %add3A_962 : i32 to index
        %get3A_964 = arith.constant 720 : index
        %get3A_965 = tpu.vector_load %arg7[%get3A_963, %get3A_964] {strides = array<i32>} : memref<32x768xf32, #tpu.memory_space<vmem>>, vector<1x16xf32>,
        %get3A_966 = vector.shape_cast %get3A_965 : vector<1x16xf32> to vector<16xf32>
        %add3A_967 = arith.addf %get3A_960, %get3A_966 : vector<16xf32>
        %swap3A_968 = arith.index_cast %scan3A_237 : i32 to index
        %swap3A_969 = arith.constant 720 : index
        %swap3A_970 = tpu.vector_load %arg8[%swap3A_968, %swap3A_969] {strides = array<i32>} : memref<32x768xf32, #tpu.memory_space<vmem>>, vector<1x16xf32>,
        %swap3A_971 = vector.shape_cast %swap3A_970 : vector<1x16xf32> to vector<16xf32>
        %swap3A_972 = vector.shape_cast %add3A_967 : vector<16xf32> to vector<1x16xf32>
        tpu.vector_store %arg8[%swap3A_968, %swap3A_969], %swap3A_972 {strides = array<i32>} : memref<32x768xf32, #tpu.memory_space<vmem>>, vector<1x16xf32>,
        %get3A_973 = arith.index_cast %scan3A_237 : i32 to index
        %get3A_974 = arith.constant 736 : index
        %get3A_975 = tpu.vector_load %arg8[%get3A_973, %get3A_974] {strides = array<i32>} : memref<32x768xf32, #tpu.memory_space<vmem>>, vector<1x16xf32>,
        %get3A_976 = vector.shape_cast %get3A_975 : vector<1x16xf32> to vector<16xf32>
        %add3A_977 = arith.constant 0 : i32
        %add3A_978 = arith.addi %add3A_977, %scan3A_237 : i32
        %get3A_979 = arith.index_cast %add3A_978 : i32 to index
        %get3A_980 = arith.constant 736 : index
        %get3A_981 = tpu.vector_load %arg7[%get3A_979, %get3A_980] {strides = array<i32>} : memref<32x768xf32, #tpu.memory_space<vmem>>, vector<1x16xf32>,
        %get3A_982 = vector.shape_cast %get3A_981 : vector<1x16xf32> to vector<16xf32>
        %add3A_983 = arith.addf %get3A_976, %get3A_982 : vector<16xf32>
        %swap3A_984 = arith.index_cast %scan3A_237 : i32 to index
        %swap3A_985 = arith.constant 736 : index
        %swap3A_986 = tpu.vector_load %arg8[%swap3A_984, %swap3A_985] {strides = array<i32>} : memref<32x768xf32, #tpu.memory_space<vmem>>, vector<1x16xf32>,
        %swap3A_987 = vector.shape_cast %swap3A_986 : vector<1x16xf32> to vector<16xf32>
        %swap3A_988 = vector.shape_cast %add3A_983 : vector<16xf32> to vector<1x16xf32>
        tpu.vector_store %arg8[%swap3A_984, %swap3A_985], %swap3A_988 {strides = array<i32>} : memref<32x768xf32, #tpu.memory_space<vmem>>, vector<1x16xf32>,
        %get3A_989 = arith.index_cast %scan3A_237 : i32 to index
        %get3A_990 = arith.constant 752 : index
        %get3A_991 = tpu.vector_load %arg8[%get3A_989, %get3A_990] {strides = array<i32>} : memref<32x768xf32, #tpu.memory_space<vmem>>, vector<1x16xf32>,
        %get3A_992 = vector.shape_cast %get3A_991 : vector<1x16xf32> to vector<16xf32>
        %add3A_993 = arith.constant 0 : i32
        %add3A_994 = arith.addi %add3A_993, %scan3A_237 : i32
        %get3A_995 = arith.index_cast %add3A_994 : i32 to index
        %get3A_996 = arith.constant 752 : index
        %get3A_997 = tpu.vector_load %arg7[%get3A_995, %get3A_996] {strides = array<i32>} : memref<32x768xf32, #tpu.memory_space<vmem>>, vector<1x16xf32>,
        %get3A_998 = vector.shape_cast %get3A_997 : vector<1x16xf32> to vector<16xf32>
        %add3A_999 = arith.addf %get3A_992, %get3A_998 : vector<16xf32>
        %swap3A_1000 = arith.index_cast %scan3A_237 : i32 to index
        %swap3A_1001 = arith.constant 752 : index
        %swap3A_1002 = tpu.vector_load %arg8[%swap3A_1000, %swap3A_1001] {strides = array<i32>} : memref<32x768xf32, #tpu.memory_space<vmem>>, vector<1x16xf32>,
        %swap3A_1003 = vector.shape_cast %swap3A_1002 : vector<1x16xf32> to vector<16xf32>
        %swap3A_1004 = vector.shape_cast %add3A_999 : vector<16xf32> to vector<1x16xf32>
        tpu.vector_store %arg8[%swap3A_1000, %swap3A_1001], %swap3A_1004 {strides = array<i32>} : memref<32x768xf32, #tpu.memory_space<vmem>>, vector<1x16xf32>,
        %scan3A_1005 = arith.constant 0 : i32
        scf.yield %scan3A_1005 : i32
      }
      %scan3A_110 = arith.constant 32 : i32
      %mul3A_111 = arith.constant 4 : i32
      %mul3A_112 = arith.muli %mul3A_111, %scan3A_93 : i32
      %add3A_113 = arith.constant 0 : i32
      %add3A_114 = arith.addi %mul3A_112, %add3A_113 : i32
      %mul3A_115 = arith.constant 1024 : i32
      %mul3A_116 = arith.muli %add3A_114, %mul3A_115 : i32
      %add3A_117 = arith.addi %mul3A_116, %multiple_of3A : i32
      %add3A_118 = arith.constant 0 : i32
      %add3A_119 = arith.addi %add3A_117, %add3A_118 : i32
      %dma_start3A_120 = arith.constant 0 : i32
      %dma_start3A_121 = tpu.memref_slice %arg5[%add3A_119, %dma_start3A_120] : memref<65536x768xf32, #tpu.memory_space<hbm>> -> memref<32x768xf32, #tpu.memory_space<hbm>>
      %dma_start3A_122 = arith.constant 0 : i32
      %dma_start3A_123 = tpu.memref_slice %arg5[%add3A_119, %dma_start3A_122] : memref<65536x768xf32, #tpu.memory_space<hbm>> -> memref<32x768xf32, #tpu.memory_space<hbm>>
      tpu.enqueue_dma source(%arg8 : memref<32x768xf32, #tpu.memory_space<vmem>>) target(%dma_start3A_123 : memref<32x768xf32, #tpu.memory_space<hbm>>) target_semaphore(%arg16 : memref<!tpu.dma_semaphore, #tpu.memory_space<semaphore_mem>>)
      %add3A_124 = arith.constant 3 : i32
      %add3A_125 = arith.addi %add3A_98, %add3A_124 : i32
      %lt3A = arith.constant 64 : i32
      %lt3A_126 = arith.cmpi slt, %add3A_125, %lt3A : i32
      %convert_element_type3A = arith.extui %lt3A_126 : i1 to i32
      %cond3A = arith.constant 0 : i32
      %cond3A_127 = arith.cmpi ne, %convert_element_type3A, %cond3A : i32
      scf.if %cond3A_127 {
        %ge3A = arith.constant 1 : i32
        %ge3A_237 = arith.cmpi sge, %add3A_98, %ge3A : i32
        %convert_element_type3A_238 = arith.extui %ge3A_237 : i1 to i32
        %cond3A_239 = arith.constant 0 : i32
        %cond3A_240 = arith.cmpi ne, %convert_element_type3A_238, %cond3A_239 : i32
        scf.if %cond3A_240 {
          %dma_wait3A_247 = arith.constant 0 : i32
          %dma_wait3A_248 = arith.constant 0 : i32
          %dma_wait3A_249 = tpu.memref_slice %arg5[%dma_wait3A_247, %dma_wait3A_248] : memref<65536x768xf32, #tpu.memory_space<hbm>> -> memref<32x768xf32, #tpu.memory_space<hbm>>
          %dma_wait3A_250 = arith.constant 0 : i32
          %dma_wait3A_251 = arith.constant 0 : i32
          %dma_wait3A_252 = tpu.memref_slice %arg5[%dma_wait3A_250, %dma_wait3A_251] : memref<65536x768xf32, #tpu.memory_space<hbm>> -> memref<32x768xf32, #tpu.memory_space<hbm>>
          tpu.wait_dma2 semaphore(%arg19 : memref<!tpu.dma_semaphore, #tpu.memory_space<semaphore_mem>>) src(%arg11 : memref<32x768xf32, #tpu.memory_space<vmem>>) dst(%dma_wait3A_252 : memref<32x768xf32, #tpu.memory_space<hbm>>)
        } else {
        }
        %mul3A_241 = arith.constant 32 : i32
        %mul3A_242 = arith.muli %add3A_125, %mul3A_241 : i32
        %dma_start3A_243 = tpu.memref_slice %arg6[%mul3A_242] : memref<2048xi32, #tpu.memory_space<vmem>> -> memref<32xi32, #tpu.memory_space<vmem>>
        %dma_start3A_244 = arith.constant 0 : i32
        %dma_start3A_245 = arith.constant 0 : i32
        %dma_start3A_246 = tpu.memref_slice %arg3[%dma_start3A_244, %dma_start3A_245] : memref<50257x768xf32, #tpu.memory_space<hbm>> -> memref<50257x768xf32, #tpu.memory_space<hbm>>
        tpu.enqueue_indirect_dma source(%dma_start3A_246 : memref<50257x768xf32, #tpu.memory_space<hbm>>) target(%arg11 : memref<32x768xf32, #tpu.memory_space<vmem>>) offsets(%dma_start3A_243 : memref<32xi32, #tpu.memory_space<vmem>>) semaphore(%arg15 : memref<!tpu.dma_semaphore, #tpu.memory_space<semaphore_mem>>)
      } else {
      }
      %mul3A_128 = arith.constant 4 : i32
      %mul3A_129 = arith.muli %mul3A_128, %scan3A_93 : i32
      %add3A_130 = arith.constant 1 : i32
      %add3A_131 = arith.addi %mul3A_129, %add3A_130 : i32
      %dma_wait3A_132 = arith.constant 0 : i32
      %dma_wait3A_133 = tpu.memref_slice %arg6[%dma_wait3A_132] : memref<2048xi32, #tpu.memory_space<vmem>> -> memref<32xi32, #tpu.memory_space<vmem>>
      %dma_wait3A_134 = arith.constant 0 : i32
      %dma_wait3A_135 = arith.constant 0 : i32
      %dma_wait3A_136 = tpu.memref_slice %arg3[%dma_wait3A_134, %dma_wait3A_135] : memref<50257x768xf32, #tpu.memory_space<hbm>> -> memref<50257x768xf32, #tpu.memory_space<hbm>>
      tpu.wait_indirect_dma semaphore(%arg13 : memref<!tpu.dma_semaphore, #tpu.memory_space<semaphore_mem>>) src(%dma_wait3A_136 : memref<50257x768xf32, #tpu.memory_space<hbm>>) dst(%arg9 : memref<32x768xf32, #tpu.memory_space<vmem>>)
      %scan3A_137 = arith.constant 0 : i32
      %scan3A_138 = arith.constant 0 : i32
      %scan3A_139 = arith.constant 32 : i32
      %scan3A_140 = arith.addi %scan3A_138, %scan3A_139 : i32
      %scan3A_141 = arith.constant 1 : i32
      %scan3A_142 = scf.for %scan3A_237 = %scan3A_138 to %scan3A_140 step %scan3A_141 iter_args(%scan3A_238 = %scan3A_137) -> (i32)  : i32 {
        %get3A = arith.index_cast %scan3A_237 : i32 to index
        %get3A_239 = arith.constant 0 : index
        %get3A_240 = tpu.vector_load %arg9[%get3A, %get3A_239] {strides = array<i32>} : memref<32x768xf32, #tpu.memory_space<vmem>>, vector<1x16xf32>,
        %get3A_241 = vector.shape_cast %get3A_240 : vector<1x16xf32> to vector<16xf32>
        %add3A_242 = arith.constant 0 : i32
        %add3A_243 = arith.addi %add3A_242, %scan3A_237 : i32
        %get3A_244 = arith.index_cast %add3A_243 : i32 to index
        %get3A_245 = arith.constant 0 : index
        %get3A_246 = tpu.vector_load %arg7[%get3A_244, %get3A_245] {strides = array<i32>} : memref<32x768xf32, #tpu.memory_space<vmem>>, vector<1x16xf32>,
        %get3A_247 = vector.shape_cast %get3A_246 : vector<1x16xf32> to vector<16xf32>
        %add3A_248 = arith.addf %get3A_241, %get3A_247 : vector<16xf32>
        %swap3A = arith.index_cast %scan3A_237 : i32 to index
        %swap3A_249 = arith.constant 0 : index
        %swap3A_250 = tpu.vector_load %arg9[%swap3A, %swap3A_249] {strides = array<i32>} : memref<32x768xf32, #tpu.memory_space<vmem>>, vector<1x16xf32>,
        %swap3A_251 = vector.shape_cast %swap3A_250 : vector<1x16xf32> to vector<16xf32>
        %swap3A_252 = vector.shape_cast %add3A_248 : vector<16xf32> to vector<1x16xf32>
        tpu.vector_store %arg9[%swap3A, %swap3A_249], %swap3A_252 {strides = array<i32>} : memref<32x768xf32, #tpu.memory_space<vmem>>, vector<1x16xf32>,
        %get3A_253 = arith.index_cast %scan3A_237 : i32 to index
        %get3A_254 = arith.constant 16 : index
        %get3A_255 = tpu.vector_load %arg9[%get3A_253, %get3A_254] {strides = array<i32>} : memref<32x768xf32, #tpu.memory_space<vmem>>, vector<1x16xf32>,
        %get3A_256 = vector.shape_cast %get3A_255 : vector<1x16xf32> to vector<16xf32>
        %add3A_257 = arith.constant 0 : i32
        %add3A_258 = arith.addi %add3A_257, %scan3A_237 : i32
        %get3A_259 = arith.index_cast %add3A_258 : i32 to index
        %get3A_260 = arith.constant 16 : index
        %get3A_261 = tpu.vector_load %arg7[%get3A_259, %get3A_260] {strides = array<i32>} : memref<32x768xf32, #tpu.memory_space<vmem>>, vector<1x16xf32>,
        %get3A_262 = vector.shape_cast %get3A_261 : vector<1x16xf32> to vector<16xf32>
        %add3A_263 = arith.addf %get3A_256, %get3A_262 : vector<16xf32>
        %swap3A_264 = arith.index_cast %scan3A_237 : i32 to index
        %swap3A_265 = arith.constant 16 : index
        %swap3A_266 = tpu.vector_load %arg9[%swap3A_264, %swap3A_265] {strides = array<i32>} : memref<32x768xf32, #tpu.memory_space<vmem>>, vector<1x16xf32>,
        %swap3A_267 = vector.shape_cast %swap3A_266 : vector<1x16xf32> to vector<16xf32>
        %swap3A_268 = vector.shape_cast %add3A_263 : vector<16xf32> to vector<1x16xf32>
        tpu.vector_store %arg9[%swap3A_264, %swap3A_265], %swap3A_268 {strides = array<i32>} : memref<32x768xf32, #tpu.memory_space<vmem>>, vector<1x16xf32>,
        %get3A_269 = arith.index_cast %scan3A_237 : i32 to index
        %get3A_270 = arith.constant 32 : index
        %get3A_271 = tpu.vector_load %arg9[%get3A_269, %get3A_270] {strides = array<i32>} : memref<32x768xf32, #tpu.memory_space<vmem>>, vector<1x16xf32>,
        %get3A_272 = vector.shape_cast %get3A_271 : vector<1x16xf32> to vector<16xf32>
        %add3A_273 = arith.constant 0 : i32
        %add3A_274 = arith.addi %add3A_273, %scan3A_237 : i32
        %get3A_275 = arith.index_cast %add3A_274 : i32 to index
        %get3A_276 = arith.constant 32 : index
        %get3A_277 = tpu.vector_load %arg7[%get3A_275, %get3A_276] {strides = array<i32>} : memref<32x768xf32, #tpu.memory_space<vmem>>, vector<1x16xf32>,
        %get3A_278 = vector.shape_cast %get3A_277 : vector<1x16xf32> to vector<16xf32>
        %add3A_279 = arith.addf %get3A_272, %get3A_278 : vector<16xf32>
        %swap3A_280 = arith.index_cast %scan3A_237 : i32 to index
        %swap3A_281 = arith.constant 32 : index
        %swap3A_282 = tpu.vector_load %arg9[%swap3A_280, %swap3A_281] {strides = array<i32>} : memref<32x768xf32, #tpu.memory_space<vmem>>, vector<1x16xf32>,
        %swap3A_283 = vector.shape_cast %swap3A_282 : vector<1x16xf32> to vector<16xf32>
        %swap3A_284 = vector.shape_cast %add3A_279 : vector<16xf32> to vector<1x16xf32>
        tpu.vector_store %arg9[%swap3A_280, %swap3A_281], %swap3A_284 {strides = array<i32>} : memref<32x768xf32, #tpu.memory_space<vmem>>, vector<1x16xf32>,
        %get3A_285 = arith.index_cast %scan3A_237 : i32 to index
        %get3A_286 = arith.constant 48 : index
        %get3A_287 = tpu.vector_load %arg9[%get3A_285, %get3A_286] {strides = array<i32>} : memref<32x768xf32, #tpu.memory_space<vmem>>, vector<1x16xf32>,
        %get3A_288 = vector.shape_cast %get3A_287 : vector<1x16xf32> to vector<16xf32>
        %add3A_289 = arith.constant 0 : i32
        %add3A_290 = arith.addi %add3A_289, %scan3A_237 : i32
        %get3A_291 = arith.index_cast %add3A_290 : i32 to index
        %get3A_292 = arith.constant 48 : index
        %get3A_293 = tpu.vector_load %arg7[%get3A_291, %get3A_292] {strides = array<i32>} : memref<32x768xf32, #tpu.memory_space<vmem>>, vector<1x16xf32>,
        %get3A_294 = vector.shape_cast %get3A_293 : vector<1x16xf32> to vector<16xf32>
        %add3A_295 = arith.addf %get3A_288, %get3A_294 : vector<16xf32>
        %swap3A_296 = arith.index_cast %scan3A_237 : i32 to index
        %swap3A_297 = arith.constant 48 : index
        %swap3A_298 = tpu.vector_load %arg9[%swap3A_296, %swap3A_297] {strides = array<i32>} : memref<32x768xf32, #tpu.memory_space<vmem>>, vector<1x16xf32>,
        %swap3A_299 = vector.shape_cast %swap3A_298 : vector<1x16xf32> to vector<16xf32>
        %swap3A_300 = vector.shape_cast %add3A_295 : vector<16xf32> to vector<1x16xf32>
        tpu.vector_store %arg9[%swap3A_296, %swap3A_297], %swap3A_300 {strides = array<i32>} : memref<32x768xf32, #tpu.memory_space<vmem>>, vector<1x16xf32>,
        %get3A_301 = arith.index_cast %scan3A_237 : i32 to index
        %get3A_302 = arith.constant 64 : index
        %get3A_303 = tpu.vector_load %arg9[%get3A_301, %get3A_302] {strides = array<i32>} : memref<32x768xf32, #tpu.memory_space<vmem>>, vector<1x16xf32>,
        %get3A_304 = vector.shape_cast %get3A_303 : vector<1x16xf32> to vector<16xf32>
        %add3A_305 = arith.constant 0 : i32
        %add3A_306 = arith.addi %add3A_305, %scan3A_237 : i32
        %get3A_307 = arith.index_cast %add3A_306 : i32 to index
        %get3A_308 = arith.constant 64 : index
        %get3A_309 = tpu.vector_load %arg7[%get3A_307, %get3A_308] {strides = array<i32>} : memref<32x768xf32, #tpu.memory_space<vmem>>, vector<1x16xf32>,
        %get3A_310 = vector.shape_cast %get3A_309 : vector<1x16xf32> to vector<16xf32>
        %add3A_311 = arith.addf %get3A_304, %get3A_310 : vector<16xf32>
        %swap3A_312 = arith.index_cast %scan3A_237 : i32 to index
        %swap3A_313 = arith.constant 64 : index
        %swap3A_314 = tpu.vector_load %arg9[%swap3A_312, %swap3A_313] {strides = array<i32>} : memref<32x768xf32, #tpu.memory_space<vmem>>, vector<1x16xf32>,
        %swap3A_315 = vector.shape_cast %swap3A_314 : vector<1x16xf32> to vector<16xf32>
        %swap3A_316 = vector.shape_cast %add3A_311 : vector<16xf32> to vector<1x16xf32>
        tpu.vector_store %arg9[%swap3A_312, %swap3A_313], %swap3A_316 {strides = array<i32>} : memref<32x768xf32, #tpu.memory_space<vmem>>, vector<1x16xf32>,
        %get3A_317 = arith.index_cast %scan3A_237 : i32 to index
        %get3A_318 = arith.constant 80 : index
        %get3A_319 = tpu.vector_load %arg9[%get3A_317, %get3A_318] {strides = array<i32>} : memref<32x768xf32, #tpu.memory_space<vmem>>, vector<1x16xf32>,
        %get3A_320 = vector.shape_cast %get3A_319 : vector<1x16xf32> to vector<16xf32>
        %add3A_321 = arith.constant 0 : i32
        %add3A_322 = arith.addi %add3A_321, %scan3A_237 : i32
        %get3A_323 = arith.index_cast %add3A_322 : i32 to index
        %get3A_324 = arith.constant 80 : index
        %get3A_325 = tpu.vector_load %arg7[%get3A_323, %get3A_324] {strides = array<i32>} : memref<32x768xf32, #tpu.memory_space<vmem>>, vector<1x16xf32>,
        %get3A_326 = vector.shape_cast %get3A_325 : vector<1x16xf32> to vector<16xf32>
        %add3A_327 = arith.addf %get3A_320, %get3A_326 : vector<16xf32>
        %swap3A_328 = arith.index_cast %scan3A_237 : i32 to index
        %swap3A_329 = arith.constant 80 : index
        %swap3A_330 = tpu.vector_load %arg9[%swap3A_328, %swap3A_329] {strides = array<i32>} : memref<32x768xf32, #tpu.memory_space<vmem>>, vector<1x16xf32>,
        %swap3A_331 = vector.shape_cast %swap3A_330 : vector<1x16xf32> to vector<16xf32>
        %swap3A_332 = vector.shape_cast %add3A_327 : vector<16xf32> to vector<1x16xf32>
        tpu.vector_store %arg9[%swap3A_328, %swap3A_329], %swap3A_332 {strides = array<i32>} : memref<32x768xf32, #tpu.memory_space<vmem>>, vector<1x16xf32>,
        %get3A_333 = arith.index_cast %scan3A_237 : i32 to index
        %get3A_334 = arith.constant 96 : index
        %get3A_335 = tpu.vector_load %arg9[%get3A_333, %get3A_334] {strides = array<i32>} : memref<32x768xf32, #tpu.memory_space<vmem>>, vector<1x16xf32>,
        %get3A_336 = vector.shape_cast %get3A_335 : vector<1x16xf32> to vector<16xf32>
        %add3A_337 = arith.constant 0 : i32
        %add3A_338 = arith.addi %add3A_337, %scan3A_237 : i32
        %get3A_339 = arith.index_cast %add3A_338 : i32 to index
        %get3A_340 = arith.constant 96 : index
        %get3A_341 = tpu.vector_load %arg7[%get3A_339, %get3A_340] {strides = array<i32>} : memref<32x768xf32, #tpu.memory_space<vmem>>, vector<1x16xf32>,
        %get3A_342 = vector.shape_cast %get3A_341 : vector<1x16xf32> to vector<16xf32>
        %add3A_343 = arith.addf %get3A_336, %get3A_342 : vector<16xf32>
        %swap3A_344 = arith.index_cast %scan3A_237 : i32 to index
        %swap3A_345 = arith.constant 96 : index
        %swap3A_346 = tpu.vector_load %arg9[%swap3A_344, %swap3A_345] {strides = array<i32>} : memref<32x768xf32, #tpu.memory_space<vmem>>, vector<1x16xf32>,
        %swap3A_347 = vector.shape_cast %swap3A_346 : vector<1x16xf32> to vector<16xf32>
        %swap3A_348 = vector.shape_cast %add3A_343 : vector<16xf32> to vector<1x16xf32>
        tpu.vector_store %arg9[%swap3A_344, %swap3A_345], %swap3A_348 {strides = array<i32>} : memref<32x768xf32, #tpu.memory_space<vmem>>, vector<1x16xf32>,
        %get3A_349 = arith.index_cast %scan3A_237 : i32 to index
        %get3A_350 = arith.constant 112 : index
        %get3A_351 = tpu.vector_load %arg9[%get3A_349, %get3A_350] {strides = array<i32>} : memref<32x768xf32, #tpu.memory_space<vmem>>, vector<1x16xf32>,
        %get3A_352 = vector.shape_cast %get3A_351 : vector<1x16xf32> to vector<16xf32>
        %add3A_353 = arith.constant 0 : i32
        %add3A_354 = arith.addi %add3A_353, %scan3A_237 : i32
        %get3A_355 = arith.index_cast %add3A_354 : i32 to index
        %get3A_356 = arith.constant 112 : index
        %get3A_357 = tpu.vector_load %arg7[%get3A_355, %get3A_356] {strides = array<i32>} : memref<32x768xf32, #tpu.memory_space<vmem>>, vector<1x16xf32>,
        %get3A_358 = vector.shape_cast %get3A_357 : vector<1x16xf32> to vector<16xf32>
        %add3A_359 = arith.addf %get3A_352, %get3A_358 : vector<16xf32>
        %swap3A_360 = arith.index_cast %scan3A_237 : i32 to index
        %swap3A_361 = arith.constant 112 : index
        %swap3A_362 = tpu.vector_load %arg9[%swap3A_360, %swap3A_361] {strides = array<i32>} : memref<32x768xf32, #tpu.memory_space<vmem>>, vector<1x16xf32>,
        %swap3A_363 = vector.shape_cast %swap3A_362 : vector<1x16xf32> to vector<16xf32>
        %swap3A_364 = vector.shape_cast %add3A_359 : vector<16xf32> to vector<1x16xf32>
        tpu.vector_store %arg9[%swap3A_360, %swap3A_361], %swap3A_364 {strides = array<i32>} : memref<32x768xf32, #tpu.memory_space<vmem>>, vector<1x16xf32>,
        %get3A_365 = arith.index_cast %scan3A_237 : i32 to index
        %get3A_366 = arith.constant 128 : index
        %get3A_367 = tpu.vector_load %arg9[%get3A_365, %get3A_366] {strides = array<i32>} : memref<32x768xf32, #tpu.memory_space<vmem>>, vector<1x16xf32>,
        %get3A_368 = vector.shape_cast %get3A_367 : vector<1x16xf32> to vector<16xf32>
        %add3A_369 = arith.constant 0 : i32
        %add3A_370 = arith.addi %add3A_369, %scan3A_237 : i32
        %get3A_371 = arith.index_cast %add3A_370 : i32 to index
        %get3A_372 = arith.constant 128 : index
        %get3A_373 = tpu.vector_load %arg7[%get3A_371, %get3A_372] {strides = array<i32>} : memref<32x768xf32, #tpu.memory_space<vmem>>, vector<1x16xf32>,
        %get3A_374 = vector.shape_cast %get3A_373 : vector<1x16xf32> to vector<16xf32>
        %add3A_375 = arith.addf %get3A_368, %get3A_374 : vector<16xf32>
        %swap3A_376 = arith.index_cast %scan3A_237 : i32 to index
        %swap3A_377 = arith.constant 128 : index
        %swap3A_378 = tpu.vector_load %arg9[%swap3A_376, %swap3A_377] {strides = array<i32>} : memref<32x768xf32, #tpu.memory_space<vmem>>, vector<1x16xf32>,
        %swap3A_379 = vector.shape_cast %swap3A_378 : vector<1x16xf32> to vector<16xf32>
        %swap3A_380 = vector.shape_cast %add3A_375 : vector<16xf32> to vector<1x16xf32>
        tpu.vector_store %arg9[%swap3A_376, %swap3A_377], %swap3A_380 {strides = array<i32>} : memref<32x768xf32, #tpu.memory_space<vmem>>, vector<1x16xf32>,
        %get3A_381 = arith.index_cast %scan3A_237 : i32 to index
        %get3A_382 = arith.constant 144 : index
        %get3A_383 = tpu.vector_load %arg9[%get3A_381, %get3A_382] {strides = array<i32>} : memref<32x768xf32, #tpu.memory_space<vmem>>, vector<1x16xf32>,
        %get3A_384 = vector.shape_cast %get3A_383 : vector<1x16xf32> to vector<16xf32>
        %add3A_385 = arith.constant 0 : i32
        %add3A_386 = arith.addi %add3A_385, %scan3A_237 : i32
        %get3A_387 = arith.index_cast %add3A_386 : i32 to index
        %get3A_388 = arith.constant 144 : index
        %get3A_389 = tpu.vector_load %arg7[%get3A_387, %get3A_388] {strides = array<i32>} : memref<32x768xf32, #tpu.memory_space<vmem>>, vector<1x16xf32>,
        %get3A_390 = vector.shape_cast %get3A_389 : vector<1x16xf32> to vector<16xf32>
        %add3A_391 = arith.addf %get3A_384, %get3A_390 : vector<16xf32>
        %swap3A_392 = arith.index_cast %scan3A_237 : i32 to index
        %swap3A_393 = arith.constant 144 : index
        %swap3A_394 = tpu.vector_load %arg9[%swap3A_392, %swap3A_393] {strides = array<i32>} : memref<32x768xf32, #tpu.memory_space<vmem>>, vector<1x16xf32>,
        %swap3A_395 = vector.shape_cast %swap3A_394 : vector<1x16xf32> to vector<16xf32>
        %swap3A_396 = vector.shape_cast %add3A_391 : vector<16xf32> to vector<1x16xf32>
        tpu.vector_store %arg9[%swap3A_392, %swap3A_393], %swap3A_396 {strides = array<i32>} : memref<32x768xf32, #tpu.memory_space<vmem>>, vector<1x16xf32>,
        %get3A_397 = arith.index_cast %scan3A_237 : i32 to index
        %get3A_398 = arith.constant 160 : index
        %get3A_399 = tpu.vector_load %arg9[%get3A_397, %get3A_398] {strides = array<i32>} : memref<32x768xf32, #tpu.memory_space<vmem>>, vector<1x16xf32>,
        %get3A_400 = vector.shape_cast %get3A_399 : vector<1x16xf32> to vector<16xf32>
        %add3A_401 = arith.constant 0 : i32
        %add3A_402 = arith.addi %add3A_401, %scan3A_237 : i32
        %get3A_403 = arith.index_cast %add3A_402 : i32 to index
        %get3A_404 = arith.constant 160 : index
        %get3A_405 = tpu.vector_load %arg7[%get3A_403, %get3A_404] {strides = array<i32>} : memref<32x768xf32, #tpu.memory_space<vmem>>, vector<1x16xf32>,
        %get3A_406 = vector.shape_cast %get3A_405 : vector<1x16xf32> to vector<16xf32>
        %add3A_407 = arith.addf %get3A_400, %get3A_406 : vector<16xf32>
        %swap3A_408 = arith.index_cast %scan3A_237 : i32 to index
        %swap3A_409 = arith.constant 160 : index
        %swap3A_410 = tpu.vector_load %arg9[%swap3A_408, %swap3A_409] {strides = array<i32>} : memref<32x768xf32, #tpu.memory_space<vmem>>, vector<1x16xf32>,
        %swap3A_411 = vector.shape_cast %swap3A_410 : vector<1x16xf32> to vector<16xf32>
        %swap3A_412 = vector.shape_cast %add3A_407 : vector<16xf32> to vector<1x16xf32>
        tpu.vector_store %arg9[%swap3A_408, %swap3A_409], %swap3A_412 {strides = array<i32>} : memref<32x768xf32, #tpu.memory_space<vmem>>, vector<1x16xf32>,
        %get3A_413 = arith.index_cast %scan3A_237 : i32 to index
        %get3A_414 = arith.constant 176 : index
        %get3A_415 = tpu.vector_load %arg9[%get3A_413, %get3A_414] {strides = array<i32>} : memref<32x768xf32, #tpu.memory_space<vmem>>, vector<1x16xf32>,
        %get3A_416 = vector.shape_cast %get3A_415 : vector<1x16xf32> to vector<16xf32>
        %add3A_417 = arith.constant 0 : i32
        %add3A_418 = arith.addi %add3A_417, %scan3A_237 : i32
        %get3A_419 = arith.index_cast %add3A_418 : i32 to index
        %get3A_420 = arith.constant 176 : index
        %get3A_421 = tpu.vector_load %arg7[%get3A_419, %get3A_420] {strides = array<i32>} : memref<32x768xf32, #tpu.memory_space<vmem>>, vector<1x16xf32>,
        %get3A_422 = vector.shape_cast %get3A_421 : vector<1x16xf32> to vector<16xf32>
        %add3A_423 = arith.addf %get3A_416, %get3A_422 : vector<16xf32>
        %swap3A_424 = arith.index_cast %scan3A_237 : i32 to index
        %swap3A_425 = arith.constant 176 : index
        %swap3A_426 = tpu.vector_load %arg9[%swap3A_424, %swap3A_425] {strides = array<i32>} : memref<32x768xf32, #tpu.memory_space<vmem>>, vector<1x16xf32>,
        %swap3A_427 = vector.shape_cast %swap3A_426 : vector<1x16xf32> to vector<16xf32>
        %swap3A_428 = vector.shape_cast %add3A_423 : vector<16xf32> to vector<1x16xf32>
        tpu.vector_store %arg9[%swap3A_424, %swap3A_425], %swap3A_428 {strides = array<i32>} : memref<32x768xf32, #tpu.memory_space<vmem>>, vector<1x16xf32>,
        %get3A_429 = arith.index_cast %scan3A_237 : i32 to index
        %get3A_430 = arith.constant 192 : index
        %get3A_431 = tpu.vector_load %arg9[%get3A_429, %get3A_430] {strides = array<i32>} : memref<32x768xf32, #tpu.memory_space<vmem>>, vector<1x16xf32>,
        %get3A_432 = vector.shape_cast %get3A_431 : vector<1x16xf32> to vector<16xf32>
        %add3A_433 = arith.constant 0 : i32
        %add3A_434 = arith.addi %add3A_433, %scan3A_237 : i32
        %get3A_435 = arith.index_cast %add3A_434 : i32 to index
        %get3A_436 = arith.constant 192 : index
        %get3A_437 = tpu.vector_load %arg7[%get3A_435, %get3A_436] {strides = array<i32>} : memref<32x768xf32, #tpu.memory_space<vmem>>, vector<1x16xf32>,
        %get3A_438 = vector.shape_cast %get3A_437 : vector<1x16xf32> to vector<16xf32>
        %add3A_439 = arith.addf %get3A_432, %get3A_438 : vector<16xf32>
        %swap3A_440 = arith.index_cast %scan3A_237 : i32 to index
        %swap3A_441 = arith.constant 192 : index
        %swap3A_442 = tpu.vector_load %arg9[%swap3A_440, %swap3A_441] {strides = array<i32>} : memref<32x768xf32, #tpu.memory_space<vmem>>, vector<1x16xf32>,
        %swap3A_443 = vector.shape_cast %swap3A_442 : vector<1x16xf32> to vector<16xf32>
        %swap3A_444 = vector.shape_cast %add3A_439 : vector<16xf32> to vector<1x16xf32>
        tpu.vector_store %arg9[%swap3A_440, %swap3A_441], %swap3A_444 {strides = array<i32>} : memref<32x768xf32, #tpu.memory_space<vmem>>, vector<1x16xf32>,
        %get3A_445 = arith.index_cast %scan3A_237 : i32 to index
        %get3A_446 = arith.constant 208 : index
        %get3A_447 = tpu.vector_load %arg9[%get3A_445, %get3A_446] {strides = array<i32>} : memref<32x768xf32, #tpu.memory_space<vmem>>, vector<1x16xf32>,
        %get3A_448 = vector.shape_cast %get3A_447 : vector<1x16xf32> to vector<16xf32>
        %add3A_449 = arith.constant 0 : i32
        %add3A_450 = arith.addi %add3A_449, %scan3A_237 : i32
        %get3A_451 = arith.index_cast %add3A_450 : i32 to index
        %get3A_452 = arith.constant 208 : index
        %get3A_453 = tpu.vector_load %arg7[%get3A_451, %get3A_452] {strides = array<i32>} : memref<32x768xf32, #tpu.memory_space<vmem>>, vector<1x16xf32>,
        %get3A_454 = vector.shape_cast %get3A_453 : vector<1x16xf32> to vector<16xf32>
        %add3A_455 = arith.addf %get3A_448, %get3A_454 : vector<16xf32>
        %swap3A_456 = arith.index_cast %scan3A_237 : i32 to index
        %swap3A_457 = arith.constant 208 : index
        %swap3A_458 = tpu.vector_load %arg9[%swap3A_456, %swap3A_457] {strides = array<i32>} : memref<32x768xf32, #tpu.memory_space<vmem>>, vector<1x16xf32>,
        %swap3A_459 = vector.shape_cast %swap3A_458 : vector<1x16xf32> to vector<16xf32>
        %swap3A_460 = vector.shape_cast %add3A_455 : vector<16xf32> to vector<1x16xf32>
        tpu.vector_store %arg9[%swap3A_456, %swap3A_457], %swap3A_460 {strides = array<i32>} : memref<32x768xf32, #tpu.memory_space<vmem>>, vector<1x16xf32>,
        %get3A_461 = arith.index_cast %scan3A_237 : i32 to index
        %get3A_462 = arith.constant 224 : index
        %get3A_463 = tpu.vector_load %arg9[%get3A_461, %get3A_462] {strides = array<i32>} : memref<32x768xf32, #tpu.memory_space<vmem>>, vector<1x16xf32>,
        %get3A_464 = vector.shape_cast %get3A_463 : vector<1x16xf32> to vector<16xf32>
        %add3A_465 = arith.constant 0 : i32
        %add3A_466 = arith.addi %add3A_465, %scan3A_237 : i32
        %get3A_467 = arith.index_cast %add3A_466 : i32 to index
        %get3A_468 = arith.constant 224 : index
        %get3A_469 = tpu.vector_load %arg7[%get3A_467, %get3A_468] {strides = array<i32>} : memref<32x768xf32, #tpu.memory_space<vmem>>, vector<1x16xf32>,
        %get3A_470 = vector.shape_cast %get3A_469 : vector<1x16xf32> to vector<16xf32>
        %add3A_471 = arith.addf %get3A_464, %get3A_470 : vector<16xf32>
        %swap3A_472 = arith.index_cast %scan3A_237 : i32 to index
        %swap3A_473 = arith.constant 224 : index
        %swap3A_474 = tpu.vector_load %arg9[%swap3A_472, %swap3A_473] {strides = array<i32>} : memref<32x768xf32, #tpu.memory_space<vmem>>, vector<1x16xf32>,
        %swap3A_475 = vector.shape_cast %swap3A_474 : vector<1x16xf32> to vector<16xf32>
        %swap3A_476 = vector.shape_cast %add3A_471 : vector<16xf32> to vector<1x16xf32>
        tpu.vector_store %arg9[%swap3A_472, %swap3A_473], %swap3A_476 {strides = array<i32>} : memref<32x768xf32, #tpu.memory_space<vmem>>, vector<1x16xf32>,
        %get3A_477 = arith.index_cast %scan3A_237 : i32 to index
        %get3A_478 = arith.constant 240 : index
        %get3A_479 = tpu.vector_load %arg9[%get3A_477, %get3A_478] {strides = array<i32>} : memref<32x768xf32, #tpu.memory_space<vmem>>, vector<1x16xf32>,
        %get3A_480 = vector.shape_cast %get3A_479 : vector<1x16xf32> to vector<16xf32>
        %add3A_481 = arith.constant 0 : i32
        %add3A_482 = arith.addi %add3A_481, %scan3A_237 : i32
        %get3A_483 = arith.index_cast %add3A_482 : i32 to index
        %get3A_484 = arith.constant 240 : index
        %get3A_485 = tpu.vector_load %arg7[%get3A_483, %get3A_484] {strides = array<i32>} : memref<32x768xf32, #tpu.memory_space<vmem>>, vector<1x16xf32>,
        %get3A_486 = vector.shape_cast %get3A_485 : vector<1x16xf32> to vector<16xf32>
        %add3A_487 = arith.addf %get3A_480, %get3A_486 : vector<16xf32>
        %swap3A_488 = arith.index_cast %scan3A_237 : i32 to index
        %swap3A_489 = arith.constant 240 : index
        %swap3A_490 = tpu.vector_load %arg9[%swap3A_488, %swap3A_489] {strides = array<i32>} : memref<32x768xf32, #tpu.memory_space<vmem>>, vector<1x16xf32>,
        %swap3A_491 = vector.shape_cast %swap3A_490 : vector<1x16xf32> to vector<16xf32>
        %swap3A_492 = vector.shape_cast %add3A_487 : vector<16xf32> to vector<1x16xf32>
        tpu.vector_store %arg9[%swap3A_488, %swap3A_489], %swap3A_492 {strides = array<i32>} : memref<32x768xf32, #tpu.memory_space<vmem>>, vector<1x16xf32>,
        %get3A_493 = arith.index_cast %scan3A_237 : i32 to index
        %get3A_494 = arith.constant 256 : index
        %get3A_495 = tpu.vector_load %arg9[%get3A_493, %get3A_494] {strides = array<i32>} : memref<32x768xf32, #tpu.memory_space<vmem>>, vector<1x16xf32>,
        %get3A_496 = vector.shape_cast %get3A_495 : vector<1x16xf32> to vector<16xf32>
        %add3A_497 = arith.constant 0 : i32
        %add3A_498 = arith.addi %add3A_497, %scan3A_237 : i32
        %get3A_499 = arith.index_cast %add3A_498 : i32 to index
        %get3A_500 = arith.constant 256 : index
        %get3A_501 = tpu.vector_load %arg7[%get3A_499, %get3A_500] {strides = array<i32>} : memref<32x768xf32, #tpu.memory_space<vmem>>, vector<1x16xf32>,
        %get3A_502 = vector.shape_cast %get3A_501 : vector<1x16xf32> to vector<16xf32>
        %add3A_503 = arith.addf %get3A_496, %get3A_502 : vector<16xf32>
        %swap3A_504 = arith.index_cast %scan3A_237 : i32 to index
        %swap3A_505 = arith.constant 256 : index
        %swap3A_506 = tpu.vector_load %arg9[%swap3A_504, %swap3A_505] {strides = array<i32>} : memref<32x768xf32, #tpu.memory_space<vmem>>, vector<1x16xf32>,
        %swap3A_507 = vector.shape_cast %swap3A_506 : vector<1x16xf32> to vector<16xf32>
        %swap3A_508 = vector.shape_cast %add3A_503 : vector<16xf32> to vector<1x16xf32>
        tpu.vector_store %arg9[%swap3A_504, %swap3A_505], %swap3A_508 {strides = array<i32>} : memref<32x768xf32, #tpu.memory_space<vmem>>, vector<1x16xf32>,
        %get3A_509 = arith.index_cast %scan3A_237 : i32 to index
        %get3A_510 = arith.constant 272 : index
        %get3A_511 = tpu.vector_load %arg9[%get3A_509, %get3A_510] {strides = array<i32>} : memref<32x768xf32, #tpu.memory_space<vmem>>, vector<1x16xf32>,
        %get3A_512 = vector.shape_cast %get3A_511 : vector<1x16xf32> to vector<16xf32>
        %add3A_513 = arith.constant 0 : i32
        %add3A_514 = arith.addi %add3A_513, %scan3A_237 : i32
        %get3A_515 = arith.index_cast %add3A_514 : i32 to index
        %get3A_516 = arith.constant 272 : index
        %get3A_517 = tpu.vector_load %arg7[%get3A_515, %get3A_516] {strides = array<i32>} : memref<32x768xf32, #tpu.memory_space<vmem>>, vector<1x16xf32>,
        %get3A_518 = vector.shape_cast %get3A_517 : vector<1x16xf32> to vector<16xf32>
        %add3A_519 = arith.addf %get3A_512, %get3A_518 : vector<16xf32>
        %swap3A_520 = arith.index_cast %scan3A_237 : i32 to index
        %swap3A_521 = arith.constant 272 : index
        %swap3A_522 = tpu.vector_load %arg9[%swap3A_520, %swap3A_521] {strides = array<i32>} : memref<32x768xf32, #tpu.memory_space<vmem>>, vector<1x16xf32>,
        %swap3A_523 = vector.shape_cast %swap3A_522 : vector<1x16xf32> to vector<16xf32>
        %swap3A_524 = vector.shape_cast %add3A_519 : vector<16xf32> to vector<1x16xf32>
        tpu.vector_store %arg9[%swap3A_520, %swap3A_521], %swap3A_524 {strides = array<i32>} : memref<32x768xf32, #tpu.memory_space<vmem>>, vector<1x16xf32>,
        %get3A_525 = arith.index_cast %scan3A_237 : i32 to index
        %get3A_526 = arith.constant 288 : index
        %get3A_527 = tpu.vector_load %arg9[%get3A_525, %get3A_526] {strides = array<i32>} : memref<32x768xf32, #tpu.memory_space<vmem>>, vector<1x16xf32>,
        %get3A_528 = vector.shape_cast %get3A_527 : vector<1x16xf32> to vector<16xf32>
        %add3A_529 = arith.constant 0 : i32
        %add3A_530 = arith.addi %add3A_529, %scan3A_237 : i32
        %get3A_531 = arith.index_cast %add3A_530 : i32 to index
        %get3A_532 = arith.constant 288 : index
        %get3A_533 = tpu.vector_load %arg7[%get3A_531, %get3A_532] {strides = array<i32>} : memref<32x768xf32, #tpu.memory_space<vmem>>, vector<1x16xf32>,
        %get3A_534 = vector.shape_cast %get3A_533 : vector<1x16xf32> to vector<16xf32>
        %add3A_535 = arith.addf %get3A_528, %get3A_534 : vector<16xf32>
        %swap3A_536 = arith.index_cast %scan3A_237 : i32 to index
        %swap3A_537 = arith.constant 288 : index
        %swap3A_538 = tpu.vector_load %arg9[%swap3A_536, %swap3A_537] {strides = array<i32>} : memref<32x768xf32, #tpu.memory_space<vmem>>, vector<1x16xf32>,
        %swap3A_539 = vector.shape_cast %swap3A_538 : vector<1x16xf32> to vector<16xf32>
        %swap3A_540 = vector.shape_cast %add3A_535 : vector<16xf32> to vector<1x16xf32>
        tpu.vector_store %arg9[%swap3A_536, %swap3A_537], %swap3A_540 {strides = array<i32>} : memref<32x768xf32, #tpu.memory_space<vmem>>, vector<1x16xf32>,
        %get3A_541 = arith.index_cast %scan3A_237 : i32 to index
        %get3A_542 = arith.constant 304 : index
        %get3A_543 = tpu.vector_load %arg9[%get3A_541, %get3A_542] {strides = array<i32>} : memref<32x768xf32, #tpu.memory_space<vmem>>, vector<1x16xf32>,
        %get3A_544 = vector.shape_cast %get3A_543 : vector<1x16xf32> to vector<16xf32>
        %add3A_545 = arith.constant 0 : i32
        %add3A_546 = arith.addi %add3A_545, %scan3A_237 : i32
        %get3A_547 = arith.index_cast %add3A_546 : i32 to index
        %get3A_548 = arith.constant 304 : index
        %get3A_549 = tpu.vector_load %arg7[%get3A_547, %get3A_548] {strides = array<i32>} : memref<32x768xf32, #tpu.memory_space<vmem>>, vector<1x16xf32>,
        %get3A_550 = vector.shape_cast %get3A_549 : vector<1x16xf32> to vector<16xf32>
        %add3A_551 = arith.addf %get3A_544, %get3A_550 : vector<16xf32>
        %swap3A_552 = arith.index_cast %scan3A_237 : i32 to index
        %swap3A_553 = arith.constant 304 : index
        %swap3A_554 = tpu.vector_load %arg9[%swap3A_552, %swap3A_553] {strides = array<i32>} : memref<32x768xf32, #tpu.memory_space<vmem>>, vector<1x16xf32>,
        %swap3A_555 = vector.shape_cast %swap3A_554 : vector<1x16xf32> to vector<16xf32>
        %swap3A_556 = vector.shape_cast %add3A_551 : vector<16xf32> to vector<1x16xf32>
        tpu.vector_store %arg9[%swap3A_552, %swap3A_553], %swap3A_556 {strides = array<i32>} : memref<32x768xf32, #tpu.memory_space<vmem>>, vector<1x16xf32>,
        %get3A_557 = arith.index_cast %scan3A_237 : i32 to index
        %get3A_558 = arith.constant 320 : index
        %get3A_559 = tpu.vector_load %arg9[%get3A_557, %get3A_558] {strides = array<i32>} : memref<32x768xf32, #tpu.memory_space<vmem>>, vector<1x16xf32>,
        %get3A_560 = vector.shape_cast %get3A_559 : vector<1x16xf32> to vector<16xf32>
        %add3A_561 = arith.constant 0 : i32
        %add3A_562 = arith.addi %add3A_561, %scan3A_237 : i32
        %get3A_563 = arith.index_cast %add3A_562 : i32 to index
        %get3A_564 = arith.constant 320 : index
        %get3A_565 = tpu.vector_load %arg7[%get3A_563, %get3A_564] {strides = array<i32>} : memref<32x768xf32, #tpu.memory_space<vmem>>, vector<1x16xf32>,
        %get3A_566 = vector.shape_cast %get3A_565 : vector<1x16xf32> to vector<16xf32>
        %add3A_567 = arith.addf %get3A_560, %get3A_566 : vector<16xf32>
        %swap3A_568 = arith.index_cast %scan3A_237 : i32 to index
        %swap3A_569 = arith.constant 320 : index
        %swap3A_570 = tpu.vector_load %arg9[%swap3A_568, %swap3A_569] {strides = array<i32>} : memref<32x768xf32, #tpu.memory_space<vmem>>, vector<1x16xf32>,
        %swap3A_571 = vector.shape_cast %swap3A_570 : vector<1x16xf32> to vector<16xf32>
        %swap3A_572 = vector.shape_cast %add3A_567 : vector<16xf32> to vector<1x16xf32>
        tpu.vector_store %arg9[%swap3A_568, %swap3A_569], %swap3A_572 {strides = array<i32>} : memref<32x768xf32, #tpu.memory_space<vmem>>, vector<1x16xf32>,
        %get3A_573 = arith.index_cast %scan3A_237 : i32 to index
        %get3A_574 = arith.constant 336 : index
        %get3A_575 = tpu.vector_load %arg9[%get3A_573, %get3A_574] {strides = array<i32>} : memref<32x768xf32, #tpu.memory_space<vmem>>, vector<1x16xf32>,
        %get3A_576 = vector.shape_cast %get3A_575 : vector<1x16xf32> to vector<16xf32>
        %add3A_577 = arith.constant 0 : i32
        %add3A_578 = arith.addi %add3A_577, %scan3A_237 : i32
        %get3A_579 = arith.index_cast %add3A_578 : i32 to index
        %get3A_580 = arith.constant 336 : index
        %get3A_581 = tpu.vector_load %arg7[%get3A_579, %get3A_580] {strides = array<i32>} : memref<32x768xf32, #tpu.memory_space<vmem>>, vector<1x16xf32>,
        %get3A_582 = vector.shape_cast %get3A_581 : vector<1x16xf32> to vector<16xf32>
        %add3A_583 = arith.addf %get3A_576, %get3A_582 : vector<16xf32>
        %swap3A_584 = arith.index_cast %scan3A_237 : i32 to index
        %swap3A_585 = arith.constant 336 : index
        %swap3A_586 = tpu.vector_load %arg9[%swap3A_584, %swap3A_585] {strides = array<i32>} : memref<32x768xf32, #tpu.memory_space<vmem>>, vector<1x16xf32>,
        %swap3A_587 = vector.shape_cast %swap3A_586 : vector<1x16xf32> to vector<16xf32>
        %swap3A_588 = vector.shape_cast %add3A_583 : vector<16xf32> to vector<1x16xf32>
        tpu.vector_store %arg9[%swap3A_584, %swap3A_585], %swap3A_588 {strides = array<i32>} : memref<32x768xf32, #tpu.memory_space<vmem>>, vector<1x16xf32>,
        %get3A_589 = arith.index_cast %scan3A_237 : i32 to index
        %get3A_590 = arith.constant 352 : index
        %get3A_591 = tpu.vector_load %arg9[%get3A_589, %get3A_590] {strides = array<i32>} : memref<32x768xf32, #tpu.memory_space<vmem>>, vector<1x16xf32>,
        %get3A_592 = vector.shape_cast %get3A_591 : vector<1x16xf32> to vector<16xf32>
        %add3A_593 = arith.constant 0 : i32
        %add3A_594 = arith.addi %add3A_593, %scan3A_237 : i32
        %get3A_595 = arith.index_cast %add3A_594 : i32 to index
        %get3A_596 = arith.constant 352 : index
        %get3A_597 = tpu.vector_load %arg7[%get3A_595, %get3A_596] {strides = array<i32>} : memref<32x768xf32, #tpu.memory_space<vmem>>, vector<1x16xf32>,
        %get3A_598 = vector.shape_cast %get3A_597 : vector<1x16xf32> to vector<16xf32>
        %add3A_599 = arith.addf %get3A_592, %get3A_598 : vector<16xf32>
        %swap3A_600 = arith.index_cast %scan3A_237 : i32 to index
        %swap3A_601 = arith.constant 352 : index
        %swap3A_602 = tpu.vector_load %arg9[%swap3A_600, %swap3A_601] {strides = array<i32>} : memref<32x768xf32, #tpu.memory_space<vmem>>, vector<1x16xf32>,
        %swap3A_603 = vector.shape_cast %swap3A_602 : vector<1x16xf32> to vector<16xf32>
        %swap3A_604 = vector.shape_cast %add3A_599 : vector<16xf32> to vector<1x16xf32>
        tpu.vector_store %arg9[%swap3A_600, %swap3A_601], %swap3A_604 {strides = array<i32>} : memref<32x768xf32, #tpu.memory_space<vmem>>, vector<1x16xf32>,
        %get3A_605 = arith.index_cast %scan3A_237 : i32 to index
        %get3A_606 = arith.constant 368 : index
        %get3A_607 = tpu.vector_load %arg9[%get3A_605, %get3A_606] {strides = array<i32>} : memref<32x768xf32, #tpu.memory_space<vmem>>, vector<1x16xf32>,
        %get3A_608 = vector.shape_cast %get3A_607 : vector<1x16xf32> to vector<16xf32>
        %add3A_609 = arith.constant 0 : i32
        %add3A_610 = arith.addi %add3A_609, %scan3A_237 : i32
        %get3A_611 = arith.index_cast %add3A_610 : i32 to index
        %get3A_612 = arith.constant 368 : index
        %get3A_613 = tpu.vector_load %arg7[%get3A_611, %get3A_612] {strides = array<i32>} : memref<32x768xf32, #tpu.memory_space<vmem>>, vector<1x16xf32>,
        %get3A_614 = vector.shape_cast %get3A_613 : vector<1x16xf32> to vector<16xf32>
        %add3A_615 = arith.addf %get3A_608, %get3A_614 : vector<16xf32>
        %swap3A_616 = arith.index_cast %scan3A_237 : i32 to index
        %swap3A_617 = arith.constant 368 : index
        %swap3A_618 = tpu.vector_load %arg9[%swap3A_616, %swap3A_617] {strides = array<i32>} : memref<32x768xf32, #tpu.memory_space<vmem>>, vector<1x16xf32>,
        %swap3A_619 = vector.shape_cast %swap3A_618 : vector<1x16xf32> to vector<16xf32>
        %swap3A_620 = vector.shape_cast %add3A_615 : vector<16xf32> to vector<1x16xf32>
        tpu.vector_store %arg9[%swap3A_616, %swap3A_617], %swap3A_620 {strides = array<i32>} : memref<32x768xf32, #tpu.memory_space<vmem>>, vector<1x16xf32>,
        %get3A_621 = arith.index_cast %scan3A_237 : i32 to index
        %get3A_622 = arith.constant 384 : index
        %get3A_623 = tpu.vector_load %arg9[%get3A_621, %get3A_622] {strides = array<i32>} : memref<32x768xf32, #tpu.memory_space<vmem>>, vector<1x16xf32>,
        %get3A_624 = vector.shape_cast %get3A_623 : vector<1x16xf32> to vector<16xf32>
        %add3A_625 = arith.constant 0 : i32
        %add3A_626 = arith.addi %add3A_625, %scan3A_237 : i32
        %get3A_627 = arith.index_cast %add3A_626 : i32 to index
        %get3A_628 = arith.constant 384 : index
        %get3A_629 = tpu.vector_load %arg7[%get3A_627, %get3A_628] {strides = array<i32>} : memref<32x768xf32, #tpu.memory_space<vmem>>, vector<1x16xf32>,
        %get3A_630 = vector.shape_cast %get3A_629 : vector<1x16xf32> to vector<16xf32>
        %add3A_631 = arith.addf %get3A_624, %get3A_630 : vector<16xf32>
        %swap3A_632 = arith.index_cast %scan3A_237 : i32 to index
        %swap3A_633 = arith.constant 384 : index
        %swap3A_634 = tpu.vector_load %arg9[%swap3A_632, %swap3A_633] {strides = array<i32>} : memref<32x768xf32, #tpu.memory_space<vmem>>, vector<1x16xf32>,
        %swap3A_635 = vector.shape_cast %swap3A_634 : vector<1x16xf32> to vector<16xf32>
        %swap3A_636 = vector.shape_cast %add3A_631 : vector<16xf32> to vector<1x16xf32>
        tpu.vector_store %arg9[%swap3A_632, %swap3A_633], %swap3A_636 {strides = array<i32>} : memref<32x768xf32, #tpu.memory_space<vmem>>, vector<1x16xf32>,
        %get3A_637 = arith.index_cast %scan3A_237 : i32 to index
        %get3A_638 = arith.constant 400 : index
        %get3A_639 = tpu.vector_load %arg9[%get3A_637, %get3A_638] {strides = array<i32>} : memref<32x768xf32, #tpu.memory_space<vmem>>, vector<1x16xf32>,
        %get3A_640 = vector.shape_cast %get3A_639 : vector<1x16xf32> to vector<16xf32>
        %add3A_641 = arith.constant 0 : i32
        %add3A_642 = arith.addi %add3A_641, %scan3A_237 : i32
        %get3A_643 = arith.index_cast %add3A_642 : i32 to index
        %get3A_644 = arith.constant 400 : index
        %get3A_645 = tpu.vector_load %arg7[%get3A_643, %get3A_644] {strides = array<i32>} : memref<32x768xf32, #tpu.memory_space<vmem>>, vector<1x16xf32>,
        %get3A_646 = vector.shape_cast %get3A_645 : vector<1x16xf32> to vector<16xf32>
        %add3A_647 = arith.addf %get3A_640, %get3A_646 : vector<16xf32>
        %swap3A_648 = arith.index_cast %scan3A_237 : i32 to index
        %swap3A_649 = arith.constant 400 : index
        %swap3A_650 = tpu.vector_load %arg9[%swap3A_648, %swap3A_649] {strides = array<i32>} : memref<32x768xf32, #tpu.memory_space<vmem>>, vector<1x16xf32>,
        %swap3A_651 = vector.shape_cast %swap3A_650 : vector<1x16xf32> to vector<16xf32>
        %swap3A_652 = vector.shape_cast %add3A_647 : vector<16xf32> to vector<1x16xf32>
        tpu.vector_store %arg9[%swap3A_648, %swap3A_649], %swap3A_652 {strides = array<i32>} : memref<32x768xf32, #tpu.memory_space<vmem>>, vector<1x16xf32>,
        %get3A_653 = arith.index_cast %scan3A_237 : i32 to index
        %get3A_654 = arith.constant 416 : index
        %get3A_655 = tpu.vector_load %arg9[%get3A_653, %get3A_654] {strides = array<i32>} : memref<32x768xf32, #tpu.memory_space<vmem>>, vector<1x16xf32>,
        %get3A_656 = vector.shape_cast %get3A_655 : vector<1x16xf32> to vector<16xf32>
        %add3A_657 = arith.constant 0 : i32
        %add3A_658 = arith.addi %add3A_657, %scan3A_237 : i32
        %get3A_659 = arith.index_cast %add3A_658 : i32 to index
        %get3A_660 = arith.constant 416 : index
        %get3A_661 = tpu.vector_load %arg7[%get3A_659, %get3A_660] {strides = array<i32>} : memref<32x768xf32, #tpu.memory_space<vmem>>, vector<1x16xf32>,
        %get3A_662 = vector.shape_cast %get3A_661 : vector<1x16xf32> to vector<16xf32>
        %add3A_663 = arith.addf %get3A_656, %get3A_662 : vector<16xf32>
        %swap3A_664 = arith.index_cast %scan3A_237 : i32 to index
        %swap3A_665 = arith.constant 416 : index
        %swap3A_666 = tpu.vector_load %arg9[%swap3A_664, %swap3A_665] {strides = array<i32>} : memref<32x768xf32, #tpu.memory_space<vmem>>, vector<1x16xf32>,
        %swap3A_667 = vector.shape_cast %swap3A_666 : vector<1x16xf32> to vector<16xf32>
        %swap3A_668 = vector.shape_cast %add3A_663 : vector<16xf32> to vector<1x16xf32>
        tpu.vector_store %arg9[%swap3A_664, %swap3A_665], %swap3A_668 {strides = array<i32>} : memref<32x768xf32, #tpu.memory_space<vmem>>, vector<1x16xf32>,
        %get3A_669 = arith.index_cast %scan3A_237 : i32 to index
        %get3A_670 = arith.constant 432 : index
        %get3A_671 = tpu.vector_load %arg9[%get3A_669, %get3A_670] {strides = array<i32>} : memref<32x768xf32, #tpu.memory_space<vmem>>, vector<1x16xf32>,
        %get3A_672 = vector.shape_cast %get3A_671 : vector<1x16xf32> to vector<16xf32>
        %add3A_673 = arith.constant 0 : i32
        %add3A_674 = arith.addi %add3A_673, %scan3A_237 : i32
        %get3A_675 = arith.index_cast %add3A_674 : i32 to index
        %get3A_676 = arith.constant 432 : index
        %get3A_677 = tpu.vector_load %arg7[%get3A_675, %get3A_676] {strides = array<i32>} : memref<32x768xf32, #tpu.memory_space<vmem>>, vector<1x16xf32>,
        %get3A_678 = vector.shape_cast %get3A_677 : vector<1x16xf32> to vector<16xf32>
        %add3A_679 = arith.addf %get3A_672, %get3A_678 : vector<16xf32>
        %swap3A_680 = arith.index_cast %scan3A_237 : i32 to index
        %swap3A_681 = arith.constant 432 : index
        %swap3A_682 = tpu.vector_load %arg9[%swap3A_680, %swap3A_681] {strides = array<i32>} : memref<32x768xf32, #tpu.memory_space<vmem>>, vector<1x16xf32>,
        %swap3A_683 = vector.shape_cast %swap3A_682 : vector<1x16xf32> to vector<16xf32>
        %swap3A_684 = vector.shape_cast %add3A_679 : vector<16xf32> to vector<1x16xf32>
        tpu.vector_store %arg9[%swap3A_680, %swap3A_681], %swap3A_684 {strides = array<i32>} : memref<32x768xf32, #tpu.memory_space<vmem>>, vector<1x16xf32>,
        %get3A_685 = arith.index_cast %scan3A_237 : i32 to index
        %get3A_686 = arith.constant 448 : index
        %get3A_687 = tpu.vector_load %arg9[%get3A_685, %get3A_686] {strides = array<i32>} : memref<32x768xf32, #tpu.memory_space<vmem>>, vector<1x16xf32>,
        %get3A_688 = vector.shape_cast %get3A_687 : vector<1x16xf32> to vector<16xf32>
        %add3A_689 = arith.constant 0 : i32
        %add3A_690 = arith.addi %add3A_689, %scan3A_237 : i32
        %get3A_691 = arith.index_cast %add3A_690 : i32 to index
        %get3A_692 = arith.constant 448 : index
        %get3A_693 = tpu.vector_load %arg7[%get3A_691, %get3A_692] {strides = array<i32>} : memref<32x768xf32, #tpu.memory_space<vmem>>, vector<1x16xf32>,
        %get3A_694 = vector.shape_cast %get3A_693 : vector<1x16xf32> to vector<16xf32>
        %add3A_695 = arith.addf %get3A_688, %get3A_694 : vector<16xf32>
        %swap3A_696 = arith.index_cast %scan3A_237 : i32 to index
        %swap3A_697 = arith.constant 448 : index
        %swap3A_698 = tpu.vector_load %arg9[%swap3A_696, %swap3A_697] {strides = array<i32>} : memref<32x768xf32, #tpu.memory_space<vmem>>, vector<1x16xf32>,
        %swap3A_699 = vector.shape_cast %swap3A_698 : vector<1x16xf32> to vector<16xf32>
        %swap3A_700 = vector.shape_cast %add3A_695 : vector<16xf32> to vector<1x16xf32>
        tpu.vector_store %arg9[%swap3A_696, %swap3A_697], %swap3A_700 {strides = array<i32>} : memref<32x768xf32, #tpu.memory_space<vmem>>, vector<1x16xf32>,
        %get3A_701 = arith.index_cast %scan3A_237 : i32 to index
        %get3A_702 = arith.constant 464 : index
        %get3A_703 = tpu.vector_load %arg9[%get3A_701, %get3A_702] {strides = array<i32>} : memref<32x768xf32, #tpu.memory_space<vmem>>, vector<1x16xf32>,
        %get3A_704 = vector.shape_cast %get3A_703 : vector<1x16xf32> to vector<16xf32>
        %add3A_705 = arith.constant 0 : i32
        %add3A_706 = arith.addi %add3A_705, %scan3A_237 : i32
        %get3A_707 = arith.index_cast %add3A_706 : i32 to index
        %get3A_708 = arith.constant 464 : index
        %get3A_709 = tpu.vector_load %arg7[%get3A_707, %get3A_708] {strides = array<i32>} : memref<32x768xf32, #tpu.memory_space<vmem>>, vector<1x16xf32>,
        %get3A_710 = vector.shape_cast %get3A_709 : vector<1x16xf32> to vector<16xf32>
        %add3A_711 = arith.addf %get3A_704, %get3A_710 : vector<16xf32>
        %swap3A_712 = arith.index_cast %scan3A_237 : i32 to index
        %swap3A_713 = arith.constant 464 : index
        %swap3A_714 = tpu.vector_load %arg9[%swap3A_712, %swap3A_713] {strides = array<i32>} : memref<32x768xf32, #tpu.memory_space<vmem>>, vector<1x16xf32>,
        %swap3A_715 = vector.shape_cast %swap3A_714 : vector<1x16xf32> to vector<16xf32>
        %swap3A_716 = vector.shape_cast %add3A_711 : vector<16xf32> to vector<1x16xf32>
        tpu.vector_store %arg9[%swap3A_712, %swap3A_713], %swap3A_716 {strides = array<i32>} : memref<32x768xf32, #tpu.memory_space<vmem>>, vector<1x16xf32>,
        %get3A_717 = arith.index_cast %scan3A_237 : i32 to index
        %get3A_718 = arith.constant 480 : index
        %get3A_719 = tpu.vector_load %arg9[%get3A_717, %get3A_718] {strides = array<i32>} : memref<32x768xf32, #tpu.memory_space<vmem>>, vector<1x16xf32>,
        %get3A_720 = vector.shape_cast %get3A_719 : vector<1x16xf32> to vector<16xf32>
        %add3A_721 = arith.constant 0 : i32
        %add3A_722 = arith.addi %add3A_721, %scan3A_237 : i32
        %get3A_723 = arith.index_cast %add3A_722 : i32 to index
        %get3A_724 = arith.constant 480 : index
        %get3A_725 = tpu.vector_load %arg7[%get3A_723, %get3A_724] {strides = array<i32>} : memref<32x768xf32, #tpu.memory_space<vmem>>, vector<1x16xf32>,
        %get3A_726 = vector.shape_cast %get3A_725 : vector<1x16xf32> to vector<16xf32>
        %add3A_727 = arith.addf %get3A_720, %get3A_726 : vector<16xf32>
        %swap3A_728 = arith.index_cast %scan3A_237 : i32 to index
        %swap3A_729 = arith.constant 480 : index
        %swap3A_730 = tpu.vector_load %arg9[%swap3A_728, %swap3A_729] {strides = array<i32>} : memref<32x768xf32, #tpu.memory_space<vmem>>, vector<1x16xf32>,
        %swap3A_731 = vector.shape_cast %swap3A_730 : vector<1x16xf32> to vector<16xf32>
        %swap3A_732 = vector.shape_cast %add3A_727 : vector<16xf32> to vector<1x16xf32>
        tpu.vector_store %arg9[%swap3A_728, %swap3A_729], %swap3A_732 {strides = array<i32>} : memref<32x768xf32, #tpu.memory_space<vmem>>, vector<1x16xf32>,
        %get3A_733 = arith.index_cast %scan3A_237 : i32 to index
        %get3A_734 = arith.constant 496 : index
        %get3A_735 = tpu.vector_load %arg9[%get3A_733, %get3A_734] {strides = array<i32>} : memref<32x768xf32, #tpu.memory_space<vmem>>, vector<1x16xf32>,
        %get3A_736 = vector.shape_cast %get3A_735 : vector<1x16xf32> to vector<16xf32>
        %add3A_737 = arith.constant 0 : i32
        %add3A_738 = arith.addi %add3A_737, %scan3A_237 : i32
        %get3A_739 = arith.index_cast %add3A_738 : i32 to index
        %get3A_740 = arith.constant 496 : index
        %get3A_741 = tpu.vector_load %arg7[%get3A_739, %get3A_740] {strides = array<i32>} : memref<32x768xf32, #tpu.memory_space<vmem>>, vector<1x16xf32>,
        %get3A_742 = vector.shape_cast %get3A_741 : vector<1x16xf32> to vector<16xf32>
        %add3A_743 = arith.addf %get3A_736, %get3A_742 : vector<16xf32>
        %swap3A_744 = arith.index_cast %scan3A_237 : i32 to index
        %swap3A_745 = arith.constant 496 : index
        %swap3A_746 = tpu.vector_load %arg9[%swap3A_744, %swap3A_745] {strides = array<i32>} : memref<32x768xf32, #tpu.memory_space<vmem>>, vector<1x16xf32>,
        %swap3A_747 = vector.shape_cast %swap3A_746 : vector<1x16xf32> to vector<16xf32>
        %swap3A_748 = vector.shape_cast %add3A_743 : vector<16xf32> to vector<1x16xf32>
        tpu.vector_store %arg9[%swap3A_744, %swap3A_745], %swap3A_748 {strides = array<i32>} : memref<32x768xf32, #tpu.memory_space<vmem>>, vector<1x16xf32>,
        %get3A_749 = arith.index_cast %scan3A_237 : i32 to index
        %get3A_750 = arith.constant 512 : index
        %get3A_751 = tpu.vector_load %arg9[%get3A_749, %get3A_750] {strides = array<i32>} : memref<32x768xf32, #tpu.memory_space<vmem>>, vector<1x16xf32>,
        %get3A_752 = vector.shape_cast %get3A_751 : vector<1x16xf32> to vector<16xf32>
        %add3A_753 = arith.constant 0 : i32
        %add3A_754 = arith.addi %add3A_753, %scan3A_237 : i32
        %get3A_755 = arith.index_cast %add3A_754 : i32 to index
        %get3A_756 = arith.constant 512 : index
        %get3A_757 = tpu.vector_load %arg7[%get3A_755, %get3A_756] {strides = array<i32>} : memref<32x768xf32, #tpu.memory_space<vmem>>, vector<1x16xf32>,
        %get3A_758 = vector.shape_cast %get3A_757 : vector<1x16xf32> to vector<16xf32>
        %add3A_759 = arith.addf %get3A_752, %get3A_758 : vector<16xf32>
        %swap3A_760 = arith.index_cast %scan3A_237 : i32 to index
        %swap3A_761 = arith.constant 512 : index
        %swap3A_762 = tpu.vector_load %arg9[%swap3A_760, %swap3A_761] {strides = array<i32>} : memref<32x768xf32, #tpu.memory_space<vmem>>, vector<1x16xf32>,
        %swap3A_763 = vector.shape_cast %swap3A_762 : vector<1x16xf32> to vector<16xf32>
        %swap3A_764 = vector.shape_cast %add3A_759 : vector<16xf32> to vector<1x16xf32>
        tpu.vector_store %arg9[%swap3A_760, %swap3A_761], %swap3A_764 {strides = array<i32>} : memref<32x768xf32, #tpu.memory_space<vmem>>, vector<1x16xf32>,
        %get3A_765 = arith.index_cast %scan3A_237 : i32 to index
        %get3A_766 = arith.constant 528 : index
        %get3A_767 = tpu.vector_load %arg9[%get3A_765, %get3A_766] {strides = array<i32>} : memref<32x768xf32, #tpu.memory_space<vmem>>, vector<1x16xf32>,
        %get3A_768 = vector.shape_cast %get3A_767 : vector<1x16xf32> to vector<16xf32>
        %add3A_769 = arith.constant 0 : i32
        %add3A_770 = arith.addi %add3A_769, %scan3A_237 : i32
        %get3A_771 = arith.index_cast %add3A_770 : i32 to index
        %get3A_772 = arith.constant 528 : index
        %get3A_773 = tpu.vector_load %arg7[%get3A_771, %get3A_772] {strides = array<i32>} : memref<32x768xf32, #tpu.memory_space<vmem>>, vector<1x16xf32>,
        %get3A_774 = vector.shape_cast %get3A_773 : vector<1x16xf32> to vector<16xf32>
        %add3A_775 = arith.addf %get3A_768, %get3A_774 : vector<16xf32>
        %swap3A_776 = arith.index_cast %scan3A_237 : i32 to index
        %swap3A_777 = arith.constant 528 : index
        %swap3A_778 = tpu.vector_load %arg9[%swap3A_776, %swap3A_777] {strides = array<i32>} : memref<32x768xf32, #tpu.memory_space<vmem>>, vector<1x16xf32>,
        %swap3A_779 = vector.shape_cast %swap3A_778 : vector<1x16xf32> to vector<16xf32>
        %swap3A_780 = vector.shape_cast %add3A_775 : vector<16xf32> to vector<1x16xf32>
        tpu.vector_store %arg9[%swap3A_776, %swap3A_777], %swap3A_780 {strides = array<i32>} : memref<32x768xf32, #tpu.memory_space<vmem>>, vector<1x16xf32>,
        %get3A_781 = arith.index_cast %scan3A_237 : i32 to index
        %get3A_782 = arith.constant 544 : index
        %get3A_783 = tpu.vector_load %arg9[%get3A_781, %get3A_782] {strides = array<i32>} : memref<32x768xf32, #tpu.memory_space<vmem>>, vector<1x16xf32>,
        %get3A_784 = vector.shape_cast %get3A_783 : vector<1x16xf32> to vector<16xf32>
        %add3A_785 = arith.constant 0 : i32
        %add3A_786 = arith.addi %add3A_785, %scan3A_237 : i32
        %get3A_787 = arith.index_cast %add3A_786 : i32 to index
        %get3A_788 = arith.constant 544 : index
        %get3A_789 = tpu.vector_load %arg7[%get3A_787, %get3A_788] {strides = array<i32>} : memref<32x768xf32, #tpu.memory_space<vmem>>, vector<1x16xf32>,
        %get3A_790 = vector.shape_cast %get3A_789 : vector<1x16xf32> to vector<16xf32>
        %add3A_791 = arith.addf %get3A_784, %get3A_790 : vector<16xf32>
        %swap3A_792 = arith.index_cast %scan3A_237 : i32 to index
        %swap3A_793 = arith.constant 544 : index
        %swap3A_794 = tpu.vector_load %arg9[%swap3A_792, %swap3A_793] {strides = array<i32>} : memref<32x768xf32, #tpu.memory_space<vmem>>, vector<1x16xf32>,
        %swap3A_795 = vector.shape_cast %swap3A_794 : vector<1x16xf32> to vector<16xf32>
        %swap3A_796 = vector.shape_cast %add3A_791 : vector<16xf32> to vector<1x16xf32>
        tpu.vector_store %arg9[%swap3A_792, %swap3A_793], %swap3A_796 {strides = array<i32>} : memref<32x768xf32, #tpu.memory_space<vmem>>, vector<1x16xf32>,
        %get3A_797 = arith.index_cast %scan3A_237 : i32 to index
        %get3A_798 = arith.constant 560 : index
        %get3A_799 = tpu.vector_load %arg9[%get3A_797, %get3A_798] {strides = array<i32>} : memref<32x768xf32, #tpu.memory_space<vmem>>, vector<1x16xf32>,
        %get3A_800 = vector.shape_cast %get3A_799 : vector<1x16xf32> to vector<16xf32>
        %add3A_801 = arith.constant 0 : i32
        %add3A_802 = arith.addi %add3A_801, %scan3A_237 : i32
        %get3A_803 = arith.index_cast %add3A_802 : i32 to index
        %get3A_804 = arith.constant 560 : index
        %get3A_805 = tpu.vector_load %arg7[%get3A_803, %get3A_804] {strides = array<i32>} : memref<32x768xf32, #tpu.memory_space<vmem>>, vector<1x16xf32>,
        %get3A_806 = vector.shape_cast %get3A_805 : vector<1x16xf32> to vector<16xf32>
        %add3A_807 = arith.addf %get3A_800, %get3A_806 : vector<16xf32>
        %swap3A_808 = arith.index_cast %scan3A_237 : i32 to index
        %swap3A_809 = arith.constant 560 : index
        %swap3A_810 = tpu.vector_load %arg9[%swap3A_808, %swap3A_809] {strides = array<i32>} : memref<32x768xf32, #tpu.memory_space<vmem>>, vector<1x16xf32>,
        %swap3A_811 = vector.shape_cast %swap3A_810 : vector<1x16xf32> to vector<16xf32>
        %swap3A_812 = vector.shape_cast %add3A_807 : vector<16xf32> to vector<1x16xf32>
        tpu.vector_store %arg9[%swap3A_808, %swap3A_809], %swap3A_812 {strides = array<i32>} : memref<32x768xf32, #tpu.memory_space<vmem>>, vector<1x16xf32>,
        %get3A_813 = arith.index_cast %scan3A_237 : i32 to index
        %get3A_814 = arith.constant 576 : index
        %get3A_815 = tpu.vector_load %arg9[%get3A_813, %get3A_814] {strides = array<i32>} : memref<32x768xf32, #tpu.memory_space<vmem>>, vector<1x16xf32>,
        %get3A_816 = vector.shape_cast %get3A_815 : vector<1x16xf32> to vector<16xf32>
        %add3A_817 = arith.constant 0 : i32
        %add3A_818 = arith.addi %add3A_817, %scan3A_237 : i32
        %get3A_819 = arith.index_cast %add3A_818 : i32 to index
        %get3A_820 = arith.constant 576 : index
        %get3A_821 = tpu.vector_load %arg7[%get3A_819, %get3A_820] {strides = array<i32>} : memref<32x768xf32, #tpu.memory_space<vmem>>, vector<1x16xf32>,
        %get3A_822 = vector.shape_cast %get3A_821 : vector<1x16xf32> to vector<16xf32>
        %add3A_823 = arith.addf %get3A_816, %get3A_822 : vector<16xf32>
        %swap3A_824 = arith.index_cast %scan3A_237 : i32 to index
        %swap3A_825 = arith.constant 576 : index
        %swap3A_826 = tpu.vector_load %arg9[%swap3A_824, %swap3A_825] {strides = array<i32>} : memref<32x768xf32, #tpu.memory_space<vmem>>, vector<1x16xf32>,
        %swap3A_827 = vector.shape_cast %swap3A_826 : vector<1x16xf32> to vector<16xf32>
        %swap3A_828 = vector.shape_cast %add3A_823 : vector<16xf32> to vector<1x16xf32>
        tpu.vector_store %arg9[%swap3A_824, %swap3A_825], %swap3A_828 {strides = array<i32>} : memref<32x768xf32, #tpu.memory_space<vmem>>, vector<1x16xf32>,
        %get3A_829 = arith.index_cast %scan3A_237 : i32 to index
        %get3A_830 = arith.constant 592 : index
        %get3A_831 = tpu.vector_load %arg9[%get3A_829, %get3A_830] {strides = array<i32>} : memref<32x768xf32, #tpu.memory_space<vmem>>, vector<1x16xf32>,
        %get3A_832 = vector.shape_cast %get3A_831 : vector<1x16xf32> to vector<16xf32>
        %add3A_833 = arith.constant 0 : i32
        %add3A_834 = arith.addi %add3A_833, %scan3A_237 : i32
        %get3A_835 = arith.index_cast %add3A_834 : i32 to index
        %get3A_836 = arith.constant 592 : index
        %get3A_837 = tpu.vector_load %arg7[%get3A_835, %get3A_836] {strides = array<i32>} : memref<32x768xf32, #tpu.memory_space<vmem>>, vector<1x16xf32>,
        %get3A_838 = vector.shape_cast %get3A_837 : vector<1x16xf32> to vector<16xf32>
        %add3A_839 = arith.addf %get3A_832, %get3A_838 : vector<16xf32>
        %swap3A_840 = arith.index_cast %scan3A_237 : i32 to index
        %swap3A_841 = arith.constant 592 : index
        %swap3A_842 = tpu.vector_load %arg9[%swap3A_840, %swap3A_841] {strides = array<i32>} : memref<32x768xf32, #tpu.memory_space<vmem>>, vector<1x16xf32>,
        %swap3A_843 = vector.shape_cast %swap3A_842 : vector<1x16xf32> to vector<16xf32>
        %swap3A_844 = vector.shape_cast %add3A_839 : vector<16xf32> to vector<1x16xf32>
        tpu.vector_store %arg9[%swap3A_840, %swap3A_841], %swap3A_844 {strides = array<i32>} : memref<32x768xf32, #tpu.memory_space<vmem>>, vector<1x16xf32>,
        %get3A_845 = arith.index_cast %scan3A_237 : i32 to index
        %get3A_846 = arith.constant 608 : index
        %get3A_847 = tpu.vector_load %arg9[%get3A_845, %get3A_846] {strides = array<i32>} : memref<32x768xf32, #tpu.memory_space<vmem>>, vector<1x16xf32>,
        %get3A_848 = vector.shape_cast %get3A_847 : vector<1x16xf32> to vector<16xf32>
        %add3A_849 = arith.constant 0 : i32
        %add3A_850 = arith.addi %add3A_849, %scan3A_237 : i32
        %get3A_851 = arith.index_cast %add3A_850 : i32 to index
        %get3A_852 = arith.constant 608 : index
        %get3A_853 = tpu.vector_load %arg7[%get3A_851, %get3A_852] {strides = array<i32>} : memref<32x768xf32, #tpu.memory_space<vmem>>, vector<1x16xf32>,
        %get3A_854 = vector.shape_cast %get3A_853 : vector<1x16xf32> to vector<16xf32>
        %add3A_855 = arith.addf %get3A_848, %get3A_854 : vector<16xf32>
        %swap3A_856 = arith.index_cast %scan3A_237 : i32 to index
        %swap3A_857 = arith.constant 608 : index
        %swap3A_858 = tpu.vector_load %arg9[%swap3A_856, %swap3A_857] {strides = array<i32>} : memref<32x768xf32, #tpu.memory_space<vmem>>, vector<1x16xf32>,
        %swap3A_859 = vector.shape_cast %swap3A_858 : vector<1x16xf32> to vector<16xf32>
        %swap3A_860 = vector.shape_cast %add3A_855 : vector<16xf32> to vector<1x16xf32>
        tpu.vector_store %arg9[%swap3A_856, %swap3A_857], %swap3A_860 {strides = array<i32>} : memref<32x768xf32, #tpu.memory_space<vmem>>, vector<1x16xf32>,
        %get3A_861 = arith.index_cast %scan3A_237 : i32 to index
        %get3A_862 = arith.constant 624 : index
        %get3A_863 = tpu.vector_load %arg9[%get3A_861, %get3A_862] {strides = array<i32>} : memref<32x768xf32, #tpu.memory_space<vmem>>, vector<1x16xf32>,
        %get3A_864 = vector.shape_cast %get3A_863 : vector<1x16xf32> to vector<16xf32>
        %add3A_865 = arith.constant 0 : i32
        %add3A_866 = arith.addi %add3A_865, %scan3A_237 : i32
        %get3A_867 = arith.index_cast %add3A_866 : i32 to index
        %get3A_868 = arith.constant 624 : index
        %get3A_869 = tpu.vector_load %arg7[%get3A_867, %get3A_868] {strides = array<i32>} : memref<32x768xf32, #tpu.memory_space<vmem>>, vector<1x16xf32>,
        %get3A_870 = vector.shape_cast %get3A_869 : vector<1x16xf32> to vector<16xf32>
        %add3A_871 = arith.addf %get3A_864, %get3A_870 : vector<16xf32>
        %swap3A_872 = arith.index_cast %scan3A_237 : i32 to index
        %swap3A_873 = arith.constant 624 : index
        %swap3A_874 = tpu.vector_load %arg9[%swap3A_872, %swap3A_873] {strides = array<i32>} : memref<32x768xf32, #tpu.memory_space<vmem>>, vector<1x16xf32>,
        %swap3A_875 = vector.shape_cast %swap3A_874 : vector<1x16xf32> to vector<16xf32>
        %swap3A_876 = vector.shape_cast %add3A_871 : vector<16xf32> to vector<1x16xf32>
        tpu.vector_store %arg9[%swap3A_872, %swap3A_873], %swap3A_876 {strides = array<i32>} : memref<32x768xf32, #tpu.memory_space<vmem>>, vector<1x16xf32>,
        %get3A_877 = arith.index_cast %scan3A_237 : i32 to index
        %get3A_878 = arith.constant 640 : index
        %get3A_879 = tpu.vector_load %arg9[%get3A_877, %get3A_878] {strides = array<i32>} : memref<32x768xf32, #tpu.memory_space<vmem>>, vector<1x16xf32>,
        %get3A_880 = vector.shape_cast %get3A_879 : vector<1x16xf32> to vector<16xf32>
        %add3A_881 = arith.constant 0 : i32
        %add3A_882 = arith.addi %add3A_881, %scan3A_237 : i32
        %get3A_883 = arith.index_cast %add3A_882 : i32 to index
        %get3A_884 = arith.constant 640 : index
        %get3A_885 = tpu.vector_load %arg7[%get3A_883, %get3A_884] {strides = array<i32>} : memref<32x768xf32, #tpu.memory_space<vmem>>, vector<1x16xf32>,
        %get3A_886 = vector.shape_cast %get3A_885 : vector<1x16xf32> to vector<16xf32>
        %add3A_887 = arith.addf %get3A_880, %get3A_886 : vector<16xf32>
        %swap3A_888 = arith.index_cast %scan3A_237 : i32 to index
        %swap3A_889 = arith.constant 640 : index
        %swap3A_890 = tpu.vector_load %arg9[%swap3A_888, %swap3A_889] {strides = array<i32>} : memref<32x768xf32, #tpu.memory_space<vmem>>, vector<1x16xf32>,
        %swap3A_891 = vector.shape_cast %swap3A_890 : vector<1x16xf32> to vector<16xf32>
        %swap3A_892 = vector.shape_cast %add3A_887 : vector<16xf32> to vector<1x16xf32>
        tpu.vector_store %arg9[%swap3A_888, %swap3A_889], %swap3A_892 {strides = array<i32>} : memref<32x768xf32, #tpu.memory_space<vmem>>, vector<1x16xf32>,
        %get3A_893 = arith.index_cast %scan3A_237 : i32 to index
        %get3A_894 = arith.constant 656 : index
        %get3A_895 = tpu.vector_load %arg9[%get3A_893, %get3A_894] {strides = array<i32>} : memref<32x768xf32, #tpu.memory_space<vmem>>, vector<1x16xf32>,
        %get3A_896 = vector.shape_cast %get3A_895 : vector<1x16xf32> to vector<16xf32>
        %add3A_897 = arith.constant 0 : i32
        %add3A_898 = arith.addi %add3A_897, %scan3A_237 : i32
        %get3A_899 = arith.index_cast %add3A_898 : i32 to index
        %get3A_900 = arith.constant 656 : index
        %get3A_901 = tpu.vector_load %arg7[%get3A_899, %get3A_900] {strides = array<i32>} : memref<32x768xf32, #tpu.memory_space<vmem>>, vector<1x16xf32>,
        %get3A_902 = vector.shape_cast %get3A_901 : vector<1x16xf32> to vector<16xf32>
        %add3A_903 = arith.addf %get3A_896, %get3A_902 : vector<16xf32>
        %swap3A_904 = arith.index_cast %scan3A_237 : i32 to index
        %swap3A_905 = arith.constant 656 : index
        %swap3A_906 = tpu.vector_load %arg9[%swap3A_904, %swap3A_905] {strides = array<i32>} : memref<32x768xf32, #tpu.memory_space<vmem>>, vector<1x16xf32>,
        %swap3A_907 = vector.shape_cast %swap3A_906 : vector<1x16xf32> to vector<16xf32>
        %swap3A_908 = vector.shape_cast %add3A_903 : vector<16xf32> to vector<1x16xf32>
        tpu.vector_store %arg9[%swap3A_904, %swap3A_905], %swap3A_908 {strides = array<i32>} : memref<32x768xf32, #tpu.memory_space<vmem>>, vector<1x16xf32>,
        %get3A_909 = arith.index_cast %scan3A_237 : i32 to index
        %get3A_910 = arith.constant 672 : index
        %get3A_911 = tpu.vector_load %arg9[%get3A_909, %get3A_910] {strides = array<i32>} : memref<32x768xf32, #tpu.memory_space<vmem>>, vector<1x16xf32>,
        %get3A_912 = vector.shape_cast %get3A_911 : vector<1x16xf32> to vector<16xf32>
        %add3A_913 = arith.constant 0 : i32
        %add3A_914 = arith.addi %add3A_913, %scan3A_237 : i32
        %get3A_915 = arith.index_cast %add3A_914 : i32 to index
        %get3A_916 = arith.constant 672 : index
        %get3A_917 = tpu.vector_load %arg7[%get3A_915, %get3A_916] {strides = array<i32>} : memref<32x768xf32, #tpu.memory_space<vmem>>, vector<1x16xf32>,
        %get3A_918 = vector.shape_cast %get3A_917 : vector<1x16xf32> to vector<16xf32>
        %add3A_919 = arith.addf %get3A_912, %get3A_918 : vector<16xf32>
        %swap3A_920 = arith.index_cast %scan3A_237 : i32 to index
        %swap3A_921 = arith.constant 672 : index
        %swap3A_922 = tpu.vector_load %arg9[%swap3A_920, %swap3A_921] {strides = array<i32>} : memref<32x768xf32, #tpu.memory_space<vmem>>, vector<1x16xf32>,
        %swap3A_923 = vector.shape_cast %swap3A_922 : vector<1x16xf32> to vector<16xf32>
        %swap3A_924 = vector.shape_cast %add3A_919 : vector<16xf32> to vector<1x16xf32>
        tpu.vector_store %arg9[%swap3A_920, %swap3A_921], %swap3A_924 {strides = array<i32>} : memref<32x768xf32, #tpu.memory_space<vmem>>, vector<1x16xf32>,
        %get3A_925 = arith.index_cast %scan3A_237 : i32 to index
        %get3A_926 = arith.constant 688 : index
        %get3A_927 = tpu.vector_load %arg9[%get3A_925, %get3A_926] {strides = array<i32>} : memref<32x768xf32, #tpu.memory_space<vmem>>, vector<1x16xf32>,
        %get3A_928 = vector.shape_cast %get3A_927 : vector<1x16xf32> to vector<16xf32>
        %add3A_929 = arith.constant 0 : i32
        %add3A_930 = arith.addi %add3A_929, %scan3A_237 : i32
        %get3A_931 = arith.index_cast %add3A_930 : i32 to index
        %get3A_932 = arith.constant 688 : index
        %get3A_933 = tpu.vector_load %arg7[%get3A_931, %get3A_932] {strides = array<i32>} : memref<32x768xf32, #tpu.memory_space<vmem>>, vector<1x16xf32>,
        %get3A_934 = vector.shape_cast %get3A_933 : vector<1x16xf32> to vector<16xf32>
        %add3A_935 = arith.addf %get3A_928, %get3A_934 : vector<16xf32>
        %swap3A_936 = arith.index_cast %scan3A_237 : i32 to index
        %swap3A_937 = arith.constant 688 : index
        %swap3A_938 = tpu.vector_load %arg9[%swap3A_936, %swap3A_937] {strides = array<i32>} : memref<32x768xf32, #tpu.memory_space<vmem>>, vector<1x16xf32>,
        %swap3A_939 = vector.shape_cast %swap3A_938 : vector<1x16xf32> to vector<16xf32>
        %swap3A_940 = vector.shape_cast %add3A_935 : vector<16xf32> to vector<1x16xf32>
        tpu.vector_store %arg9[%swap3A_936, %swap3A_937], %swap3A_940 {strides = array<i32>} : memref<32x768xf32, #tpu.memory_space<vmem>>, vector<1x16xf32>,
        %get3A_941 = arith.index_cast %scan3A_237 : i32 to index
        %get3A_942 = arith.constant 704 : index
        %get3A_943 = tpu.vector_load %arg9[%get3A_941, %get3A_942] {strides = array<i32>} : memref<32x768xf32, #tpu.memory_space<vmem>>, vector<1x16xf32>,
        %get3A_944 = vector.shape_cast %get3A_943 : vector<1x16xf32> to vector<16xf32>
        %add3A_945 = arith.constant 0 : i32
        %add3A_946 = arith.addi %add3A_945, %scan3A_237 : i32
        %get3A_947 = arith.index_cast %add3A_946 : i32 to index
        %get3A_948 = arith.constant 704 : index
        %get3A_949 = tpu.vector_load %arg7[%get3A_947, %get3A_948] {strides = array<i32>} : memref<32x768xf32, #tpu.memory_space<vmem>>, vector<1x16xf32>,
        %get3A_950 = vector.shape_cast %get3A_949 : vector<1x16xf32> to vector<16xf32>
        %add3A_951 = arith.addf %get3A_944, %get3A_950 : vector<16xf32>
        %swap3A_952 = arith.index_cast %scan3A_237 : i32 to index
        %swap3A_953 = arith.constant 704 : index
        %swap3A_954 = tpu.vector_load %arg9[%swap3A_952, %swap3A_953] {strides = array<i32>} : memref<32x768xf32, #tpu.memory_space<vmem>>, vector<1x16xf32>,
        %swap3A_955 = vector.shape_cast %swap3A_954 : vector<1x16xf32> to vector<16xf32>
        %swap3A_956 = vector.shape_cast %add3A_951 : vector<16xf32> to vector<1x16xf32>
        tpu.vector_store %arg9[%swap3A_952, %swap3A_953], %swap3A_956 {strides = array<i32>} : memref<32x768xf32, #tpu.memory_space<vmem>>, vector<1x16xf32>,
        %get3A_957 = arith.index_cast %scan3A_237 : i32 to index
        %get3A_958 = arith.constant 720 : index
        %get3A_959 = tpu.vector_load %arg9[%get3A_957, %get3A_958] {strides = array<i32>} : memref<32x768xf32, #tpu.memory_space<vmem>>, vector<1x16xf32>,
        %get3A_960 = vector.shape_cast %get3A_959 : vector<1x16xf32> to vector<16xf32>
        %add3A_961 = arith.constant 0 : i32
        %add3A_962 = arith.addi %add3A_961, %scan3A_237 : i32
        %get3A_963 = arith.index_cast %add3A_962 : i32 to index
        %get3A_964 = arith.constant 720 : index
        %get3A_965 = tpu.vector_load %arg7[%get3A_963, %get3A_964] {strides = array<i32>} : memref<32x768xf32, #tpu.memory_space<vmem>>, vector<1x16xf32>,
        %get3A_966 = vector.shape_cast %get3A_965 : vector<1x16xf32> to vector<16xf32>
        %add3A_967 = arith.addf %get3A_960, %get3A_966 : vector<16xf32>
        %swap3A_968 = arith.index_cast %scan3A_237 : i32 to index
        %swap3A_969 = arith.constant 720 : index
        %swap3A_970 = tpu.vector_load %arg9[%swap3A_968, %swap3A_969] {strides = array<i32>} : memref<32x768xf32, #tpu.memory_space<vmem>>, vector<1x16xf32>,
        %swap3A_971 = vector.shape_cast %swap3A_970 : vector<1x16xf32> to vector<16xf32>
        %swap3A_972 = vector.shape_cast %add3A_967 : vector<16xf32> to vector<1x16xf32>
        tpu.vector_store %arg9[%swap3A_968, %swap3A_969], %swap3A_972 {strides = array<i32>} : memref<32x768xf32, #tpu.memory_space<vmem>>, vector<1x16xf32>,
        %get3A_973 = arith.index_cast %scan3A_237 : i32 to index
        %get3A_974 = arith.constant 736 : index
        %get3A_975 = tpu.vector_load %arg9[%get3A_973, %get3A_974] {strides = array<i32>} : memref<32x768xf32, #tpu.memory_space<vmem>>, vector<1x16xf32>,
        %get3A_976 = vector.shape_cast %get3A_975 : vector<1x16xf32> to vector<16xf32>
        %add3A_977 = arith.constant 0 : i32
        %add3A_978 = arith.addi %add3A_977, %scan3A_237 : i32
        %get3A_979 = arith.index_cast %add3A_978 : i32 to index
        %get3A_980 = arith.constant 736 : index
        %get3A_981 = tpu.vector_load %arg7[%get3A_979, %get3A_980] {strides = array<i32>} : memref<32x768xf32, #tpu.memory_space<vmem>>, vector<1x16xf32>,
        %get3A_982 = vector.shape_cast %get3A_981 : vector<1x16xf32> to vector<16xf32>
        %add3A_983 = arith.addf %get3A_976, %get3A_982 : vector<16xf32>
        %swap3A_984 = arith.index_cast %scan3A_237 : i32 to index
        %swap3A_985 = arith.constant 736 : index
        %swap3A_986 = tpu.vector_load %arg9[%swap3A_984, %swap3A_985] {strides = array<i32>} : memref<32x768xf32, #tpu.memory_space<vmem>>, vector<1x16xf32>,
        %swap3A_987 = vector.shape_cast %swap3A_986 : vector<1x16xf32> to vector<16xf32>
        %swap3A_988 = vector.shape_cast %add3A_983 : vector<16xf32> to vector<1x16xf32>
        tpu.vector_store %arg9[%swap3A_984, %swap3A_985], %swap3A_988 {strides = array<i32>} : memref<32x768xf32, #tpu.memory_space<vmem>>, vector<1x16xf32>,
        %get3A_989 = arith.index_cast %scan3A_237 : i32 to index
        %get3A_990 = arith.constant 752 : index
        %get3A_991 = tpu.vector_load %arg9[%get3A_989, %get3A_990] {strides = array<i32>} : memref<32x768xf32, #tpu.memory_space<vmem>>, vector<1x16xf32>,
        %get3A_992 = vector.shape_cast %get3A_991 : vector<1x16xf32> to vector<16xf32>
        %add3A_993 = arith.constant 0 : i32
        %add3A_994 = arith.addi %add3A_993, %scan3A_237 : i32
        %get3A_995 = arith.index_cast %add3A_994 : i32 to index
        %get3A_996 = arith.constant 752 : index
        %get3A_997 = tpu.vector_load %arg7[%get3A_995, %get3A_996] {strides = array<i32>} : memref<32x768xf32, #tpu.memory_space<vmem>>, vector<1x16xf32>,
        %get3A_998 = vector.shape_cast %get3A_997 : vector<1x16xf32> to vector<16xf32>
        %add3A_999 = arith.addf %get3A_992, %get3A_998 : vector<16xf32>
        %swap3A_1000 = arith.index_cast %scan3A_237 : i32 to index
        %swap3A_1001 = arith.constant 752 : index
        %swap3A_1002 = tpu.vector_load %arg9[%swap3A_1000, %swap3A_1001] {strides = array<i32>} : memref<32x768xf32, #tpu.memory_space<vmem>>, vector<1x16xf32>,
        %swap3A_1003 = vector.shape_cast %swap3A_1002 : vector<1x16xf32> to vector<16xf32>
        %swap3A_1004 = vector.shape_cast %add3A_999 : vector<16xf32> to vector<1x16xf32>
        tpu.vector_store %arg9[%swap3A_1000, %swap3A_1001], %swap3A_1004 {strides = array<i32>} : memref<32x768xf32, #tpu.memory_space<vmem>>, vector<1x16xf32>,
        %scan3A_1005 = arith.constant 0 : i32
        scf.yield %scan3A_1005 : i32
      }
      %scan3A_143 = arith.constant 32 : i32
      %mul3A_144 = arith.constant 4 : i32
      %mul3A_145 = arith.muli %mul3A_144, %scan3A_93 : i32
      %add3A_146 = arith.constant 1 : i32
      %add3A_147 = arith.addi %mul3A_145, %add3A_146 : i32
      %mul3A_148 = arith.constant 1024 : i32
      %mul3A_149 = arith.muli %add3A_147, %mul3A_148 : i32
      %add3A_150 = arith.addi %mul3A_149, %multiple_of3A : i32
      %add3A_151 = arith.constant 0 : i32
      %add3A_152 = arith.addi %add3A_150, %add3A_151 : i32
      %dma_start3A_153 = arith.constant 0 : i32
      %dma_start3A_154 = tpu.memref_slice %arg5[%add3A_152, %dma_start3A_153] : memref<65536x768xf32, #tpu.memory_space<hbm>> -> memref<32x768xf32, #tpu.memory_space<hbm>>
      %dma_start3A_155 = arith.constant 0 : i32
      %dma_start3A_156 = tpu.memref_slice %arg5[%add3A_152, %dma_start3A_155] : memref<65536x768xf32, #tpu.memory_space<hbm>> -> memref<32x768xf32, #tpu.memory_space<hbm>>
      tpu.enqueue_dma source(%arg9 : memref<32x768xf32, #tpu.memory_space<vmem>>) target(%dma_start3A_156 : memref<32x768xf32, #tpu.memory_space<hbm>>) target_semaphore(%arg17 : memref<!tpu.dma_semaphore, #tpu.memory_space<semaphore_mem>>)
      %add3A_157 = arith.constant 3 : i32
      %add3A_158 = arith.addi %add3A_131, %add3A_157 : i32
      %lt3A_159 = arith.constant 64 : i32
      %lt3A_160 = arith.cmpi slt, %add3A_158, %lt3A_159 : i32
      %convert_element_type3A_161 = arith.extui %lt3A_160 : i1 to i32
      %cond3A_162 = arith.constant 0 : i32
      %cond3A_163 = arith.cmpi ne, %convert_element_type3A_161, %cond3A_162 : i32
      scf.if %cond3A_163 {
        %ge3A = arith.constant 1 : i32
        %ge3A_237 = arith.cmpi sge, %add3A_131, %ge3A : i32
        %convert_element_type3A_238 = arith.extui %ge3A_237 : i1 to i32
        %cond3A_239 = arith.constant 0 : i32
        %cond3A_240 = arith.cmpi ne, %convert_element_type3A_238, %cond3A_239 : i32
        scf.if %cond3A_240 {
          %dma_wait3A_247 = arith.constant 0 : i32
          %dma_wait3A_248 = arith.constant 0 : i32
          %dma_wait3A_249 = tpu.memref_slice %arg5[%dma_wait3A_247, %dma_wait3A_248] : memref<65536x768xf32, #tpu.memory_space<hbm>> -> memref<32x768xf32, #tpu.memory_space<hbm>>
          %dma_wait3A_250 = arith.constant 0 : i32
          %dma_wait3A_251 = arith.constant 0 : i32
          %dma_wait3A_252 = tpu.memref_slice %arg5[%dma_wait3A_250, %dma_wait3A_251] : memref<65536x768xf32, #tpu.memory_space<hbm>> -> memref<32x768xf32, #tpu.memory_space<hbm>>
          tpu.wait_dma2 semaphore(%arg16 : memref<!tpu.dma_semaphore, #tpu.memory_space<semaphore_mem>>) src(%arg8 : memref<32x768xf32, #tpu.memory_space<vmem>>) dst(%dma_wait3A_252 : memref<32x768xf32, #tpu.memory_space<hbm>>)
        } else {
        }
        %mul3A_241 = arith.constant 32 : i32
        %mul3A_242 = arith.muli %add3A_158, %mul3A_241 : i32
        %dma_start3A_243 = tpu.memref_slice %arg6[%mul3A_242] : memref<2048xi32, #tpu.memory_space<vmem>> -> memref<32xi32, #tpu.memory_space<vmem>>
        %dma_start3A_244 = arith.constant 0 : i32
        %dma_start3A_245 = arith.constant 0 : i32
        %dma_start3A_246 = tpu.memref_slice %arg3[%dma_start3A_244, %dma_start3A_245] : memref<50257x768xf32, #tpu.memory_space<hbm>> -> memref<50257x768xf32, #tpu.memory_space<hbm>>
        tpu.enqueue_indirect_dma source(%dma_start3A_246 : memref<50257x768xf32, #tpu.memory_space<hbm>>) target(%arg8 : memref<32x768xf32, #tpu.memory_space<vmem>>) offsets(%dma_start3A_243 : memref<32xi32, #tpu.memory_space<vmem>>) semaphore(%arg12 : memref<!tpu.dma_semaphore, #tpu.memory_space<semaphore_mem>>)
      } else {
      }
      %mul3A_164 = arith.constant 4 : i32
      %mul3A_165 = arith.muli %mul3A_164, %scan3A_93 : i32
      %add3A_166 = arith.constant 2 : i32
      %add3A_167 = arith.addi %mul3A_165, %add3A_166 : i32
      %dma_wait3A_168 = arith.constant 0 : i32
      %dma_wait3A_169 = tpu.memref_slice %arg6[%dma_wait3A_168] : memref<2048xi32, #tpu.memory_space<vmem>> -> memref<32xi32, #tpu.memory_space<vmem>>
      %dma_wait3A_170 = arith.constant 0 : i32
      %dma_wait3A_171 = arith.constant 0 : i32
      %dma_wait3A_172 = tpu.memref_slice %arg3[%dma_wait3A_170, %dma_wait3A_171] : memref<50257x768xf32, #tpu.memory_space<hbm>> -> memref<50257x768xf32, #tpu.memory_space<hbm>>
      tpu.wait_indirect_dma semaphore(%arg14 : memref<!tpu.dma_semaphore, #tpu.memory_space<semaphore_mem>>) src(%dma_wait3A_172 : memref<50257x768xf32, #tpu.memory_space<hbm>>) dst(%arg10 : memref<32x768xf32, #tpu.memory_space<vmem>>)
      %scan3A_173 = arith.constant 0 : i32
      %scan3A_174 = arith.constant 0 : i32
      %scan3A_175 = arith.constant 32 : i32
      %scan3A_176 = arith.addi %scan3A_174, %scan3A_175 : i32
      %scan3A_177 = arith.constant 1 : i32
      %scan3A_178 = scf.for %scan3A_237 = %scan3A_174 to %scan3A_176 step %scan3A_177 iter_args(%scan3A_238 = %scan3A_173) -> (i32)  : i32 {
        %get3A = arith.index_cast %scan3A_237 : i32 to index
        %get3A_239 = arith.constant 0 : index
        %get3A_240 = tpu.vector_load %arg10[%get3A, %get3A_239] {strides = array<i32>} : memref<32x768xf32, #tpu.memory_space<vmem>>, vector<1x16xf32>,
        %get3A_241 = vector.shape_cast %get3A_240 : vector<1x16xf32> to vector<16xf32>
        %add3A_242 = arith.constant 0 : i32
        %add3A_243 = arith.addi %add3A_242, %scan3A_237 : i32
        %get3A_244 = arith.index_cast %add3A_243 : i32 to index
        %get3A_245 = arith.constant 0 : index
        %get3A_246 = tpu.vector_load %arg7[%get3A_244, %get3A_245] {strides = array<i32>} : memref<32x768xf32, #tpu.memory_space<vmem>>, vector<1x16xf32>,
        %get3A_247 = vector.shape_cast %get3A_246 : vector<1x16xf32> to vector<16xf32>
        %add3A_248 = arith.addf %get3A_241, %get3A_247 : vector<16xf32>
        %swap3A = arith.index_cast %scan3A_237 : i32 to index
        %swap3A_249 = arith.constant 0 : index
        %swap3A_250 = tpu.vector_load %arg10[%swap3A, %swap3A_249] {strides = array<i32>} : memref<32x768xf32, #tpu.memory_space<vmem>>, vector<1x16xf32>,
        %swap3A_251 = vector.shape_cast %swap3A_250 : vector<1x16xf32> to vector<16xf32>
        %swap3A_252 = vector.shape_cast %add3A_248 : vector<16xf32> to vector<1x16xf32>
        tpu.vector_store %arg10[%swap3A, %swap3A_249], %swap3A_252 {strides = array<i32>} : memref<32x768xf32, #tpu.memory_space<vmem>>, vector<1x16xf32>,
        %get3A_253 = arith.index_cast %scan3A_237 : i32 to index
        %get3A_254 = arith.constant 16 : index
        %get3A_255 = tpu.vector_load %arg10[%get3A_253, %get3A_254] {strides = array<i32>} : memref<32x768xf32, #tpu.memory_space<vmem>>, vector<1x16xf32>,
        %get3A_256 = vector.shape_cast %get3A_255 : vector<1x16xf32> to vector<16xf32>
        %add3A_257 = arith.constant 0 : i32
        %add3A_258 = arith.addi %add3A_257, %scan3A_237 : i32
        %get3A_259 = arith.index_cast %add3A_258 : i32 to index
        %get3A_260 = arith.constant 16 : index
        %get3A_261 = tpu.vector_load %arg7[%get3A_259, %get3A_260] {strides = array<i32>} : memref<32x768xf32, #tpu.memory_space<vmem>>, vector<1x16xf32>,
        %get3A_262 = vector.shape_cast %get3A_261 : vector<1x16xf32> to vector<16xf32>
        %add3A_263 = arith.addf %get3A_256, %get3A_262 : vector<16xf32>
        %swap3A_264 = arith.index_cast %scan3A_237 : i32 to index
        %swap3A_265 = arith.constant 16 : index
        %swap3A_266 = tpu.vector_load %arg10[%swap3A_264, %swap3A_265] {strides = array<i32>} : memref<32x768xf32, #tpu.memory_space<vmem>>, vector<1x16xf32>,
        %swap3A_267 = vector.shape_cast %swap3A_266 : vector<1x16xf32> to vector<16xf32>
        %swap3A_268 = vector.shape_cast %add3A_263 : vector<16xf32> to vector<1x16xf32>
        tpu.vector_store %arg10[%swap3A_264, %swap3A_265], %swap3A_268 {strides = array<i32>} : memref<32x768xf32, #tpu.memory_space<vmem>>, vector<1x16xf32>,
        %get3A_269 = arith.index_cast %scan3A_237 : i32 to index
        %get3A_270 = arith.constant 32 : index
        %get3A_271 = tpu.vector_load %arg10[%get3A_269, %get3A_270] {strides = array<i32>} : memref<32x768xf32, #tpu.memory_space<vmem>>, vector<1x16xf32>,
        %get3A_272 = vector.shape_cast %get3A_271 : vector<1x16xf32> to vector<16xf32>
        %add3A_273 = arith.constant 0 : i32
        %add3A_274 = arith.addi %add3A_273, %scan3A_237 : i32
        %get3A_275 = arith.index_cast %add3A_274 : i32 to index
        %get3A_276 = arith.constant 32 : index
        %get3A_277 = tpu.vector_load %arg7[%get3A_275, %get3A_276] {strides = array<i32>} : memref<32x768xf32, #tpu.memory_space<vmem>>, vector<1x16xf32>,
        %get3A_278 = vector.shape_cast %get3A_277 : vector<1x16xf32> to vector<16xf32>
        %add3A_279 = arith.addf %get3A_272, %get3A_278 : vector<16xf32>
        %swap3A_280 = arith.index_cast %scan3A_237 : i32 to index
        %swap3A_281 = arith.constant 32 : index
        %swap3A_282 = tpu.vector_load %arg10[%swap3A_280, %swap3A_281] {strides = array<i32>} : memref<32x768xf32, #tpu.memory_space<vmem>>, vector<1x16xf32>,
        %swap3A_283 = vector.shape_cast %swap3A_282 : vector<1x16xf32> to vector<16xf32>
        %swap3A_284 = vector.shape_cast %add3A_279 : vector<16xf32> to vector<1x16xf32>
        tpu.vector_store %arg10[%swap3A_280, %swap3A_281], %swap3A_284 {strides = array<i32>} : memref<32x768xf32, #tpu.memory_space<vmem>>, vector<1x16xf32>,
        %get3A_285 = arith.index_cast %scan3A_237 : i32 to index
        %get3A_286 = arith.constant 48 : index
        %get3A_287 = tpu.vector_load %arg10[%get3A_285, %get3A_286] {strides = array<i32>} : memref<32x768xf32, #tpu.memory_space<vmem>>, vector<1x16xf32>,
        %get3A_288 = vector.shape_cast %get3A_287 : vector<1x16xf32> to vector<16xf32>
        %add3A_289 = arith.constant 0 : i32
        %add3A_290 = arith.addi %add3A_289, %scan3A_237 : i32
        %get3A_291 = arith.index_cast %add3A_290 : i32 to index
        %get3A_292 = arith.constant 48 : index
        %get3A_293 = tpu.vector_load %arg7[%get3A_291, %get3A_292] {strides = array<i32>} : memref<32x768xf32, #tpu.memory_space<vmem>>, vector<1x16xf32>,
        %get3A_294 = vector.shape_cast %get3A_293 : vector<1x16xf32> to vector<16xf32>
        %add3A_295 = arith.addf %get3A_288, %get3A_294 : vector<16xf32>
        %swap3A_296 = arith.index_cast %scan3A_237 : i32 to index
        %swap3A_297 = arith.constant 48 : index
        %swap3A_298 = tpu.vector_load %arg10[%swap3A_296, %swap3A_297] {strides = array<i32>} : memref<32x768xf32, #tpu.memory_space<vmem>>, vector<1x16xf32>,
        %swap3A_299 = vector.shape_cast %swap3A_298 : vector<1x16xf32> to vector<16xf32>
        %swap3A_300 = vector.shape_cast %add3A_295 : vector<16xf32> to vector<1x16xf32>
        tpu.vector_store %arg10[%swap3A_296, %swap3A_297], %swap3A_300 {strides = array<i32>} : memref<32x768xf32, #tpu.memory_space<vmem>>, vector<1x16xf32>,
        %get3A_301 = arith.index_cast %scan3A_237 : i32 to index
        %get3A_302 = arith.constant 64 : index
        %get3A_303 = tpu.vector_load %arg10[%get3A_301, %get3A_302] {strides = array<i32>} : memref<32x768xf32, #tpu.memory_space<vmem>>, vector<1x16xf32>,
        %get3A_304 = vector.shape_cast %get3A_303 : vector<1x16xf32> to vector<16xf32>
        %add3A_305 = arith.constant 0 : i32
        %add3A_306 = arith.addi %add3A_305, %scan3A_237 : i32
        %get3A_307 = arith.index_cast %add3A_306 : i32 to index
        %get3A_308 = arith.constant 64 : index
        %get3A_309 = tpu.vector_load %arg7[%get3A_307, %get3A_308] {strides = array<i32>} : memref<32x768xf32, #tpu.memory_space<vmem>>, vector<1x16xf32>,
        %get3A_310 = vector.shape_cast %get3A_309 : vector<1x16xf32> to vector<16xf32>
        %add3A_311 = arith.addf %get3A_304, %get3A_310 : vector<16xf32>
        %swap3A_312 = arith.index_cast %scan3A_237 : i32 to index
        %swap3A_313 = arith.constant 64 : index
        %swap3A_314 = tpu.vector_load %arg10[%swap3A_312, %swap3A_313] {strides = array<i32>} : memref<32x768xf32, #tpu.memory_space<vmem>>, vector<1x16xf32>,
        %swap3A_315 = vector.shape_cast %swap3A_314 : vector<1x16xf32> to vector<16xf32>
        %swap3A_316 = vector.shape_cast %add3A_311 : vector<16xf32> to vector<1x16xf32>
        tpu.vector_store %arg10[%swap3A_312, %swap3A_313], %swap3A_316 {strides = array<i32>} : memref<32x768xf32, #tpu.memory_space<vmem>>, vector<1x16xf32>,
        %get3A_317 = arith.index_cast %scan3A_237 : i32 to index
        %get3A_318 = arith.constant 80 : index
        %get3A_319 = tpu.vector_load %arg10[%get3A_317, %get3A_318] {strides = array<i32>} : memref<32x768xf32, #tpu.memory_space<vmem>>, vector<1x16xf32>,
        %get3A_320 = vector.shape_cast %get3A_319 : vector<1x16xf32> to vector<16xf32>
        %add3A_321 = arith.constant 0 : i32
        %add3A_322 = arith.addi %add3A_321, %scan3A_237 : i32
        %get3A_323 = arith.index_cast %add3A_322 : i32 to index
        %get3A_324 = arith.constant 80 : index
        %get3A_325 = tpu.vector_load %arg7[%get3A_323, %get3A_324] {strides = array<i32>} : memref<32x768xf32, #tpu.memory_space<vmem>>, vector<1x16xf32>,
        %get3A_326 = vector.shape_cast %get3A_325 : vector<1x16xf32> to vector<16xf32>
        %add3A_327 = arith.addf %get3A_320, %get3A_326 : vector<16xf32>
        %swap3A_328 = arith.index_cast %scan3A_237 : i32 to index
        %swap3A_329 = arith.constant 80 : index
        %swap3A_330 = tpu.vector_load %arg10[%swap3A_328, %swap3A_329] {strides = array<i32>} : memref<32x768xf32, #tpu.memory_space<vmem>>, vector<1x16xf32>,
        %swap3A_331 = vector.shape_cast %swap3A_330 : vector<1x16xf32> to vector<16xf32>
        %swap3A_332 = vector.shape_cast %add3A_327 : vector<16xf32> to vector<1x16xf32>
        tpu.vector_store %arg10[%swap3A_328, %swap3A_329], %swap3A_332 {strides = array<i32>} : memref<32x768xf32, #tpu.memory_space<vmem>>, vector<1x16xf32>,
        %get3A_333 = arith.index_cast %scan3A_237 : i32 to index
        %get3A_334 = arith.constant 96 : index
        %get3A_335 = tpu.vector_load %arg10[%get3A_333, %get3A_334] {strides = array<i32>} : memref<32x768xf32, #tpu.memory_space<vmem>>, vector<1x16xf32>,
        %get3A_336 = vector.shape_cast %get3A_335 : vector<1x16xf32> to vector<16xf32>
        %add3A_337 = arith.constant 0 : i32
        %add3A_338 = arith.addi %add3A_337, %scan3A_237 : i32
        %get3A_339 = arith.index_cast %add3A_338 : i32 to index
        %get3A_340 = arith.constant 96 : index
        %get3A_341 = tpu.vector_load %arg7[%get3A_339, %get3A_340] {strides = array<i32>} : memref<32x768xf32, #tpu.memory_space<vmem>>, vector<1x16xf32>,
        %get3A_342 = vector.shape_cast %get3A_341 : vector<1x16xf32> to vector<16xf32>
        %add3A_343 = arith.addf %get3A_336, %get3A_342 : vector<16xf32>
        %swap3A_344 = arith.index_cast %scan3A_237 : i32 to index
        %swap3A_345 = arith.constant 96 : index
        %swap3A_346 = tpu.vector_load %arg10[%swap3A_344, %swap3A_345] {strides = array<i32>} : memref<32x768xf32, #tpu.memory_space<vmem>>, vector<1x16xf32>,
        %swap3A_347 = vector.shape_cast %swap3A_346 : vector<1x16xf32> to vector<16xf32>
        %swap3A_348 = vector.shape_cast %add3A_343 : vector<16xf32> to vector<1x16xf32>
        tpu.vector_store %arg10[%swap3A_344, %swap3A_345], %swap3A_348 {strides = array<i32>} : memref<32x768xf32, #tpu.memory_space<vmem>>, vector<1x16xf32>,
        %get3A_349 = arith.index_cast %scan3A_237 : i32 to index
        %get3A_350 = arith.constant 112 : index
        %get3A_351 = tpu.vector_load %arg10[%get3A_349, %get3A_350] {strides = array<i32>} : memref<32x768xf32, #tpu.memory_space<vmem>>, vector<1x16xf32>,
        %get3A_352 = vector.shape_cast %get3A_351 : vector<1x16xf32> to vector<16xf32>
        %add3A_353 = arith.constant 0 : i32
        %add3A_354 = arith.addi %add3A_353, %scan3A_237 : i32
        %get3A_355 = arith.index_cast %add3A_354 : i32 to index
        %get3A_356 = arith.constant 112 : index
        %get3A_357 = tpu.vector_load %arg7[%get3A_355, %get3A_356] {strides = array<i32>} : memref<32x768xf32, #tpu.memory_space<vmem>>, vector<1x16xf32>,
        %get3A_358 = vector.shape_cast %get3A_357 : vector<1x16xf32> to vector<16xf32>
        %add3A_359 = arith.addf %get3A_352, %get3A_358 : vector<16xf32>
        %swap3A_360 = arith.index_cast %scan3A_237 : i32 to index
        %swap3A_361 = arith.constant 112 : index
        %swap3A_362 = tpu.vector_load %arg10[%swap3A_360, %swap3A_361] {strides = array<i32>} : memref<32x768xf32, #tpu.memory_space<vmem>>, vector<1x16xf32>,
        %swap3A_363 = vector.shape_cast %swap3A_362 : vector<1x16xf32> to vector<16xf32>
        %swap3A_364 = vector.shape_cast %add3A_359 : vector<16xf32> to vector<1x16xf32>
        tpu.vector_store %arg10[%swap3A_360, %swap3A_361], %swap3A_364 {strides = array<i32>} : memref<32x768xf32, #tpu.memory_space<vmem>>, vector<1x16xf32>,
        %get3A_365 = arith.index_cast %scan3A_237 : i32 to index
        %get3A_366 = arith.constant 128 : index
        %get3A_367 = tpu.vector_load %arg10[%get3A_365, %get3A_366] {strides = array<i32>} : memref<32x768xf32, #tpu.memory_space<vmem>>, vector<1x16xf32>,
        %get3A_368 = vector.shape_cast %get3A_367 : vector<1x16xf32> to vector<16xf32>
        %add3A_369 = arith.constant 0 : i32
        %add3A_370 = arith.addi %add3A_369, %scan3A_237 : i32
        %get3A_371 = arith.index_cast %add3A_370 : i32 to index
        %get3A_372 = arith.constant 128 : index
        %get3A_373 = tpu.vector_load %arg7[%get3A_371, %get3A_372] {strides = array<i32>} : memref<32x768xf32, #tpu.memory_space<vmem>>, vector<1x16xf32>,
        %get3A_374 = vector.shape_cast %get3A_373 : vector<1x16xf32> to vector<16xf32>
        %add3A_375 = arith.addf %get3A_368, %get3A_374 : vector<16xf32>
        %swap3A_376 = arith.index_cast %scan3A_237 : i32 to index
        %swap3A_377 = arith.constant 128 : index
        %swap3A_378 = tpu.vector_load %arg10[%swap3A_376, %swap3A_377] {strides = array<i32>} : memref<32x768xf32, #tpu.memory_space<vmem>>, vector<1x16xf32>,
        %swap3A_379 = vector.shape_cast %swap3A_378 : vector<1x16xf32> to vector<16xf32>
        %swap3A_380 = vector.shape_cast %add3A_375 : vector<16xf32> to vector<1x16xf32>
        tpu.vector_store %arg10[%swap3A_376, %swap3A_377], %swap3A_380 {strides = array<i32>} : memref<32x768xf32, #tpu.memory_space<vmem>>, vector<1x16xf32>,
        %get3A_381 = arith.index_cast %scan3A_237 : i32 to index
        %get3A_382 = arith.constant 144 : index
        %get3A_383 = tpu.vector_load %arg10[%get3A_381, %get3A_382] {strides = array<i32>} : memref<32x768xf32, #tpu.memory_space<vmem>>, vector<1x16xf32>,
        %get3A_384 = vector.shape_cast %get3A_383 : vector<1x16xf32> to vector<16xf32>
        %add3A_385 = arith.constant 0 : i32
        %add3A_386 = arith.addi %add3A_385, %scan3A_237 : i32
        %get3A_387 = arith.index_cast %add3A_386 : i32 to index
        %get3A_388 = arith.constant 144 : index
        %get3A_389 = tpu.vector_load %arg7[%get3A_387, %get3A_388] {strides = array<i32>} : memref<32x768xf32, #tpu.memory_space<vmem>>, vector<1x16xf32>,
        %get3A_390 = vector.shape_cast %get3A_389 : vector<1x16xf32> to vector<16xf32>
        %add3A_391 = arith.addf %get3A_384, %get3A_390 : vector<16xf32>
        %swap3A_392 = arith.index_cast %scan3A_237 : i32 to index
        %swap3A_393 = arith.constant 144 : index
        %swap3A_394 = tpu.vector_load %arg10[%swap3A_392, %swap3A_393] {strides = array<i32>} : memref<32x768xf32, #tpu.memory_space<vmem>>, vector<1x16xf32>,
        %swap3A_395 = vector.shape_cast %swap3A_394 : vector<1x16xf32> to vector<16xf32>
        %swap3A_396 = vector.shape_cast %add3A_391 : vector<16xf32> to vector<1x16xf32>
        tpu.vector_store %arg10[%swap3A_392, %swap3A_393], %swap3A_396 {strides = array<i32>} : memref<32x768xf32, #tpu.memory_space<vmem>>, vector<1x16xf32>,
        %get3A_397 = arith.index_cast %scan3A_237 : i32 to index
        %get3A_398 = arith.constant 160 : index
        %get3A_399 = tpu.vector_load %arg10[%get3A_397, %get3A_398] {strides = array<i32>} : memref<32x768xf32, #tpu.memory_space<vmem>>, vector<1x16xf32>,
        %get3A_400 = vector.shape_cast %get3A_399 : vector<1x16xf32> to vector<16xf32>
        %add3A_401 = arith.constant 0 : i32
        %add3A_402 = arith.addi %add3A_401, %scan3A_237 : i32
        %get3A_403 = arith.index_cast %add3A_402 : i32 to index
        %get3A_404 = arith.constant 160 : index
        %get3A_405 = tpu.vector_load %arg7[%get3A_403, %get3A_404] {strides = array<i32>} : memref<32x768xf32, #tpu.memory_space<vmem>>, vector<1x16xf32>,
        %get3A_406 = vector.shape_cast %get3A_405 : vector<1x16xf32> to vector<16xf32>
        %add3A_407 = arith.addf %get3A_400, %get3A_406 : vector<16xf32>
        %swap3A_408 = arith.index_cast %scan3A_237 : i32 to index
        %swap3A_409 = arith.constant 160 : index
        %swap3A_410 = tpu.vector_load %arg10[%swap3A_408, %swap3A_409] {strides = array<i32>} : memref<32x768xf32, #tpu.memory_space<vmem>>, vector<1x16xf32>,
        %swap3A_411 = vector.shape_cast %swap3A_410 : vector<1x16xf32> to vector<16xf32>
        %swap3A_412 = vector.shape_cast %add3A_407 : vector<16xf32> to vector<1x16xf32>
        tpu.vector_store %arg10[%swap3A_408, %swap3A_409], %swap3A_412 {strides = array<i32>} : memref<32x768xf32, #tpu.memory_space<vmem>>, vector<1x16xf32>,
        %get3A_413 = arith.index_cast %scan3A_237 : i32 to index
        %get3A_414 = arith.constant 176 : index
        %get3A_415 = tpu.vector_load %arg10[%get3A_413, %get3A_414] {strides = array<i32>} : memref<32x768xf32, #tpu.memory_space<vmem>>, vector<1x16xf32>,
        %get3A_416 = vector.shape_cast %get3A_415 : vector<1x16xf32> to vector<16xf32>
        %add3A_417 = arith.constant 0 : i32
        %add3A_418 = arith.addi %add3A_417, %scan3A_237 : i32
        %get3A_419 = arith.index_cast %add3A_418 : i32 to index
        %get3A_420 = arith.constant 176 : index
        %get3A_421 = tpu.vector_load %arg7[%get3A_419, %get3A_420] {strides = array<i32>} : memref<32x768xf32, #tpu.memory_space<vmem>>, vector<1x16xf32>,
        %get3A_422 = vector.shape_cast %get3A_421 : vector<1x16xf32> to vector<16xf32>
        %add3A_423 = arith.addf %get3A_416, %get3A_422 : vector<16xf32>
        %swap3A_424 = arith.index_cast %scan3A_237 : i32 to index
        %swap3A_425 = arith.constant 176 : index
        %swap3A_426 = tpu.vector_load %arg10[%swap3A_424, %swap3A_425] {strides = array<i32>} : memref<32x768xf32, #tpu.memory_space<vmem>>, vector<1x16xf32>,
        %swap3A_427 = vector.shape_cast %swap3A_426 : vector<1x16xf32> to vector<16xf32>
        %swap3A_428 = vector.shape_cast %add3A_423 : vector<16xf32> to vector<1x16xf32>
        tpu.vector_store %arg10[%swap3A_424, %swap3A_425], %swap3A_428 {strides = array<i32>} : memref<32x768xf32, #tpu.memory_space<vmem>>, vector<1x16xf32>,
        %get3A_429 = arith.index_cast %scan3A_237 : i32 to index
        %get3A_430 = arith.constant 192 : index
        %get3A_431 = tpu.vector_load %arg10[%get3A_429, %get3A_430] {strides = array<i32>} : memref<32x768xf32, #tpu.memory_space<vmem>>, vector<1x16xf32>,
        %get3A_432 = vector.shape_cast %get3A_431 : vector<1x16xf32> to vector<16xf32>
        %add3A_433 = arith.constant 0 : i32
        %add3A_434 = arith.addi %add3A_433, %scan3A_237 : i32
        %get3A_435 = arith.index_cast %add3A_434 : i32 to index
        %get3A_436 = arith.constant 192 : index
        %get3A_437 = tpu.vector_load %arg7[%get3A_435, %get3A_436] {strides = array<i32>} : memref<32x768xf32, #tpu.memory_space<vmem>>, vector<1x16xf32>,
        %get3A_438 = vector.shape_cast %get3A_437 : vector<1x16xf32> to vector<16xf32>
        %add3A_439 = arith.addf %get3A_432, %get3A_438 : vector<16xf32>
        %swap3A_440 = arith.index_cast %scan3A_237 : i32 to index
        %swap3A_441 = arith.constant 192 : index
        %swap3A_442 = tpu.vector_load %arg10[%swap3A_440, %swap3A_441] {strides = array<i32>} : memref<32x768xf32, #tpu.memory_space<vmem>>, vector<1x16xf32>,
        %swap3A_443 = vector.shape_cast %swap3A_442 : vector<1x16xf32> to vector<16xf32>
        %swap3A_444 = vector.shape_cast %add3A_439 : vector<16xf32> to vector<1x16xf32>
        tpu.vector_store %arg10[%swap3A_440, %swap3A_441], %swap3A_444 {strides = array<i32>} : memref<32x768xf32, #tpu.memory_space<vmem>>, vector<1x16xf32>,
        %get3A_445 = arith.index_cast %scan3A_237 : i32 to index
        %get3A_446 = arith.constant 208 : index
        %get3A_447 = tpu.vector_load %arg10[%get3A_445, %get3A_446] {strides = array<i32>} : memref<32x768xf32, #tpu.memory_space<vmem>>, vector<1x16xf32>,
        %get3A_448 = vector.shape_cast %get3A_447 : vector<1x16xf32> to vector<16xf32>
        %add3A_449 = arith.constant 0 : i32
        %add3A_450 = arith.addi %add3A_449, %scan3A_237 : i32
        %get3A_451 = arith.index_cast %add3A_450 : i32 to index
        %get3A_452 = arith.constant 208 : index
        %get3A_453 = tpu.vector_load %arg7[%get3A_451, %get3A_452] {strides = array<i32>} : memref<32x768xf32, #tpu.memory_space<vmem>>, vector<1x16xf32>,
        %get3A_454 = vector.shape_cast %get3A_453 : vector<1x16xf32> to vector<16xf32>
        %add3A_455 = arith.addf %get3A_448, %get3A_454 : vector<16xf32>
        %swap3A_456 = arith.index_cast %scan3A_237 : i32 to index
        %swap3A_457 = arith.constant 208 : index
        %swap3A_458 = tpu.vector_load %arg10[%swap3A_456, %swap3A_457] {strides = array<i32>} : memref<32x768xf32, #tpu.memory_space<vmem>>, vector<1x16xf32>,
        %swap3A_459 = vector.shape_cast %swap3A_458 : vector<1x16xf32> to vector<16xf32>
        %swap3A_460 = vector.shape_cast %add3A_455 : vector<16xf32> to vector<1x16xf32>
        tpu.vector_store %arg10[%swap3A_456, %swap3A_457], %swap3A_460 {strides = array<i32>} : memref<32x768xf32, #tpu.memory_space<vmem>>, vector<1x16xf32>,
        %get3A_461 = arith.index_cast %scan3A_237 : i32 to index
        %get3A_462 = arith.constant 224 : index
        %get3A_463 = tpu.vector_load %arg10[%get3A_461, %get3A_462] {strides = array<i32>} : memref<32x768xf32, #tpu.memory_space<vmem>>, vector<1x16xf32>,
        %get3A_464 = vector.shape_cast %get3A_463 : vector<1x16xf32> to vector<16xf32>
        %add3A_465 = arith.constant 0 : i32
        %add3A_466 = arith.addi %add3A_465, %scan3A_237 : i32
        %get3A_467 = arith.index_cast %add3A_466 : i32 to index
        %get3A_468 = arith.constant 224 : index
        %get3A_469 = tpu.vector_load %arg7[%get3A_467, %get3A_468] {strides = array<i32>} : memref<32x768xf32, #tpu.memory_space<vmem>>, vector<1x16xf32>,
        %get3A_470 = vector.shape_cast %get3A_469 : vector<1x16xf32> to vector<16xf32>
        %add3A_471 = arith.addf %get3A_464, %get3A_470 : vector<16xf32>
        %swap3A_472 = arith.index_cast %scan3A_237 : i32 to index
        %swap3A_473 = arith.constant 224 : index
        %swap3A_474 = tpu.vector_load %arg10[%swap3A_472, %swap3A_473] {strides = array<i32>} : memref<32x768xf32, #tpu.memory_space<vmem>>, vector<1x16xf32>,
        %swap3A_475 = vector.shape_cast %swap3A_474 : vector<1x16xf32> to vector<16xf32>
        %swap3A_476 = vector.shape_cast %add3A_471 : vector<16xf32> to vector<1x16xf32>
        tpu.vector_store %arg10[%swap3A_472, %swap3A_473], %swap3A_476 {strides = array<i32>} : memref<32x768xf32, #tpu.memory_space<vmem>>, vector<1x16xf32>,
        %get3A_477 = arith.index_cast %scan3A_237 : i32 to index
        %get3A_478 = arith.constant 240 : index
        %get3A_479 = tpu.vector_load %arg10[%get3A_477, %get3A_478] {strides = array<i32>} : memref<32x768xf32, #tpu.memory_space<vmem>>, vector<1x16xf32>,
        %get3A_480 = vector.shape_cast %get3A_479 : vector<1x16xf32> to vector<16xf32>
        %add3A_481 = arith.constant 0 : i32
        %add3A_482 = arith.addi %add3A_481, %scan3A_237 : i32
        %get3A_483 = arith.index_cast %add3A_482 : i32 to index
        %get3A_484 = arith.constant 240 : index
        %get3A_485 = tpu.vector_load %arg7[%get3A_483, %get3A_484] {strides = array<i32>} : memref<32x768xf32, #tpu.memory_space<vmem>>, vector<1x16xf32>,
        %get3A_486 = vector.shape_cast %get3A_485 : vector<1x16xf32> to vector<16xf32>
        %add3A_487 = arith.addf %get3A_480, %get3A_486 : vector<16xf32>
        %swap3A_488 = arith.index_cast %scan3A_237 : i32 to index
        %swap3A_489 = arith.constant 240 : index
        %swap3A_490 = tpu.vector_load %arg10[%swap3A_488, %swap3A_489] {strides = array<i32>} : memref<32x768xf32, #tpu.memory_space<vmem>>, vector<1x16xf32>,
        %swap3A_491 = vector.shape_cast %swap3A_490 : vector<1x16xf32> to vector<16xf32>
        %swap3A_492 = vector.shape_cast %add3A_487 : vector<16xf32> to vector<1x16xf32>
        tpu.vector_store %arg10[%swap3A_488, %swap3A_489], %swap3A_492 {strides = array<i32>} : memref<32x768xf32, #tpu.memory_space<vmem>>, vector<1x16xf32>,
        %get3A_493 = arith.index_cast %scan3A_237 : i32 to index
        %get3A_494 = arith.constant 256 : index
        %get3A_495 = tpu.vector_load %arg10[%get3A_493, %get3A_494] {strides = array<i32>} : memref<32x768xf32, #tpu.memory_space<vmem>>, vector<1x16xf32>,
        %get3A_496 = vector.shape_cast %get3A_495 : vector<1x16xf32> to vector<16xf32>
        %add3A_497 = arith.constant 0 : i32
        %add3A_498 = arith.addi %add3A_497, %scan3A_237 : i32
        %get3A_499 = arith.index_cast %add3A_498 : i32 to index
        %get3A_500 = arith.constant 256 : index
        %get3A_501 = tpu.vector_load %arg7[%get3A_499, %get3A_500] {strides = array<i32>} : memref<32x768xf32, #tpu.memory_space<vmem>>, vector<1x16xf32>,
        %get3A_502 = vector.shape_cast %get3A_501 : vector<1x16xf32> to vector<16xf32>
        %add3A_503 = arith.addf %get3A_496, %get3A_502 : vector<16xf32>
        %swap3A_504 = arith.index_cast %scan3A_237 : i32 to index
        %swap3A_505 = arith.constant 256 : index
        %swap3A_506 = tpu.vector_load %arg10[%swap3A_504, %swap3A_505] {strides = array<i32>} : memref<32x768xf32, #tpu.memory_space<vmem>>, vector<1x16xf32>,
        %swap3A_507 = vector.shape_cast %swap3A_506 : vector<1x16xf32> to vector<16xf32>
        %swap3A_508 = vector.shape_cast %add3A_503 : vector<16xf32> to vector<1x16xf32>
        tpu.vector_store %arg10[%swap3A_504, %swap3A_505], %swap3A_508 {strides = array<i32>} : memref<32x768xf32, #tpu.memory_space<vmem>>, vector<1x16xf32>,
        %get3A_509 = arith.index_cast %scan3A_237 : i32 to index
        %get3A_510 = arith.constant 272 : index
        %get3A_511 = tpu.vector_load %arg10[%get3A_509, %get3A_510] {strides = array<i32>} : memref<32x768xf32, #tpu.memory_space<vmem>>, vector<1x16xf32>,
        %get3A_512 = vector.shape_cast %get3A_511 : vector<1x16xf32> to vector<16xf32>
        %add3A_513 = arith.constant 0 : i32
        %add3A_514 = arith.addi %add3A_513, %scan3A_237 : i32
        %get3A_515 = arith.index_cast %add3A_514 : i32 to index
        %get3A_516 = arith.constant 272 : index
        %get3A_517 = tpu.vector_load %arg7[%get3A_515, %get3A_516] {strides = array<i32>} : memref<32x768xf32, #tpu.memory_space<vmem>>, vector<1x16xf32>,
        %get3A_518 = vector.shape_cast %get3A_517 : vector<1x16xf32> to vector<16xf32>
        %add3A_519 = arith.addf %get3A_512, %get3A_518 : vector<16xf32>
        %swap3A_520 = arith.index_cast %scan3A_237 : i32 to index
        %swap3A_521 = arith.constant 272 : index
        %swap3A_522 = tpu.vector_load %arg10[%swap3A_520, %swap3A_521] {strides = array<i32>} : memref<32x768xf32, #tpu.memory_space<vmem>>, vector<1x16xf32>,
        %swap3A_523 = vector.shape_cast %swap3A_522 : vector<1x16xf32> to vector<16xf32>
        %swap3A_524 = vector.shape_cast %add3A_519 : vector<16xf32> to vector<1x16xf32>
        tpu.vector_store %arg10[%swap3A_520, %swap3A_521], %swap3A_524 {strides = array<i32>} : memref<32x768xf32, #tpu.memory_space<vmem>>, vector<1x16xf32>,
        %get3A_525 = arith.index_cast %scan3A_237 : i32 to index
        %get3A_526 = arith.constant 288 : index
        %get3A_527 = tpu.vector_load %arg10[%get3A_525, %get3A_526] {strides = array<i32>} : memref<32x768xf32, #tpu.memory_space<vmem>>, vector<1x16xf32>,
        %get3A_528 = vector.shape_cast %get3A_527 : vector<1x16xf32> to vector<16xf32>
        %add3A_529 = arith.constant 0 : i32
        %add3A_530 = arith.addi %add3A_529, %scan3A_237 : i32
        %get3A_531 = arith.index_cast %add3A_530 : i32 to index
        %get3A_532 = arith.constant 288 : index
        %get3A_533 = tpu.vector_load %arg7[%get3A_531, %get3A_532] {strides = array<i32>} : memref<32x768xf32, #tpu.memory_space<vmem>>, vector<1x16xf32>,
        %get3A_534 = vector.shape_cast %get3A_533 : vector<1x16xf32> to vector<16xf32>
        %add3A_535 = arith.addf %get3A_528, %get3A_534 : vector<16xf32>
        %swap3A_536 = arith.index_cast %scan3A_237 : i32 to index
        %swap3A_537 = arith.constant 288 : index
        %swap3A_538 = tpu.vector_load %arg10[%swap3A_536, %swap3A_537] {strides = array<i32>} : memref<32x768xf32, #tpu.memory_space<vmem>>, vector<1x16xf32>,
        %swap3A_539 = vector.shape_cast %swap3A_538 : vector<1x16xf32> to vector<16xf32>
        %swap3A_540 = vector.shape_cast %add3A_535 : vector<16xf32> to vector<1x16xf32>
        tpu.vector_store %arg10[%swap3A_536, %swap3A_537], %swap3A_540 {strides = array<i32>} : memref<32x768xf32, #tpu.memory_space<vmem>>, vector<1x16xf32>,
        %get3A_541 = arith.index_cast %scan3A_237 : i32 to index
        %get3A_542 = arith.constant 304 : index
        %get3A_543 = tpu.vector_load %arg10[%get3A_541, %get3A_542] {strides = array<i32>} : memref<32x768xf32, #tpu.memory_space<vmem>>, vector<1x16xf32>,
        %get3A_544 = vector.shape_cast %get3A_543 : vector<1x16xf32> to vector<16xf32>
        %add3A_545 = arith.constant 0 : i32
        %add3A_546 = arith.addi %add3A_545, %scan3A_237 : i32
        %get3A_547 = arith.index_cast %add3A_546 : i32 to index
        %get3A_548 = arith.constant 304 : index
        %get3A_549 = tpu.vector_load %arg7[%get3A_547, %get3A_548] {strides = array<i32>} : memref<32x768xf32, #tpu.memory_space<vmem>>, vector<1x16xf32>,
        %get3A_550 = vector.shape_cast %get3A_549 : vector<1x16xf32> to vector<16xf32>
        %add3A_551 = arith.addf %get3A_544, %get3A_550 : vector<16xf32>
        %swap3A_552 = arith.index_cast %scan3A_237 : i32 to index
        %swap3A_553 = arith.constant 304 : index
        %swap3A_554 = tpu.vector_load %arg10[%swap3A_552, %swap3A_553] {strides = array<i32>} : memref<32x768xf32, #tpu.memory_space<vmem>>, vector<1x16xf32>,
        %swap3A_555 = vector.shape_cast %swap3A_554 : vector<1x16xf32> to vector<16xf32>
        %swap3A_556 = vector.shape_cast %add3A_551 : vector<16xf32> to vector<1x16xf32>
        tpu.vector_store %arg10[%swap3A_552, %swap3A_553], %swap3A_556 {strides = array<i32>} : memref<32x768xf32, #tpu.memory_space<vmem>>, vector<1x16xf32>,
        %get3A_557 = arith.index_cast %scan3A_237 : i32 to index
        %get3A_558 = arith.constant 320 : index
        %get3A_559 = tpu.vector_load %arg10[%get3A_557, %get3A_558] {strides = array<i32>} : memref<32x768xf32, #tpu.memory_space<vmem>>, vector<1x16xf32>,
        %get3A_560 = vector.shape_cast %get3A_559 : vector<1x16xf32> to vector<16xf32>
        %add3A_561 = arith.constant 0 : i32
        %add3A_562 = arith.addi %add3A_561, %scan3A_237 : i32
        %get3A_563 = arith.index_cast %add3A_562 : i32 to index
        %get3A_564 = arith.constant 320 : index
        %get3A_565 = tpu.vector_load %arg7[%get3A_563, %get3A_564] {strides = array<i32>} : memref<32x768xf32, #tpu.memory_space<vmem>>, vector<1x16xf32>,
        %get3A_566 = vector.shape_cast %get3A_565 : vector<1x16xf32> to vector<16xf32>
        %add3A_567 = arith.addf %get3A_560, %get3A_566 : vector<16xf32>
        %swap3A_568 = arith.index_cast %scan3A_237 : i32 to index
        %swap3A_569 = arith.constant 320 : index
        %swap3A_570 = tpu.vector_load %arg10[%swap3A_568, %swap3A_569] {strides = array<i32>} : memref<32x768xf32, #tpu.memory_space<vmem>>, vector<1x16xf32>,
        %swap3A_571 = vector.shape_cast %swap3A_570 : vector<1x16xf32> to vector<16xf32>
        %swap3A_572 = vector.shape_cast %add3A_567 : vector<16xf32> to vector<1x16xf32>
        tpu.vector_store %arg10[%swap3A_568, %swap3A_569], %swap3A_572 {strides = array<i32>} : memref<32x768xf32, #tpu.memory_space<vmem>>, vector<1x16xf32>,
        %get3A_573 = arith.index_cast %scan3A_237 : i32 to index
        %get3A_574 = arith.constant 336 : index
        %get3A_575 = tpu.vector_load %arg10[%get3A_573, %get3A_574] {strides = array<i32>} : memref<32x768xf32, #tpu.memory_space<vmem>>, vector<1x16xf32>,
        %get3A_576 = vector.shape_cast %get3A_575 : vector<1x16xf32> to vector<16xf32>
        %add3A_577 = arith.constant 0 : i32
        %add3A_578 = arith.addi %add3A_577, %scan3A_237 : i32
        %get3A_579 = arith.index_cast %add3A_578 : i32 to index
        %get3A_580 = arith.constant 336 : index
        %get3A_581 = tpu.vector_load %arg7[%get3A_579, %get3A_580] {strides = array<i32>} : memref<32x768xf32, #tpu.memory_space<vmem>>, vector<1x16xf32>,
        %get3A_582 = vector.shape_cast %get3A_581 : vector<1x16xf32> to vector<16xf32>
        %add3A_583 = arith.addf %get3A_576, %get3A_582 : vector<16xf32>
        %swap3A_584 = arith.index_cast %scan3A_237 : i32 to index
        %swap3A_585 = arith.constant 336 : index
        %swap3A_586 = tpu.vector_load %arg10[%swap3A_584, %swap3A_585] {strides = array<i32>} : memref<32x768xf32, #tpu.memory_space<vmem>>, vector<1x16xf32>,
        %swap3A_587 = vector.shape_cast %swap3A_586 : vector<1x16xf32> to vector<16xf32>
        %swap3A_588 = vector.shape_cast %add3A_583 : vector<16xf32> to vector<1x16xf32>
        tpu.vector_store %arg10[%swap3A_584, %swap3A_585], %swap3A_588 {strides = array<i32>} : memref<32x768xf32, #tpu.memory_space<vmem>>, vector<1x16xf32>,
        %get3A_589 = arith.index_cast %scan3A_237 : i32 to index
        %get3A_590 = arith.constant 352 : index
        %get3A_591 = tpu.vector_load %arg10[%get3A_589, %get3A_590] {strides = array<i32>} : memref<32x768xf32, #tpu.memory_space<vmem>>, vector<1x16xf32>,
        %get3A_592 = vector.shape_cast %get3A_591 : vector<1x16xf32> to vector<16xf32>
        %add3A_593 = arith.constant 0 : i32
        %add3A_594 = arith.addi %add3A_593, %scan3A_237 : i32
        %get3A_595 = arith.index_cast %add3A_594 : i32 to index
        %get3A_596 = arith.constant 352 : index
        %get3A_597 = tpu.vector_load %arg7[%get3A_595, %get3A_596] {strides = array<i32>} : memref<32x768xf32, #tpu.memory_space<vmem>>, vector<1x16xf32>,
        %get3A_598 = vector.shape_cast %get3A_597 : vector<1x16xf32> to vector<16xf32>
        %add3A_599 = arith.addf %get3A_592, %get3A_598 : vector<16xf32>
        %swap3A_600 = arith.index_cast %scan3A_237 : i32 to index
        %swap3A_601 = arith.constant 352 : index
        %swap3A_602 = tpu.vector_load %arg10[%swap3A_600, %swap3A_601] {strides = array<i32>} : memref<32x768xf32, #tpu.memory_space<vmem>>, vector<1x16xf32>,
        %swap3A_603 = vector.shape_cast %swap3A_602 : vector<1x16xf32> to vector<16xf32>
        %swap3A_604 = vector.shape_cast %add3A_599 : vector<16xf32> to vector<1x16xf32>
        tpu.vector_store %arg10[%swap3A_600, %swap3A_601], %swap3A_604 {strides = array<i32>} : memref<32x768xf32, #tpu.memory_space<vmem>>, vector<1x16xf32>,
        %get3A_605 = arith.index_cast %scan3A_237 : i32 to index
        %get3A_606 = arith.constant 368 : index
        %get3A_607 = tpu.vector_load %arg10[%get3A_605, %get3A_606] {strides = array<i32>} : memref<32x768xf32, #tpu.memory_space<vmem>>, vector<1x16xf32>,
        %get3A_608 = vector.shape_cast %get3A_607 : vector<1x16xf32> to vector<16xf32>
        %add3A_609 = arith.constant 0 : i32
        %add3A_610 = arith.addi %add3A_609, %scan3A_237 : i32
        %get3A_611 = arith.index_cast %add3A_610 : i32 to index
        %get3A_612 = arith.constant 368 : index
        %get3A_613 = tpu.vector_load %arg7[%get3A_611, %get3A_612] {strides = array<i32>} : memref<32x768xf32, #tpu.memory_space<vmem>>, vector<1x16xf32>,
        %get3A_614 = vector.shape_cast %get3A_613 : vector<1x16xf32> to vector<16xf32>
        %add3A_615 = arith.addf %get3A_608, %get3A_614 : vector<16xf32>
        %swap3A_616 = arith.index_cast %scan3A_237 : i32 to index
        %swap3A_617 = arith.constant 368 : index
        %swap3A_618 = tpu.vector_load %arg10[%swap3A_616, %swap3A_617] {strides = array<i32>} : memref<32x768xf32, #tpu.memory_space<vmem>>, vector<1x16xf32>,
        %swap3A_619 = vector.shape_cast %swap3A_618 : vector<1x16xf32> to vector<16xf32>
        %swap3A_620 = vector.shape_cast %add3A_615 : vector<16xf32> to vector<1x16xf32>
        tpu.vector_store %arg10[%swap3A_616, %swap3A_617], %swap3A_620 {strides = array<i32>} : memref<32x768xf32, #tpu.memory_space<vmem>>, vector<1x16xf32>,
        %get3A_621 = arith.index_cast %scan3A_237 : i32 to index
        %get3A_622 = arith.constant 384 : index
        %get3A_623 = tpu.vector_load %arg10[%get3A_621, %get3A_622] {strides = array<i32>} : memref<32x768xf32, #tpu.memory_space<vmem>>, vector<1x16xf32>,
        %get3A_624 = vector.shape_cast %get3A_623 : vector<1x16xf32> to vector<16xf32>
        %add3A_625 = arith.constant 0 : i32
        %add3A_626 = arith.addi %add3A_625, %scan3A_237 : i32
        %get3A_627 = arith.index_cast %add3A_626 : i32 to index
        %get3A_628 = arith.constant 384 : index
        %get3A_629 = tpu.vector_load %arg7[%get3A_627, %get3A_628] {strides = array<i32>} : memref<32x768xf32, #tpu.memory_space<vmem>>, vector<1x16xf32>,
        %get3A_630 = vector.shape_cast %get3A_629 : vector<1x16xf32> to vector<16xf32>
        %add3A_631 = arith.addf %get3A_624, %get3A_630 : vector<16xf32>
        %swap3A_632 = arith.index_cast %scan3A_237 : i32 to index
        %swap3A_633 = arith.constant 384 : index
        %swap3A_634 = tpu.vector_load %arg10[%swap3A_632, %swap3A_633] {strides = array<i32>} : memref<32x768xf32, #tpu.memory_space<vmem>>, vector<1x16xf32>,
        %swap3A_635 = vector.shape_cast %swap3A_634 : vector<1x16xf32> to vector<16xf32>
        %swap3A_636 = vector.shape_cast %add3A_631 : vector<16xf32> to vector<1x16xf32>
        tpu.vector_store %arg10[%swap3A_632, %swap3A_633], %swap3A_636 {strides = array<i32>} : memref<32x768xf32, #tpu.memory_space<vmem>>, vector<1x16xf32>,
        %get3A_637 = arith.index_cast %scan3A_237 : i32 to index
        %get3A_638 = arith.constant 400 : index
        %get3A_639 = tpu.vector_load %arg10[%get3A_637, %get3A_638] {strides = array<i32>} : memref<32x768xf32, #tpu.memory_space<vmem>>, vector<1x16xf32>,
        %get3A_640 = vector.shape_cast %get3A_639 : vector<1x16xf32> to vector<16xf32>
        %add3A_641 = arith.constant 0 : i32
        %add3A_642 = arith.addi %add3A_641, %scan3A_237 : i32
        %get3A_643 = arith.index_cast %add3A_642 : i32 to index
        %get3A_644 = arith.constant 400 : index
        %get3A_645 = tpu.vector_load %arg7[%get3A_643, %get3A_644] {strides = array<i32>} : memref<32x768xf32, #tpu.memory_space<vmem>>, vector<1x16xf32>,
        %get3A_646 = vector.shape_cast %get3A_645 : vector<1x16xf32> to vector<16xf32>
        %add3A_647 = arith.addf %get3A_640, %get3A_646 : vector<16xf32>
        %swap3A_648 = arith.index_cast %scan3A_237 : i32 to index
        %swap3A_649 = arith.constant 400 : index
        %swap3A_650 = tpu.vector_load %arg10[%swap3A_648, %swap3A_649] {strides = array<i32>} : memref<32x768xf32, #tpu.memory_space<vmem>>, vector<1x16xf32>,
        %swap3A_651 = vector.shape_cast %swap3A_650 : vector<1x16xf32> to vector<16xf32>
        %swap3A_652 = vector.shape_cast %add3A_647 : vector<16xf32> to vector<1x16xf32>
        tpu.vector_store %arg10[%swap3A_648, %swap3A_649], %swap3A_652 {strides = array<i32>} : memref<32x768xf32, #tpu.memory_space<vmem>>, vector<1x16xf32>,
        %get3A_653 = arith.index_cast %scan3A_237 : i32 to index
        %get3A_654 = arith.constant 416 : index
        %get3A_655 = tpu.vector_load %arg10[%get3A_653, %get3A_654] {strides = array<i32>} : memref<32x768xf32, #tpu.memory_space<vmem>>, vector<1x16xf32>,
        %get3A_656 = vector.shape_cast %get3A_655 : vector<1x16xf32> to vector<16xf32>
        %add3A_657 = arith.constant 0 : i32
        %add3A_658 = arith.addi %add3A_657, %scan3A_237 : i32
        %get3A_659 = arith.index_cast %add3A_658 : i32 to index
        %get3A_660 = arith.constant 416 : index
        %get3A_661 = tpu.vector_load %arg7[%get3A_659, %get3A_660] {strides = array<i32>} : memref<32x768xf32, #tpu.memory_space<vmem>>, vector<1x16xf32>,
        %get3A_662 = vector.shape_cast %get3A_661 : vector<1x16xf32> to vector<16xf32>
        %add3A_663 = arith.addf %get3A_656, %get3A_662 : vector<16xf32>
        %swap3A_664 = arith.index_cast %scan3A_237 : i32 to index
        %swap3A_665 = arith.constant 416 : index
        %swap3A_666 = tpu.vector_load %arg10[%swap3A_664, %swap3A_665] {strides = array<i32>} : memref<32x768xf32, #tpu.memory_space<vmem>>, vector<1x16xf32>,
        %swap3A_667 = vector.shape_cast %swap3A_666 : vector<1x16xf32> to vector<16xf32>
        %swap3A_668 = vector.shape_cast %add3A_663 : vector<16xf32> to vector<1x16xf32>
        tpu.vector_store %arg10[%swap3A_664, %swap3A_665], %swap3A_668 {strides = array<i32>} : memref<32x768xf32, #tpu.memory_space<vmem>>, vector<1x16xf32>,
        %get3A_669 = arith.index_cast %scan3A_237 : i32 to index
        %get3A_670 = arith.constant 432 : index
        %get3A_671 = tpu.vector_load %arg10[%get3A_669, %get3A_670] {strides = array<i32>} : memref<32x768xf32, #tpu.memory_space<vmem>>, vector<1x16xf32>,
        %get3A_672 = vector.shape_cast %get3A_671 : vector<1x16xf32> to vector<16xf32>
        %add3A_673 = arith.constant 0 : i32
        %add3A_674 = arith.addi %add3A_673, %scan3A_237 : i32
        %get3A_675 = arith.index_cast %add3A_674 : i32 to index
        %get3A_676 = arith.constant 432 : index
        %get3A_677 = tpu.vector_load %arg7[%get3A_675, %get3A_676] {strides = array<i32>} : memref<32x768xf32, #tpu.memory_space<vmem>>, vector<1x16xf32>,
        %get3A_678 = vector.shape_cast %get3A_677 : vector<1x16xf32> to vector<16xf32>
        %add3A_679 = arith.addf %get3A_672, %get3A_678 : vector<16xf32>
        %swap3A_680 = arith.index_cast %scan3A_237 : i32 to index
        %swap3A_681 = arith.constant 432 : index
        %swap3A_682 = tpu.vector_load %arg10[%swap3A_680, %swap3A_681] {strides = array<i32>} : memref<32x768xf32, #tpu.memory_space<vmem>>, vector<1x16xf32>,
        %swap3A_683 = vector.shape_cast %swap3A_682 : vector<1x16xf32> to vector<16xf32>
        %swap3A_684 = vector.shape_cast %add3A_679 : vector<16xf32> to vector<1x16xf32>
        tpu.vector_store %arg10[%swap3A_680, %swap3A_681], %swap3A_684 {strides = array<i32>} : memref<32x768xf32, #tpu.memory_space<vmem>>, vector<1x16xf32>,
        %get3A_685 = arith.index_cast %scan3A_237 : i32 to index
        %get3A_686 = arith.constant 448 : index
        %get3A_687 = tpu.vector_load %arg10[%get3A_685, %get3A_686] {strides = array<i32>} : memref<32x768xf32, #tpu.memory_space<vmem>>, vector<1x16xf32>,
        %get3A_688 = vector.shape_cast %get3A_687 : vector<1x16xf32> to vector<16xf32>
        %add3A_689 = arith.constant 0 : i32
        %add3A_690 = arith.addi %add3A_689, %scan3A_237 : i32
        %get3A_691 = arith.index_cast %add3A_690 : i32 to index
        %get3A_692 = arith.constant 448 : index
        %get3A_693 = tpu.vector_load %arg7[%get3A_691, %get3A_692] {strides = array<i32>} : memref<32x768xf32, #tpu.memory_space<vmem>>, vector<1x16xf32>,
        %get3A_694 = vector.shape_cast %get3A_693 : vector<1x16xf32> to vector<16xf32>
        %add3A_695 = arith.addf %get3A_688, %get3A_694 : vector<16xf32>
        %swap3A_696 = arith.index_cast %scan3A_237 : i32 to index
        %swap3A_697 = arith.constant 448 : index
        %swap3A_698 = tpu.vector_load %arg10[%swap3A_696, %swap3A_697] {strides = array<i32>} : memref<32x768xf32, #tpu.memory_space<vmem>>, vector<1x16xf32>,
        %swap3A_699 = vector.shape_cast %swap3A_698 : vector<1x16xf32> to vector<16xf32>
        %swap3A_700 = vector.shape_cast %add3A_695 : vector<16xf32> to vector<1x16xf32>
        tpu.vector_store %arg10[%swap3A_696, %swap3A_697], %swap3A_700 {strides = array<i32>} : memref<32x768xf32, #tpu.memory_space<vmem>>, vector<1x16xf32>,
        %get3A_701 = arith.index_cast %scan3A_237 : i32 to index
        %get3A_702 = arith.constant 464 : index
        %get3A_703 = tpu.vector_load %arg10[%get3A_701, %get3A_702] {strides = array<i32>} : memref<32x768xf32, #tpu.memory_space<vmem>>, vector<1x16xf32>,
        %get3A_704 = vector.shape_cast %get3A_703 : vector<1x16xf32> to vector<16xf32>
        %add3A_705 = arith.constant 0 : i32
        %add3A_706 = arith.addi %add3A_705, %scan3A_237 : i32
        %get3A_707 = arith.index_cast %add3A_706 : i32 to index
        %get3A_708 = arith.constant 464 : index
        %get3A_709 = tpu.vector_load %arg7[%get3A_707, %get3A_708] {strides = array<i32>} : memref<32x768xf32, #tpu.memory_space<vmem>>, vector<1x16xf32>,
        %get3A_710 = vector.shape_cast %get3A_709 : vector<1x16xf32> to vector<16xf32>
        %add3A_711 = arith.addf %get3A_704, %get3A_710 : vector<16xf32>
        %swap3A_712 = arith.index_cast %scan3A_237 : i32 to index
        %swap3A_713 = arith.constant 464 : index
        %swap3A_714 = tpu.vector_load %arg10[%swap3A_712, %swap3A_713] {strides = array<i32>} : memref<32x768xf32, #tpu.memory_space<vmem>>, vector<1x16xf32>,
        %swap3A_715 = vector.shape_cast %swap3A_714 : vector<1x16xf32> to vector<16xf32>
        %swap3A_716 = vector.shape_cast %add3A_711 : vector<16xf32> to vector<1x16xf32>
        tpu.vector_store %arg10[%swap3A_712, %swap3A_713], %swap3A_716 {strides = array<i32>} : memref<32x768xf32, #tpu.memory_space<vmem>>, vector<1x16xf32>,
        %get3A_717 = arith.index_cast %scan3A_237 : i32 to index
        %get3A_718 = arith.constant 480 : index
        %get3A_719 = tpu.vector_load %arg10[%get3A_717, %get3A_718] {strides = array<i32>} : memref<32x768xf32, #tpu.memory_space<vmem>>, vector<1x16xf32>,
        %get3A_720 = vector.shape_cast %get3A_719 : vector<1x16xf32> to vector<16xf32>
        %add3A_721 = arith.constant 0 : i32
        %add3A_722 = arith.addi %add3A_721, %scan3A_237 : i32
        %get3A_723 = arith.index_cast %add3A_722 : i32 to index
        %get3A_724 = arith.constant 480 : index
        %get3A_725 = tpu.vector_load %arg7[%get3A_723, %get3A_724] {strides = array<i32>} : memref<32x768xf32, #tpu.memory_space<vmem>>, vector<1x16xf32>,
        %get3A_726 = vector.shape_cast %get3A_725 : vector<1x16xf32> to vector<16xf32>
        %add3A_727 = arith.addf %get3A_720, %get3A_726 : vector<16xf32>
        %swap3A_728 = arith.index_cast %scan3A_237 : i32 to index
        %swap3A_729 = arith.constant 480 : index
        %swap3A_730 = tpu.vector_load %arg10[%swap3A_728, %swap3A_729] {strides = array<i32>} : memref<32x768xf32, #tpu.memory_space<vmem>>, vector<1x16xf32>,
        %swap3A_731 = vector.shape_cast %swap3A_730 : vector<1x16xf32> to vector<16xf32>
        %swap3A_732 = vector.shape_cast %add3A_727 : vector<16xf32> to vector<1x16xf32>
        tpu.vector_store %arg10[%swap3A_728, %swap3A_729], %swap3A_732 {strides = array<i32>} : memref<32x768xf32, #tpu.memory_space<vmem>>, vector<1x16xf32>,
        %get3A_733 = arith.index_cast %scan3A_237 : i32 to index
        %get3A_734 = arith.constant 496 : index
        %get3A_735 = tpu.vector_load %arg10[%get3A_733, %get3A_734] {strides = array<i32>} : memref<32x768xf32, #tpu.memory_space<vmem>>, vector<1x16xf32>,
        %get3A_736 = vector.shape_cast %get3A_735 : vector<1x16xf32> to vector<16xf32>
        %add3A_737 = arith.constant 0 : i32
        %add3A_738 = arith.addi %add3A_737, %scan3A_237 : i32
        %get3A_739 = arith.index_cast %add3A_738 : i32 to index
        %get3A_740 = arith.constant 496 : index
        %get3A_741 = tpu.vector_load %arg7[%get3A_739, %get3A_740] {strides = array<i32>} : memref<32x768xf32, #tpu.memory_space<vmem>>, vector<1x16xf32>,
        %get3A_742 = vector.shape_cast %get3A_741 : vector<1x16xf32> to vector<16xf32>
        %add3A_743 = arith.addf %get3A_736, %get3A_742 : vector<16xf32>
        %swap3A_744 = arith.index_cast %scan3A_237 : i32 to index
        %swap3A_745 = arith.constant 496 : index
        %swap3A_746 = tpu.vector_load %arg10[%swap3A_744, %swap3A_745] {strides = array<i32>} : memref<32x768xf32, #tpu.memory_space<vmem>>, vector<1x16xf32>,
        %swap3A_747 = vector.shape_cast %swap3A_746 : vector<1x16xf32> to vector<16xf32>
        %swap3A_748 = vector.shape_cast %add3A_743 : vector<16xf32> to vector<1x16xf32>
        tpu.vector_store %arg10[%swap3A_744, %swap3A_745], %swap3A_748 {strides = array<i32>} : memref<32x768xf32, #tpu.memory_space<vmem>>, vector<1x16xf32>,
        %get3A_749 = arith.index_cast %scan3A_237 : i32 to index
        %get3A_750 = arith.constant 512 : index
        %get3A_751 = tpu.vector_load %arg10[%get3A_749, %get3A_750] {strides = array<i32>} : memref<32x768xf32, #tpu.memory_space<vmem>>, vector<1x16xf32>,
        %get3A_752 = vector.shape_cast %get3A_751 : vector<1x16xf32> to vector<16xf32>
        %add3A_753 = arith.constant 0 : i32
        %add3A_754 = arith.addi %add3A_753, %scan3A_237 : i32
        %get3A_755 = arith.index_cast %add3A_754 : i32 to index
        %get3A_756 = arith.constant 512 : index
        %get3A_757 = tpu.vector_load %arg7[%get3A_755, %get3A_756] {strides = array<i32>} : memref<32x768xf32, #tpu.memory_space<vmem>>, vector<1x16xf32>,
        %get3A_758 = vector.shape_cast %get3A_757 : vector<1x16xf32> to vector<16xf32>
        %add3A_759 = arith.addf %get3A_752, %get3A_758 : vector<16xf32>
        %swap3A_760 = arith.index_cast %scan3A_237 : i32 to index
        %swap3A_761 = arith.constant 512 : index
        %swap3A_762 = tpu.vector_load %arg10[%swap3A_760, %swap3A_761] {strides = array<i32>} : memref<32x768xf32, #tpu.memory_space<vmem>>, vector<1x16xf32>,
        %swap3A_763 = vector.shape_cast %swap3A_762 : vector<1x16xf32> to vector<16xf32>
        %swap3A_764 = vector.shape_cast %add3A_759 : vector<16xf32> to vector<1x16xf32>
        tpu.vector_store %arg10[%swap3A_760, %swap3A_761], %swap3A_764 {strides = array<i32>} : memref<32x768xf32, #tpu.memory_space<vmem>>, vector<1x16xf32>,
        %get3A_765 = arith.index_cast %scan3A_237 : i32 to index
        %get3A_766 = arith.constant 528 : index
        %get3A_767 = tpu.vector_load %arg10[%get3A_765, %get3A_766] {strides = array<i32>} : memref<32x768xf32, #tpu.memory_space<vmem>>, vector<1x16xf32>,
        %get3A_768 = vector.shape_cast %get3A_767 : vector<1x16xf32> to vector<16xf32>
        %add3A_769 = arith.constant 0 : i32
        %add3A_770 = arith.addi %add3A_769, %scan3A_237 : i32
        %get3A_771 = arith.index_cast %add3A_770 : i32 to index
        %get3A_772 = arith.constant 528 : index
        %get3A_773 = tpu.vector_load %arg7[%get3A_771, %get3A_772] {strides = array<i32>} : memref<32x768xf32, #tpu.memory_space<vmem>>, vector<1x16xf32>,
        %get3A_774 = vector.shape_cast %get3A_773 : vector<1x16xf32> to vector<16xf32>
        %add3A_775 = arith.addf %get3A_768, %get3A_774 : vector<16xf32>
        %swap3A_776 = arith.index_cast %scan3A_237 : i32 to index
        %swap3A_777 = arith.constant 528 : index
        %swap3A_778 = tpu.vector_load %arg10[%swap3A_776, %swap3A_777] {strides = array<i32>} : memref<32x768xf32, #tpu.memory_space<vmem>>, vector<1x16xf32>,
        %swap3A_779 = vector.shape_cast %swap3A_778 : vector<1x16xf32> to vector<16xf32>
        %swap3A_780 = vector.shape_cast %add3A_775 : vector<16xf32> to vector<1x16xf32>
        tpu.vector_store %arg10[%swap3A_776, %swap3A_777], %swap3A_780 {strides = array<i32>} : memref<32x768xf32, #tpu.memory_space<vmem>>, vector<1x16xf32>,
        %get3A_781 = arith.index_cast %scan3A_237 : i32 to index
        %get3A_782 = arith.constant 544 : index
        %get3A_783 = tpu.vector_load %arg10[%get3A_781, %get3A_782] {strides = array<i32>} : memref<32x768xf32, #tpu.memory_space<vmem>>, vector<1x16xf32>,
        %get3A_784 = vector.shape_cast %get3A_783 : vector<1x16xf32> to vector<16xf32>
        %add3A_785 = arith.constant 0 : i32
        %add3A_786 = arith.addi %add3A_785, %scan3A_237 : i32
        %get3A_787 = arith.index_cast %add3A_786 : i32 to index
        %get3A_788 = arith.constant 544 : index
        %get3A_789 = tpu.vector_load %arg7[%get3A_787, %get3A_788] {strides = array<i32>} : memref<32x768xf32, #tpu.memory_space<vmem>>, vector<1x16xf32>,
        %get3A_790 = vector.shape_cast %get3A_789 : vector<1x16xf32> to vector<16xf32>
        %add3A_791 = arith.addf %get3A_784, %get3A_790 : vector<16xf32>
        %swap3A_792 = arith.index_cast %scan3A_237 : i32 to index
        %swap3A_793 = arith.constant 544 : index
        %swap3A_794 = tpu.vector_load %arg10[%swap3A_792, %swap3A_793] {strides = array<i32>} : memref<32x768xf32, #tpu.memory_space<vmem>>, vector<1x16xf32>,
        %swap3A_795 = vector.shape_cast %swap3A_794 : vector<1x16xf32> to vector<16xf32>
        %swap3A_796 = vector.shape_cast %add3A_791 : vector<16xf32> to vector<1x16xf32>
        tpu.vector_store %arg10[%swap3A_792, %swap3A_793], %swap3A_796 {strides = array<i32>} : memref<32x768xf32, #tpu.memory_space<vmem>>, vector<1x16xf32>,
        %get3A_797 = arith.index_cast %scan3A_237 : i32 to index
        %get3A_798 = arith.constant 560 : index
        %get3A_799 = tpu.vector_load %arg10[%get3A_797, %get3A_798] {strides = array<i32>} : memref<32x768xf32, #tpu.memory_space<vmem>>, vector<1x16xf32>,
        %get3A_800 = vector.shape_cast %get3A_799 : vector<1x16xf32> to vector<16xf32>
        %add3A_801 = arith.constant 0 : i32
        %add3A_802 = arith.addi %add3A_801, %scan3A_237 : i32
        %get3A_803 = arith.index_cast %add3A_802 : i32 to index
        %get3A_804 = arith.constant 560 : index
        %get3A_805 = tpu.vector_load %arg7[%get3A_803, %get3A_804] {strides = array<i32>} : memref<32x768xf32, #tpu.memory_space<vmem>>, vector<1x16xf32>,
        %get3A_806 = vector.shape_cast %get3A_805 : vector<1x16xf32> to vector<16xf32>
        %add3A_807 = arith.addf %get3A_800, %get3A_806 : vector<16xf32>
        %swap3A_808 = arith.index_cast %scan3A_237 : i32 to index
        %swap3A_809 = arith.constant 560 : index
        %swap3A_810 = tpu.vector_load %arg10[%swap3A_808, %swap3A_809] {strides = array<i32>} : memref<32x768xf32, #tpu.memory_space<vmem>>, vector<1x16xf32>,
        %swap3A_811 = vector.shape_cast %swap3A_810 : vector<1x16xf32> to vector<16xf32>
        %swap3A_812 = vector.shape_cast %add3A_807 : vector<16xf32> to vector<1x16xf32>
        tpu.vector_store %arg10[%swap3A_808, %swap3A_809], %swap3A_812 {strides = array<i32>} : memref<32x768xf32, #tpu.memory_space<vmem>>, vector<1x16xf32>,
        %get3A_813 = arith.index_cast %scan3A_237 : i32 to index
        %get3A_814 = arith.constant 576 : index
        %get3A_815 = tpu.vector_load %arg10[%get3A_813, %get3A_814] {strides = array<i32>} : memref<32x768xf32, #tpu.memory_space<vmem>>, vector<1x16xf32>,
        %get3A_816 = vector.shape_cast %get3A_815 : vector<1x16xf32> to vector<16xf32>
        %add3A_817 = arith.constant 0 : i32
        %add3A_818 = arith.addi %add3A_817, %scan3A_237 : i32
        %get3A_819 = arith.index_cast %add3A_818 : i32 to index
        %get3A_820 = arith.constant 576 : index
        %get3A_821 = tpu.vector_load %arg7[%get3A_819, %get3A_820] {strides = array<i32>} : memref<32x768xf32, #tpu.memory_space<vmem>>, vector<1x16xf32>,
        %get3A_822 = vector.shape_cast %get3A_821 : vector<1x16xf32> to vector<16xf32>
        %add3A_823 = arith.addf %get3A_816, %get3A_822 : vector<16xf32>
        %swap3A_824 = arith.index_cast %scan3A_237 : i32 to index
        %swap3A_825 = arith.constant 576 : index
        %swap3A_826 = tpu.vector_load %arg10[%swap3A_824, %swap3A_825] {strides = array<i32>} : memref<32x768xf32, #tpu.memory_space<vmem>>, vector<1x16xf32>,
        %swap3A_827 = vector.shape_cast %swap3A_826 : vector<1x16xf32> to vector<16xf32>
        %swap3A_828 = vector.shape_cast %add3A_823 : vector<16xf32> to vector<1x16xf32>
        tpu.vector_store %arg10[%swap3A_824, %swap3A_825], %swap3A_828 {strides = array<i32>} : memref<32x768xf32, #tpu.memory_space<vmem>>, vector<1x16xf32>,
        %get3A_829 = arith.index_cast %scan3A_237 : i32 to index
        %get3A_830 = arith.constant 592 : index
        %get3A_831 = tpu.vector_load %arg10[%get3A_829, %get3A_830] {strides = array<i32>} : memref<32x768xf32, #tpu.memory_space<vmem>>, vector<1x16xf32>,
        %get3A_832 = vector.shape_cast %get3A_831 : vector<1x16xf32> to vector<16xf32>
        %add3A_833 = arith.constant 0 : i32
        %add3A_834 = arith.addi %add3A_833, %scan3A_237 : i32
        %get3A_835 = arith.index_cast %add3A_834 : i32 to index
        %get3A_836 = arith.constant 592 : index
        %get3A_837 = tpu.vector_load %arg7[%get3A_835, %get3A_836] {strides = array<i32>} : memref<32x768xf32, #tpu.memory_space<vmem>>, vector<1x16xf32>,
        %get3A_838 = vector.shape_cast %get3A_837 : vector<1x16xf32> to vector<16xf32>
        %add3A_839 = arith.addf %get3A_832, %get3A_838 : vector<16xf32>
        %swap3A_840 = arith.index_cast %scan3A_237 : i32 to index
        %swap3A_841 = arith.constant 592 : index
        %swap3A_842 = tpu.vector_load %arg10[%swap3A_840, %swap3A_841] {strides = array<i32>} : memref<32x768xf32, #tpu.memory_space<vmem>>, vector<1x16xf32>,
        %swap3A_843 = vector.shape_cast %swap3A_842 : vector<1x16xf32> to vector<16xf32>
        %swap3A_844 = vector.shape_cast %add3A_839 : vector<16xf32> to vector<1x16xf32>
        tpu.vector_store %arg10[%swap3A_840, %swap3A_841], %swap3A_844 {strides = array<i32>} : memref<32x768xf32, #tpu.memory_space<vmem>>, vector<1x16xf32>,
        %get3A_845 = arith.index_cast %scan3A_237 : i32 to index
        %get3A_846 = arith.constant 608 : index
        %get3A_847 = tpu.vector_load %arg10[%get3A_845, %get3A_846] {strides = array<i32>} : memref<32x768xf32, #tpu.memory_space<vmem>>, vector<1x16xf32>,
        %get3A_848 = vector.shape_cast %get3A_847 : vector<1x16xf32> to vector<16xf32>
        %add3A_849 = arith.constant 0 : i32
        %add3A_850 = arith.addi %add3A_849, %scan3A_237 : i32
        %get3A_851 = arith.index_cast %add3A_850 : i32 to index
        %get3A_852 = arith.constant 608 : index
        %get3A_853 = tpu.vector_load %arg7[%get3A_851, %get3A_852] {strides = array<i32>} : memref<32x768xf32, #tpu.memory_space<vmem>>, vector<1x16xf32>,
        %get3A_854 = vector.shape_cast %get3A_853 : vector<1x16xf32> to vector<16xf32>
        %add3A_855 = arith.addf %get3A_848, %get3A_854 : vector<16xf32>
        %swap3A_856 = arith.index_cast %scan3A_237 : i32 to index
        %swap3A_857 = arith.constant 608 : index
        %swap3A_858 = tpu.vector_load %arg10[%swap3A_856, %swap3A_857] {strides = array<i32>} : memref<32x768xf32, #tpu.memory_space<vmem>>, vector<1x16xf32>,
        %swap3A_859 = vector.shape_cast %swap3A_858 : vector<1x16xf32> to vector<16xf32>
        %swap3A_860 = vector.shape_cast %add3A_855 : vector<16xf32> to vector<1x16xf32>
        tpu.vector_store %arg10[%swap3A_856, %swap3A_857], %swap3A_860 {strides = array<i32>} : memref<32x768xf32, #tpu.memory_space<vmem>>, vector<1x16xf32>,
        %get3A_861 = arith.index_cast %scan3A_237 : i32 to index
        %get3A_862 = arith.constant 624 : index
        %get3A_863 = tpu.vector_load %arg10[%get3A_861, %get3A_862] {strides = array<i32>} : memref<32x768xf32, #tpu.memory_space<vmem>>, vector<1x16xf32>,
        %get3A_864 = vector.shape_cast %get3A_863 : vector<1x16xf32> to vector<16xf32>
        %add3A_865 = arith.constant 0 : i32
        %add3A_866 = arith.addi %add3A_865, %scan3A_237 : i32
        %get3A_867 = arith.index_cast %add3A_866 : i32 to index
        %get3A_868 = arith.constant 624 : index
        %get3A_869 = tpu.vector_load %arg7[%get3A_867, %get3A_868] {strides = array<i32>} : memref<32x768xf32, #tpu.memory_space<vmem>>, vector<1x16xf32>,
        %get3A_870 = vector.shape_cast %get3A_869 : vector<1x16xf32> to vector<16xf32>
        %add3A_871 = arith.addf %get3A_864, %get3A_870 : vector<16xf32>
        %swap3A_872 = arith.index_cast %scan3A_237 : i32 to index
        %swap3A_873 = arith.constant 624 : index
        %swap3A_874 = tpu.vector_load %arg10[%swap3A_872, %swap3A_873] {strides = array<i32>} : memref<32x768xf32, #tpu.memory_space<vmem>>, vector<1x16xf32>,
        %swap3A_875 = vector.shape_cast %swap3A_874 : vector<1x16xf32> to vector<16xf32>
        %swap3A_876 = vector.shape_cast %add3A_871 : vector<16xf32> to vector<1x16xf32>
        tpu.vector_store %arg10[%swap3A_872, %swap3A_873], %swap3A_876 {strides = array<i32>} : memref<32x768xf32, #tpu.memory_space<vmem>>, vector<1x16xf32>,
        %get3A_877 = arith.index_cast %scan3A_237 : i32 to index
        %get3A_878 = arith.constant 640 : index
        %get3A_879 = tpu.vector_load %arg10[%get3A_877, %get3A_878] {strides = array<i32>} : memref<32x768xf32, #tpu.memory_space<vmem>>, vector<1x16xf32>,
        %get3A_880 = vector.shape_cast %get3A_879 : vector<1x16xf32> to vector<16xf32>
        %add3A_881 = arith.constant 0 : i32
        %add3A_882 = arith.addi %add3A_881, %scan3A_237 : i32
        %get3A_883 = arith.index_cast %add3A_882 : i32 to index
        %get3A_884 = arith.constant 640 : index
        %get3A_885 = tpu.vector_load %arg7[%get3A_883, %get3A_884] {strides = array<i32>} : memref<32x768xf32, #tpu.memory_space<vmem>>, vector<1x16xf32>,
        %get3A_886 = vector.shape_cast %get3A_885 : vector<1x16xf32> to vector<16xf32>
        %add3A_887 = arith.addf %get3A_880, %get3A_886 : vector<16xf32>
        %swap3A_888 = arith.index_cast %scan3A_237 : i32 to index
        %swap3A_889 = arith.constant 640 : index
        %swap3A_890 = tpu.vector_load %arg10[%swap3A_888, %swap3A_889] {strides = array<i32>} : memref<32x768xf32, #tpu.memory_space<vmem>>, vector<1x16xf32>,
        %swap3A_891 = vector.shape_cast %swap3A_890 : vector<1x16xf32> to vector<16xf32>
        %swap3A_892 = vector.shape_cast %add3A_887 : vector<16xf32> to vector<1x16xf32>
        tpu.vector_store %arg10[%swap3A_888, %swap3A_889], %swap3A_892 {strides = array<i32>} : memref<32x768xf32, #tpu.memory_space<vmem>>, vector<1x16xf32>,
        %get3A_893 = arith.index_cast %scan3A_237 : i32 to index
        %get3A_894 = arith.constant 656 : index
        %get3A_895 = tpu.vector_load %arg10[%get3A_893, %get3A_894] {strides = array<i32>} : memref<32x768xf32, #tpu.memory_space<vmem>>, vector<1x16xf32>,
        %get3A_896 = vector.shape_cast %get3A_895 : vector<1x16xf32> to vector<16xf32>
        %add3A_897 = arith.constant 0 : i32
        %add3A_898 = arith.addi %add3A_897, %scan3A_237 : i32
        %get3A_899 = arith.index_cast %add3A_898 : i32 to index
        %get3A_900 = arith.constant 656 : index
        %get3A_901 = tpu.vector_load %arg7[%get3A_899, %get3A_900] {strides = array<i32>} : memref<32x768xf32, #tpu.memory_space<vmem>>, vector<1x16xf32>,
        %get3A_902 = vector.shape_cast %get3A_901 : vector<1x16xf32> to vector<16xf32>
        %add3A_903 = arith.addf %get3A_896, %get3A_902 : vector<16xf32>
        %swap3A_904 = arith.index_cast %scan3A_237 : i32 to index
        %swap3A_905 = arith.constant 656 : index
        %swap3A_906 = tpu.vector_load %arg10[%swap3A_904, %swap3A_905] {strides = array<i32>} : memref<32x768xf32, #tpu.memory_space<vmem>>, vector<1x16xf32>,
        %swap3A_907 = vector.shape_cast %swap3A_906 : vector<1x16xf32> to vector<16xf32>
        %swap3A_908 = vector.shape_cast %add3A_903 : vector<16xf32> to vector<1x16xf32>
        tpu.vector_store %arg10[%swap3A_904, %swap3A_905], %swap3A_908 {strides = array<i32>} : memref<32x768xf32, #tpu.memory_space<vmem>>, vector<1x16xf32>,
        %get3A_909 = arith.index_cast %scan3A_237 : i32 to index
        %get3A_910 = arith.constant 672 : index
        %get3A_911 = tpu.vector_load %arg10[%get3A_909, %get3A_910] {strides = array<i32>} : memref<32x768xf32, #tpu.memory_space<vmem>>, vector<1x16xf32>,
        %get3A_912 = vector.shape_cast %get3A_911 : vector<1x16xf32> to vector<16xf32>
        %add3A_913 = arith.constant 0 : i32
        %add3A_914 = arith.addi %add3A_913, %scan3A_237 : i32
        %get3A_915 = arith.index_cast %add3A_914 : i32 to index
        %get3A_916 = arith.constant 672 : index
        %get3A_917 = tpu.vector_load %arg7[%get3A_915, %get3A_916] {strides = array<i32>} : memref<32x768xf32, #tpu.memory_space<vmem>>, vector<1x16xf32>,
        %get3A_918 = vector.shape_cast %get3A_917 : vector<1x16xf32> to vector<16xf32>
        %add3A_919 = arith.addf %get3A_912, %get3A_918 : vector<16xf32>
        %swap3A_920 = arith.index_cast %scan3A_237 : i32 to index
        %swap3A_921 = arith.constant 672 : index
        %swap3A_922 = tpu.vector_load %arg10[%swap3A_920, %swap3A_921] {strides = array<i32>} : memref<32x768xf32, #tpu.memory_space<vmem>>, vector<1x16xf32>,
        %swap3A_923 = vector.shape_cast %swap3A_922 : vector<1x16xf32> to vector<16xf32>
        %swap3A_924 = vector.shape_cast %add3A_919 : vector<16xf32> to vector<1x16xf32>
        tpu.vector_store %arg10[%swap3A_920, %swap3A_921], %swap3A_924 {strides = array<i32>} : memref<32x768xf32, #tpu.memory_space<vmem>>, vector<1x16xf32>,
        %get3A_925 = arith.index_cast %scan3A_237 : i32 to index
        %get3A_926 = arith.constant 688 : index
        %get3A_927 = tpu.vector_load %arg10[%get3A_925, %get3A_926] {strides = array<i32>} : memref<32x768xf32, #tpu.memory_space<vmem>>, vector<1x16xf32>,
        %get3A_928 = vector.shape_cast %get3A_927 : vector<1x16xf32> to vector<16xf32>
        %add3A_929 = arith.constant 0 : i32
        %add3A_930 = arith.addi %add3A_929, %scan3A_237 : i32
        %get3A_931 = arith.index_cast %add3A_930 : i32 to index
        %get3A_932 = arith.constant 688 : index
        %get3A_933 = tpu.vector_load %arg7[%get3A_931, %get3A_932] {strides = array<i32>} : memref<32x768xf32, #tpu.memory_space<vmem>>, vector<1x16xf32>,
        %get3A_934 = vector.shape_cast %get3A_933 : vector<1x16xf32> to vector<16xf32>
        %add3A_935 = arith.addf %get3A_928, %get3A_934 : vector<16xf32>
        %swap3A_936 = arith.index_cast %scan3A_237 : i32 to index
        %swap3A_937 = arith.constant 688 : index
        %swap3A_938 = tpu.vector_load %arg10[%swap3A_936, %swap3A_937] {strides = array<i32>} : memref<32x768xf32, #tpu.memory_space<vmem>>, vector<1x16xf32>,
        %swap3A_939 = vector.shape_cast %swap3A_938 : vector<1x16xf32> to vector<16xf32>
        %swap3A_940 = vector.shape_cast %add3A_935 : vector<16xf32> to vector<1x16xf32>
        tpu.vector_store %arg10[%swap3A_936, %swap3A_937], %swap3A_940 {strides = array<i32>} : memref<32x768xf32, #tpu.memory_space<vmem>>, vector<1x16xf32>,
        %get3A_941 = arith.index_cast %scan3A_237 : i32 to index
        %get3A_942 = arith.constant 704 : index
        %get3A_943 = tpu.vector_load %arg10[%get3A_941, %get3A_942] {strides = array<i32>} : memref<32x768xf32, #tpu.memory_space<vmem>>, vector<1x16xf32>,
        %get3A_944 = vector.shape_cast %get3A_943 : vector<1x16xf32> to vector<16xf32>
        %add3A_945 = arith.constant 0 : i32
        %add3A_946 = arith.addi %add3A_945, %scan3A_237 : i32
        %get3A_947 = arith.index_cast %add3A_946 : i32 to index
        %get3A_948 = arith.constant 704 : index
        %get3A_949 = tpu.vector_load %arg7[%get3A_947, %get3A_948] {strides = array<i32>} : memref<32x768xf32, #tpu.memory_space<vmem>>, vector<1x16xf32>,
        %get3A_950 = vector.shape_cast %get3A_949 : vector<1x16xf32> to vector<16xf32>
        %add3A_951 = arith.addf %get3A_944, %get3A_950 : vector<16xf32>
        %swap3A_952 = arith.index_cast %scan3A_237 : i32 to index
        %swap3A_953 = arith.constant 704 : index
        %swap3A_954 = tpu.vector_load %arg10[%swap3A_952, %swap3A_953] {strides = array<i32>} : memref<32x768xf32, #tpu.memory_space<vmem>>, vector<1x16xf32>,
        %swap3A_955 = vector.shape_cast %swap3A_954 : vector<1x16xf32> to vector<16xf32>
        %swap3A_956 = vector.shape_cast %add3A_951 : vector<16xf32> to vector<1x16xf32>
        tpu.vector_store %arg10[%swap3A_952, %swap3A_953], %swap3A_956 {strides = array<i32>} : memref<32x768xf32, #tpu.memory_space<vmem>>, vector<1x16xf32>,
        %get3A_957 = arith.index_cast %scan3A_237 : i32 to index
        %get3A_958 = arith.constant 720 : index
        %get3A_959 = tpu.vector_load %arg10[%get3A_957, %get3A_958] {strides = array<i32>} : memref<32x768xf32, #tpu.memory_space<vmem>>, vector<1x16xf32>,
        %get3A_960 = vector.shape_cast %get3A_959 : vector<1x16xf32> to vector<16xf32>
        %add3A_961 = arith.constant 0 : i32
        %add3A_962 = arith.addi %add3A_961, %scan3A_237 : i32
        %get3A_963 = arith.index_cast %add3A_962 : i32 to index
        %get3A_964 = arith.constant 720 : index
        %get3A_965 = tpu.vector_load %arg7[%get3A_963, %get3A_964] {strides = array<i32>} : memref<32x768xf32, #tpu.memory_space<vmem>>, vector<1x16xf32>,
        %get3A_966 = vector.shape_cast %get3A_965 : vector<1x16xf32> to vector<16xf32>
        %add3A_967 = arith.addf %get3A_960, %get3A_966 : vector<16xf32>
        %swap3A_968 = arith.index_cast %scan3A_237 : i32 to index
        %swap3A_969 = arith.constant 720 : index
        %swap3A_970 = tpu.vector_load %arg10[%swap3A_968, %swap3A_969] {strides = array<i32>} : memref<32x768xf32, #tpu.memory_space<vmem>>, vector<1x16xf32>,
        %swap3A_971 = vector.shape_cast %swap3A_970 : vector<1x16xf32> to vector<16xf32>
        %swap3A_972 = vector.shape_cast %add3A_967 : vector<16xf32> to vector<1x16xf32>
        tpu.vector_store %arg10[%swap3A_968, %swap3A_969], %swap3A_972 {strides = array<i32>} : memref<32x768xf32, #tpu.memory_space<vmem>>, vector<1x16xf32>,
        %get3A_973 = arith.index_cast %scan3A_237 : i32 to index
        %get3A_974 = arith.constant 736 : index
        %get3A_975 = tpu.vector_load %arg10[%get3A_973, %get3A_974] {strides = array<i32>} : memref<32x768xf32, #tpu.memory_space<vmem>>, vector<1x16xf32>,
        %get3A_976 = vector.shape_cast %get3A_975 : vector<1x16xf32> to vector<16xf32>
        %add3A_977 = arith.constant 0 : i32
        %add3A_978 = arith.addi %add3A_977, %scan3A_237 : i32
        %get3A_979 = arith.index_cast %add3A_978 : i32 to index
        %get3A_980 = arith.constant 736 : index
        %get3A_981 = tpu.vector_load %arg7[%get3A_979, %get3A_980] {strides = array<i32>} : memref<32x768xf32, #tpu.memory_space<vmem>>, vector<1x16xf32>,
        %get3A_982 = vector.shape_cast %get3A_981 : vector<1x16xf32> to vector<16xf32>
        %add3A_983 = arith.addf %get3A_976, %get3A_982 : vector<16xf32>
        %swap3A_984 = arith.index_cast %scan3A_237 : i32 to index
        %swap3A_985 = arith.constant 736 : index
        %swap3A_986 = tpu.vector_load %arg10[%swap3A_984, %swap3A_985] {strides = array<i32>} : memref<32x768xf32, #tpu.memory_space<vmem>>, vector<1x16xf32>,
        %swap3A_987 = vector.shape_cast %swap3A_986 : vector<1x16xf32> to vector<16xf32>
        %swap3A_988 = vector.shape_cast %add3A_983 : vector<16xf32> to vector<1x16xf32>
        tpu.vector_store %arg10[%swap3A_984, %swap3A_985], %swap3A_988 {strides = array<i32>} : memref<32x768xf32, #tpu.memory_space<vmem>>, vector<1x16xf32>,
        %get3A_989 = arith.index_cast %scan3A_237 : i32 to index
        %get3A_990 = arith.constant 752 : index
        %get3A_991 = tpu.vector_load %arg10[%get3A_989, %get3A_990] {strides = array<i32>} : memref<32x768xf32, #tpu.memory_space<vmem>>, vector<1x16xf32>,
        %get3A_992 = vector.shape_cast %get3A_991 : vector<1x16xf32> to vector<16xf32>
        %add3A_993 = arith.constant 0 : i32
        %add3A_994 = arith.addi %add3A_993, %scan3A_237 : i32
        %get3A_995 = arith.index_cast %add3A_994 : i32 to index
        %get3A_996 = arith.constant 752 : index
        %get3A_997 = tpu.vector_load %arg7[%get3A_995, %get3A_996] {strides = array<i32>} : memref<32x768xf32, #tpu.memory_space<vmem>>, vector<1x16xf32>,
        %get3A_998 = vector.shape_cast %get3A_997 : vector<1x16xf32> to vector<16xf32>
        %add3A_999 = arith.addf %get3A_992, %get3A_998 : vector<16xf32>
        %swap3A_1000 = arith.index_cast %scan3A_237 : i32 to index
        %swap3A_1001 = arith.constant 752 : index
        %swap3A_1002 = tpu.vector_load %arg10[%swap3A_1000, %swap3A_1001] {strides = array<i32>} : memref<32x768xf32, #tpu.memory_space<vmem>>, vector<1x16xf32>,
        %swap3A_1003 = vector.shape_cast %swap3A_1002 : vector<1x16xf32> to vector<16xf32>
        %swap3A_1004 = vector.shape_cast %add3A_999 : vector<16xf32> to vector<1x16xf32>
        tpu.vector_store %arg10[%swap3A_1000, %swap3A_1001], %swap3A_1004 {strides = array<i32>} : memref<32x768xf32, #tpu.memory_space<vmem>>, vector<1x16xf32>,
        %scan3A_1005 = arith.constant 0 : i32
        scf.yield %scan3A_1005 : i32
      }
      %scan3A_179 = arith.constant 32 : i32
      %mul3A_180 = arith.constant 4 : i32
      %mul3A_181 = arith.muli %mul3A_180, %scan3A_93 : i32
      %add3A_182 = arith.constant 2 : i32
      %add3A_183 = arith.addi %mul3A_181, %add3A_182 : i32
      %mul3A_184 = arith.constant 1024 : i32
      %mul3A_185 = arith.muli %add3A_183, %mul3A_184 : i32
      %add3A_186 = arith.addi %mul3A_185, %multiple_of3A : i32
      %add3A_187 = arith.constant 0 : i32
      %add3A_188 = arith.addi %add3A_186, %add3A_187 : i32
      %dma_start3A_189 = arith.constant 0 : i32
      %dma_start3A_190 = tpu.memref_slice %arg5[%add3A_188, %dma_start3A_189] : memref<65536x768xf32, #tpu.memory_space<hbm>> -> memref<32x768xf32, #tpu.memory_space<hbm>>
      %dma_start3A_191 = arith.constant 0 : i32
      %dma_start3A_192 = tpu.memref_slice %arg5[%add3A_188, %dma_start3A_191] : memref<65536x768xf32, #tpu.memory_space<hbm>> -> memref<32x768xf32, #tpu.memory_space<hbm>>
      tpu.enqueue_dma source(%arg10 : memref<32x768xf32, #tpu.memory_space<vmem>>) target(%dma_start3A_192 : memref<32x768xf32, #tpu.memory_space<hbm>>) target_semaphore(%arg18 : memref<!tpu.dma_semaphore, #tpu.memory_space<semaphore_mem>>)
      %add3A_193 = arith.constant 3 : i32
      %add3A_194 = arith.addi %add3A_167, %add3A_193 : i32
      %lt3A_195 = arith.constant 64 : i32
      %lt3A_196 = arith.cmpi slt, %add3A_194, %lt3A_195 : i32
      %convert_element_type3A_197 = arith.extui %lt3A_196 : i1 to i32
      %cond3A_198 = arith.constant 0 : i32
      %cond3A_199 = arith.cmpi ne, %convert_element_type3A_197, %cond3A_198 : i32
      scf.if %cond3A_199 {
        %ge3A = arith.constant 1 : i32
        %ge3A_237 = arith.cmpi sge, %add3A_167, %ge3A : i32
        %convert_element_type3A_238 = arith.extui %ge3A_237 : i1 to i32
        %cond3A_239 = arith.constant 0 : i32
        %cond3A_240 = arith.cmpi ne, %convert_element_type3A_238, %cond3A_239 : i32
        scf.if %cond3A_240 {
          %dma_wait3A_247 = arith.constant 0 : i32
          %dma_wait3A_248 = arith.constant 0 : i32
          %dma_wait3A_249 = tpu.memref_slice %arg5[%dma_wait3A_247, %dma_wait3A_248] : memref<65536x768xf32, #tpu.memory_space<hbm>> -> memref<32x768xf32, #tpu.memory_space<hbm>>
          %dma_wait3A_250 = arith.constant 0 : i32
          %dma_wait3A_251 = arith.constant 0 : i32
          %dma_wait3A_252 = tpu.memref_slice %arg5[%dma_wait3A_250, %dma_wait3A_251] : memref<65536x768xf32, #tpu.memory_space<hbm>> -> memref<32x768xf32, #tpu.memory_space<hbm>>
          tpu.wait_dma2 semaphore(%arg17 : memref<!tpu.dma_semaphore, #tpu.memory_space<semaphore_mem>>) src(%arg9 : memref<32x768xf32, #tpu.memory_space<vmem>>) dst(%dma_wait3A_252 : memref<32x768xf32, #tpu.memory_space<hbm>>)
        } else {
        }
        %mul3A_241 = arith.constant 32 : i32
        %mul3A_242 = arith.muli %add3A_194, %mul3A_241 : i32
        %dma_start3A_243 = tpu.memref_slice %arg6[%mul3A_242] : memref<2048xi32, #tpu.memory_space<vmem>> -> memref<32xi32, #tpu.memory_space<vmem>>
        %dma_start3A_244 = arith.constant 0 : i32
        %dma_start3A_245 = arith.constant 0 : i32
        %dma_start3A_246 = tpu.memref_slice %arg3[%dma_start3A_244, %dma_start3A_245] : memref<50257x768xf32, #tpu.memory_space<hbm>> -> memref<50257x768xf32, #tpu.memory_space<hbm>>
        tpu.enqueue_indirect_dma source(%dma_start3A_246 : memref<50257x768xf32, #tpu.memory_space<hbm>>) target(%arg9 : memref<32x768xf32, #tpu.memory_space<vmem>>) offsets(%dma_start3A_243 : memref<32xi32, #tpu.memory_space<vmem>>) semaphore(%arg13 : memref<!tpu.dma_semaphore, #tpu.memory_space<semaphore_mem>>)
      } else {
      }
      %mul3A_200 = arith.constant 4 : i32
      %mul3A_201 = arith.muli %mul3A_200, %scan3A_93 : i32
      %add3A_202 = arith.constant 3 : i32
      %add3A_203 = arith.addi %mul3A_201, %add3A_202 : i32
      %dma_wait3A_204 = arith.constant 0 : i32
      %dma_wait3A_205 = tpu.memref_slice %arg6[%dma_wait3A_204] : memref<2048xi32, #tpu.memory_space<vmem>> -> memref<32xi32, #tpu.memory_space<vmem>>
      %dma_wait3A_206 = arith.constant 0 : i32
      %dma_wait3A_207 = arith.constant 0 : i32
      %dma_wait3A_208 = tpu.memref_slice %arg3[%dma_wait3A_206, %dma_wait3A_207] : memref<50257x768xf32, #tpu.memory_space<hbm>> -> memref<50257x768xf32, #tpu.memory_space<hbm>>
      tpu.wait_indirect_dma semaphore(%arg15 : memref<!tpu.dma_semaphore, #tpu.memory_space<semaphore_mem>>) src(%dma_wait3A_208 : memref<50257x768xf32, #tpu.memory_space<hbm>>) dst(%arg11 : memref<32x768xf32, #tpu.memory_space<vmem>>)
      %scan3A_209 = arith.constant 0 : i32
      %scan3A_210 = arith.constant 0 : i32
      %scan3A_211 = arith.constant 32 : i32
      %scan3A_212 = arith.addi %scan3A_210, %scan3A_211 : i32
      %scan3A_213 = arith.constant 1 : i32
      %scan3A_214 = scf.for %scan3A_237 = %scan3A_210 to %scan3A_212 step %scan3A_213 iter_args(%scan3A_238 = %scan3A_209) -> (i32)  : i32 {
        %get3A = arith.index_cast %scan3A_237 : i32 to index
        %get3A_239 = arith.constant 0 : index
        %get3A_240 = tpu.vector_load %arg11[%get3A, %get3A_239] {strides = array<i32>} : memref<32x768xf32, #tpu.memory_space<vmem>>, vector<1x16xf32>,
        %get3A_241 = vector.shape_cast %get3A_240 : vector<1x16xf32> to vector<16xf32>
        %add3A_242 = arith.constant 0 : i32
        %add3A_243 = arith.addi %add3A_242, %scan3A_237 : i32
        %get3A_244 = arith.index_cast %add3A_243 : i32 to index
        %get3A_245 = arith.constant 0 : index
        %get3A_246 = tpu.vector_load %arg7[%get3A_244, %get3A_245] {strides = array<i32>} : memref<32x768xf32, #tpu.memory_space<vmem>>, vector<1x16xf32>,
        %get3A_247 = vector.shape_cast %get3A_246 : vector<1x16xf32> to vector<16xf32>
        %add3A_248 = arith.addf %get3A_241, %get3A_247 : vector<16xf32>
        %swap3A = arith.index_cast %scan3A_237 : i32 to index
        %swap3A_249 = arith.constant 0 : index
        %swap3A_250 = tpu.vector_load %arg11[%swap3A, %swap3A_249] {strides = array<i32>} : memref<32x768xf32, #tpu.memory_space<vmem>>, vector<1x16xf32>,
        %swap3A_251 = vector.shape_cast %swap3A_250 : vector<1x16xf32> to vector<16xf32>
        %swap3A_252 = vector.shape_cast %add3A_248 : vector<16xf32> to vector<1x16xf32>
        tpu.vector_store %arg11[%swap3A, %swap3A_249], %swap3A_252 {strides = array<i32>} : memref<32x768xf32, #tpu.memory_space<vmem>>, vector<1x16xf32>,
        %get3A_253 = arith.index_cast %scan3A_237 : i32 to index
        %get3A_254 = arith.constant 16 : index
        %get3A_255 = tpu.vector_load %arg11[%get3A_253, %get3A_254] {strides = array<i32>} : memref<32x768xf32, #tpu.memory_space<vmem>>, vector<1x16xf32>,
        %get3A_256 = vector.shape_cast %get3A_255 : vector<1x16xf32> to vector<16xf32>
        %add3A_257 = arith.constant 0 : i32
        %add3A_258 = arith.addi %add3A_257, %scan3A_237 : i32
        %get3A_259 = arith.index_cast %add3A_258 : i32 to index
        %get3A_260 = arith.constant 16 : index
        %get3A_261 = tpu.vector_load %arg7[%get3A_259, %get3A_260] {strides = array<i32>} : memref<32x768xf32, #tpu.memory_space<vmem>>, vector<1x16xf32>,
        %get3A_262 = vector.shape_cast %get3A_261 : vector<1x16xf32> to vector<16xf32>
        %add3A_263 = arith.addf %get3A_256, %get3A_262 : vector<16xf32>
        %swap3A_264 = arith.index_cast %scan3A_237 : i32 to index
        %swap3A_265 = arith.constant 16 : index
        %swap3A_266 = tpu.vector_load %arg11[%swap3A_264, %swap3A_265] {strides = array<i32>} : memref<32x768xf32, #tpu.memory_space<vmem>>, vector<1x16xf32>,
        %swap3A_267 = vector.shape_cast %swap3A_266 : vector<1x16xf32> to vector<16xf32>
        %swap3A_268 = vector.shape_cast %add3A_263 : vector<16xf32> to vector<1x16xf32>
        tpu.vector_store %arg11[%swap3A_264, %swap3A_265], %swap3A_268 {strides = array<i32>} : memref<32x768xf32, #tpu.memory_space<vmem>>, vector<1x16xf32>,
        %get3A_269 = arith.index_cast %scan3A_237 : i32 to index
        %get3A_270 = arith.constant 32 : index
        %get3A_271 = tpu.vector_load %arg11[%get3A_269, %get3A_270] {strides = array<i32>} : memref<32x768xf32, #tpu.memory_space<vmem>>, vector<1x16xf32>,
        %get3A_272 = vector.shape_cast %get3A_271 : vector<1x16xf32> to vector<16xf32>
        %add3A_273 = arith.constant 0 : i32
        %add3A_274 = arith.addi %add3A_273, %scan3A_237 : i32
        %get3A_275 = arith.index_cast %add3A_274 : i32 to index
        %get3A_276 = arith.constant 32 : index
        %get3A_277 = tpu.vector_load %arg7[%get3A_275, %get3A_276] {strides = array<i32>} : memref<32x768xf32, #tpu.memory_space<vmem>>, vector<1x16xf32>,
        %get3A_278 = vector.shape_cast %get3A_277 : vector<1x16xf32> to vector<16xf32>
        %add3A_279 = arith.addf %get3A_272, %get3A_278 : vector<16xf32>
        %swap3A_280 = arith.index_cast %scan3A_237 : i32 to index
        %swap3A_281 = arith.constant 32 : index
        %swap3A_282 = tpu.vector_load %arg11[%swap3A_280, %swap3A_281] {strides = array<i32>} : memref<32x768xf32, #tpu.memory_space<vmem>>, vector<1x16xf32>,
        %swap3A_283 = vector.shape_cast %swap3A_282 : vector<1x16xf32> to vector<16xf32>
        %swap3A_284 = vector.shape_cast %add3A_279 : vector<16xf32> to vector<1x16xf32>
        tpu.vector_store %arg11[%swap3A_280, %swap3A_281], %swap3A_284 {strides = array<i32>} : memref<32x768xf32, #tpu.memory_space<vmem>>, vector<1x16xf32>,
        %get3A_285 = arith.index_cast %scan3A_237 : i32 to index
        %get3A_286 = arith.constant 48 : index
        %get3A_287 = tpu.vector_load %arg11[%get3A_285, %get3A_286] {strides = array<i32>} : memref<32x768xf32, #tpu.memory_space<vmem>>, vector<1x16xf32>,
        %get3A_288 = vector.shape_cast %get3A_287 : vector<1x16xf32> to vector<16xf32>
        %add3A_289 = arith.constant 0 : i32
        %add3A_290 = arith.addi %add3A_289, %scan3A_237 : i32
        %get3A_291 = arith.index_cast %add3A_290 : i32 to index
        %get3A_292 = arith.constant 48 : index
        %get3A_293 = tpu.vector_load %arg7[%get3A_291, %get3A_292] {strides = array<i32>} : memref<32x768xf32, #tpu.memory_space<vmem>>, vector<1x16xf32>,
        %get3A_294 = vector.shape_cast %get3A_293 : vector<1x16xf32> to vector<16xf32>
        %add3A_295 = arith.addf %get3A_288, %get3A_294 : vector<16xf32>
        %swap3A_296 = arith.index_cast %scan3A_237 : i32 to index
        %swap3A_297 = arith.constant 48 : index
        %swap3A_298 = tpu.vector_load %arg11[%swap3A_296, %swap3A_297] {strides = array<i32>} : memref<32x768xf32, #tpu.memory_space<vmem>>, vector<1x16xf32>,
        %swap3A_299 = vector.shape_cast %swap3A_298 : vector<1x16xf32> to vector<16xf32>
        %swap3A_300 = vector.shape_cast %add3A_295 : vector<16xf32> to vector<1x16xf32>
        tpu.vector_store %arg11[%swap3A_296, %swap3A_297], %swap3A_300 {strides = array<i32>} : memref<32x768xf32, #tpu.memory_space<vmem>>, vector<1x16xf32>,
        %get3A_301 = arith.index_cast %scan3A_237 : i32 to index
        %get3A_302 = arith.constant 64 : index
        %get3A_303 = tpu.vector_load %arg11[%get3A_301, %get3A_302] {strides = array<i32>} : memref<32x768xf32, #tpu.memory_space<vmem>>, vector<1x16xf32>,
        %get3A_304 = vector.shape_cast %get3A_303 : vector<1x16xf32> to vector<16xf32>
        %add3A_305 = arith.constant 0 : i32
        %add3A_306 = arith.addi %add3A_305, %scan3A_237 : i32
        %get3A_307 = arith.index_cast %add3A_306 : i32 to index
        %get3A_308 = arith.constant 64 : index
        %get3A_309 = tpu.vector_load %arg7[%get3A_307, %get3A_308] {strides = array<i32>} : memref<32x768xf32, #tpu.memory_space<vmem>>, vector<1x16xf32>,
        %get3A_310 = vector.shape_cast %get3A_309 : vector<1x16xf32> to vector<16xf32>
        %add3A_311 = arith.addf %get3A_304, %get3A_310 : vector<16xf32>
        %swap3A_312 = arith.index_cast %scan3A_237 : i32 to index
        %swap3A_313 = arith.constant 64 : index
        %swap3A_314 = tpu.vector_load %arg11[%swap3A_312, %swap3A_313] {strides = array<i32>} : memref<32x768xf32, #tpu.memory_space<vmem>>, vector<1x16xf32>,
        %swap3A_315 = vector.shape_cast %swap3A_314 : vector<1x16xf32> to vector<16xf32>
        %swap3A_316 = vector.shape_cast %add3A_311 : vector<16xf32> to vector<1x16xf32>
        tpu.vector_store %arg11[%swap3A_312, %swap3A_313], %swap3A_316 {strides = array<i32>} : memref<32x768xf32, #tpu.memory_space<vmem>>, vector<1x16xf32>,
        %get3A_317 = arith.index_cast %scan3A_237 : i32 to index
        %get3A_318 = arith.constant 80 : index
        %get3A_319 = tpu.vector_load %arg11[%get3A_317, %get3A_318] {strides = array<i32>} : memref<32x768xf32, #tpu.memory_space<vmem>>, vector<1x16xf32>,
        %get3A_320 = vector.shape_cast %get3A_319 : vector<1x16xf32> to vector<16xf32>
        %add3A_321 = arith.constant 0 : i32
        %add3A_322 = arith.addi %add3A_321, %scan3A_237 : i32
        %get3A_323 = arith.index_cast %add3A_322 : i32 to index
        %get3A_324 = arith.constant 80 : index
        %get3A_325 = tpu.vector_load %arg7[%get3A_323, %get3A_324] {strides = array<i32>} : memref<32x768xf32, #tpu.memory_space<vmem>>, vector<1x16xf32>,
        %get3A_326 = vector.shape_cast %get3A_325 : vector<1x16xf32> to vector<16xf32>
        %add3A_327 = arith.addf %get3A_320, %get3A_326 : vector<16xf32>
        %swap3A_328 = arith.index_cast %scan3A_237 : i32 to index
        %swap3A_329 = arith.constant 80 : index
        %swap3A_330 = tpu.vector_load %arg11[%swap3A_328, %swap3A_329] {strides = array<i32>} : memref<32x768xf32, #tpu.memory_space<vmem>>, vector<1x16xf32>,
        %swap3A_331 = vector.shape_cast %swap3A_330 : vector<1x16xf32> to vector<16xf32>
        %swap3A_332 = vector.shape_cast %add3A_327 : vector<16xf32> to vector<1x16xf32>
        tpu.vector_store %arg11[%swap3A_328, %swap3A_329], %swap3A_332 {strides = array<i32>} : memref<32x768xf32, #tpu.memory_space<vmem>>, vector<1x16xf32>,
        %get3A_333 = arith.index_cast %scan3A_237 : i32 to index
        %get3A_334 = arith.constant 96 : index
        %get3A_335 = tpu.vector_load %arg11[%get3A_333, %get3A_334] {strides = array<i32>} : memref<32x768xf32, #tpu.memory_space<vmem>>, vector<1x16xf32>,
        %get3A_336 = vector.shape_cast %get3A_335 : vector<1x16xf32> to vector<16xf32>
        %add3A_337 = arith.constant 0 : i32
        %add3A_338 = arith.addi %add3A_337, %scan3A_237 : i32
        %get3A_339 = arith.index_cast %add3A_338 : i32 to index
        %get3A_340 = arith.constant 96 : index
        %get3A_341 = tpu.vector_load %arg7[%get3A_339, %get3A_340] {strides = array<i32>} : memref<32x768xf32, #tpu.memory_space<vmem>>, vector<1x16xf32>,
        %get3A_342 = vector.shape_cast %get3A_341 : vector<1x16xf32> to vector<16xf32>
        %add3A_343 = arith.addf %get3A_336, %get3A_342 : vector<16xf32>
        %swap3A_344 = arith.index_cast %scan3A_237 : i32 to index
        %swap3A_345 = arith.constant 96 : index
        %swap3A_346 = tpu.vector_load %arg11[%swap3A_344, %swap3A_345] {strides = array<i32>} : memref<32x768xf32, #tpu.memory_space<vmem>>, vector<1x16xf32>,
        %swap3A_347 = vector.shape_cast %swap3A_346 : vector<1x16xf32> to vector<16xf32>
        %swap3A_348 = vector.shape_cast %add3A_343 : vector<16xf32> to vector<1x16xf32>
        tpu.vector_store %arg11[%swap3A_344, %swap3A_345], %swap3A_348 {strides = array<i32>} : memref<32x768xf32, #tpu.memory_space<vmem>>, vector<1x16xf32>,
        %get3A_349 = arith.index_cast %scan3A_237 : i32 to index
        %get3A_350 = arith.constant 112 : index
        %get3A_351 = tpu.vector_load %arg11[%get3A_349, %get3A_350] {strides = array<i32>} : memref<32x768xf32, #tpu.memory_space<vmem>>, vector<1x16xf32>,
        %get3A_352 = vector.shape_cast %get3A_351 : vector<1x16xf32> to vector<16xf32>
        %add3A_353 = arith.constant 0 : i32
        %add3A_354 = arith.addi %add3A_353, %scan3A_237 : i32
        %get3A_355 = arith.index_cast %add3A_354 : i32 to index
        %get3A_356 = arith.constant 112 : index
        %get3A_357 = tpu.vector_load %arg7[%get3A_355, %get3A_356] {strides = array<i32>} : memref<32x768xf32, #tpu.memory_space<vmem>>, vector<1x16xf32>,
        %get3A_358 = vector.shape_cast %get3A_357 : vector<1x16xf32> to vector<16xf32>
        %add3A_359 = arith.addf %get3A_352, %get3A_358 : vector<16xf32>
        %swap3A_360 = arith.index_cast %scan3A_237 : i32 to index
        %swap3A_361 = arith.constant 112 : index
        %swap3A_362 = tpu.vector_load %arg11[%swap3A_360, %swap3A_361] {strides = array<i32>} : memref<32x768xf32, #tpu.memory_space<vmem>>, vector<1x16xf32>,
        %swap3A_363 = vector.shape_cast %swap3A_362 : vector<1x16xf32> to vector<16xf32>
        %swap3A_364 = vector.shape_cast %add3A_359 : vector<16xf32> to vector<1x16xf32>
        tpu.vector_store %arg11[%swap3A_360, %swap3A_361], %swap3A_364 {strides = array<i32>} : memref<32x768xf32, #tpu.memory_space<vmem>>, vector<1x16xf32>,
        %get3A_365 = arith.index_cast %scan3A_237 : i32 to index
        %get3A_366 = arith.constant 128 : index
        %get3A_367 = tpu.vector_load %arg11[%get3A_365, %get3A_366] {strides = array<i32>} : memref<32x768xf32, #tpu.memory_space<vmem>>, vector<1x16xf32>,
        %get3A_368 = vector.shape_cast %get3A_367 : vector<1x16xf32> to vector<16xf32>
        %add3A_369 = arith.constant 0 : i32
        %add3A_370 = arith.addi %add3A_369, %scan3A_237 : i32
        %get3A_371 = arith.index_cast %add3A_370 : i32 to index
        %get3A_372 = arith.constant 128 : index
        %get3A_373 = tpu.vector_load %arg7[%get3A_371, %get3A_372] {strides = array<i32>} : memref<32x768xf32, #tpu.memory_space<vmem>>, vector<1x16xf32>,
        %get3A_374 = vector.shape_cast %get3A_373 : vector<1x16xf32> to vector<16xf32>
        %add3A_375 = arith.addf %get3A_368, %get3A_374 : vector<16xf32>
        %swap3A_376 = arith.index_cast %scan3A_237 : i32 to index
        %swap3A_377 = arith.constant 128 : index
        %swap3A_378 = tpu.vector_load %arg11[%swap3A_376, %swap3A_377] {strides = array<i32>} : memref<32x768xf32, #tpu.memory_space<vmem>>, vector<1x16xf32>,
        %swap3A_379 = vector.shape_cast %swap3A_378 : vector<1x16xf32> to vector<16xf32>
        %swap3A_380 = vector.shape_cast %add3A_375 : vector<16xf32> to vector<1x16xf32>
        tpu.vector_store %arg11[%swap3A_376, %swap3A_377], %swap3A_380 {strides = array<i32>} : memref<32x768xf32, #tpu.memory_space<vmem>>, vector<1x16xf32>,
        %get3A_381 = arith.index_cast %scan3A_237 : i32 to index
        %get3A_382 = arith.constant 144 : index
        %get3A_383 = tpu.vector_load %arg11[%get3A_381, %get3A_382] {strides = array<i32>} : memref<32x768xf32, #tpu.memory_space<vmem>>, vector<1x16xf32>,
        %get3A_384 = vector.shape_cast %get3A_383 : vector<1x16xf32> to vector<16xf32>
        %add3A_385 = arith.constant 0 : i32
        %add3A_386 = arith.addi %add3A_385, %scan3A_237 : i32
        %get3A_387 = arith.index_cast %add3A_386 : i32 to index
        %get3A_388 = arith.constant 144 : index
        %get3A_389 = tpu.vector_load %arg7[%get3A_387, %get3A_388] {strides = array<i32>} : memref<32x768xf32, #tpu.memory_space<vmem>>, vector<1x16xf32>,
        %get3A_390 = vector.shape_cast %get3A_389 : vector<1x16xf32> to vector<16xf32>
        %add3A_391 = arith.addf %get3A_384, %get3A_390 : vector<16xf32>
        %swap3A_392 = arith.index_cast %scan3A_237 : i32 to index
        %swap3A_393 = arith.constant 144 : index
        %swap3A_394 = tpu.vector_load %arg11[%swap3A_392, %swap3A_393] {strides = array<i32>} : memref<32x768xf32, #tpu.memory_space<vmem>>, vector<1x16xf32>,
        %swap3A_395 = vector.shape_cast %swap3A_394 : vector<1x16xf32> to vector<16xf32>
        %swap3A_396 = vector.shape_cast %add3A_391 : vector<16xf32> to vector<1x16xf32>
        tpu.vector_store %arg11[%swap3A_392, %swap3A_393], %swap3A_396 {strides = array<i32>} : memref<32x768xf32, #tpu.memory_space<vmem>>, vector<1x16xf32>,
        %get3A_397 = arith.index_cast %scan3A_237 : i32 to index
        %get3A_398 = arith.constant 160 : index
        %get3A_399 = tpu.vector_load %arg11[%get3A_397, %get3A_398] {strides = array<i32>} : memref<32x768xf32, #tpu.memory_space<vmem>>, vector<1x16xf32>,
        %get3A_400 = vector.shape_cast %get3A_399 : vector<1x16xf32> to vector<16xf32>
        %add3A_401 = arith.constant 0 : i32
        %add3A_402 = arith.addi %add3A_401, %scan3A_237 : i32
        %get3A_403 = arith.index_cast %add3A_402 : i32 to index
        %get3A_404 = arith.constant 160 : index
        %get3A_405 = tpu.vector_load %arg7[%get3A_403, %get3A_404] {strides = array<i32>} : memref<32x768xf32, #tpu.memory_space<vmem>>, vector<1x16xf32>,
        %get3A_406 = vector.shape_cast %get3A_405 : vector<1x16xf32> to vector<16xf32>
        %add3A_407 = arith.addf %get3A_400, %get3A_406 : vector<16xf32>
        %swap3A_408 = arith.index_cast %scan3A_237 : i32 to index
        %swap3A_409 = arith.constant 160 : index
        %swap3A_410 = tpu.vector_load %arg11[%swap3A_408, %swap3A_409] {strides = array<i32>} : memref<32x768xf32, #tpu.memory_space<vmem>>, vector<1x16xf32>,
        %swap3A_411 = vector.shape_cast %swap3A_410 : vector<1x16xf32> to vector<16xf32>
        %swap3A_412 = vector.shape_cast %add3A_407 : vector<16xf32> to vector<1x16xf32>
        tpu.vector_store %arg11[%swap3A_408, %swap3A_409], %swap3A_412 {strides = array<i32>} : memref<32x768xf32, #tpu.memory_space<vmem>>, vector<1x16xf32>,
        %get3A_413 = arith.index_cast %scan3A_237 : i32 to index
        %get3A_414 = arith.constant 176 : index
        %get3A_415 = tpu.vector_load %arg11[%get3A_413, %get3A_414] {strides = array<i32>} : memref<32x768xf32, #tpu.memory_space<vmem>>, vector<1x16xf32>,
        %get3A_416 = vector.shape_cast %get3A_415 : vector<1x16xf32> to vector<16xf32>
        %add3A_417 = arith.constant 0 : i32
        %add3A_418 = arith.addi %add3A_417, %scan3A_237 : i32
        %get3A_419 = arith.index_cast %add3A_418 : i32 to index
        %get3A_420 = arith.constant 176 : index
        %get3A_421 = tpu.vector_load %arg7[%get3A_419, %get3A_420] {strides = array<i32>} : memref<32x768xf32, #tpu.memory_space<vmem>>, vector<1x16xf32>,
        %get3A_422 = vector.shape_cast %get3A_421 : vector<1x16xf32> to vector<16xf32>
        %add3A_423 = arith.addf %get3A_416, %get3A_422 : vector<16xf32>
        %swap3A_424 = arith.index_cast %scan3A_237 : i32 to index
        %swap3A_425 = arith.constant 176 : index
        %swap3A_426 = tpu.vector_load %arg11[%swap3A_424, %swap3A_425] {strides = array<i32>} : memref<32x768xf32, #tpu.memory_space<vmem>>, vector<1x16xf32>,
        %swap3A_427 = vector.shape_cast %swap3A_426 : vector<1x16xf32> to vector<16xf32>
        %swap3A_428 = vector.shape_cast %add3A_423 : vector<16xf32> to vector<1x16xf32>
        tpu.vector_store %arg11[%swap3A_424, %swap3A_425], %swap3A_428 {strides = array<i32>} : memref<32x768xf32, #tpu.memory_space<vmem>>, vector<1x16xf32>,
        %get3A_429 = arith.index_cast %scan3A_237 : i32 to index
        %get3A_430 = arith.constant 192 : index
        %get3A_431 = tpu.vector_load %arg11[%get3A_429, %get3A_430] {strides = array<i32>} : memref<32x768xf32, #tpu.memory_space<vmem>>, vector<1x16xf32>,
        %get3A_432 = vector.shape_cast %get3A_431 : vector<1x16xf32> to vector<16xf32>
        %add3A_433 = arith.constant 0 : i32
        %add3A_434 = arith.addi %add3A_433, %scan3A_237 : i32
        %get3A_435 = arith.index_cast %add3A_434 : i32 to index
        %get3A_436 = arith.constant 192 : index
        %get3A_437 = tpu.vector_load %arg7[%get3A_435, %get3A_436] {strides = array<i32>} : memref<32x768xf32, #tpu.memory_space<vmem>>, vector<1x16xf32>,
        %get3A_438 = vector.shape_cast %get3A_437 : vector<1x16xf32> to vector<16xf32>
        %add3A_439 = arith.addf %get3A_432, %get3A_438 : vector<16xf32>
        %swap3A_440 = arith.index_cast %scan3A_237 : i32 to index
        %swap3A_441 = arith.constant 192 : index
        %swap3A_442 = tpu.vector_load %arg11[%swap3A_440, %swap3A_441] {strides = array<i32>} : memref<32x768xf32, #tpu.memory_space<vmem>>, vector<1x16xf32>,
        %swap3A_443 = vector.shape_cast %swap3A_442 : vector<1x16xf32> to vector<16xf32>
        %swap3A_444 = vector.shape_cast %add3A_439 : vector<16xf32> to vector<1x16xf32>
        tpu.vector_store %arg11[%swap3A_440, %swap3A_441], %swap3A_444 {strides = array<i32>} : memref<32x768xf32, #tpu.memory_space<vmem>>, vector<1x16xf32>,
        %get3A_445 = arith.index_cast %scan3A_237 : i32 to index
        %get3A_446 = arith.constant 208 : index
        %get3A_447 = tpu.vector_load %arg11[%get3A_445, %get3A_446] {strides = array<i32>} : memref<32x768xf32, #tpu.memory_space<vmem>>, vector<1x16xf32>,
        %get3A_448 = vector.shape_cast %get3A_447 : vector<1x16xf32> to vector<16xf32>
        %add3A_449 = arith.constant 0 : i32
        %add3A_450 = arith.addi %add3A_449, %scan3A_237 : i32
        %get3A_451 = arith.index_cast %add3A_450 : i32 to index
        %get3A_452 = arith.constant 208 : index
        %get3A_453 = tpu.vector_load %arg7[%get3A_451, %get3A_452] {strides = array<i32>} : memref<32x768xf32, #tpu.memory_space<vmem>>, vector<1x16xf32>,
        %get3A_454 = vector.shape_cast %get3A_453 : vector<1x16xf32> to vector<16xf32>
        %add3A_455 = arith.addf %get3A_448, %get3A_454 : vector<16xf32>
        %swap3A_456 = arith.index_cast %scan3A_237 : i32 to index
        %swap3A_457 = arith.constant 208 : index
        %swap3A_458 = tpu.vector_load %arg11[%swap3A_456, %swap3A_457] {strides = array<i32>} : memref<32x768xf32, #tpu.memory_space<vmem>>, vector<1x16xf32>,
        %swap3A_459 = vector.shape_cast %swap3A_458 : vector<1x16xf32> to vector<16xf32>
        %swap3A_460 = vector.shape_cast %add3A_455 : vector<16xf32> to vector<1x16xf32>
        tpu.vector_store %arg11[%swap3A_456, %swap3A_457], %swap3A_460 {strides = array<i32>} : memref<32x768xf32, #tpu.memory_space<vmem>>, vector<1x16xf32>,
        %get3A_461 = arith.index_cast %scan3A_237 : i32 to index
        %get3A_462 = arith.constant 224 : index
        %get3A_463 = tpu.vector_load %arg11[%get3A_461, %get3A_462] {strides = array<i32>} : memref<32x768xf32, #tpu.memory_space<vmem>>, vector<1x16xf32>,
        %get3A_464 = vector.shape_cast %get3A_463 : vector<1x16xf32> to vector<16xf32>
        %add3A_465 = arith.constant 0 : i32
        %add3A_466 = arith.addi %add3A_465, %scan3A_237 : i32
        %get3A_467 = arith.index_cast %add3A_466 : i32 to index
        %get3A_468 = arith.constant 224 : index
        %get3A_469 = tpu.vector_load %arg7[%get3A_467, %get3A_468] {strides = array<i32>} : memref<32x768xf32, #tpu.memory_space<vmem>>, vector<1x16xf32>,
        %get3A_470 = vector.shape_cast %get3A_469 : vector<1x16xf32> to vector<16xf32>
        %add3A_471 = arith.addf %get3A_464, %get3A_470 : vector<16xf32>
        %swap3A_472 = arith.index_cast %scan3A_237 : i32 to index
        %swap3A_473 = arith.constant 224 : index
        %swap3A_474 = tpu.vector_load %arg11[%swap3A_472, %swap3A_473] {strides = array<i32>} : memref<32x768xf32, #tpu.memory_space<vmem>>, vector<1x16xf32>,
        %swap3A_475 = vector.shape_cast %swap3A_474 : vector<1x16xf32> to vector<16xf32>
        %swap3A_476 = vector.shape_cast %add3A_471 : vector<16xf32> to vector<1x16xf32>
        tpu.vector_store %arg11[%swap3A_472, %swap3A_473], %swap3A_476 {strides = array<i32>} : memref<32x768xf32, #tpu.memory_space<vmem>>, vector<1x16xf32>,
        %get3A_477 = arith.index_cast %scan3A_237 : i32 to index
        %get3A_478 = arith.constant 240 : index
        %get3A_479 = tpu.vector_load %arg11[%get3A_477, %get3A_478] {strides = array<i32>} : memref<32x768xf32, #tpu.memory_space<vmem>>, vector<1x16xf32>,
        %get3A_480 = vector.shape_cast %get3A_479 : vector<1x16xf32> to vector<16xf32>
        %add3A_481 = arith.constant 0 : i32
        %add3A_482 = arith.addi %add3A_481, %scan3A_237 : i32
        %get3A_483 = arith.index_cast %add3A_482 : i32 to index
        %get3A_484 = arith.constant 240 : index
        %get3A_485 = tpu.vector_load %arg7[%get3A_483, %get3A_484] {strides = array<i32>} : memref<32x768xf32, #tpu.memory_space<vmem>>, vector<1x16xf32>,
        %get3A_486 = vector.shape_cast %get3A_485 : vector<1x16xf32> to vector<16xf32>
        %add3A_487 = arith.addf %get3A_480, %get3A_486 : vector<16xf32>
        %swap3A_488 = arith.index_cast %scan3A_237 : i32 to index
        %swap3A_489 = arith.constant 240 : index
        %swap3A_490 = tpu.vector_load %arg11[%swap3A_488, %swap3A_489] {strides = array<i32>} : memref<32x768xf32, #tpu.memory_space<vmem>>, vector<1x16xf32>,
        %swap3A_491 = vector.shape_cast %swap3A_490 : vector<1x16xf32> to vector<16xf32>
        %swap3A_492 = vector.shape_cast %add3A_487 : vector<16xf32> to vector<1x16xf32>
        tpu.vector_store %arg11[%swap3A_488, %swap3A_489], %swap3A_492 {strides = array<i32>} : memref<32x768xf32, #tpu.memory_space<vmem>>, vector<1x16xf32>,
        %get3A_493 = arith.index_cast %scan3A_237 : i32 to index
        %get3A_494 = arith.constant 256 : index
        %get3A_495 = tpu.vector_load %arg11[%get3A_493, %get3A_494] {strides = array<i32>} : memref<32x768xf32, #tpu.memory_space<vmem>>, vector<1x16xf32>,
        %get3A_496 = vector.shape_cast %get3A_495 : vector<1x16xf32> to vector<16xf32>
        %add3A_497 = arith.constant 0 : i32
        %add3A_498 = arith.addi %add3A_497, %scan3A_237 : i32
        %get3A_499 = arith.index_cast %add3A_498 : i32 to index
        %get3A_500 = arith.constant 256 : index
        %get3A_501 = tpu.vector_load %arg7[%get3A_499, %get3A_500] {strides = array<i32>} : memref<32x768xf32, #tpu.memory_space<vmem>>, vector<1x16xf32>,
        %get3A_502 = vector.shape_cast %get3A_501 : vector<1x16xf32> to vector<16xf32>
        %add3A_503 = arith.addf %get3A_496, %get3A_502 : vector<16xf32>
        %swap3A_504 = arith.index_cast %scan3A_237 : i32 to index
        %swap3A_505 = arith.constant 256 : index
        %swap3A_506 = tpu.vector_load %arg11[%swap3A_504, %swap3A_505] {strides = array<i32>} : memref<32x768xf32, #tpu.memory_space<vmem>>, vector<1x16xf32>,
        %swap3A_507 = vector.shape_cast %swap3A_506 : vector<1x16xf32> to vector<16xf32>
        %swap3A_508 = vector.shape_cast %add3A_503 : vector<16xf32> to vector<1x16xf32>
        tpu.vector_store %arg11[%swap3A_504, %swap3A_505], %swap3A_508 {strides = array<i32>} : memref<32x768xf32, #tpu.memory_space<vmem>>, vector<1x16xf32>,
        %get3A_509 = arith.index_cast %scan3A_237 : i32 to index
        %get3A_510 = arith.constant 272 : index
        %get3A_511 = tpu.vector_load %arg11[%get3A_509, %get3A_510] {strides = array<i32>} : memref<32x768xf32, #tpu.memory_space<vmem>>, vector<1x16xf32>,
        %get3A_512 = vector.shape_cast %get3A_511 : vector<1x16xf32> to vector<16xf32>
        %add3A_513 = arith.constant 0 : i32
        %add3A_514 = arith.addi %add3A_513, %scan3A_237 : i32
        %get3A_515 = arith.index_cast %add3A_514 : i32 to index
        %get3A_516 = arith.constant 272 : index
        %get3A_517 = tpu.vector_load %arg7[%get3A_515, %get3A_516] {strides = array<i32>} : memref<32x768xf32, #tpu.memory_space<vmem>>, vector<1x16xf32>,
        %get3A_518 = vector.shape_cast %get3A_517 : vector<1x16xf32> to vector<16xf32>
        %add3A_519 = arith.addf %get3A_512, %get3A_518 : vector<16xf32>
        %swap3A_520 = arith.index_cast %scan3A_237 : i32 to index
        %swap3A_521 = arith.constant 272 : index
        %swap3A_522 = tpu.vector_load %arg11[%swap3A_520, %swap3A_521] {strides = array<i32>} : memref<32x768xf32, #tpu.memory_space<vmem>>, vector<1x16xf32>,
        %swap3A_523 = vector.shape_cast %swap3A_522 : vector<1x16xf32> to vector<16xf32>
        %swap3A_524 = vector.shape_cast %add3A_519 : vector<16xf32> to vector<1x16xf32>
        tpu.vector_store %arg11[%swap3A_520, %swap3A_521], %swap3A_524 {strides = array<i32>} : memref<32x768xf32, #tpu.memory_space<vmem>>, vector<1x16xf32>,
        %get3A_525 = arith.index_cast %scan3A_237 : i32 to index
        %get3A_526 = arith.constant 288 : index
        %get3A_527 = tpu.vector_load %arg11[%get3A_525, %get3A_526] {strides = array<i32>} : memref<32x768xf32, #tpu.memory_space<vmem>>, vector<1x16xf32>,
        %get3A_528 = vector.shape_cast %get3A_527 : vector<1x16xf32> to vector<16xf32>
        %add3A_529 = arith.constant 0 : i32
        %add3A_530 = arith.addi %add3A_529, %scan3A_237 : i32
        %get3A_531 = arith.index_cast %add3A_530 : i32 to index
        %get3A_532 = arith.constant 288 : index
        %get3A_533 = tpu.vector_load %arg7[%get3A_531, %get3A_532] {strides = array<i32>} : memref<32x768xf32, #tpu.memory_space<vmem>>, vector<1x16xf32>,
        %get3A_534 = vector.shape_cast %get3A_533 : vector<1x16xf32> to vector<16xf32>
        %add3A_535 = arith.addf %get3A_528, %get3A_534 : vector<16xf32>
        %swap3A_536 = arith.index_cast %scan3A_237 : i32 to index
        %swap3A_537 = arith.constant 288 : index
        %swap3A_538 = tpu.vector_load %arg11[%swap3A_536, %swap3A_537] {strides = array<i32>} : memref<32x768xf32, #tpu.memory_space<vmem>>, vector<1x16xf32>,
        %swap3A_539 = vector.shape_cast %swap3A_538 : vector<1x16xf32> to vector<16xf32>
        %swap3A_540 = vector.shape_cast %add3A_535 : vector<16xf32> to vector<1x16xf32>
        tpu.vector_store %arg11[%swap3A_536, %swap3A_537], %swap3A_540 {strides = array<i32>} : memref<32x768xf32, #tpu.memory_space<vmem>>, vector<1x16xf32>,
        %get3A_541 = arith.index_cast %scan3A_237 : i32 to index
        %get3A_542 = arith.constant 304 : index
        %get3A_543 = tpu.vector_load %arg11[%get3A_541, %get3A_542] {strides = array<i32>} : memref<32x768xf32, #tpu.memory_space<vmem>>, vector<1x16xf32>,
        %get3A_544 = vector.shape_cast %get3A_543 : vector<1x16xf32> to vector<16xf32>
        %add3A_545 = arith.constant 0 : i32
        %add3A_546 = arith.addi %add3A_545, %scan3A_237 : i32
        %get3A_547 = arith.index_cast %add3A_546 : i32 to index
        %get3A_548 = arith.constant 304 : index
        %get3A_549 = tpu.vector_load %arg7[%get3A_547, %get3A_548] {strides = array<i32>} : memref<32x768xf32, #tpu.memory_space<vmem>>, vector<1x16xf32>,
        %get3A_550 = vector.shape_cast %get3A_549 : vector<1x16xf32> to vector<16xf32>
        %add3A_551 = arith.addf %get3A_544, %get3A_550 : vector<16xf32>
        %swap3A_552 = arith.index_cast %scan3A_237 : i32 to index
        %swap3A_553 = arith.constant 304 : index
        %swap3A_554 = tpu.vector_load %arg11[%swap3A_552, %swap3A_553] {strides = array<i32>} : memref<32x768xf32, #tpu.memory_space<vmem>>, vector<1x16xf32>,
        %swap3A_555 = vector.shape_cast %swap3A_554 : vector<1x16xf32> to vector<16xf32>
        %swap3A_556 = vector.shape_cast %add3A_551 : vector<16xf32> to vector<1x16xf32>
        tpu.vector_store %arg11[%swap3A_552, %swap3A_553], %swap3A_556 {strides = array<i32>} : memref<32x768xf32, #tpu.memory_space<vmem>>, vector<1x16xf32>,
        %get3A_557 = arith.index_cast %scan3A_237 : i32 to index
        %get3A_558 = arith.constant 320 : index
        %get3A_559 = tpu.vector_load %arg11[%get3A_557, %get3A_558] {strides = array<i32>} : memref<32x768xf32, #tpu.memory_space<vmem>>, vector<1x16xf32>,
        %get3A_560 = vector.shape_cast %get3A_559 : vector<1x16xf32> to vector<16xf32>
        %add3A_561 = arith.constant 0 : i32
        %add3A_562 = arith.addi %add3A_561, %scan3A_237 : i32
        %get3A_563 = arith.index_cast %add3A_562 : i32 to index
        %get3A_564 = arith.constant 320 : index
        %get3A_565 = tpu.vector_load %arg7[%get3A_563, %get3A_564] {strides = array<i32>} : memref<32x768xf32, #tpu.memory_space<vmem>>, vector<1x16xf32>,
        %get3A_566 = vector.shape_cast %get3A_565 : vector<1x16xf32> to vector<16xf32>
        %add3A_567 = arith.addf %get3A_560, %get3A_566 : vector<16xf32>
        %swap3A_568 = arith.index_cast %scan3A_237 : i32 to index
        %swap3A_569 = arith.constant 320 : index
        %swap3A_570 = tpu.vector_load %arg11[%swap3A_568, %swap3A_569] {strides = array<i32>} : memref<32x768xf32, #tpu.memory_space<vmem>>, vector<1x16xf32>,
        %swap3A_571 = vector.shape_cast %swap3A_570 : vector<1x16xf32> to vector<16xf32>
        %swap3A_572 = vector.shape_cast %add3A_567 : vector<16xf32> to vector<1x16xf32>
        tpu.vector_store %arg11[%swap3A_568, %swap3A_569], %swap3A_572 {strides = array<i32>} : memref<32x768xf32, #tpu.memory_space<vmem>>, vector<1x16xf32>,
        %get3A_573 = arith.index_cast %scan3A_237 : i32 to index
        %get3A_574 = arith.constant 336 : index
        %get3A_575 = tpu.vector_load %arg11[%get3A_573, %get3A_574] {strides = array<i32>} : memref<32x768xf32, #tpu.memory_space<vmem>>, vector<1x16xf32>,
        %get3A_576 = vector.shape_cast %get3A_575 : vector<1x16xf32> to vector<16xf32>
        %add3A_577 = arith.constant 0 : i32
        %add3A_578 = arith.addi %add3A_577, %scan3A_237 : i32
        %get3A_579 = arith.index_cast %add3A_578 : i32 to index
        %get3A_580 = arith.constant 336 : index
        %get3A_581 = tpu.vector_load %arg7[%get3A_579, %get3A_580] {strides = array<i32>} : memref<32x768xf32, #tpu.memory_space<vmem>>, vector<1x16xf32>,
        %get3A_582 = vector.shape_cast %get3A_581 : vector<1x16xf32> to vector<16xf32>
        %add3A_583 = arith.addf %get3A_576, %get3A_582 : vector<16xf32>
        %swap3A_584 = arith.index_cast %scan3A_237 : i32 to index
        %swap3A_585 = arith.constant 336 : index
        %swap3A_586 = tpu.vector_load %arg11[%swap3A_584, %swap3A_585] {strides = array<i32>} : memref<32x768xf32, #tpu.memory_space<vmem>>, vector<1x16xf32>,
        %swap3A_587 = vector.shape_cast %swap3A_586 : vector<1x16xf32> to vector<16xf32>
        %swap3A_588 = vector.shape_cast %add3A_583 : vector<16xf32> to vector<1x16xf32>
        tpu.vector_store %arg11[%swap3A_584, %swap3A_585], %swap3A_588 {strides = array<i32>} : memref<32x768xf32, #tpu.memory_space<vmem>>, vector<1x16xf32>,
        %get3A_589 = arith.index_cast %scan3A_237 : i32 to index
        %get3A_590 = arith.constant 352 : index
        %get3A_591 = tpu.vector_load %arg11[%get3A_589, %get3A_590] {strides = array<i32>} : memref<32x768xf32, #tpu.memory_space<vmem>>, vector<1x16xf32>,
        %get3A_592 = vector.shape_cast %get3A_591 : vector<1x16xf32> to vector<16xf32>
        %add3A_593 = arith.constant 0 : i32
        %add3A_594 = arith.addi %add3A_593, %scan3A_237 : i32
        %get3A_595 = arith.index_cast %add3A_594 : i32 to index
        %get3A_596 = arith.constant 352 : index
        %get3A_597 = tpu.vector_load %arg7[%get3A_595, %get3A_596] {strides = array<i32>} : memref<32x768xf32, #tpu.memory_space<vmem>>, vector<1x16xf32>,
        %get3A_598 = vector.shape_cast %get3A_597 : vector<1x16xf32> to vector<16xf32>
        %add3A_599 = arith.addf %get3A_592, %get3A_598 : vector<16xf32>
        %swap3A_600 = arith.index_cast %scan3A_237 : i32 to index
        %swap3A_601 = arith.constant 352 : index
        %swap3A_602 = tpu.vector_load %arg11[%swap3A_600, %swap3A_601] {strides = array<i32>} : memref<32x768xf32, #tpu.memory_space<vmem>>, vector<1x16xf32>,
        %swap3A_603 = vector.shape_cast %swap3A_602 : vector<1x16xf32> to vector<16xf32>
        %swap3A_604 = vector.shape_cast %add3A_599 : vector<16xf32> to vector<1x16xf32>
        tpu.vector_store %arg11[%swap3A_600, %swap3A_601], %swap3A_604 {strides = array<i32>} : memref<32x768xf32, #tpu.memory_space<vmem>>, vector<1x16xf32>,
        %get3A_605 = arith.index_cast %scan3A_237 : i32 to index
        %get3A_606 = arith.constant 368 : index
        %get3A_607 = tpu.vector_load %arg11[%get3A_605, %get3A_606] {strides = array<i32>} : memref<32x768xf32, #tpu.memory_space<vmem>>, vector<1x16xf32>,
        %get3A_608 = vector.shape_cast %get3A_607 : vector<1x16xf32> to vector<16xf32>
        %add3A_609 = arith.constant 0 : i32
        %add3A_610 = arith.addi %add3A_609, %scan3A_237 : i32
        %get3A_611 = arith.index_cast %add3A_610 : i32 to index
        %get3A_612 = arith.constant 368 : index
        %get3A_613 = tpu.vector_load %arg7[%get3A_611, %get3A_612] {strides = array<i32>} : memref<32x768xf32, #tpu.memory_space<vmem>>, vector<1x16xf32>,
        %get3A_614 = vector.shape_cast %get3A_613 : vector<1x16xf32> to vector<16xf32>
        %add3A_615 = arith.addf %get3A_608, %get3A_614 : vector<16xf32>
        %swap3A_616 = arith.index_cast %scan3A_237 : i32 to index
        %swap3A_617 = arith.constant 368 : index
        %swap3A_618 = tpu.vector_load %arg11[%swap3A_616, %swap3A_617] {strides = array<i32>} : memref<32x768xf32, #tpu.memory_space<vmem>>, vector<1x16xf32>,
        %swap3A_619 = vector.shape_cast %swap3A_618 : vector<1x16xf32> to vector<16xf32>
        %swap3A_620 = vector.shape_cast %add3A_615 : vector<16xf32> to vector<1x16xf32>
        tpu.vector_store %arg11[%swap3A_616, %swap3A_617], %swap3A_620 {strides = array<i32>} : memref<32x768xf32, #tpu.memory_space<vmem>>, vector<1x16xf32>,
        %get3A_621 = arith.index_cast %scan3A_237 : i32 to index
        %get3A_622 = arith.constant 384 : index
        %get3A_623 = tpu.vector_load %arg11[%get3A_621, %get3A_622] {strides = array<i32>} : memref<32x768xf32, #tpu.memory_space<vmem>>, vector<1x16xf32>,
        %get3A_624 = vector.shape_cast %get3A_623 : vector<1x16xf32> to vector<16xf32>
        %add3A_625 = arith.constant 0 : i32
        %add3A_626 = arith.addi %add3A_625, %scan3A_237 : i32
        %get3A_627 = arith.index_cast %add3A_626 : i32 to index
        %get3A_628 = arith.constant 384 : index
        %get3A_629 = tpu.vector_load %arg7[%get3A_627, %get3A_628] {strides = array<i32>} : memref<32x768xf32, #tpu.memory_space<vmem>>, vector<1x16xf32>,
        %get3A_630 = vector.shape_cast %get3A_629 : vector<1x16xf32> to vector<16xf32>
        %add3A_631 = arith.addf %get3A_624, %get3A_630 : vector<16xf32>
        %swap3A_632 = arith.index_cast %scan3A_237 : i32 to index
        %swap3A_633 = arith.constant 384 : index
        %swap3A_634 = tpu.vector_load %arg11[%swap3A_632, %swap3A_633] {strides = array<i32>} : memref<32x768xf32, #tpu.memory_space<vmem>>, vector<1x16xf32>,
        %swap3A_635 = vector.shape_cast %swap3A_634 : vector<1x16xf32> to vector<16xf32>
        %swap3A_636 = vector.shape_cast %add3A_631 : vector<16xf32> to vector<1x16xf32>
        tpu.vector_store %arg11[%swap3A_632, %swap3A_633], %swap3A_636 {strides = array<i32>} : memref<32x768xf32, #tpu.memory_space<vmem>>, vector<1x16xf32>,
        %get3A_637 = arith.index_cast %scan3A_237 : i32 to index
        %get3A_638 = arith.constant 400 : index
        %get3A_639 = tpu.vector_load %arg11[%get3A_637, %get3A_638] {strides = array<i32>} : memref<32x768xf32, #tpu.memory_space<vmem>>, vector<1x16xf32>,
        %get3A_640 = vector.shape_cast %get3A_639 : vector<1x16xf32> to vector<16xf32>
        %add3A_641 = arith.constant 0 : i32
        %add3A_642 = arith.addi %add3A_641, %scan3A_237 : i32
        %get3A_643 = arith.index_cast %add3A_642 : i32 to index
        %get3A_644 = arith.constant 400 : index
        %get3A_645 = tpu.vector_load %arg7[%get3A_643, %get3A_644] {strides = array<i32>} : memref<32x768xf32, #tpu.memory_space<vmem>>, vector<1x16xf32>,
        %get3A_646 = vector.shape_cast %get3A_645 : vector<1x16xf32> to vector<16xf32>
        %add3A_647 = arith.addf %get3A_640, %get3A_646 : vector<16xf32>
        %swap3A_648 = arith.index_cast %scan3A_237 : i32 to index
        %swap3A_649 = arith.constant 400 : index
        %swap3A_650 = tpu.vector_load %arg11[%swap3A_648, %swap3A_649] {strides = array<i32>} : memref<32x768xf32, #tpu.memory_space<vmem>>, vector<1x16xf32>,
        %swap3A_651 = vector.shape_cast %swap3A_650 : vector<1x16xf32> to vector<16xf32>
        %swap3A_652 = vector.shape_cast %add3A_647 : vector<16xf32> to vector<1x16xf32>
        tpu.vector_store %arg11[%swap3A_648, %swap3A_649], %swap3A_652 {strides = array<i32>} : memref<32x768xf32, #tpu.memory_space<vmem>>, vector<1x16xf32>,
        %get3A_653 = arith.index_cast %scan3A_237 : i32 to index
        %get3A_654 = arith.constant 416 : index
        %get3A_655 = tpu.vector_load %arg11[%get3A_653, %get3A_654] {strides = array<i32>} : memref<32x768xf32, #tpu.memory_space<vmem>>, vector<1x16xf32>,
        %get3A_656 = vector.shape_cast %get3A_655 : vector<1x16xf32> to vector<16xf32>
        %add3A_657 = arith.constant 0 : i32
        %add3A_658 = arith.addi %add3A_657, %scan3A_237 : i32
        %get3A_659 = arith.index_cast %add3A_658 : i32 to index
        %get3A_660 = arith.constant 416 : index
        %get3A_661 = tpu.vector_load %arg7[%get3A_659, %get3A_660] {strides = array<i32>} : memref<32x768xf32, #tpu.memory_space<vmem>>, vector<1x16xf32>,
        %get3A_662 = vector.shape_cast %get3A_661 : vector<1x16xf32> to vector<16xf32>
        %add3A_663 = arith.addf %get3A_656, %get3A_662 : vector<16xf32>
        %swap3A_664 = arith.index_cast %scan3A_237 : i32 to index
        %swap3A_665 = arith.constant 416 : index
        %swap3A_666 = tpu.vector_load %arg11[%swap3A_664, %swap3A_665] {strides = array<i32>} : memref<32x768xf32, #tpu.memory_space<vmem>>, vector<1x16xf32>,
        %swap3A_667 = vector.shape_cast %swap3A_666 : vector<1x16xf32> to vector<16xf32>
        %swap3A_668 = vector.shape_cast %add3A_663 : vector<16xf32> to vector<1x16xf32>
        tpu.vector_store %arg11[%swap3A_664, %swap3A_665], %swap3A_668 {strides = array<i32>} : memref<32x768xf32, #tpu.memory_space<vmem>>, vector<1x16xf32>,
        %get3A_669 = arith.index_cast %scan3A_237 : i32 to index
        %get3A_670 = arith.constant 432 : index
        %get3A_671 = tpu.vector_load %arg11[%get3A_669, %get3A_670] {strides = array<i32>} : memref<32x768xf32, #tpu.memory_space<vmem>>, vector<1x16xf32>,
        %get3A_672 = vector.shape_cast %get3A_671 : vector<1x16xf32> to vector<16xf32>
        %add3A_673 = arith.constant 0 : i32
        %add3A_674 = arith.addi %add3A_673, %scan3A_237 : i32
        %get3A_675 = arith.index_cast %add3A_674 : i32 to index
        %get3A_676 = arith.constant 432 : index
        %get3A_677 = tpu.vector_load %arg7[%get3A_675, %get3A_676] {strides = array<i32>} : memref<32x768xf32, #tpu.memory_space<vmem>>, vector<1x16xf32>,
        %get3A_678 = vector.shape_cast %get3A_677 : vector<1x16xf32> to vector<16xf32>
        %add3A_679 = arith.addf %get3A_672, %get3A_678 : vector<16xf32>
        %swap3A_680 = arith.index_cast %scan3A_237 : i32 to index
        %swap3A_681 = arith.constant 432 : index
        %swap3A_682 = tpu.vector_load %arg11[%swap3A_680, %swap3A_681] {strides = array<i32>} : memref<32x768xf32, #tpu.memory_space<vmem>>, vector<1x16xf32>,
        %swap3A_683 = vector.shape_cast %swap3A_682 : vector<1x16xf32> to vector<16xf32>
        %swap3A_684 = vector.shape_cast %add3A_679 : vector<16xf32> to vector<1x16xf32>
        tpu.vector_store %arg11[%swap3A_680, %swap3A_681], %swap3A_684 {strides = array<i32>} : memref<32x768xf32, #tpu.memory_space<vmem>>, vector<1x16xf32>,
        %get3A_685 = arith.index_cast %scan3A_237 : i32 to index
        %get3A_686 = arith.constant 448 : index
        %get3A_687 = tpu.vector_load %arg11[%get3A_685, %get3A_686] {strides = array<i32>} : memref<32x768xf32, #tpu.memory_space<vmem>>, vector<1x16xf32>,
        %get3A_688 = vector.shape_cast %get3A_687 : vector<1x16xf32> to vector<16xf32>
        %add3A_689 = arith.constant 0 : i32
        %add3A_690 = arith.addi %add3A_689, %scan3A_237 : i32
        %get3A_691 = arith.index_cast %add3A_690 : i32 to index
        %get3A_692 = arith.constant 448 : index
        %get3A_693 = tpu.vector_load %arg7[%get3A_691, %get3A_692] {strides = array<i32>} : memref<32x768xf32, #tpu.memory_space<vmem>>, vector<1x16xf32>,
        %get3A_694 = vector.shape_cast %get3A_693 : vector<1x16xf32> to vector<16xf32>
        %add3A_695 = arith.addf %get3A_688, %get3A_694 : vector<16xf32>
        %swap3A_696 = arith.index_cast %scan3A_237 : i32 to index
        %swap3A_697 = arith.constant 448 : index
        %swap3A_698 = tpu.vector_load %arg11[%swap3A_696, %swap3A_697] {strides = array<i32>} : memref<32x768xf32, #tpu.memory_space<vmem>>, vector<1x16xf32>,
        %swap3A_699 = vector.shape_cast %swap3A_698 : vector<1x16xf32> to vector<16xf32>
        %swap3A_700 = vector.shape_cast %add3A_695 : vector<16xf32> to vector<1x16xf32>
        tpu.vector_store %arg11[%swap3A_696, %swap3A_697], %swap3A_700 {strides = array<i32>} : memref<32x768xf32, #tpu.memory_space<vmem>>, vector<1x16xf32>,
        %get3A_701 = arith.index_cast %scan3A_237 : i32 to index
        %get3A_702 = arith.constant 464 : index
        %get3A_703 = tpu.vector_load %arg11[%get3A_701, %get3A_702] {strides = array<i32>} : memref<32x768xf32, #tpu.memory_space<vmem>>, vector<1x16xf32>,
        %get3A_704 = vector.shape_cast %get3A_703 : vector<1x16xf32> to vector<16xf32>
        %add3A_705 = arith.constant 0 : i32
        %add3A_706 = arith.addi %add3A_705, %scan3A_237 : i32
        %get3A_707 = arith.index_cast %add3A_706 : i32 to index
        %get3A_708 = arith.constant 464 : index
        %get3A_709 = tpu.vector_load %arg7[%get3A_707, %get3A_708] {strides = array<i32>} : memref<32x768xf32, #tpu.memory_space<vmem>>, vector<1x16xf32>,
        %get3A_710 = vector.shape_cast %get3A_709 : vector<1x16xf32> to vector<16xf32>
        %add3A_711 = arith.addf %get3A_704, %get3A_710 : vector<16xf32>
        %swap3A_712 = arith.index_cast %scan3A_237 : i32 to index
        %swap3A_713 = arith.constant 464 : index
        %swap3A_714 = tpu.vector_load %arg11[%swap3A_712, %swap3A_713] {strides = array<i32>} : memref<32x768xf32, #tpu.memory_space<vmem>>, vector<1x16xf32>,
        %swap3A_715 = vector.shape_cast %swap3A_714 : vector<1x16xf32> to vector<16xf32>
        %swap3A_716 = vector.shape_cast %add3A_711 : vector<16xf32> to vector<1x16xf32>
        tpu.vector_store %arg11[%swap3A_712, %swap3A_713], %swap3A_716 {strides = array<i32>} : memref<32x768xf32, #tpu.memory_space<vmem>>, vector<1x16xf32>,
        %get3A_717 = arith.index_cast %scan3A_237 : i32 to index
        %get3A_718 = arith.constant 480 : index
        %get3A_719 = tpu.vector_load %arg11[%get3A_717, %get3A_718] {strides = array<i32>} : memref<32x768xf32, #tpu.memory_space<vmem>>, vector<1x16xf32>,
        %get3A_720 = vector.shape_cast %get3A_719 : vector<1x16xf32> to vector<16xf32>
        %add3A_721 = arith.constant 0 : i32
        %add3A_722 = arith.addi %add3A_721, %scan3A_237 : i32
        %get3A_723 = arith.index_cast %add3A_722 : i32 to index
        %get3A_724 = arith.constant 480 : index
        %get3A_725 = tpu.vector_load %arg7[%get3A_723, %get3A_724] {strides = array<i32>} : memref<32x768xf32, #tpu.memory_space<vmem>>, vector<1x16xf32>,
        %get3A_726 = vector.shape_cast %get3A_725 : vector<1x16xf32> to vector<16xf32>
        %add3A_727 = arith.addf %get3A_720, %get3A_726 : vector<16xf32>
        %swap3A_728 = arith.index_cast %scan3A_237 : i32 to index
        %swap3A_729 = arith.constant 480 : index
        %swap3A_730 = tpu.vector_load %arg11[%swap3A_728, %swap3A_729] {strides = array<i32>} : memref<32x768xf32, #tpu.memory_space<vmem>>, vector<1x16xf32>,
        %swap3A_731 = vector.shape_cast %swap3A_730 : vector<1x16xf32> to vector<16xf32>
        %swap3A_732 = vector.shape_cast %add3A_727 : vector<16xf32> to vector<1x16xf32>
        tpu.vector_store %arg11[%swap3A_728, %swap3A_729], %swap3A_732 {strides = array<i32>} : memref<32x768xf32, #tpu.memory_space<vmem>>, vector<1x16xf32>,
        %get3A_733 = arith.index_cast %scan3A_237 : i32 to index
        %get3A_734 = arith.constant 496 : index
        %get3A_735 = tpu.vector_load %arg11[%get3A_733, %get3A_734] {strides = array<i32>} : memref<32x768xf32, #tpu.memory_space<vmem>>, vector<1x16xf32>,
        %get3A_736 = vector.shape_cast %get3A_735 : vector<1x16xf32> to vector<16xf32>
        %add3A_737 = arith.constant 0 : i32
        %add3A_738 = arith.addi %add3A_737, %scan3A_237 : i32
        %get3A_739 = arith.index_cast %add3A_738 : i32 to index
        %get3A_740 = arith.constant 496 : index
        %get3A_741 = tpu.vector_load %arg7[%get3A_739, %get3A_740] {strides = array<i32>} : memref<32x768xf32, #tpu.memory_space<vmem>>, vector<1x16xf32>,
        %get3A_742 = vector.shape_cast %get3A_741 : vector<1x16xf32> to vector<16xf32>
        %add3A_743 = arith.addf %get3A_736, %get3A_742 : vector<16xf32>
        %swap3A_744 = arith.index_cast %scan3A_237 : i32 to index
        %swap3A_745 = arith.constant 496 : index
        %swap3A_746 = tpu.vector_load %arg11[%swap3A_744, %swap3A_745] {strides = array<i32>} : memref<32x768xf32, #tpu.memory_space<vmem>>, vector<1x16xf32>,
        %swap3A_747 = vector.shape_cast %swap3A_746 : vector<1x16xf32> to vector<16xf32>
        %swap3A_748 = vector.shape_cast %add3A_743 : vector<16xf32> to vector<1x16xf32>
        tpu.vector_store %arg11[%swap3A_744, %swap3A_745], %swap3A_748 {strides = array<i32>} : memref<32x768xf32, #tpu.memory_space<vmem>>, vector<1x16xf32>,
        %get3A_749 = arith.index_cast %scan3A_237 : i32 to index
        %get3A_750 = arith.constant 512 : index
        %get3A_751 = tpu.vector_load %arg11[%get3A_749, %get3A_750] {strides = array<i32>} : memref<32x768xf32, #tpu.memory_space<vmem>>, vector<1x16xf32>,
        %get3A_752 = vector.shape_cast %get3A_751 : vector<1x16xf32> to vector<16xf32>
        %add3A_753 = arith.constant 0 : i32
        %add3A_754 = arith.addi %add3A_753, %scan3A_237 : i32
        %get3A_755 = arith.index_cast %add3A_754 : i32 to index
        %get3A_756 = arith.constant 512 : index
        %get3A_757 = tpu.vector_load %arg7[%get3A_755, %get3A_756] {strides = array<i32>} : memref<32x768xf32, #tpu.memory_space<vmem>>, vector<1x16xf32>,
        %get3A_758 = vector.shape_cast %get3A_757 : vector<1x16xf32> to vector<16xf32>
        %add3A_759 = arith.addf %get3A_752, %get3A_758 : vector<16xf32>
        %swap3A_760 = arith.index_cast %scan3A_237 : i32 to index
        %swap3A_761 = arith.constant 512 : index
        %swap3A_762 = tpu.vector_load %arg11[%swap3A_760, %swap3A_761] {strides = array<i32>} : memref<32x768xf32, #tpu.memory_space<vmem>>, vector<1x16xf32>,
        %swap3A_763 = vector.shape_cast %swap3A_762 : vector<1x16xf32> to vector<16xf32>
        %swap3A_764 = vector.shape_cast %add3A_759 : vector<16xf32> to vector<1x16xf32>
        tpu.vector_store %arg11[%swap3A_760, %swap3A_761], %swap3A_764 {strides = array<i32>} : memref<32x768xf32, #tpu.memory_space<vmem>>, vector<1x16xf32>,
        %get3A_765 = arith.index_cast %scan3A_237 : i32 to index
        %get3A_766 = arith.constant 528 : index
        %get3A_767 = tpu.vector_load %arg11[%get3A_765, %get3A_766] {strides = array<i32>} : memref<32x768xf32, #tpu.memory_space<vmem>>, vector<1x16xf32>,
        %get3A_768 = vector.shape_cast %get3A_767 : vector<1x16xf32> to vector<16xf32>
        %add3A_769 = arith.constant 0 : i32
        %add3A_770 = arith.addi %add3A_769, %scan3A_237 : i32
        %get3A_771 = arith.index_cast %add3A_770 : i32 to index
        %get3A_772 = arith.constant 528 : index
        %get3A_773 = tpu.vector_load %arg7[%get3A_771, %get3A_772] {strides = array<i32>} : memref<32x768xf32, #tpu.memory_space<vmem>>, vector<1x16xf32>,
        %get3A_774 = vector.shape_cast %get3A_773 : vector<1x16xf32> to vector<16xf32>
        %add3A_775 = arith.addf %get3A_768, %get3A_774 : vector<16xf32>
        %swap3A_776 = arith.index_cast %scan3A_237 : i32 to index
        %swap3A_777 = arith.constant 528 : index
        %swap3A_778 = tpu.vector_load %arg11[%swap3A_776, %swap3A_777] {strides = array<i32>} : memref<32x768xf32, #tpu.memory_space<vmem>>, vector<1x16xf32>,
        %swap3A_779 = vector.shape_cast %swap3A_778 : vector<1x16xf32> to vector<16xf32>
        %swap3A_780 = vector.shape_cast %add3A_775 : vector<16xf32> to vector<1x16xf32>
        tpu.vector_store %arg11[%swap3A_776, %swap3A_777], %swap3A_780 {strides = array<i32>} : memref<32x768xf32, #tpu.memory_space<vmem>>, vector<1x16xf32>,
        %get3A_781 = arith.index_cast %scan3A_237 : i32 to index
        %get3A_782 = arith.constant 544 : index
        %get3A_783 = tpu.vector_load %arg11[%get3A_781, %get3A_782] {strides = array<i32>} : memref<32x768xf32, #tpu.memory_space<vmem>>, vector<1x16xf32>,
        %get3A_784 = vector.shape_cast %get3A_783 : vector<1x16xf32> to vector<16xf32>
        %add3A_785 = arith.constant 0 : i32
        %add3A_786 = arith.addi %add3A_785, %scan3A_237 : i32
        %get3A_787 = arith.index_cast %add3A_786 : i32 to index
        %get3A_788 = arith.constant 544 : index
        %get3A_789 = tpu.vector_load %arg7[%get3A_787, %get3A_788] {strides = array<i32>} : memref<32x768xf32, #tpu.memory_space<vmem>>, vector<1x16xf32>,
        %get3A_790 = vector.shape_cast %get3A_789 : vector<1x16xf32> to vector<16xf32>
        %add3A_791 = arith.addf %get3A_784, %get3A_790 : vector<16xf32>
        %swap3A_792 = arith.index_cast %scan3A_237 : i32 to index
        %swap3A_793 = arith.constant 544 : index
        %swap3A_794 = tpu.vector_load %arg11[%swap3A_792, %swap3A_793] {strides = array<i32>} : memref<32x768xf32, #tpu.memory_space<vmem>>, vector<1x16xf32>,
        %swap3A_795 = vector.shape_cast %swap3A_794 : vector<1x16xf32> to vector<16xf32>
        %swap3A_796 = vector.shape_cast %add3A_791 : vector<16xf32> to vector<1x16xf32>
        tpu.vector_store %arg11[%swap3A_792, %swap3A_793], %swap3A_796 {strides = array<i32>} : memref<32x768xf32, #tpu.memory_space<vmem>>, vector<1x16xf32>,
        %get3A_797 = arith.index_cast %scan3A_237 : i32 to index
        %get3A_798 = arith.constant 560 : index
        %get3A_799 = tpu.vector_load %arg11[%get3A_797, %get3A_798] {strides = array<i32>} : memref<32x768xf32, #tpu.memory_space<vmem>>, vector<1x16xf32>,
        %get3A_800 = vector.shape_cast %get3A_799 : vector<1x16xf32> to vector<16xf32>
        %add3A_801 = arith.constant 0 : i32
        %add3A_802 = arith.addi %add3A_801, %scan3A_237 : i32
        %get3A_803 = arith.index_cast %add3A_802 : i32 to index
        %get3A_804 = arith.constant 560 : index
        %get3A_805 = tpu.vector_load %arg7[%get3A_803, %get3A_804] {strides = array<i32>} : memref<32x768xf32, #tpu.memory_space<vmem>>, vector<1x16xf32>,
        %get3A_806 = vector.shape_cast %get3A_805 : vector<1x16xf32> to vector<16xf32>
        %add3A_807 = arith.addf %get3A_800, %get3A_806 : vector<16xf32>
        %swap3A_808 = arith.index_cast %scan3A_237 : i32 to index
        %swap3A_809 = arith.constant 560 : index
        %swap3A_810 = tpu.vector_load %arg11[%swap3A_808, %swap3A_809] {strides = array<i32>} : memref<32x768xf32, #tpu.memory_space<vmem>>, vector<1x16xf32>,
        %swap3A_811 = vector.shape_cast %swap3A_810 : vector<1x16xf32> to vector<16xf32>
        %swap3A_812 = vector.shape_cast %add3A_807 : vector<16xf32> to vector<1x16xf32>
        tpu.vector_store %arg11[%swap3A_808, %swap3A_809], %swap3A_812 {strides = array<i32>} : memref<32x768xf32, #tpu.memory_space<vmem>>, vector<1x16xf32>,
        %get3A_813 = arith.index_cast %scan3A_237 : i32 to index
        %get3A_814 = arith.constant 576 : index
        %get3A_815 = tpu.vector_load %arg11[%get3A_813, %get3A_814] {strides = array<i32>} : memref<32x768xf32, #tpu.memory_space<vmem>>, vector<1x16xf32>,
        %get3A_816 = vector.shape_cast %get3A_815 : vector<1x16xf32> to vector<16xf32>
        %add3A_817 = arith.constant 0 : i32
        %add3A_818 = arith.addi %add3A_817, %scan3A_237 : i32
        %get3A_819 = arith.index_cast %add3A_818 : i32 to index
        %get3A_820 = arith.constant 576 : index
        %get3A_821 = tpu.vector_load %arg7[%get3A_819, %get3A_820] {strides = array<i32>} : memref<32x768xf32, #tpu.memory_space<vmem>>, vector<1x16xf32>,
        %get3A_822 = vector.shape_cast %get3A_821 : vector<1x16xf32> to vector<16xf32>
        %add3A_823 = arith.addf %get3A_816, %get3A_822 : vector<16xf32>
        %swap3A_824 = arith.index_cast %scan3A_237 : i32 to index
        %swap3A_825 = arith.constant 576 : index
        %swap3A_826 = tpu.vector_load %arg11[%swap3A_824, %swap3A_825] {strides = array<i32>} : memref<32x768xf32, #tpu.memory_space<vmem>>, vector<1x16xf32>,
        %swap3A_827 = vector.shape_cast %swap3A_826 : vector<1x16xf32> to vector<16xf32>
        %swap3A_828 = vector.shape_cast %add3A_823 : vector<16xf32> to vector<1x16xf32>
        tpu.vector_store %arg11[%swap3A_824, %swap3A_825], %swap3A_828 {strides = array<i32>} : memref<32x768xf32, #tpu.memory_space<vmem>>, vector<1x16xf32>,
        %get3A_829 = arith.index_cast %scan3A_237 : i32 to index
        %get3A_830 = arith.constant 592 : index
        %get3A_831 = tpu.vector_load %arg11[%get3A_829, %get3A_830] {strides = array<i32>} : memref<32x768xf32, #tpu.memory_space<vmem>>, vector<1x16xf32>,
        %get3A_832 = vector.shape_cast %get3A_831 : vector<1x16xf32> to vector<16xf32>
        %add3A_833 = arith.constant 0 : i32
        %add3A_834 = arith.addi %add3A_833, %scan3A_237 : i32
        %get3A_835 = arith.index_cast %add3A_834 : i32 to index
        %get3A_836 = arith.constant 592 : index
        %get3A_837 = tpu.vector_load %arg7[%get3A_835, %get3A_836] {strides = array<i32>} : memref<32x768xf32, #tpu.memory_space<vmem>>, vector<1x16xf32>,
        %get3A_838 = vector.shape_cast %get3A_837 : vector<1x16xf32> to vector<16xf32>
        %add3A_839 = arith.addf %get3A_832, %get3A_838 : vector<16xf32>
        %swap3A_840 = arith.index_cast %scan3A_237 : i32 to index
        %swap3A_841 = arith.constant 592 : index
        %swap3A_842 = tpu.vector_load %arg11[%swap3A_840, %swap3A_841] {strides = array<i32>} : memref<32x768xf32, #tpu.memory_space<vmem>>, vector<1x16xf32>,
        %swap3A_843 = vector.shape_cast %swap3A_842 : vector<1x16xf32> to vector<16xf32>
        %swap3A_844 = vector.shape_cast %add3A_839 : vector<16xf32> to vector<1x16xf32>
        tpu.vector_store %arg11[%swap3A_840, %swap3A_841], %swap3A_844 {strides = array<i32>} : memref<32x768xf32, #tpu.memory_space<vmem>>, vector<1x16xf32>,
        %get3A_845 = arith.index_cast %scan3A_237 : i32 to index
        %get3A_846 = arith.constant 608 : index
        %get3A_847 = tpu.vector_load %arg11[%get3A_845, %get3A_846] {strides = array<i32>} : memref<32x768xf32, #tpu.memory_space<vmem>>, vector<1x16xf32>,
        %get3A_848 = vector.shape_cast %get3A_847 : vector<1x16xf32> to vector<16xf32>
        %add3A_849 = arith.constant 0 : i32
        %add3A_850 = arith.addi %add3A_849, %scan3A_237 : i32
        %get3A_851 = arith.index_cast %add3A_850 : i32 to index
        %get3A_852 = arith.constant 608 : index
        %get3A_853 = tpu.vector_load %arg7[%get3A_851, %get3A_852] {strides = array<i32>} : memref<32x768xf32, #tpu.memory_space<vmem>>, vector<1x16xf32>,
        %get3A_854 = vector.shape_cast %get3A_853 : vector<1x16xf32> to vector<16xf32>
        %add3A_855 = arith.addf %get3A_848, %get3A_854 : vector<16xf32>
        %swap3A_856 = arith.index_cast %scan3A_237 : i32 to index
        %swap3A_857 = arith.constant 608 : index
        %swap3A_858 = tpu.vector_load %arg11[%swap3A_856, %swap3A_857] {strides = array<i32>} : memref<32x768xf32, #tpu.memory_space<vmem>>, vector<1x16xf32>,
        %swap3A_859 = vector.shape_cast %swap3A_858 : vector<1x16xf32> to vector<16xf32>
        %swap3A_860 = vector.shape_cast %add3A_855 : vector<16xf32> to vector<1x16xf32>
        tpu.vector_store %arg11[%swap3A_856, %swap3A_857], %swap3A_860 {strides = array<i32>} : memref<32x768xf32, #tpu.memory_space<vmem>>, vector<1x16xf32>,
        %get3A_861 = arith.index_cast %scan3A_237 : i32 to index
        %get3A_862 = arith.constant 624 : index
        %get3A_863 = tpu.vector_load %arg11[%get3A_861, %get3A_862] {strides = array<i32>} : memref<32x768xf32, #tpu.memory_space<vmem>>, vector<1x16xf32>,
        %get3A_864 = vector.shape_cast %get3A_863 : vector<1x16xf32> to vector<16xf32>
        %add3A_865 = arith.constant 0 : i32
        %add3A_866 = arith.addi %add3A_865, %scan3A_237 : i32
        %get3A_867 = arith.index_cast %add3A_866 : i32 to index
        %get3A_868 = arith.constant 624 : index
        %get3A_869 = tpu.vector_load %arg7[%get3A_867, %get3A_868] {strides = array<i32>} : memref<32x768xf32, #tpu.memory_space<vmem>>, vector<1x16xf32>,
        %get3A_870 = vector.shape_cast %get3A_869 : vector<1x16xf32> to vector<16xf32>
        %add3A_871 = arith.addf %get3A_864, %get3A_870 : vector<16xf32>
        %swap3A_872 = arith.index_cast %scan3A_237 : i32 to index
        %swap3A_873 = arith.constant 624 : index
        %swap3A_874 = tpu.vector_load %arg11[%swap3A_872, %swap3A_873] {strides = array<i32>} : memref<32x768xf32, #tpu.memory_space<vmem>>, vector<1x16xf32>,
        %swap3A_875 = vector.shape_cast %swap3A_874 : vector<1x16xf32> to vector<16xf32>
        %swap3A_876 = vector.shape_cast %add3A_871 : vector<16xf32> to vector<1x16xf32>
        tpu.vector_store %arg11[%swap3A_872, %swap3A_873], %swap3A_876 {strides = array<i32>} : memref<32x768xf32, #tpu.memory_space<vmem>>, vector<1x16xf32>,
        %get3A_877 = arith.index_cast %scan3A_237 : i32 to index
        %get3A_878 = arith.constant 640 : index
        %get3A_879 = tpu.vector_load %arg11[%get3A_877, %get3A_878] {strides = array<i32>} : memref<32x768xf32, #tpu.memory_space<vmem>>, vector<1x16xf32>,
        %get3A_880 = vector.shape_cast %get3A_879 : vector<1x16xf32> to vector<16xf32>
        %add3A_881 = arith.constant 0 : i32
        %add3A_882 = arith.addi %add3A_881, %scan3A_237 : i32
        %get3A_883 = arith.index_cast %add3A_882 : i32 to index
        %get3A_884 = arith.constant 640 : index
        %get3A_885 = tpu.vector_load %arg7[%get3A_883, %get3A_884] {strides = array<i32>} : memref<32x768xf32, #tpu.memory_space<vmem>>, vector<1x16xf32>,
        %get3A_886 = vector.shape_cast %get3A_885 : vector<1x16xf32> to vector<16xf32>
        %add3A_887 = arith.addf %get3A_880, %get3A_886 : vector<16xf32>
        %swap3A_888 = arith.index_cast %scan3A_237 : i32 to index
        %swap3A_889 = arith.constant 640 : index
        %swap3A_890 = tpu.vector_load %arg11[%swap3A_888, %swap3A_889] {strides = array<i32>} : memref<32x768xf32, #tpu.memory_space<vmem>>, vector<1x16xf32>,
        %swap3A_891 = vector.shape_cast %swap3A_890 : vector<1x16xf32> to vector<16xf32>
        %swap3A_892 = vector.shape_cast %add3A_887 : vector<16xf32> to vector<1x16xf32>
        tpu.vector_store %arg11[%swap3A_888, %swap3A_889], %swap3A_892 {strides = array<i32>} : memref<32x768xf32, #tpu.memory_space<vmem>>, vector<1x16xf32>,
        %get3A_893 = arith.index_cast %scan3A_237 : i32 to index
        %get3A_894 = arith.constant 656 : index
        %get3A_895 = tpu.vector_load %arg11[%get3A_893, %get3A_894] {strides = array<i32>} : memref<32x768xf32, #tpu.memory_space<vmem>>, vector<1x16xf32>,
        %get3A_896 = vector.shape_cast %get3A_895 : vector<1x16xf32> to vector<16xf32>
        %add3A_897 = arith.constant 0 : i32
        %add3A_898 = arith.addi %add3A_897, %scan3A_237 : i32
        %get3A_899 = arith.index_cast %add3A_898 : i32 to index
        %get3A_900 = arith.constant 656 : index
        %get3A_901 = tpu.vector_load %arg7[%get3A_899, %get3A_900] {strides = array<i32>} : memref<32x768xf32, #tpu.memory_space<vmem>>, vector<1x16xf32>,
        %get3A_902 = vector.shape_cast %get3A_901 : vector<1x16xf32> to vector<16xf32>
        %add3A_903 = arith.addf %get3A_896, %get3A_902 : vector<16xf32>
        %swap3A_904 = arith.index_cast %scan3A_237 : i32 to index
        %swap3A_905 = arith.constant 656 : index
        %swap3A_906 = tpu.vector_load %arg11[%swap3A_904, %swap3A_905] {strides = array<i32>} : memref<32x768xf32, #tpu.memory_space<vmem>>, vector<1x16xf32>,
        %swap3A_907 = vector.shape_cast %swap3A_906 : vector<1x16xf32> to vector<16xf32>
        %swap3A_908 = vector.shape_cast %add3A_903 : vector<16xf32> to vector<1x16xf32>
        tpu.vector_store %arg11[%swap3A_904, %swap3A_905], %swap3A_908 {strides = array<i32>} : memref<32x768xf32, #tpu.memory_space<vmem>>, vector<1x16xf32>,
        %get3A_909 = arith.index_cast %scan3A_237 : i32 to index
        %get3A_910 = arith.constant 672 : index
        %get3A_911 = tpu.vector_load %arg11[%get3A_909, %get3A_910] {strides = array<i32>} : memref<32x768xf32, #tpu.memory_space<vmem>>, vector<1x16xf32>,
        %get3A_912 = vector.shape_cast %get3A_911 : vector<1x16xf32> to vector<16xf32>
        %add3A_913 = arith.constant 0 : i32
        %add3A_914 = arith.addi %add3A_913, %scan3A_237 : i32
        %get3A_915 = arith.index_cast %add3A_914 : i32 to index
        %get3A_916 = arith.constant 672 : index
        %get3A_917 = tpu.vector_load %arg7[%get3A_915, %get3A_916] {strides = array<i32>} : memref<32x768xf32, #tpu.memory_space<vmem>>, vector<1x16xf32>,
        %get3A_918 = vector.shape_cast %get3A_917 : vector<1x16xf32> to vector<16xf32>
        %add3A_919 = arith.addf %get3A_912, %get3A_918 : vector<16xf32>
        %swap3A_920 = arith.index_cast %scan3A_237 : i32 to index
        %swap3A_921 = arith.constant 672 : index
        %swap3A_922 = tpu.vector_load %arg11[%swap3A_920, %swap3A_921] {strides = array<i32>} : memref<32x768xf32, #tpu.memory_space<vmem>>, vector<1x16xf32>,
        %swap3A_923 = vector.shape_cast %swap3A_922 : vector<1x16xf32> to vector<16xf32>
        %swap3A_924 = vector.shape_cast %add3A_919 : vector<16xf32> to vector<1x16xf32>
        tpu.vector_store %arg11[%swap3A_920, %swap3A_921], %swap3A_924 {strides = array<i32>} : memref<32x768xf32, #tpu.memory_space<vmem>>, vector<1x16xf32>,
        %get3A_925 = arith.index_cast %scan3A_237 : i32 to index
        %get3A_926 = arith.constant 688 : index
        %get3A_927 = tpu.vector_load %arg11[%get3A_925, %get3A_926] {strides = array<i32>} : memref<32x768xf32, #tpu.memory_space<vmem>>, vector<1x16xf32>,
        %get3A_928 = vector.shape_cast %get3A_927 : vector<1x16xf32> to vector<16xf32>
        %add3A_929 = arith.constant 0 : i32
        %add3A_930 = arith.addi %add3A_929, %scan3A_237 : i32
        %get3A_931 = arith.index_cast %add3A_930 : i32 to index
        %get3A_932 = arith.constant 688 : index
        %get3A_933 = tpu.vector_load %arg7[%get3A_931, %get3A_932] {strides = array<i32>} : memref<32x768xf32, #tpu.memory_space<vmem>>, vector<1x16xf32>,
        %get3A_934 = vector.shape_cast %get3A_933 : vector<1x16xf32> to vector<16xf32>
        %add3A_935 = arith.addf %get3A_928, %get3A_934 : vector<16xf32>
        %swap3A_936 = arith.index_cast %scan3A_237 : i32 to index
        %swap3A_937 = arith.constant 688 : index
        %swap3A_938 = tpu.vector_load %arg11[%swap3A_936, %swap3A_937] {strides = array<i32>} : memref<32x768xf32, #tpu.memory_space<vmem>>, vector<1x16xf32>,
        %swap3A_939 = vector.shape_cast %swap3A_938 : vector<1x16xf32> to vector<16xf32>
        %swap3A_940 = vector.shape_cast %add3A_935 : vector<16xf32> to vector<1x16xf32>
        tpu.vector_store %arg11[%swap3A_936, %swap3A_937], %swap3A_940 {strides = array<i32>} : memref<32x768xf32, #tpu.memory_space<vmem>>, vector<1x16xf32>,
        %get3A_941 = arith.index_cast %scan3A_237 : i32 to index
        %get3A_942 = arith.constant 704 : index
        %get3A_943 = tpu.vector_load %arg11[%get3A_941, %get3A_942] {strides = array<i32>} : memref<32x768xf32, #tpu.memory_space<vmem>>, vector<1x16xf32>,
        %get3A_944 = vector.shape_cast %get3A_943 : vector<1x16xf32> to vector<16xf32>
        %add3A_945 = arith.constant 0 : i32
        %add3A_946 = arith.addi %add3A_945, %scan3A_237 : i32
        %get3A_947 = arith.index_cast %add3A_946 : i32 to index
        %get3A_948 = arith.constant 704 : index
        %get3A_949 = tpu.vector_load %arg7[%get3A_947, %get3A_948] {strides = array<i32>} : memref<32x768xf32, #tpu.memory_space<vmem>>, vector<1x16xf32>,
        %get3A_950 = vector.shape_cast %get3A_949 : vector<1x16xf32> to vector<16xf32>
        %add3A_951 = arith.addf %get3A_944, %get3A_950 : vector<16xf32>
        %swap3A_952 = arith.index_cast %scan3A_237 : i32 to index
        %swap3A_953 = arith.constant 704 : index
        %swap3A_954 = tpu.vector_load %arg11[%swap3A_952, %swap3A_953] {strides = array<i32>} : memref<32x768xf32, #tpu.memory_space<vmem>>, vector<1x16xf32>,
        %swap3A_955 = vector.shape_cast %swap3A_954 : vector<1x16xf32> to vector<16xf32>
        %swap3A_956 = vector.shape_cast %add3A_951 : vector<16xf32> to vector<1x16xf32>
        tpu.vector_store %arg11[%swap3A_952, %swap3A_953], %swap3A_956 {strides = array<i32>} : memref<32x768xf32, #tpu.memory_space<vmem>>, vector<1x16xf32>,
        %get3A_957 = arith.index_cast %scan3A_237 : i32 to index
        %get3A_958 = arith.constant 720 : index
        %get3A_959 = tpu.vector_load %arg11[%get3A_957, %get3A_958] {strides = array<i32>} : memref<32x768xf32, #tpu.memory_space<vmem>>, vector<1x16xf32>,
        %get3A_960 = vector.shape_cast %get3A_959 : vector<1x16xf32> to vector<16xf32>
        %add3A_961 = arith.constant 0 : i32
        %add3A_962 = arith.addi %add3A_961, %scan3A_237 : i32
        %get3A_963 = arith.index_cast %add3A_962 : i32 to index
        %get3A_964 = arith.constant 720 : index
        %get3A_965 = tpu.vector_load %arg7[%get3A_963, %get3A_964] {strides = array<i32>} : memref<32x768xf32, #tpu.memory_space<vmem>>, vector<1x16xf32>,
        %get3A_966 = vector.shape_cast %get3A_965 : vector<1x16xf32> to vector<16xf32>
        %add3A_967 = arith.addf %get3A_960, %get3A_966 : vector<16xf32>
        %swap3A_968 = arith.index_cast %scan3A_237 : i32 to index
        %swap3A_969 = arith.constant 720 : index
        %swap3A_970 = tpu.vector_load %arg11[%swap3A_968, %swap3A_969] {strides = array<i32>} : memref<32x768xf32, #tpu.memory_space<vmem>>, vector<1x16xf32>,
        %swap3A_971 = vector.shape_cast %swap3A_970 : vector<1x16xf32> to vector<16xf32>
        %swap3A_972 = vector.shape_cast %add3A_967 : vector<16xf32> to vector<1x16xf32>
        tpu.vector_store %arg11[%swap3A_968, %swap3A_969], %swap3A_972 {strides = array<i32>} : memref<32x768xf32, #tpu.memory_space<vmem>>, vector<1x16xf32>,
        %get3A_973 = arith.index_cast %scan3A_237 : i32 to index
        %get3A_974 = arith.constant 736 : index
        %get3A_975 = tpu.vector_load %arg11[%get3A_973, %get3A_974] {strides = array<i32>} : memref<32x768xf32, #tpu.memory_space<vmem>>, vector<1x16xf32>,
        %get3A_976 = vector.shape_cast %get3A_975 : vector<1x16xf32> to vector<16xf32>
        %add3A_977 = arith.constant 0 : i32
        %add3A_978 = arith.addi %add3A_977, %scan3A_237 : i32
        %get3A_979 = arith.index_cast %add3A_978 : i32 to index
        %get3A_980 = arith.constant 736 : index
        %get3A_981 = tpu.vector_load %arg7[%get3A_979, %get3A_980] {strides = array<i32>} : memref<32x768xf32, #tpu.memory_space<vmem>>, vector<1x16xf32>,
        %get3A_982 = vector.shape_cast %get3A_981 : vector<1x16xf32> to vector<16xf32>
        %add3A_983 = arith.addf %get3A_976, %get3A_982 : vector<16xf32>
        %swap3A_984 = arith.index_cast %scan3A_237 : i32 to index
        %swap3A_985 = arith.constant 736 : index
        %swap3A_986 = tpu.vector_load %arg11[%swap3A_984, %swap3A_985] {strides = array<i32>} : memref<32x768xf32, #tpu.memory_space<vmem>>, vector<1x16xf32>,
        %swap3A_987 = vector.shape_cast %swap3A_986 : vector<1x16xf32> to vector<16xf32>
        %swap3A_988 = vector.shape_cast %add3A_983 : vector<16xf32> to vector<1x16xf32>
        tpu.vector_store %arg11[%swap3A_984, %swap3A_985], %swap3A_988 {strides = array<i32>} : memref<32x768xf32, #tpu.memory_space<vmem>>, vector<1x16xf32>,
        %get3A_989 = arith.index_cast %scan3A_237 : i32 to index
        %get3A_990 = arith.constant 752 : index
        %get3A_991 = tpu.vector_load %arg11[%get3A_989, %get3A_990] {strides = array<i32>} : memref<32x768xf32, #tpu.memory_space<vmem>>, vector<1x16xf32>,
        %get3A_992 = vector.shape_cast %get3A_991 : vector<1x16xf32> to vector<16xf32>
        %add3A_993 = arith.constant 0 : i32
        %add3A_994 = arith.addi %add3A_993, %scan3A_237 : i32
        %get3A_995 = arith.index_cast %add3A_994 : i32 to index
        %get3A_996 = arith.constant 752 : index
        %get3A_997 = tpu.vector_load %arg7[%get3A_995, %get3A_996] {strides = array<i32>} : memref<32x768xf32, #tpu.memory_space<vmem>>, vector<1x16xf32>,
        %get3A_998 = vector.shape_cast %get3A_997 : vector<1x16xf32> to vector<16xf32>
        %add3A_999 = arith.addf %get3A_992, %get3A_998 : vector<16xf32>
        %swap3A_1000 = arith.index_cast %scan3A_237 : i32 to index
        %swap3A_1001 = arith.constant 752 : index
        %swap3A_1002 = tpu.vector_load %arg11[%swap3A_1000, %swap3A_1001] {strides = array<i32>} : memref<32x768xf32, #tpu.memory_space<vmem>>, vector<1x16xf32>,
        %swap3A_1003 = vector.shape_cast %swap3A_1002 : vector<1x16xf32> to vector<16xf32>
        %swap3A_1004 = vector.shape_cast %add3A_999 : vector<16xf32> to vector<1x16xf32>
        tpu.vector_store %arg11[%swap3A_1000, %swap3A_1001], %swap3A_1004 {strides = array<i32>} : memref<32x768xf32, #tpu.memory_space<vmem>>, vector<1x16xf32>,
        %scan3A_1005 = arith.constant 0 : i32
        scf.yield %scan3A_1005 : i32
      }
      %scan3A_215 = arith.constant 32 : i32
      %mul3A_216 = arith.constant 4 : i32
      %mul3A_217 = arith.muli %mul3A_216, %scan3A_93 : i32
      %add3A_218 = arith.constant 3 : i32
      %add3A_219 = arith.addi %mul3A_217, %add3A_218 : i32
      %mul3A_220 = arith.constant 1024 : i32
      %mul3A_221 = arith.muli %add3A_219, %mul3A_220 : i32
      %add3A_222 = arith.addi %mul3A_221, %multiple_of3A : i32
      %add3A_223 = arith.constant 0 : i32
      %add3A_224 = arith.addi %add3A_222, %add3A_223 : i32
      %dma_start3A_225 = arith.constant 0 : i32
      %dma_start3A_226 = tpu.memref_slice %arg5[%add3A_224, %dma_start3A_225] : memref<65536x768xf32, #tpu.memory_space<hbm>> -> memref<32x768xf32, #tpu.memory_space<hbm>>
      %dma_start3A_227 = arith.constant 0 : i32
      %dma_start3A_228 = tpu.memref_slice %arg5[%add3A_224, %dma_start3A_227] : memref<65536x768xf32, #tpu.memory_space<hbm>> -> memref<32x768xf32, #tpu.memory_space<hbm>>
      tpu.enqueue_dma source(%arg11 : memref<32x768xf32, #tpu.memory_space<vmem>>) target(%dma_start3A_228 : memref<32x768xf32, #tpu.memory_space<hbm>>) target_semaphore(%arg19 : memref<!tpu.dma_semaphore, #tpu.memory_space<semaphore_mem>>)
      %add3A_229 = arith.constant 3 : i32
      %add3A_230 = arith.addi %add3A_203, %add3A_229 : i32
      %lt3A_231 = arith.constant 64 : i32
      %lt3A_232 = arith.cmpi slt, %add3A_230, %lt3A_231 : i32
      %convert_element_type3A_233 = arith.extui %lt3A_232 : i1 to i32
      %cond3A_234 = arith.constant 0 : i32
      %cond3A_235 = arith.cmpi ne, %convert_element_type3A_233, %cond3A_234 : i32
      scf.if %cond3A_235 {
        %ge3A = arith.constant 1 : i32
        %ge3A_237 = arith.cmpi sge, %add3A_203, %ge3A : i32
        %convert_element_type3A_238 = arith.extui %ge3A_237 : i1 to i32
        %cond3A_239 = arith.constant 0 : i32
        %cond3A_240 = arith.cmpi ne, %convert_element_type3A_238, %cond3A_239 : i32
        scf.if %cond3A_240 {
          %dma_wait3A_247 = arith.constant 0 : i32
          %dma_wait3A_248 = arith.constant 0 : i32
          %dma_wait3A_249 = tpu.memref_slice %arg5[%dma_wait3A_247, %dma_wait3A_248] : memref<65536x768xf32, #tpu.memory_space<hbm>> -> memref<32x768xf32, #tpu.memory_space<hbm>>
          %dma_wait3A_250 = arith.constant 0 : i32
          %dma_wait3A_251 = arith.constant 0 : i32
          %dma_wait3A_252 = tpu.memref_slice %arg5[%dma_wait3A_250, %dma_wait3A_251] : memref<65536x768xf32, #tpu.memory_space<hbm>> -> memref<32x768xf32, #tpu.memory_space<hbm>>
          tpu.wait_dma2 semaphore(%arg18 : memref<!tpu.dma_semaphore, #tpu.memory_space<semaphore_mem>>) src(%arg10 : memref<32x768xf32, #tpu.memory_space<vmem>>) dst(%dma_wait3A_252 : memref<32x768xf32, #tpu.memory_space<hbm>>)
        } else {
        }
        %mul3A_241 = arith.constant 32 : i32
        %mul3A_242 = arith.muli %add3A_230, %mul3A_241 : i32
        %dma_start3A_243 = tpu.memref_slice %arg6[%mul3A_242] : memref<2048xi32, #tpu.memory_space<vmem>> -> memref<32xi32, #tpu.memory_space<vmem>>
        %dma_start3A_244 = arith.constant 0 : i32
        %dma_start3A_245 = arith.constant 0 : i32
        %dma_start3A_246 = tpu.memref_slice %arg3[%dma_start3A_244, %dma_start3A_245] : memref<50257x768xf32, #tpu.memory_space<hbm>> -> memref<50257x768xf32, #tpu.memory_space<hbm>>
        tpu.enqueue_indirect_dma source(%dma_start3A_246 : memref<50257x768xf32, #tpu.memory_space<hbm>>) target(%arg10 : memref<32x768xf32, #tpu.memory_space<vmem>>) offsets(%dma_start3A_243 : memref<32xi32, #tpu.memory_space<vmem>>) semaphore(%arg14 : memref<!tpu.dma_semaphore, #tpu.memory_space<semaphore_mem>>)
      } else {
      }
      %scan3A_236 = arith.constant 0 : i32
      scf.yield %scan3A_236 : i32
    }
    %scan3A_68 = arith.constant 16 : i32
    %dma_wait3A_69 = arith.constant 0 : i32
    %dma_wait3A_70 = arith.constant 0 : i32
    %dma_wait3A_71 = tpu.memref_slice %arg5[%dma_wait3A_69, %dma_wait3A_70] : memref<65536x768xf32, #tpu.memory_space<hbm>> -> memref<32x768xf32, #tpu.memory_space<hbm>>
    %dma_wait3A_72 = arith.constant 0 : i32
    %dma_wait3A_73 = arith.constant 0 : i32
    %dma_wait3A_74 = tpu.memref_slice %arg5[%dma_wait3A_72, %dma_wait3A_73] : memref<65536x768xf32, #tpu.memory_space<hbm>> -> memref<32x768xf32, #tpu.memory_space<hbm>>
    tpu.wait_dma2 semaphore(%arg16 : memref<!tpu.dma_semaphore, #tpu.memory_space<semaphore_mem>>) src(%arg8 : memref<32x768xf32, #tpu.memory_space<vmem>>) dst(%dma_wait3A_74 : memref<32x768xf32, #tpu.memory_space<hbm>>)
    %dma_wait3A_75 = arith.constant 0 : i32
    %dma_wait3A_76 = arith.constant 0 : i32
    %dma_wait3A_77 = tpu.memref_slice %arg5[%dma_wait3A_75, %dma_wait3A_76] : memref<65536x768xf32, #tpu.memory_space<hbm>> -> memref<32x768xf32, #tpu.memory_space<hbm>>
    %dma_wait3A_78 = arith.constant 0 : i32
    %dma_wait3A_79 = arith.constant 0 : i32
    %dma_wait3A_80 = tpu.memref_slice %arg5[%dma_wait3A_78, %dma_wait3A_79] : memref<65536x768xf32, #tpu.memory_space<hbm>> -> memref<32x768xf32, #tpu.memory_space<hbm>>
    tpu.wait_dma2 semaphore(%arg17 : memref<!tpu.dma_semaphore, #tpu.memory_space<semaphore_mem>>) src(%arg9 : memref<32x768xf32, #tpu.memory_space<vmem>>) dst(%dma_wait3A_80 : memref<32x768xf32, #tpu.memory_space<hbm>>)
    %dma_wait3A_81 = arith.constant 0 : i32
    %dma_wait3A_82 = arith.constant 0 : i32
    %dma_wait3A_83 = tpu.memref_slice %arg5[%dma_wait3A_81, %dma_wait3A_82] : memref<65536x768xf32, #tpu.memory_space<hbm>> -> memref<32x768xf32, #tpu.memory_space<hbm>>
    %dma_wait3A_84 = arith.constant 0 : i32
    %dma_wait3A_85 = arith.constant 0 : i32
    %dma_wait3A_86 = tpu.memref_slice %arg5[%dma_wait3A_84, %dma_wait3A_85] : memref<65536x768xf32, #tpu.memory_space<hbm>> -> memref<32x768xf32, #tpu.memory_space<hbm>>
    tpu.wait_dma2 semaphore(%arg18 : memref<!tpu.dma_semaphore, #tpu.memory_space<semaphore_mem>>) src(%arg10 : memref<32x768xf32, #tpu.memory_space<vmem>>) dst(%dma_wait3A_86 : memref<32x768xf32, #tpu.memory_space<hbm>>)
    %dma_wait3A_87 = arith.constant 0 : i32
    %dma_wait3A_88 = arith.constant 0 : i32
    %dma_wait3A_89 = tpu.memref_slice %arg5[%dma_wait3A_87, %dma_wait3A_88] : memref<65536x768xf32, #tpu.memory_space<hbm>> -> memref<32x768xf32, #tpu.memory_space<hbm>>
    %dma_wait3A_90 = arith.constant 0 : i32
    %dma_wait3A_91 = arith.constant 0 : i32
    %dma_wait3A_92 = tpu.memref_slice %arg5[%dma_wait3A_90, %dma_wait3A_91] : memref<65536x768xf32, #tpu.memory_space<hbm>> -> memref<32x768xf32, #tpu.memory_space<hbm>>
    tpu.wait_dma2 semaphore(%arg19 : memref<!tpu.dma_semaphore, #tpu.memory_space<semaphore_mem>>) src(%arg11 : memref<32x768xf32, #tpu.memory_space<vmem>>) dst(%dma_wait3A_92 : memref<32x768xf32, #tpu.memory_space<hbm>>)
    return
  }
}

</mosaic_0001>

<sc_bundles>
// kernel: kernel.3.cloned.1.call-start
scs
__scs_entry_jumppad:
0x0: {  	(pc) =	sbr.rel $0x88, $3  }
0x1: {  	(tag) =	ssettag $0x0;
	lr =	simm.s32 $0x1  }
0x2: {  	[smem:$0x3F9E] =	sst lr;
	_ =	strace $0xD0000000  }
0x3: {  	_ = 	snop  }
0x4: {  	_ = 	snop  }
0x5: {  	_ = 	snop  }
0x6: {  	_ = 	snop  }
0x7: {  	_ = 	snop  }
__scs_overlays_trampoline_lowered:
0x8: {  	[smem:$0x3FAD] =	sst s0  }
0x9: {  	[smem:$0x3FAE] =	sst s1  }
0xa: {  	[smem:$0x3FAF] =	sst s2  }
0xb: {  	[smem:$0x3FB0] =	sst s3  }
0xc: {  	[smem:$0x3FB1] =	sst s4  }
0xd: {  	[smem:$0x3FB2] =	sst s5  }
0xe: {  	[smem:$0x3FB3] =	sst s6  }
0xf: {  	[smem:$0x3FB4] =	sst s7  }
0x10: {  	[smem:$0x3FB5] =	sst s8  }
0x11: {  	[smem:$0x3FB6] =	sst s9;
	s0 =	simm.s32 @!p0 $0x0  }
0x12: {  	s1 =	sld [smem:$0x3F9C];
	s0 =	simm.s32 @p0 $0x1  }
0x13: {  	[smem:$0x3FB7] =	sst s0;
	s0 =	simm.s32 @!p1 $0x0  }
0x14: {  	s2 =	sld [smem:$0x3F9B];
	s0 =	simm.s32 @p1 $0x1  }
0x15: {  	[smem:$0x3FB8] =	sst s0;
	s0 =	simm.s32 @!p2 $0x0  }
0x16: {  	s3 =	sld [smem:$0x3FDB];
	s0 =	simm.s32 @p2 $0x1  }
0x17: {  	s4 =	simm.s32 $0x1BF5;
	[smem:$0x3FBA] =	sst s0  }
0x18: {  	s0 =	sld [smem:$0x3F9D];
	_ =	swait.ge [sflag:s4], $0x0  }
0x19: {  	s7 =	sld [smem:$0x3F9E]  }
0x1a: {  	s8 =	sadd.s32 $0xFFFFE003, lr  }
0x1b: {  	s9 =	sadd.s32 $0xFFFFFEF7, lr;
	s5 =	simm.s32 $0xFFFFFFFF;
	p2 =	slt.u32 s8, $0xFFFFF086  }
0x1c: {  	p1 =	slt.u32 s9, $0xF7A;
	s5 =	simm.s32 @!p2 $0x0  }
0x1d: {  	s5 =	simm.s32 @p1 $0x1;
	p0 =	seq.s32 s7, s2  }
0x1e: {  	s7 =	smul.u32 @!p0 $0xF7A, s2;
	p2 =	seq.s32 @!p0 s5, $0x0  }
0x1f: {  	s9 =	smul.u32 $0xF7A, s1;
	s8 =	simm.s32 @!p0 $0x1BF5;
	p2 =	por !p2, p0  }
0x20: {  	[sflag:s8] =	ssyncset.s32 @!p0 $0xFFFFF086;
	s6 =	sadd.s32 @!p0 s3, s7;
	s7 =	simm.s32 @!p0 $0x108  }
0x21: {  	s3 =	sadd.s32 s3, s9;
	s6 =	sadd.s32 @!p0 $0x88, s6;
	s7 =	simm.s32 @p2 $0x1082  }
0x22: {  	[simem:s7], [sflag:s8] =	dma.local @!p0 [hbm:s6], $0xF7A  }
0x23: {  	s9 =	sor.u32 $0xD0000000, s2;
	s6 =	simm.s32 $0x108;
	_ =	swait.ge @!p0 [sflag:s8], $0x0  }
0x24: {  	s3 =	sadd.s32 $0x88, s3;
	s6 =	simm.s32 @!p1 $0x1082;
	[sflag:s4] =	ssyncset.s32 $0xFFFFF086  }
0x25: {  	[simem:s6], [sflag:s4] =	dma.local [hbm:s3], $0xF7A  }
0x26: {  	[smem:$0x3F9E] =	sst s1;
	(tag) =	ssettag s2;
	_ =	strace s9  }
0x27: {  	s1 =	sld [smem:$0x3FAE]  }
0x28: {  	s2 =	sld [smem:$0x3FAF]  }
0x29: {  	s4 =	sld [smem:$0x3FB1]  }
0x2a: {  	p0 =	seq.s32 s5, $0x0;
	s5 =	sld [smem:$0x3FB2]  }
0x2b: {  	s6 =	sld [smem:$0x3FB3]  }
0x2c: {  	s7 =	sld [smem:$0x3FB4]  }
0x2d: {  	s3 =	simm.s32 $0x108;
	s8 =	sld [smem:$0x3FB5]  }
0x2e: {  	s3 =	simm.s32 @!p0 $0x1082;
	s9 =	sld [smem:$0x3FB6]  }
0x2f: {  	lr =	sadd.s32 s0, s3;
	s0 =	sld [smem:$0x3FAD]  }
0x30: {  	s3 =	sld [smem:$0x3FB0]  }
0x31: {  	[smem:$0x3FB9] =	sst s10  }
0x32: {  	s10 =	sld [smem:$0x3FB7];
	_ =	sdelay $0x3  }
0x33: {  	p0 =	seq.s32 s10, $0x1;
	s10 =	sld [smem:$0x3FB9];
	_ =	sdelay $0x3  }
0x34: {  	[smem:$0x3FB9] =	sst s10  }
0x35: {  	s10 =	sld [smem:$0x3FB8];
	_ =	sdelay $0x3  }
0x36: {  	p1 =	seq.s32 s10, $0x1;
	s10 =	sld [smem:$0x3FB9];
	_ =	sdelay $0x3  }
0x37: {  	[smem:$0x3FB9] =	sst s10  }
0x38: {  	s10 =	sld [smem:$0x3FBA]  }
0x39: {  	_ = 	snop;
	(pc) =	sbr.ind lr, $3  }
0x3a: {  	_ = 	snop  }
0x3b: {  	_ = 	snop  }
0x3c: {  	p2 =	seq.s32 s10, $0x1;
	s10 =	sld [smem:$0x3FB9]  }
0x3d: {  	_ =	shalt  }
0x3e: {  	_ =	shalt  }
0x3f: {  	_ =	shalt  }
0x40: {  	_ =	shalt  }
0x41: {  	_ =	shalt  }
0x42: {  	_ =	shalt  }
0x43: {  	_ =	shalt  }
0x44: {  	_ =	shalt  }
0x45: {  	_ =	shalt  }
0x46: {  	_ =	shalt  }
0x47: {  	_ =	shalt  }
0x48: {  	_ =	shalt  }
0x49: {  	_ =	shalt  }
0x4a: {  	_ =	shalt  }
0x4b: {  	_ =	shalt  }
0x4c: {  	_ =	shalt  }
0x4d: {  	_ =	shalt  }
0x4e: {  	_ =	shalt  }
0x4f: {  	_ =	shalt  }
0x50: {  	_ =	shalt  }
0x51: {  	_ =	shalt  }
0x52: {  	_ =	shalt  }
0x53: {  	_ =	shalt  }
0x54: {  	_ =	shalt  }
0x55: {  	_ =	shalt  }
0x56: {  	_ =	shalt  }
0x57: {  	_ =	shalt  }
0x58: {  	_ =	shalt  }
0x59: {  	_ =	shalt  }
0x5a: {  	_ =	shalt  }
0x5b: {  	_ =	shalt  }
0x5c: {  	_ =	shalt  }
0x5d: {  	_ =	shalt  }
0x5e: {  	_ =	shalt  }
0x5f: {  	_ =	shalt  }
0x60: {  	_ =	shalt  }
0x61: {  	_ =	shalt  }
0x62: {  	_ =	shalt  }
0x63: {  	_ =	shalt  }
0x64: {  	_ =	shalt  }
0x65: {  	_ =	shalt  }
0x66: {  	_ =	shalt  }
0x67: {  	_ =	shalt  }
0x68: {  	_ =	shalt  }
0x69: {  	_ =	shalt  }
0x6a: {  	_ =	shalt  }
0x6b: {  	_ =	shalt  }
0x6c: {  	_ =	shalt  }
0x6d: {  	_ =	shalt  }
0x6e: {  	_ =	shalt  }
0x6f: {  	_ =	shalt  }
0x70: {  	_ =	shalt  }
0x71: {  	_ =	shalt  }
0x72: {  	_ =	shalt  }
0x73: {  	_ =	shalt  }
0x74: {  	_ =	shalt  }
0x75: {  	_ =	shalt  }
0x76: {  	_ =	shalt  }
0x77: {  	_ =	shalt  }
0x78: {  	_ =	shalt  }
0x79: {  	_ =	shalt  }
0x7a: {  	_ =	shalt  }
0x7b: {  	_ =	shalt  }
0x7c: {  	_ =	shalt  }
0x7d: {  	_ =	shalt  }
0x7e: {  	_ =	shalt  }
0x7f: {  	_ =	shalt  }
0x80: {  	_ =	shalt  }
0x81: {  	_ =	shalt  }
0x82: {  	_ =	shalt  }
0x83: {  	_ =	shalt  }
0x84: {  	_ =	shalt  }
0x85: {  	_ =	shalt  }
0x86: {  	_ =	shalt  }
0x87: {  	_ =	shalt  }
.Lfunc_end0:
.L_simem_size_0:
called_computation_lowered:
.L_overlay_start_0:
0x88: {  	s2 =	sld [smem:$0x3FD9]  }
0x89: {  	s3 =	sld [smem:$0x3FFE];
	_ =	sdelay $0x1  }
0x8a: {  	s1 =	srdreg.scid  }
0x8b: {  	s0 =	sand.u32 $0x1, s1  }
0x8c: {  	s17 =	sshll.u32 s0, $0xA;
	s2 =	sadd.s32 s3, s2  }
0x8d: {  	s2 =	sadd.s32 s2, s17  }
0x8e: {  	[smem:$0x3FC5] =	sst s2  }
0x8f: {  	_ = 	snop  }
0x90: {  	s2 =	sld [smem:$0x3FC8]  }
0x91: {  	s18 =	sld [smem:$0x3FC7]  }
0x92: {  	s4 =	sld [smem:$0x3FD0];
	(tm) =	ssettm $0x1  }
0x93: {  	s5 =	sld [smem:$0x3FFB];
	_ =	sdelay $0x3  }
0x94: {  	_ =	strace s5  }
0x95: {  	s5 =	sld [smem:$0x3FFC];
	_ =	sdelay $0x3  }
0x96: {  	_ =	strace s5  }
0x97: {  	s5 =	sld [smem:$0x3FFD];
	_ =	sdelay $0x3  }
0x98: {  	_ =	strace s5  }
0x99: {  	_ =	strace $0x8FFFFFFF  }
0x9a: {  	s19 =	sld [smem:$0x3FDB];
	_ =	sdelay $0x1  }
0x9b: {  	s6 =	simm.s32 $_scs_section_size  }
0x9c: {  	s7 =	simm.s32 $_size__tile_overlayer_lowered;
	s8 =	simm.s32 $_tile_overlayer_lowered  }
0x9d: {  	s22 =	simm.s32 $0x1BFF;
	s21 =	sshll.u32 s8, $0x1;
	s5 =	sadd.s32 s6, s19  }
0x9e: {  	s9 =	simm.s32 $0x0;
	s20 =	sshll.u32 s7, $0x1;
	s7 =	sadd.s32 s21, s5  }
0x9f: {  	[timem:s9], [sflag:s22] =	dma.local [hbm:s7], s20  }
0xa0: {  	_ =	swait.ge [sflag:s22], s20  }
0xa1: {  	s6 =	ssub.s32 $0x0, s20;
	[sflag:s22] =	ssyncset.done $0x0  }
0xa2: {  	[sflag:s22] =	ssyncadd.s32 s6;
	_ =	sdelay $0x1  }
0xa3: {  	s23 =	simm.s32 $0x1B8B  }
0xa4: {  	_ =	swait.ge [sflag:s23], $0x1  }
0xa5: {  	[sflag:s23] =	ssyncset.done $0x0  }
0xa6: {  	s25 =	simm.s32 $0x1B8E;
	s24 =	sld [smem:$0x3FFE];
	[sflag:s23] =	ssyncadd.s32 $0xFFFFFFFF  }
0xa7: {  	s26 =	simm.s32 $execute0_lowered;
	[smem:$0x3FD2] =	sst s25  }
0xa8: {  	s7 =	sshll.u32 s26, $0x1;
	_ =	strace $0x80000046;
	[dreg:$0x1] =	wrdreg $0xFFFFFFFF  }
0xa9: {  	s28 =	simm.s32 $_size_execute0_lowered;
	s5 =	sadd.s32 s5, s7;
	[dreg:$0x0] =	wrdreg $0x0  }
0xaa: {  	s7 =	sshll.u32 s28, $0x1;
	[dreg:$0x2] =	wrdreg s5  }
0xab: {  	[dreg:$0x3] =	wrdreg s7  }
0xac: {  	[dreg:$0x4] =	wrdreg $0xC0  }
0xad: {  	_ =	task [dreg:s9], $0x5FFFF  }
0xae: {  	[dreg:$0x1] =	wrdreg $0xFFFFFFFF  }
0xaf: {  	[dreg:$0x0] =	wrdreg $0x60  }
0xb0: {  	[dreg:$0x2] =	wrdreg s24  }
0xb1: {  	[dreg:$0x3] =	wrdreg s2  }
0xb2: {  	[dreg:$0x4] =	wrdreg s18  }
0xb3: {  	[dreg:$0x5] =	wrdreg s4  }
0xb4: {  	[dreg:$0x6] =	wrdreg $0x9  }
0xb5: {  	_ =	task.clear_ibuf [dreg:s9], $0x7FFFF;
	_ =	strace $0x90000046  }
0xb6: {  	s29 =	simm.s32 $0x9;
	_ =	strace $0x80000048  }
0xb7: {  	_ =	swait.ge [sflag:s29], $0x1  }
0xb8: {  	[sflag:s29] =	ssyncadd.s32 $0xFFFFFFFF  }
0xb9: {  	_ =	strace $0x90000048  }
0xba: {  	_ =	sfence  }
0xbb: {  	s30 =	sld [smem:$0x0];
	_ =	sdelay $0x2  }
0xbc: {  	s31 =	sshll.u32 s1, $0xD;
	s1 =	sshrl.u32 s1, $0x2  }
0xbd: {  	s3 =	sand.u32 $0x4000, s31;
	s1 =	sadd.s32 s1, s30  }
0xbe: {  	s0 =	sor.u32 s3, s0;
	s1 =	sshll.u32 s1, $0x11  }
0xbf: {  	s0 =	sor.u32 s1, s0  }
0xc0: {  	s0 =	sadd.s32 $0x8F2B, s0  }
0xc1: {  	[sflag:s0] =	ssyncadd.remote.s32 $0x1  }
0xc2: {  	_ =	sfence.sel $0xFFFF  }
0xc3: {  	[dreg:$0x0] =	wrdreg $0xFFFFFFFF;
	(pc) =	sbr.abs _section_cstart, $3  }
0xc4: {  	[dreg:$0x1] =	wrdreg $0xFFFFFFFF  }
0xc5: {  	_ =	task.clear_ibuf [dreg:s9], $0x2FFFF;
	_ =	strace $0x9FFFFFFF  }
0xc6: {  	(tm) =	ssettm $0x7FFFFFFF  }
0xc7: {  	_ =	shalt  }
tec
execute0_lowered:
.L_overlay_start_1:
0x0: {  	(tag) =	ssettag $0x1  }
0x1: {  	s0 =	rddreg [dreg:$0x0]  }
0x2: {  	s1 =	rddreg [dreg:$0x1]  }
0x3: {  	s2 =	rddreg [dreg:$0x2]  }
0x4: {  	s3 =	rddreg [dreg:$0x3]  }
0x5: {  	s4 =	srdreg.scid;
	s5 =	stileid.u32;
	s14 =	simm.s32 $0x9  }
0x6: {  	s19 =	simm.s32 $0x6800;
	s29 =	simm.s32 $0x12800;
	s26 =	simm.s32 $0x1  }
0x7: {  	s16 =	simm.s32 $0x1D800;
	s17 =	simm.s32 $0x1E000;
	s20 =	simm.s32 $0x2  }
0x8: {  	s21 =	simm.s32 $0x3;
	s22 =	simm.s32 $0x4;
	s23 =	simm.s32 $0x7  }
0x9: {  	s11 =	simm.s32 $0x0;
	s24 =	simm.s32 $0x0;
	s6 =	sand.u32 $0x1, s4  }
0xa: {  	s4 =	simm.s32 $0x0;
	s5 =	sshll.u32 s5, $0x6;
	s0 =	sadd.s32 $0x400, s0  }
0xb: {  	s10 =	sadd.s32 $0x200, s1;
	s12 =	sadd.s32 $0x18000, s3;
	s7 =	sshll.u32 s6, $0x5  }
0xc: {  	s13 =	sadd.s32 $0x30000, s3;
	s6 =	ssub.s32 $0x2, s6;
	s5 =	sor.u32 s7, s5  }
0xd: {  	[smem:$0x7FF] =	sst s4;
	s8 =	sshrl.u32 s6, $0x1;
	s7 =	sshrl.u32 s5, $0x3  }
0xe: {  	_ =	strace $0x80000047;
	s6 =	ssub.s32 s6, s8;
	s9 =	sadd.s32 s0, s7  }
0xf: {  	s7 =	smul.u32 $0x300, s7;
	s6 =	smax.u32 s6, $0x1;
	[dreg:$0x5] =	wrdreg s9  }
.Ltmp0:
0x10: {  	s28 =	sadd.s32 $0x80, s9;
	[dreg:$0x9] =	wrdreg s6;
	(pc) =	sbr.rel .LBB2_1-.Ltmp0, $4  }
0x11: {  	s31 =	sor.u32 $0xC00, s5;
	s30 =	sadd.s32 $0x100, s9;
	[dreg:$0x6] =	wrdreg s28  }
0x12: {  	v2 =	vlaneseq.u32;
	s9 =	sadd.s32 $0x100, s1;
	[dreg:$0x7] =	wrdreg s30;
	s2 =	sadd.s32 s2, s7  }
0x13: {  	vm0 =	vmmov $0xffff;
	v1 =	vshrl.u32 v2, $0x3;
	s7 =	simm.s32 $0x18800;
	[dreg:$0x8] =	wrdreg s2;
	s2 =	sshrl.u32 s31, $0x3  }
0x14: {  	v0 =	vand.u32 $0x7, v2;
	v2 =	vor.u32 $0x8, v2;
	v1 =	vmul.u32 $0x8, v1;
	s15 =	sadd.s32 s2, s0;
	s0 =	simm.s32 $0xC800;
	s2 =	simm.s32 $0x1D000  }
.LBB2_14:
0x15: {  	s6 =	simm.s32 $0x5  }
0x16: {  	_ =	swait.ge [sflag:s6], $0x6000  }
0x17: {  	[sflag:s6] =	ssyncset.done $0x0  }
0x18: {  	s30 =	simm.s32 $0x6;
	[sflag:s6] =	ssyncadd.s32 $0xFFFFA000  }
0x19: {  	_ =	swait.ge [sflag:s30], $0x6000  }
0x1a: {  	[sflag:s30] =	ssyncset.done $0x0  }
0x1b: {  	[sflag:s30] =	ssyncadd.s32 $0xFFFFA000  }
0x1c: {  	_ =	swait.ge [sflag:s23], $0x6000  }
0x1d: {  	[sflag:s23] =	ssyncset.done $0x0  }
0x1e: {  	s8 =	simm.s32 $0x8;
	[sflag:s23] =	ssyncadd.s32 $0xFFFFA000  }
0x1f: {  	_ =	swait.ge [sflag:s8], $0x6000  }
0x20: {  	s11 =	rddreg [dreg:$0xa]  }
0x21: {  	s31 =	rddreg [dreg:$0x9];
	s11 =	sadd.s32 $0x1, s11  }
0x22: {  	p0 =	sne.s32 s11, s31  }
.Ltmp1:
0x23: {  	_ = 	snop;
	(pc) =	sbr.rel @!p0 .LBB2_15-.Ltmp1, $3  }
0x24: {  	_ =	sdelay $0x1  }
0x25: {  	[sflag:s8] =	ssyncset.done $0x0  }
0x26: {  	s14 =	simm.s32 $0x9;
	[sflag:s8] =	ssyncadd.s32 $0xFFFFA000  }
.LBB2_1:
0x27: {  	[dreg:$0xa] =	wrdreg s11  }
0x28: {  	s6 =	rddreg [dreg:$0x5]  }
0x29: {  	[tilespmem:s4], [sflag:$0x9] =	stream.linear.gather [hbm4b:s6+s4], $0x20, $0x38;
	[tilespmem:$0x1E800] =	vst v63  }
0x2a: {  	s31 =	rddreg [dreg:$0x6];
	s8 =	simm.s32 $0x20  }
0x2b: {  	[tilespmem:s8], [sflag:$0x9] =	stream.linear.gather [hbm4b:s31+s4], $0x20, $0x38;
	[tilespmem:$0x1E800] =	vst v63  }
0x2c: {  	s11 =	simm.s32 $0x40;
	s8 =	rddreg [dreg:$0x7]  }
0x2d: {  	[tilespmem:s11], [sflag:$0x9] =	stream.linear.gather [hbm4b:s8+s4], $0x20, $0x38;
	[tilespmem:$0x1E800] =	vst v63  }
0x2e: {  	_ =	swait.ge [sflag:s14], $0x60  }
0x2f: {  	[sflag:s14] =	ssyncset.done $0x0  }
0x30: {  	[sflag:s14] =	ssyncadd.s32 $0xFFFFFFA0  }
0x31: {  	v3 =	vld [tilespmem:$0x0];
	_ =	sdelay $0x4  }
0x32: {  	v4 =	vshrl.u32 v3, $0x3  }
0x33: {  	v4 =	vmul.u32 $0x30, v4  }
0x34: {  	v3 =	vand.u32 $0x7, v3  }
0x35: {  	v3 =	vor.u32 v3, v4  }
0x36: {  	v4 =	vperm.xlane v3, v0;
	_ =	sdelay $0x1  }
0x37: {  	v4 =	vadd.s32 v1, v4;
	_ =	sdelay $0x3  }
0x38: {  	v3 =	vperm.xlane v3, v2  }
0x39: {  	[tilespmem:s19], [sflag:$0x1] =	stream.indirect_vreg.gather [hbm4b:s1+s4], $0x80, v4, vm0, $0xb8;
	[tilespmem:$0x1E800] =	vst v63  }
0x3a: {  	s18 =	simm.s32 $0x7000;
	v3 =	vadd.s32 v1, v3  }
0x3b: {  	[tilespmem:s18], [sflag:$0x1] =	stream.indirect_vreg.gather [hbm4b:s9+s4], $0x80, v4, vm0, $0xb8;
	[tilespmem:$0x1E800] =	vst v63  }
0x3c: {  	s25 =	simm.s32 $0x7800  }
0x3d: {  	[tilespmem:s25], [sflag:$0x1] =	stream.indirect_vreg.gather [hbm4b:s10+s4], $0x80, v4, vm0, $0xb8;
	[tilespmem:$0x1E800] =	vst v63  }
0x3e: {  	s28 =	simm.s32 $0x8000  }
0x3f: {  	[tilespmem:s28], [sflag:$0x1] =	stream.indirect_vreg.gather [hbm4b:s1+s4], $0x80, v3, vm0, $0xb8;
	[tilespmem:$0x1E800] =	vst v63  }
0x40: {  	s30 =	simm.s32 $0x8800  }
0x41: {  	[tilespmem:s30], [sflag:$0x1] =	stream.indirect_vreg.gather [hbm4b:s9+s4], $0x80, v3, vm0, $0xb8;
	[tilespmem:$0x1E800] =	vst v63  }
0x42: {  	s31 =	simm.s32 $0x9000  }
0x43: {  	[tilespmem:s31], [sflag:$0x1] =	stream.indirect_vreg.gather [hbm4b:s10+s4], $0x80, v3, vm0, $0xb8;
	[tilespmem:$0x1E800] =	vst v63  }
0x44: {  	v3 =	vld [tilespmem:$0x10];
	_ =	sdelay $0x4  }
0x45: {  	v59 =	vshrl.u32 v3, $0x3  }
0x46: {  	v4 =	vmul.u32 $0x30, v59  }
0x47: {  	v3 =	vand.u32 $0x7, v3  }
0x48: {  	v3 =	vor.u32 v3, v4  }
0x49: {  	v4 =	vperm.xlane v3, v0;
	_ =	sdelay $0x1  }
0x4a: {  	v4 =	vadd.s32 v1, v4;
	_ =	sdelay $0x3  }
0x4b: {  	s8 =	simm.s32 $0x9800;
	v3 =	vperm.xlane v3, v2  }
0x4c: {  	[tilespmem:s8], [sflag:$0x1] =	stream.indirect_vreg.gather [hbm4b:s1+s4], $0x80, v4, vm0, $0xb8;
	[tilespmem:$0x1E800] =	vst v63  }
0x4d: {  	s11 =	simm.s32 $0xA000;
	v3 =	vadd.s32 v1, v3  }
0x4e: {  	[tilespmem:s11], [sflag:$0x1] =	stream.indirect_vreg.gather [hbm4b:s9+s4], $0x80, v4, vm0, $0xb8;
	[tilespmem:$0x1E800] =	vst v63  }
0x4f: {  	s18 =	simm.s32 $0xA800  }
0x50: {  	[tilespmem:s18], [sflag:$0x1] =	stream.indirect_vreg.gather [hbm4b:s10+s4], $0x80, v4, vm0, $0xb8;
	[tilespmem:$0x1E800] =	vst v63  }
0x51: {  	s25 =	simm.s32 $0xB000  }
0x52: {  	[tilespmem:s25], [sflag:$0x1] =	stream.indirect_vreg.gather [hbm4b:s1+s4], $0x80, v3, vm0, $0xb8;
	[tilespmem:$0x1E800] =	vst v63  }
0x53: {  	s28 =	simm.s32 $0xB800  }
0x54: {  	[tilespmem:s28], [sflag:$0x1] =	stream.indirect_vreg.gather [hbm4b:s9+s4], $0x80, v3, vm0, $0xb8;
	[tilespmem:$0x1E800] =	vst v63  }
0x55: {  	s30 =	simm.s32 $0xC000  }
0x56: {  	[tilespmem:s30], [sflag:$0x1] =	stream.indirect_vreg.gather [hbm4b:s10+s4], $0x80, v3, vm0, $0xb8;
	[tilespmem:$0x1E800] =	vst v63  }
0x57: {  	v3 =	vld [tilespmem:$0x20];
	_ =	sdelay $0x4  }
0x58: {  	v60 =	vshrl.u32 v3, $0x3  }
0x59: {  	v4 =	vmul.u32 $0x30, v60  }
0x5a: {  	v3 =	vand.u32 $0x7, v3  }
0x5b: {  	v3 =	vor.u32 v3, v4  }
0x5c: {  	v4 =	vperm.xlane v3, v0;
	_ =	sdelay $0x1  }
0x5d: {  	v4 =	vadd.s32 v1, v4;
	_ =	sdelay $0x3  }
0x5e: {  	v3 =	vperm.xlane v3, v2  }
0x5f: {  	[tilespmem:s0], [sflag:$0x2] =	stream.indirect_vreg.gather [hbm4b:s1+s4], $0x80, v4, vm0, $0xb8;
	[tilespmem:$0x1E800] =	vst v63  }
0x60: {  	s31 =	simm.s32 $0xD000;
	v3 =	vadd.s32 v1, v3  }
0x61: {  	[tilespmem:s31], [sflag:$0x2] =	stream.indirect_vreg.gather [hbm4b:s9+s4], $0x80, v4, vm0, $0xb8;
	[tilespmem:$0x1E800] =	vst v63  }
0x62: {  	s8 =	simm.s32 $0xD800  }
0x63: {  	[tilespmem:s8], [sflag:$0x2] =	stream.indirect_vreg.gather [hbm4b:s10+s4], $0x80, v4, vm0, $0xb8;
	[tilespmem:$0x1E800] =	vst v63  }
0x64: {  	s11 =	simm.s32 $0xE000  }
0x65: {  	[tilespmem:s11], [sflag:$0x2] =	stream.indirect_vreg.gather [hbm4b:s1+s4], $0x80, v3, vm0, $0xb8;
	[tilespmem:$0x1E800] =	vst v63  }
0x66: {  	s18 =	simm.s32 $0xE800  }
0x67: {  	[tilespmem:s18], [sflag:$0x2] =	stream.indirect_vreg.gather [hbm4b:s9+s4], $0x80, v3, vm0, $0xb8;
	[tilespmem:$0x1E800] =	vst v63  }
0x68: {  	s25 =	simm.s32 $0xF000  }
0x69: {  	[tilespmem:s25], [sflag:$0x2] =	stream.indirect_vreg.gather [hbm4b:s10+s4], $0x80, v3, vm0, $0xb8;
	[tilespmem:$0x1E800] =	vst v63  }
0x6a: {  	v3 =	vld [tilespmem:$0x30];
	_ =	sdelay $0x4  }
0x6b: {  	v61 =	vshrl.u32 v3, $0x3  }
0x6c: {  	v4 =	vmul.u32 $0x30, v61  }
0x6d: {  	v3 =	vand.u32 $0x7, v3  }
0x6e: {  	v3 =	vor.u32 v3, v4  }
0x6f: {  	v4 =	vperm.xlane v3, v0;
	_ =	sdelay $0x1  }
0x70: {  	v4 =	vadd.s32 v1, v4;
	_ =	sdelay $0x3  }
0x71: {  	s28 =	simm.s32 $0xF800;
	v3 =	vperm.xlane v3, v2  }
0x72: {  	[tilespmem:s28], [sflag:$0x2] =	stream.indirect_vreg.gather [hbm4b:s1+s4], $0x80, v4, vm0, $0xb8;
	[tilespmem:$0x1E800] =	vst v63  }
0x73: {  	s30 =	simm.s32 $0x10000;
	v3 =	vadd.s32 v1, v3  }
0x74: {  	[tilespmem:s30], [sflag:$0x2] =	stream.indirect_vreg.gather [hbm4b:s9+s4], $0x80, v4, vm0, $0xb8;
	[tilespmem:$0x1E800] =	vst v63  }
0x75: {  	s31 =	simm.s32 $0x10800  }
0x76: {  	[tilespmem:s31], [sflag:$0x2] =	stream.indirect_vreg.gather [hbm4b:s10+s4], $0x80, v4, vm0, $0xb8;
	[tilespmem:$0x1E800] =	vst v63  }
0x77: {  	s8 =	simm.s32 $0x11000  }
0x78: {  	[tilespmem:s8], [sflag:$0x2] =	stream.indirect_vreg.gather [hbm4b:s1+s4], $0x80, v3, vm0, $0xb8;
	[tilespmem:$0x1E800] =	vst v63  }
0x79: {  	s11 =	simm.s32 $0x11800  }
0x7a: {  	[tilespmem:s11], [sflag:$0x2] =	stream.indirect_vreg.gather [hbm4b:s9+s4], $0x80, v3, vm0, $0xb8;
	[tilespmem:$0x1E800] =	vst v63  }
0x7b: {  	s18 =	simm.s32 $0x12000  }
0x7c: {  	[tilespmem:s18], [sflag:$0x2] =	stream.indirect_vreg.gather [hbm4b:s10+s4], $0x80, v3, vm0, $0xb8;
	[tilespmem:$0x1E800] =	vst v63  }
0x7d: {  	v3 =	vld [tilespmem:$0x40];
	_ =	sdelay $0x4  }
0x7e: {  	v62 =	vshrl.u32 v3, $0x3  }
0x7f: {  	v4 =	vmul.u32 $0x30, v62  }
0x80: {  	v3 =	vand.u32 $0x7, v3  }
0x81: {  	v3 =	vor.u32 v3, v4  }
0x82: {  	v4 =	vperm.xlane v3, v0;
	_ =	sdelay $0x1  }
0x83: {  	v4 =	vadd.s32 v1, v4;
	_ =	sdelay $0x3  }
0x84: {  	v3 =	vperm.xlane v3, v2  }
0x85: {  	[tilespmem:s29], [sflag:$0x3] =	stream.indirect_vreg.gather [hbm4b:s1+s4], $0x80, v4, vm0, $0xb8;
	[tilespmem:$0x1E800] =	vst v63  }
0x86: {  	s25 =	simm.s32 $0x13000;
	v3 =	vadd.s32 v1, v3  }
0x87: {  	[tilespmem:s25], [sflag:$0x3] =	stream.indirect_vreg.gather [hbm4b:s9+s4], $0x80, v4, vm0, $0xb8;
	[tilespmem:$0x1E800] =	vst v63  }
0x88: {  	s28 =	simm.s32 $0x13800  }
0x89: {  	[tilespmem:s28], [sflag:$0x3] =	stream.indirect_vreg.gather [hbm4b:s10+s4], $0x80, v4, vm0, $0xb8;
	[tilespmem:$0x1E800] =	vst v63  }
0x8a: {  	s30 =	simm.s32 $0x14000  }
0x8b: {  	[tilespmem:s30], [sflag:$0x3] =	stream.indirect_vreg.gather [hbm4b:s1+s4], $0x80, v3, vm0, $0xb8;
	[tilespmem:$0x1E800] =	vst v63  }
0x8c: {  	s31 =	simm.s32 $0x14800  }
0x8d: {  	[tilespmem:s31], [sflag:$0x3] =	stream.indirect_vreg.gather [hbm4b:s9+s4], $0x80, v3, vm0, $0xb8;
	[tilespmem:$0x1E800] =	vst v63  }
0x8e: {  	s8 =	simm.s32 $0x15000  }
0x8f: {  	[tilespmem:s8], [sflag:$0x3] =	stream.indirect_vreg.gather [hbm4b:s10+s4], $0x80, v3, vm0, $0xb8;
	[tilespmem:$0x1E800] =	vst v63  }
0x90: {  	v3 =	vld [tilespmem:$0x50];
	_ =	sdelay $0x4  }
0x91: {  	v63 =	vshrl.u32 v3, $0x3  }
0x92: {  	v4 =	vmul.u32 $0x30, v63  }
0x93: {  	v3 =	vand.u32 $0x7, v3  }
0x94: {  	v3 =	vor.u32 v3, v4  }
0x95: {  	v4 =	vperm.xlane v3, v0;
	_ =	sdelay $0x1  }
0x96: {  	v4 =	vadd.s32 v1, v4;
	_ =	sdelay $0x3  }
0x97: {  	s11 =	simm.s32 $0x15800;
	v3 =	vperm.xlane v3, v2  }
0x98: {  	[tilespmem:s11], [sflag:$0x3] =	stream.indirect_vreg.gather [hbm4b:s1+s4], $0x80, v4, vm0, $0xb8;
	[tilespmem:$0x1E800] =	vst v63  }
0x99: {  	s18 =	simm.s32 $0x16000;
	v3 =	vadd.s32 v1, v3  }
0x9a: {  	[tilespmem:s18], [sflag:$0x3] =	stream.indirect_vreg.gather [hbm4b:s9+s4], $0x80, v4, vm0, $0xb8;
	[tilespmem:$0x1E800] =	vst v63  }
0x9b: {  	s25 =	simm.s32 $0x16800  }
0x9c: {  	[tilespmem:s25], [sflag:$0x3] =	stream.indirect_vreg.gather [hbm4b:s10+s4], $0x80, v4, vm0, $0xb8;
	[tilespmem:$0x1E800] =	vst v63  }
0x9d: {  	s28 =	simm.s32 $0x17000  }
0x9e: {  	[tilespmem:s28], [sflag:$0x3] =	stream.indirect_vreg.gather [hbm4b:s1+s4], $0x80, v3, vm0, $0xb8;
	[tilespmem:$0x1E800] =	vst v63  }
0x9f: {  	s6 =	simm.s32 $0x80;
	s30 =	simm.s32 $0x17800  }
0xa0: {  	[tilespmem:s30], [sflag:$0x3] =	stream.indirect_vreg.gather [hbm4b:s9+s4], $0x80, v3, vm0, $0xb8;
	[tilespmem:$0x1E800] =	vst v63  }
0xa1: {  	s31 =	simm.s32 $0x18000;
	s8 =	simm.s32 $0x60;
	s11 =	sadd.s32 $0x0, s15  }
0xa2: {  	[tilespmem:s31], [sflag:$0x3] =	stream.indirect_vreg.gather [hbm4b:s10+s4], $0x80, v3, vm0, $0xb8;
	[tilespmem:$0x1E800] =	vst v63  }
.LBB2_2:
0xa3: {  	[tilespmem:s8], [sflag:$0x9] =	stream.linear.gather [hbm4b:s11+s4], $0x20, $0x38;
	[tilespmem:$0x1E800] =	vst v63  }
0xa4: {  	s11 =	smov.u32 s6;
	p0 =	sne.s32 s6, $0x1E00  }
.Ltmp2:
0xa5: {  	s6 =	sadd.s32 $0x80, s6;
	(pc) =	sbr.rel @p0 .LBB2_2-.Ltmp2, $3  }
0xa6: {  	_ =	sdelay $0x1  }
0xa7: {  	s8 =	sshra.s32 s11, $0x2  }
0xa8: {  	s11 =	sadd.s32 s11, s15;
	s8 =	sadd.s32 $0x60, s8  }
0xa9: {  	[tilespmem:s8], [sflag:$0x9] =	stream.linear.gather [hbm4b:s11+s4], $0x20, $0x38;
	[tilespmem:$0x1E800] =	vst v63  }
0xaa: {  	s6 =	rddreg [dreg:$0x8];
	s30 =	simm.s32 $0x800;
	s31 =	simm.s32 $0xA  }
0xab: {  	[tilespmem:s30], [sflag:$0xA] =	stream.linear.gather [hbm4b:s6+s24], $0x6000, $0x38;
	[tilespmem:$0x1E800] =	vst v63  }
0xac: {  	_ =	swait.ge [sflag:s31], $0x6000  }
0xad: {  	[sflag:s31] =	ssyncset.done $0x0  }
0xae: {  	[sflag:s31] =	ssyncadd.s32 $0xFFFFA000  }
0xaf: {  	_ =	swait.ge [sflag:s14], $0x7A0  }
0xb0: {  	[sflag:s14] =	ssyncset.done $0x0  }
0xb1: {  	s25 =	simm.s32 $0x0;
	[sflag:s14] =	ssyncadd.s32 $0xFFFFF860  }
.LBB2_4:
0xb2: {  	s6 =	simm.s32 $0x0  }
0xb3: {  	_ =	swait.ge [sflag:s26], $0x6000;
	s6 =	smul.u32 $0x1800, s6  }
0xb4: {  	s8 =	sand.u32 $0x380, s24;
	[sflag:s26] =	ssyncset.done $0x0  }
0xb5: {  	[sflag:s26] =	ssyncadd.s32 $0xFFFFA000;
	s8 =	sor.u32 s8, s6  }
0xb6: {  	v12 =	vld [tilespmem:s8+$0x800]  }
0xb7: {  	v13 =	vld [tilespmem:s8+$0x810]  }
0xb8: {  	v14 =	vld [tilespmem:s8+$0x820]  }
0xb9: {  	v15 =	vld [tilespmem:s8+$0x830]  }
0xba: {  	v16 =	vld [tilespmem:s8+$0x840]  }
0xbb: {  	v17 =	vld [tilespmem:s8+$0x850]  }
0xbc: {  	v18 =	vld [tilespmem:s8+$0x860]  }
0xbd: {  	v19 =	vld [tilespmem:s8+$0x870]  }
0xbe: {  	v20 =	vld [tilespmem:s8+$0xC00]  }
0xbf: {  	v21 =	vld [tilespmem:s8+$0xC10]  }
0xc0: {  	v22 =	vld [tilespmem:s8+$0xC20]  }
0xc1: {  	v23 =	vld [tilespmem:s8+$0xC30]  }
0xc2: {  	v24 =	vld [tilespmem:s8+$0xC40]  }
0xc3: {  	v25 =	vld [tilespmem:s8+$0xC50]  }
0xc4: {  	v26 =	vld [tilespmem:s8+$0xC60]  }
0xc5: {  	v27 =	vld [tilespmem:s8+$0xC70]  }
0xc6: {  	v28 =	vld [tilespmem:s8+$0x1000]  }
0xc7: {  	v29 =	vld [tilespmem:s8+$0x1010]  }
0xc8: {  	v30 =	vld [tilespmem:s8+$0x1020]  }
0xc9: {  	v31 =	vld [tilespmem:s8+$0x1030]  }
0xca: {  	v32 =	vld [tilespmem:s8+$0x1040]  }
0xcb: {  	v33 =	vld [tilespmem:s8+$0x1050]  }
0xcc: {  	v34 =	vld [tilespmem:s8+$0x1060]  }
0xcd: {  	v35 =	vld [tilespmem:s8+$0x1070]  }
0xce: {  	v36 =	vld [tilespmem:s8+$0x1400]  }
0xcf: {  	v37 =	vld [tilespmem:s8+$0x1410]  }
0xd0: {  	v38 =	vld [tilespmem:s8+$0x1420]  }
0xd1: {  	v39 =	vld [tilespmem:s8+$0x1430]  }
0xd2: {  	v40 =	vld [tilespmem:s8+$0x1440]  }
0xd3: {  	v41 =	vld [tilespmem:s8+$0x1450]  }
0xd4: {  	v42 =	vld [tilespmem:s8+$0x1460]  }
0xd5: {  	v43 =	vld [tilespmem:s8+$0x1470]  }
0xd6: {  	v44 =	vld [tilespmem:s8+$0x1800]  }
0xd7: {  	v45 =	vld [tilespmem:s8+$0x1810]  }
0xd8: {  	v46 =	vld [tilespmem:s8+$0x1820]  }
0xd9: {  	v47 =	vld [tilespmem:s8+$0x1830]  }
0xda: {  	v48 =	vld [tilespmem:s8+$0x1840]  }
0xdb: {  	v49 =	vld [tilespmem:s8+$0x1850]  }
0xdc: {  	v50 =	vld [tilespmem:s8+$0x1860]  }
0xdd: {  	v11 =	vld [tilespmem:s8+$0x1870]  }
0xde: {  	v10 =	vld [tilespmem:s8+$0x1C00]  }
0xdf: {  	v9 =	vld [tilespmem:s8+$0x1C10]  }
0xe0: {  	v8 =	vld [tilespmem:s8+$0x1C20]  }
0xe1: {  	v7 =	vld [tilespmem:s8+$0x1C30]  }
0xe2: {  	v6 =	vld [tilespmem:s8+$0x1C40]  }
0xe3: {  	v51 =	vld [tilespmem:s8+$0x6800]  }
0xe4: {  	v52 =	vld [tilespmem:s8+$0x6810]  }
0xe5: {  	v53 =	vld [tilespmem:s8+$0x6820]  }
0xe6: {  	v54 =	vld [tilespmem:s8+$0x6830]  }
0xe7: {  	v55 =	vld [tilespmem:s8+$0x6840]  }
0xe8: {  	v62 =	vld [tilespmem:s8+$0x6850];
	v12 =	vadd.f32 v12, v51  }
0xe9: {  	v63 =	vld [tilespmem:s8+$0x6860];
	v13 =	vadd.f32 v13, v52  }
0xea: {  	[tilespmem:s8+$0x6800] =	vst v12;
	v12 =	vadd.f32 v14, v53;
	v14 =	vld [tilespmem:s8+$0x6870]  }
0xeb: {  	[tilespmem:s8+$0x6810] =	vst v13;
	v13 =	vadd.f32 v15, v54;
	v15 =	vld [tilespmem:s8+$0x6C00]  }
0xec: {  	[tilespmem:s8+$0x6820] =	vst v12;
	v12 =	vadd.f32 v16, v55;
	v16 =	vld [tilespmem:s8+$0x6C10]  }
0xed: {  	[tilespmem:s8+$0x6830] =	vst v13;
	v13 =	vadd.f32 v17, v62;
	v17 =	vld [tilespmem:s8+$0x6C20]  }
0xee: {  	v5 =	vld [tilespmem:s8+$0x1C50]  }
0xef: {  	[tilespmem:s8+$0x6840] =	vst v12;
	v12 =	vadd.f32 v18, v63;
	v18 =	vld [tilespmem:s8+$0x6C70]  }
0xf0: {  	[tilespmem:s8+$0x6850] =	vst v13;
	v13 =	vadd.f32 v19, v14;
	v14 =	vld [tilespmem:s8+$0x6C30]  }
0xf1: {  	[tilespmem:s8+$0x6860] =	vst v12;
	v12 =	vadd.f32 v20, v15;
	v15 =	vld [tilespmem:s8+$0x6C40]  }
0xf2: {  	[tilespmem:s8+$0x6870] =	vst v13;
	v13 =	vadd.f32 v21, v16;
	v16 =	vadd.f32 v22, v17;
	v17 =	vld [tilespmem:s8+$0x6C60]  }
0xf3: {  	[tilespmem:s8+$0x6C00] =	vst v12;
	v12 =	vld [tilespmem:s8+$0x6C50]  }
0xf4: {  	[tilespmem:s8+$0x6C10] =	vst v13;
	v13 =	vld [tilespmem:s8+$0x7000];
	v18 =	vadd.f32 v27, v18  }
0xf5: {  	[tilespmem:s8+$0x6C20] =	vst v16;
	v16 =	vld [tilespmem:s8+$0x7010];
	v14 =	vadd.f32 v23, v14  }
0xf6: {  	v4 =	vld [tilespmem:s8+$0x1C60];
	v15 =	vadd.f32 v24, v15;
	[tilespmem:s8+$0x6C70] =	vst v18  }
0xf7: {  	[tilespmem:s8+$0x6C30] =	vst v14;
	v14 =	vld [tilespmem:s8+$0x7020];
	v17 =	vadd.f32 v26, v17  }
0xf8: {  	v12 =	vadd.f32 v25, v12;
	[tilespmem:s8+$0x6C40] =	vst v15;
	v15 =	vld [tilespmem:s8+$0x7030]  }
0xf9: {  	v18 =	vld [tilespmem:s8+$0x7070];
	[tilespmem:s8+$0x6C60] =	vst v17;
	v13 =	vadd.f32 v28, v13  }
0xfa: {  	v16 =	vadd.f32 v29, v16;
	[tilespmem:s8+$0x6C50] =	vst v12;
	v12 =	vld [tilespmem:s8+$0x7040]  }
0xfb: {  	v17 =	vld [tilespmem:s8+$0x7050];
	[tilespmem:s8+$0x7000] =	vst v13  }
0xfc: {  	[tilespmem:s8+$0x7010] =	vst v16;
	v16 =	vld [tilespmem:s8+$0x7060];
	v13 =	vadd.f32 v30, v14  }
0xfd: {  	v14 =	vld [tilespmem:s8+$0x7400];
	v15 =	vadd.f32 v31, v15  }
0xfe: {  	[tilespmem:s8+$0x7020] =	vst v13;
	v13 =	vld [tilespmem:s8+$0x7410]  }
0xff: {  	v12 =	vadd.f32 v32, v12;
	[tilespmem:s8+$0x7030] =	vst v15;
	v15 =	vld [tilespmem:s8+$0x7420]  }
0x100: {  	v3 =	vld [tilespmem:s8+$0x1C70];
	v17 =	vadd.f32 v33, v17  }
0x101: {  	v16 =	vadd.f32 v34, v16;
	[tilespmem:s8+$0x7040] =	vst v12;
	v12 =	vld [tilespmem:s8+$0x7430]  }
0x102: {  	[tilespmem:s8+$0x7050] =	vst v17;
	v17 =	vld [tilespmem:s8+$0x7440];
	v14 =	vadd.f32 v36, v14  }
0x103: {  	v18 =	vadd.f32 v35, v18;
	[tilespmem:s8+$0x7060] =	vst v16;
	v16 =	vld [tilespmem:s8+$0x7450]  }
0x104: {  	v13 =	vadd.f32 v37, v13;
	[tilespmem:s8+$0x7400] =	vst v14;
	v14 =	vadd.f32 v38, v15;
	v15 =	vld [tilespmem:s8+$0x7460]  }
0x105: {  	[tilespmem:s8+$0x7070] =	vst v18;
	v18 =	vld [tilespmem:s8+$0x7470]  }
0x106: {  	[tilespmem:s8+$0x7410] =	vst v13;
	v13 =	vld [tilespmem:s8+$0x7800];
	v12 =	vadd.f32 v39, v12  }
0x107: {  	v17 =	vadd.f32 v40, v17;
	[tilespmem:s8+$0x7420] =	vst v14;
	v14 =	vld [tilespmem:s8+$0x7810]  }
0x108: {  	v16 =	vadd.f32 v41, v16;
	[tilespmem:s8+$0x7430] =	vst v12;
	v12 =	vld [tilespmem:s8+$0x7820]  }
0x109: {  	[tilespmem:s8+$0x7440] =	vst v17;
	v17 =	vld [tilespmem:s8+$0x7830];
	v15 =	vadd.f32 v42, v15  }
0x10a: {  	v19 =	vld [tilespmem:s8+$0x7840];
	[tilespmem:s8+$0x7450] =	vst v16;
	v16 =	vadd.f32 v43, v18  }
0x10b: {  	v18 =	vld [tilespmem:s8+$0x7850];
	v13 =	vadd.f32 v44, v13;
	[tilespmem:s8+$0x7460] =	vst v15  }
0x10c: {  	v20 =	vld [tilespmem:s8+$0x7860];
	[tilespmem:s8+$0x7470] =	vst v16;
	v14 =	vadd.f32 v45, v14  }
0x10d: {  	v16 =	vld [tilespmem:s8+$0x7870];
	[tilespmem:s8+$0x7800] =	vst v13;
	v12 =	vadd.f32 v46, v12  }
0x10e: {  	v15 =	vld [tilespmem:s8+$0x7C00];
	v13 =	vadd.f32 v47, v17;
	[tilespmem:s8+$0x7810] =	vst v14  }
0x10f: {  	v14 =	vld [tilespmem:s8+$0x7C10];
	[tilespmem:s8+$0x7820] =	vst v12;
	v12 =	vadd.f32 v48, v19  }
0x110: {  	[tilespmem:s8+$0x7830] =	vst v13;
	v13 =	vld [tilespmem:s8+$0x7C20];
	v18 =	vadd.f32 v49, v18  }
0x111: {  	s11 =	simm.s32 $0x0;
	s6 =	simm.s32 $0x1;
	v17 =	vadd.f32 v50, v20;
	[tilespmem:s8+$0x7840] =	vst v12;
	v12 =	vld [tilespmem:s8+$0x7C30]  }
.LBB2_5:
0x112: {  	s14 =	sshrl.u32 s6, $0x3;
	p0 =	sne.s32 s6, $0x1F;
	[tilespmem:s8+$0x7850] =	vst v18;
	v11 =	vadd.f32 v11, v16;
	v16 =	vld [tilespmem:s8+$0x7C40]  }
0x113: {  	s11 =	sadd.s32 $0x80, s11;
	s14 =	smul.u32 $0x1800, s14;
	[tilespmem:s8+$0x7860] =	vst v17;
	v10 =	vadd.f32 v10, v15;
	v15 =	vld [tilespmem:s8+$0x7C50]  }
0x114: {  	s18 =	sand.u32 $0x380, s11;
	[tilespmem:s8+$0x7870] =	vst v11;
	v9 =	vadd.f32 v9, v14;
	v11 =	vld [tilespmem:s8+$0x7C60]  }
0x115: {  	s14 =	sor.u32 s18, s14;
	[tilespmem:s8+$0x7C00] =	vst v10;
	v8 =	vadd.f32 v8, v13;
	v10 =	vld [tilespmem:s8+$0x7C70]  }
0x116: {  	v39 =	vld [tilespmem:s14+$0x800];
	[tilespmem:s8+$0x7C10] =	vst v9;
	v7 =	vadd.f32 v7, v12  }
0x117: {  	v40 =	vld [tilespmem:s14+$0x810];
	[tilespmem:s8+$0x7C20] =	vst v8;
	v6 =	vadd.f32 v6, v16  }
0x118: {  	v41 =	vld [tilespmem:s14+$0x820];
	[tilespmem:s8+$0x7C30] =	vst v7;
	v5 =	vadd.f32 v5, v15  }
0x119: {  	v42 =	vld [tilespmem:s14+$0x830];
	[tilespmem:s8+$0x7C40] =	vst v6;
	v4 =	vadd.f32 v4, v11  }
0x11a: {  	v43 =	vld [tilespmem:s14+$0x840];
	[tilespmem:s8+$0x7C50] =	vst v5;
	v3 =	vadd.f32 v3, v10  }
0x11b: {  	v44 =	vld [tilespmem:s14+$0x850];
	[tilespmem:s8+$0x7C60] =	vst v4  }
0x11c: {  	v45 =	vld [tilespmem:s14+$0x860];
	[tilespmem:s8+$0x7C70] =	vst v3;
	s8 =	smov.u32 s14  }
0x11d: {  	v46 =	vld [tilespmem:s8+$0x870]  }
0x11e: {  	v47 =	vld [tilespmem:s8+$0xC00]  }
0x11f: {  	v48 =	vld [tilespmem:s8+$0xC10]  }
0x120: {  	v49 =	vld [tilespmem:s8+$0xC20]  }
0x121: {  	v50 =	vld [tilespmem:s8+$0xC30]  }
0x122: {  	v38 =	vld [tilespmem:s8+$0xC40]  }
0x123: {  	v37 =	vld [tilespmem:s8+$0xC50]  }
0x124: {  	v36 =	vld [tilespmem:s8+$0xC60]  }
0x125: {  	v35 =	vld [tilespmem:s8+$0xC70]  }
0x126: {  	v34 =	vld [tilespmem:s8+$0x1000]  }
0x127: {  	v33 =	vld [tilespmem:s8+$0x1010]  }
0x128: {  	v32 =	vld [tilespmem:s8+$0x1020]  }
0x129: {  	v31 =	vld [tilespmem:s8+$0x1030]  }
0x12a: {  	v30 =	vld [tilespmem:s8+$0x1040]  }
0x12b: {  	v29 =	vld [tilespmem:s8+$0x1050]  }
0x12c: {  	v28 =	vld [tilespmem:s8+$0x1060]  }
0x12d: {  	v27 =	vld [tilespmem:s8+$0x1070]  }
0x12e: {  	v26 =	vld [tilespmem:s8+$0x1400]  }
0x12f: {  	v25 =	vld [tilespmem:s8+$0x1410]  }
0x130: {  	v24 =	vld [tilespmem:s8+$0x1420]  }
0x131: {  	v23 =	vld [tilespmem:s8+$0x1430]  }
0x132: {  	v22 =	vld [tilespmem:s8+$0x1440]  }
0x133: {  	v21 =	vld [tilespmem:s8+$0x1450]  }
0x134: {  	v20 =	vld [tilespmem:s8+$0x1460]  }
0x135: {  	v19 =	vld [tilespmem:s8+$0x1470]  }
0x136: {  	v18 =	vld [tilespmem:s8+$0x1800]  }
0x137: {  	v17 =	vld [tilespmem:s8+$0x1810]  }
0x138: {  	v16 =	vld [tilespmem:s8+$0x1820]  }
0x139: {  	v15 =	vld [tilespmem:s8+$0x1830]  }
0x13a: {  	v14 =	vld [tilespmem:s8+$0x1840]  }
0x13b: {  	v13 =	vld [tilespmem:s8+$0x1850]  }
0x13c: {  	v12 =	vld [tilespmem:s8+$0x1860]  }
0x13d: {  	v11 =	vld [tilespmem:s8+$0x1870]  }
0x13e: {  	v10 =	vld [tilespmem:s8+$0x1C00]  }
0x13f: {  	v9 =	vld [tilespmem:s8+$0x1C10]  }
0x140: {  	v8 =	vld [tilespmem:s8+$0x1C20]  }
0x141: {  	v7 =	vld [tilespmem:s8+$0x1C30]  }
0x142: {  	v6 =	vld [tilespmem:s8+$0x1C40]  }
0x143: {  	v5 =	vld [tilespmem:s8+$0x1C50]  }
0x144: {  	v4 =	vld [tilespmem:s8+$0x1C60]  }
0x145: {  	v3 =	vld [tilespmem:s8+$0x1C70]  }
0x146: {  	v51 =	vld [tilespmem:s8+$0x6800]  }
0x147: {  	v52 =	vld [tilespmem:s8+$0x6810]  }
0x148: {  	v53 =	vld [tilespmem:s8+$0x6820]  }
0x149: {  	v54 =	vld [tilespmem:s8+$0x6830]  }
0x14a: {  	v55 =	vld [tilespmem:s8+$0x6840]  }
0x14b: {  	v39 =	vadd.f32 v39, v51;
	v51 =	vld [tilespmem:s8+$0x6850]  }
0x14c: {  	v40 =	vadd.f32 v40, v52;
	v52 =	vld [tilespmem:s8+$0x6860]  }
0x14d: {  	[tilespmem:s8+$0x6800] =	vst v39;
	v39 =	vadd.f32 v41, v53;
	v41 =	vld [tilespmem:s8+$0x6870]  }
0x14e: {  	[tilespmem:s8+$0x6810] =	vst v40;
	v40 =	vadd.f32 v42, v54;
	v42 =	vld [tilespmem:s8+$0x6C00]  }
0x14f: {  	[tilespmem:s8+$0x6820] =	vst v39;
	v39 =	vadd.f32 v43, v55;
	v43 =	vld [tilespmem:s8+$0x6C10]  }
0x150: {  	[tilespmem:s8+$0x6830] =	vst v40;
	v40 =	vadd.f32 v44, v51;
	v44 =	vld [tilespmem:s8+$0x6C20]  }
0x151: {  	[tilespmem:s8+$0x6840] =	vst v39;
	v39 =	vadd.f32 v45, v52;
	v45 =	vld [tilespmem:s8+$0x6C30]  }
0x152: {  	[tilespmem:s8+$0x6850] =	vst v40;
	v40 =	vadd.f32 v46, v41;
	v41 =	vld [tilespmem:s8+$0x6C40]  }
0x153: {  	[tilespmem:s8+$0x6860] =	vst v39;
	v39 =	vadd.f32 v47, v42;
	v42 =	vld [tilespmem:s8+$0x6C50]  }
0x154: {  	[tilespmem:s8+$0x6870] =	vst v40;
	v40 =	vadd.f32 v48, v43;
	v43 =	vld [tilespmem:s8+$0x6C60]  }
0x155: {  	[tilespmem:s8+$0x6C00] =	vst v39;
	v39 =	vadd.f32 v49, v44;
	v44 =	vld [tilespmem:s8+$0x6C70]  }
0x156: {  	[tilespmem:s8+$0x6C10] =	vst v40;
	v40 =	vadd.f32 v50, v45;
	v45 =	vld [tilespmem:s8+$0x7000]  }
0x157: {  	[tilespmem:s8+$0x6C20] =	vst v39;
	v38 =	vadd.f32 v38, v41;
	v39 =	vld [tilespmem:s8+$0x7010]  }
0x158: {  	[tilespmem:s8+$0x6C30] =	vst v40;
	v37 =	vadd.f32 v37, v42;
	v40 =	vld [tilespmem:s8+$0x7020]  }
0x159: {  	[tilespmem:s8+$0x6C40] =	vst v38;
	v36 =	vadd.f32 v36, v43;
	v38 =	vld [tilespmem:s8+$0x7030]  }
0x15a: {  	[tilespmem:s8+$0x6C50] =	vst v37;
	v35 =	vadd.f32 v35, v44;
	v37 =	vld [tilespmem:s8+$0x7040]  }
0x15b: {  	[tilespmem:s8+$0x6C60] =	vst v36;
	v34 =	vadd.f32 v34, v45;
	v36 =	vld [tilespmem:s8+$0x7050]  }
0x15c: {  	[tilespmem:s8+$0x6C70] =	vst v35;
	v33 =	vadd.f32 v33, v39;
	v35 =	vld [tilespmem:s8+$0x7060]  }
0x15d: {  	[tilespmem:s8+$0x7000] =	vst v34;
	v32 =	vadd.f32 v32, v40;
	v34 =	vld [tilespmem:s8+$0x7070]  }
0x15e: {  	[tilespmem:s8+$0x7010] =	vst v33;
	v31 =	vadd.f32 v31, v38;
	v33 =	vld [tilespmem:s8+$0x7400]  }
0x15f: {  	[tilespmem:s8+$0x7020] =	vst v32;
	v30 =	vadd.f32 v30, v37;
	v32 =	vld [tilespmem:s8+$0x7410]  }
0x160: {  	[tilespmem:s8+$0x7030] =	vst v31;
	v29 =	vadd.f32 v29, v36;
	v31 =	vld [tilespmem:s8+$0x7420]  }
0x161: {  	[tilespmem:s8+$0x7040] =	vst v30;
	v28 =	vadd.f32 v28, v35;
	v30 =	vld [tilespmem:s8+$0x7430]  }
0x162: {  	[tilespmem:s8+$0x7050] =	vst v29;
	v27 =	vadd.f32 v27, v34;
	v29 =	vld [tilespmem:s8+$0x7440]  }
0x163: {  	[tilespmem:s8+$0x7060] =	vst v28;
	v26 =	vadd.f32 v26, v33;
	v28 =	vld [tilespmem:s8+$0x7450]  }
0x164: {  	[tilespmem:s8+$0x7070] =	vst v27;
	v25 =	vadd.f32 v25, v32;
	v27 =	vld [tilespmem:s8+$0x7460]  }
0x165: {  	[tilespmem:s8+$0x7400] =	vst v26;
	v24 =	vadd.f32 v24, v31;
	v26 =	vld [tilespmem:s8+$0x7470]  }
0x166: {  	[tilespmem:s8+$0x7410] =	vst v25;
	v23 =	vadd.f32 v23, v30;
	v25 =	vld [tilespmem:s8+$0x7800]  }
0x167: {  	[tilespmem:s8+$0x7420] =	vst v24;
	v22 =	vadd.f32 v22, v29;
	v24 =	vld [tilespmem:s8+$0x7810]  }
0x168: {  	[tilespmem:s8+$0x7430] =	vst v23;
	v21 =	vadd.f32 v21, v28;
	v23 =	vld [tilespmem:s8+$0x7820]  }
0x169: {  	[tilespmem:s8+$0x7440] =	vst v22;
	v20 =	vadd.f32 v20, v27;
	v22 =	vld [tilespmem:s8+$0x7830]  }
0x16a: {  	[tilespmem:s8+$0x7450] =	vst v21;
	v19 =	vadd.f32 v19, v26;
	v21 =	vld [tilespmem:s8+$0x7840]  }
0x16b: {  	[tilespmem:s8+$0x7460] =	vst v20;
	v18 =	vadd.f32 v18, v25;
	v20 =	vld [tilespmem:s8+$0x7850]  }
0x16c: {  	[tilespmem:s8+$0x7470] =	vst v19;
	v17 =	vadd.f32 v17, v24;
	v19 =	vld [tilespmem:s8+$0x7860]  }
.Ltmp3:
0x16d: {  	[tilespmem:s8+$0x7800] =	vst v18;
	v18 =	vadd.f32 v16, v23;
	v16 =	vld [tilespmem:s8+$0x7870];
	(pc) =	sbr.rel @p0 .LBB2_5-.Ltmp3, $4  }
0x16e: {  	[tilespmem:s8+$0x7810] =	vst v17;
	v17 =	vadd.f32 v15, v22;
	v15 =	vld [tilespmem:s8+$0x7C00]  }
0x16f: {  	[tilespmem:s8+$0x7820] =	vst v18;
	v21 =	vadd.f32 v14, v21;
	v14 =	vld [tilespmem:s8+$0x7C10]  }
0x170: {  	[tilespmem:s8+$0x7830] =	vst v17;
	v18 =	vadd.f32 v13, v20;
	v13 =	vld [tilespmem:s8+$0x7C20]  }
0x171: {  	s6 =	sadd.s32 $0x1, s6;
	[tilespmem:s8+$0x7840] =	vst v21;
	v17 =	vadd.f32 v12, v19;
	v12 =	vld [tilespmem:s8+$0x7C30]  }
0x172: {  	[tilespmem:s8+$0x7850] =	vst v18;
	v18 =	vld [tilespmem:s8+$0x7C40];
	v11 =	vadd.f32 v11, v16  }
0x173: {  	v16 =	vld [tilespmem:s8+$0x7C50];
	[tilespmem:s8+$0x7860] =	vst v17;
	v10 =	vadd.f32 v10, v15  }
0x174: {  	[tilespmem:s8+$0x7870] =	vst v11;
	v9 =	vadd.f32 v9, v14;
	v11 =	vld [tilespmem:s8+$0x7C60]  }
0x175: {  	[tilespmem:s8+$0x7C00] =	vst v10;
	v8 =	vadd.f32 v8, v13;
	v10 =	vld [tilespmem:s8+$0x7C70]  }
0x176: {  	[tilespmem:s8+$0x7C10] =	vst v9;
	v7 =	vadd.f32 v7, v12  }
0x177: {  	s6 =	sshll.u32 s25, $0xC;
	[tilespmem:s8+$0x7C20] =	vst v8;
	v6 =	vadd.f32 v6, v18  }
0x178: {  	s6 =	sor.u32 s5, s6;
	v5 =	vadd.f32 v5, v16;
	[tilespmem:s8+$0x7C30] =	vst v7  }
0x179: {  	s6 =	sshrl.u32 s6, $0x3;
	[tilespmem:s8+$0x7C40] =	vst v6;
	v4 =	vadd.f32 v4, v11  }
0x17a: {  	s11 =	smul.u32 $0x300, s6;
	[tilespmem:s8+$0x7C50] =	vst v5;
	v3 =	vadd.f32 v3, v10  }
0x17b: {  	[tilespmem:s8+$0x7C60] =	vst v4  }
0x17c: {  	p0 =	seq.s32 s25, $0x0;
	s6 =	sadd.s32 s3, s11;
	[tilespmem:s8+$0x7C70] =	vst v3  }
0x17d: {  	[hbm4b:s6+s4] =	stream.linear.scatter [tilespmem:s19], [sflag:$0x5], $0x6000, $0x38;
	[tilespmem:$0x1E800] =	vst v63  }
0x17e: {  	s6 =	simm.s32 @!p0 $0x8  }
0x17f: {  	s8 =	sshllo.u32 s25, $0x2;
	_ =	swait.ge @!p0 [sflag:s6], $0x6000  }
0x180: {  	s14 =	sshll.u32 s8, $0x5;
	[sflag:s6] =	ssyncset.done @!p0 $0x0  }
0x181: {  	[sflag:s6] =	ssyncadd.s32 @!p0 $0xFFFFA000;
	s6 =	sand.u32 $0x3FFFFFE0, s14  }
0x182: {  	v3 =	vld [tilespmem:s6+$0x0];
	_ =	sdelay $0x4  }
0x183: {  	v4 =	vshrl.u32 v3, $0x3  }
0x184: {  	v4 =	vmul.u32 $0x30, v4  }
0x185: {  	v3 =	vand.u32 $0x7, v3  }
0x186: {  	v3 =	vor.u32 v3, v4  }
0x187: {  	v4 =	vperm.xlane v3, v0;
	_ =	sdelay $0x1  }
0x188: {  	v4 =	vadd.s32 v1, v4;
	_ =	sdelay $0x3  }
0x189: {  	s14 =	simm.s32 $0x0;
	v3 =	vperm.xlane v3, v2  }
0x18a: {  	[tilespmem:s7], [sflag:$0x4] =	stream.indirect_vreg.gather [hbm4b:s1+s14], $0x80, v4, vm0, $0xb8;
	[tilespmem:$0x1E800] =	vst v63  }
0x18b: {  	s18 =	simm.s32 $0x19000;
	v3 =	vadd.s32 v1, v3  }
0x18c: {  	[tilespmem:s18], [sflag:$0x4] =	stream.indirect_vreg.gather [hbm4b:s9+s14], $0x80, v4, vm0, $0xb8;
	[tilespmem:$0x1E800] =	vst v63  }
0x18d: {  	s30 =	simm.s32 $0x19800  }
0x18e: {  	[tilespmem:s30], [sflag:$0x4] =	stream.indirect_vreg.gather [hbm4b:s10+s14], $0x80, v4, vm0, $0xb8;
	[tilespmem:$0x1E800] =	vst v63  }
0x18f: {  	s31 =	simm.s32 $0x1A000  }
0x190: {  	[tilespmem:s31], [sflag:$0x4] =	stream.indirect_vreg.gather [hbm4b:s1+s14], $0x80, v3, vm0, $0xb8;
	[tilespmem:$0x1E800] =	vst v63  }
0x191: {  	s30 =	simm.s32 $0x1A800  }
0x192: {  	[tilespmem:s30], [sflag:$0x4] =	stream.indirect_vreg.gather [hbm4b:s9+s14], $0x80, v3, vm0, $0xb8;
	[tilespmem:$0x1E800] =	vst v63  }
0x193: {  	s31 =	simm.s32 $0x1B000  }
0x194: {  	[tilespmem:s31], [sflag:$0x4] =	stream.indirect_vreg.gather [hbm4b:s10+s14], $0x80, v3, vm0, $0xb8;
	[tilespmem:$0x1E800] =	vst v63  }
0x195: {  	v3 =	vld [tilespmem:s6+$0x10];
	_ =	sdelay $0x4  }
0x196: {  	v4 =	vshrl.u32 v3, $0x3  }
0x197: {  	v4 =	vmul.u32 $0x30, v4  }
0x198: {  	v3 =	vand.u32 $0x7, v3  }
0x199: {  	v3 =	vor.u32 v3, v4  }
0x19a: {  	v4 =	vperm.xlane v3, v0;
	_ =	sdelay $0x1  }
0x19b: {  	v4 =	vadd.s32 v1, v4;
	_ =	sdelay $0x3  }
0x19c: {  	s30 =	simm.s32 $0x1B800;
	v3 =	vperm.xlane v3, v2  }
0x19d: {  	[tilespmem:s30], [sflag:$0x4] =	stream.indirect_vreg.gather [hbm4b:s1+s14], $0x80, v4, vm0, $0xb8;
	[tilespmem:$0x1E800] =	vst v63  }
0x19e: {  	s31 =	simm.s32 $0x1C000;
	v3 =	vadd.s32 v1, v3  }
0x19f: {  	[tilespmem:s31], [sflag:$0x4] =	stream.indirect_vreg.gather [hbm4b:s9+s14], $0x80, v4, vm0, $0xb8;
	[tilespmem:$0x1E800] =	vst v63  }
0x1a0: {  	s18 =	simm.s32 $0x1C800  }
0x1a1: {  	[tilespmem:s18], [sflag:$0x4] =	stream.indirect_vreg.gather [hbm4b:s10+s14], $0x80, v4, vm0, $0xb8;
	[tilespmem:$0x1E800] =	vst v63  }
0x1a2: {  	_ = 	snop  }
0x1a3: {  	[tilespmem:s2], [sflag:$0x4] =	stream.indirect_vreg.gather [hbm4b:s1+s14], $0x80, v3, vm0, $0xb8;
	[tilespmem:$0x1E800] =	vst v63  }
0x1a4: {  	_ = 	snop  }
0x1a5: {  	[tilespmem:s16], [sflag:$0x4] =	stream.indirect_vreg.gather [hbm4b:s9+s14], $0x80, v3, vm0, $0xb8;
	[tilespmem:$0x1E800] =	vst v63  }
0x1a6: {  	s30 =	simm.s32 $0x0  }
0x1a7: {  	[tilespmem:s17], [sflag:$0x4] =	stream.indirect_vreg.gather [hbm4b:s10+s14], $0x80, v3, vm0, $0xb8;
	[tilespmem:$0x1E800] =	vst v63  }
0x1a8: {  	s6 =	smul.u32 $0x1800, s30;
	_ =	swait.ge [sflag:s20], $0x6000  }
0x1a9: {  	s31 =	sand.u32 $0x380, s14;
	[sflag:s20] =	ssyncset.done $0x0  }
0x1aa: {  	s6 =	sor.u32 s31, s6;
	[sflag:s20] =	ssyncadd.s32 $0xFFFFA000  }
0x1ab: {  	v12 =	vld [tilespmem:s6+$0x800]  }
0x1ac: {  	v13 =	vld [tilespmem:s6+$0x810]  }
0x1ad: {  	v14 =	vld [tilespmem:s6+$0x820]  }
0x1ae: {  	v15 =	vld [tilespmem:s6+$0x830]  }
0x1af: {  	v16 =	vld [tilespmem:s6+$0x840]  }
0x1b0: {  	v17 =	vld [tilespmem:s6+$0x850]  }
0x1b1: {  	v18 =	vld [tilespmem:s6+$0x860]  }
0x1b2: {  	v19 =	vld [tilespmem:s6+$0x870]  }
0x1b3: {  	v20 =	vld [tilespmem:s6+$0xC00]  }
0x1b4: {  	v21 =	vld [tilespmem:s6+$0xC10]  }
0x1b5: {  	v22 =	vld [tilespmem:s6+$0xC20]  }
0x1b6: {  	v23 =	vld [tilespmem:s6+$0xC30]  }
0x1b7: {  	v24 =	vld [tilespmem:s6+$0xC40]  }
0x1b8: {  	v25 =	vld [tilespmem:s6+$0xC50]  }
0x1b9: {  	v26 =	vld [tilespmem:s6+$0xC60]  }
0x1ba: {  	v27 =	vld [tilespmem:s6+$0xC70]  }
0x1bb: {  	v28 =	vld [tilespmem:s6+$0x1000]  }
0x1bc: {  	v29 =	vld [tilespmem:s6+$0x1010]  }
0x1bd: {  	v30 =	vld [tilespmem:s6+$0x1020]  }
0x1be: {  	v31 =	vld [tilespmem:s6+$0x1030]  }
0x1bf: {  	v32 =	vld [tilespmem:s6+$0x1040]  }
0x1c0: {  	v33 =	vld [tilespmem:s6+$0x1050]  }
0x1c1: {  	v34 =	vld [tilespmem:s6+$0x1060]  }
0x1c2: {  	v35 =	vld [tilespmem:s6+$0x1070]  }
0x1c3: {  	v36 =	vld [tilespmem:s6+$0x1400]  }
0x1c4: {  	v37 =	vld [tilespmem:s6+$0x1410]  }
0x1c5: {  	v38 =	vld [tilespmem:s6+$0x1420]  }
0x1c6: {  	v39 =	vld [tilespmem:s6+$0x1430]  }
0x1c7: {  	v40 =	vld [tilespmem:s6+$0x1440]  }
0x1c8: {  	v41 =	vld [tilespmem:s6+$0x1450]  }
0x1c9: {  	v42 =	vld [tilespmem:s6+$0x1460]  }
0x1ca: {  	v43 =	vld [tilespmem:s6+$0x1470]  }
0x1cb: {  	v44 =	vld [tilespmem:s6+$0x1800]  }
0x1cc: {  	v45 =	vld [tilespmem:s6+$0x1810]  }
0x1cd: {  	v46 =	vld [tilespmem:s6+$0x1820]  }
0x1ce: {  	v47 =	vld [tilespmem:s6+$0x1830]  }
0x1cf: {  	v48 =	vld [tilespmem:s6+$0x1840]  }
0x1d0: {  	v49 =	vld [tilespmem:s6+$0x1850]  }
0x1d1: {  	v50 =	vld [tilespmem:s6+$0x1860]  }
0x1d2: {  	v11 =	vld [tilespmem:s6+$0x1870]  }
0x1d3: {  	v10 =	vld [tilespmem:s6+$0x1C00]  }
0x1d4: {  	v9 =	vld [tilespmem:s6+$0x1C10]  }
0x1d5: {  	v8 =	vld [tilespmem:s6+$0x1C20]  }
0x1d6: {  	v7 =	vld [tilespmem:s6+$0x1C30]  }
0x1d7: {  	v6 =	vld [tilespmem:s6+$0x1C40]  }
0x1d8: {  	v51 =	vld [tilespmem:s6+$0xC800]  }
0x1d9: {  	v52 =	vld [tilespmem:s6+$0xC810]  }
0x1da: {  	v53 =	vld [tilespmem:s6+$0xC820]  }
0x1db: {  	v54 =	vld [tilespmem:s6+$0xC830]  }
0x1dc: {  	v55 =	vld [tilespmem:s6+$0xC840]  }
0x1dd: {  	v62 =	vld [tilespmem:s6+$0xC850];
	v12 =	vadd.f32 v12, v51  }
0x1de: {  	v63 =	vld [tilespmem:s6+$0xC860];
	v13 =	vadd.f32 v13, v52  }
0x1df: {  	[tilespmem:s6+$0xC800] =	vst v12;
	v12 =	vadd.f32 v14, v53;
	v14 =	vld [tilespmem:s6+$0xC870]  }
0x1e0: {  	[tilespmem:s6+$0xC810] =	vst v13;
	v13 =	vadd.f32 v15, v54;
	v15 =	vld [tilespmem:s6+$0xCC00]  }
0x1e1: {  	[tilespmem:s6+$0xC820] =	vst v12;
	v12 =	vadd.f32 v16, v55;
	v16 =	vld [tilespmem:s6+$0xCC10]  }
0x1e2: {  	[tilespmem:s6+$0xC830] =	vst v13;
	v13 =	vadd.f32 v17, v62;
	v17 =	vld [tilespmem:s6+$0xCC20]  }
0x1e3: {  	v5 =	vld [tilespmem:s6+$0x1C50]  }
0x1e4: {  	[tilespmem:s6+$0xC840] =	vst v12;
	v12 =	vadd.f32 v18, v63;
	v18 =	vld [tilespmem:s6+$0xCC70]  }
0x1e5: {  	[tilespmem:s6+$0xC850] =	vst v13;
	v13 =	vadd.f32 v19, v14;
	v14 =	vld [tilespmem:s6+$0xCC30]  }
0x1e6: {  	[tilespmem:s6+$0xC860] =	vst v12;
	v12 =	vadd.f32 v20, v15;
	v15 =	vld [tilespmem:s6+$0xCC40]  }
0x1e7: {  	[tilespmem:s6+$0xC870] =	vst v13;
	v13 =	vadd.f32 v21, v16;
	v16 =	vadd.f32 v22, v17;
	v17 =	vld [tilespmem:s6+$0xCC60]  }
0x1e8: {  	[tilespmem:s6+$0xCC00] =	vst v12;
	v12 =	vld [tilespmem:s6+$0xCC50]  }
0x1e9: {  	[tilespmem:s6+$0xCC10] =	vst v13;
	v13 =	vld [tilespmem:s6+$0xD000];
	v18 =	vadd.f32 v27, v18  }
0x1ea: {  	[tilespmem:s6+$0xCC20] =	vst v16;
	v16 =	vld [tilespmem:s6+$0xD010];
	v14 =	vadd.f32 v23, v14  }
0x1eb: {  	v4 =	vld [tilespmem:s6+$0x1C60];
	v15 =	vadd.f32 v24, v15;
	[tilespmem:s6+$0xCC70] =	vst v18  }
0x1ec: {  	[tilespmem:s6+$0xCC30] =	vst v14;
	v14 =	vld [tilespmem:s6+$0xD020];
	v17 =	vadd.f32 v26, v17  }
0x1ed: {  	v12 =	vadd.f32 v25, v12;
	[tilespmem:s6+$0xCC40] =	vst v15;
	v15 =	vld [tilespmem:s6+$0xD030]  }
0x1ee: {  	v18 =	vld [tilespmem:s6+$0xD070];
	[tilespmem:s6+$0xCC60] =	vst v17;
	v13 =	vadd.f32 v28, v13  }
0x1ef: {  	v16 =	vadd.f32 v29, v16;
	[tilespmem:s6+$0xCC50] =	vst v12;
	v12 =	vld [tilespmem:s6+$0xD040]  }
0x1f0: {  	v17 =	vld [tilespmem:s6+$0xD050];
	[tilespmem:s6+$0xD000] =	vst v13  }
0x1f1: {  	[tilespmem:s6+$0xD010] =	vst v16;
	v16 =	vld [tilespmem:s6+$0xD060];
	v13 =	vadd.f32 v30, v14  }
0x1f2: {  	v14 =	vld [tilespmem:s6+$0xD400];
	v15 =	vadd.f32 v31, v15  }
0x1f3: {  	[tilespmem:s6+$0xD020] =	vst v13;
	v13 =	vld [tilespmem:s6+$0xD410]  }
0x1f4: {  	v12 =	vadd.f32 v32, v12;
	[tilespmem:s6+$0xD030] =	vst v15;
	v15 =	vld [tilespmem:s6+$0xD420]  }
0x1f5: {  	v3 =	vld [tilespmem:s6+$0x1C70];
	v17 =	vadd.f32 v33, v17  }
0x1f6: {  	v16 =	vadd.f32 v34, v16;
	[tilespmem:s6+$0xD040] =	vst v12;
	v12 =	vld [tilespmem:s6+$0xD430]  }
0x1f7: {  	[tilespmem:s6+$0xD050] =	vst v17;
	v17 =	vld [tilespmem:s6+$0xD440];
	v14 =	vadd.f32 v36, v14  }
0x1f8: {  	v18 =	vadd.f32 v35, v18;
	[tilespmem:s6+$0xD060] =	vst v16;
	v16 =	vld [tilespmem:s6+$0xD450]  }
0x1f9: {  	v13 =	vadd.f32 v37, v13;
	[tilespmem:s6+$0xD400] =	vst v14;
	v14 =	vadd.f32 v38, v15;
	v15 =	vld [tilespmem:s6+$0xD460]  }
0x1fa: {  	[tilespmem:s6+$0xD070] =	vst v18;
	v18 =	vld [tilespmem:s6+$0xD470]  }
0x1fb: {  	[tilespmem:s6+$0xD410] =	vst v13;
	v13 =	vld [tilespmem:s6+$0xD800];
	v12 =	vadd.f32 v39, v12  }
0x1fc: {  	v17 =	vadd.f32 v40, v17;
	[tilespmem:s6+$0xD420] =	vst v14;
	v14 =	vld [tilespmem:s6+$0xD810]  }
0x1fd: {  	v16 =	vadd.f32 v41, v16;
	[tilespmem:s6+$0xD430] =	vst v12;
	v12 =	vld [tilespmem:s6+$0xD820]  }
0x1fe: {  	[tilespmem:s6+$0xD440] =	vst v17;
	v17 =	vld [tilespmem:s6+$0xD830];
	v15 =	vadd.f32 v42, v15  }
0x1ff: {  	v19 =	vld [tilespmem:s6+$0xD840];
	[tilespmem:s6+$0xD450] =	vst v16;
	v16 =	vadd.f32 v43, v18  }
0x200: {  	v18 =	vld [tilespmem:s6+$0xD850];
	v13 =	vadd.f32 v44, v13;
	[tilespmem:s6+$0xD460] =	vst v15  }
0x201: {  	v20 =	vld [tilespmem:s6+$0xD860];
	[tilespmem:s6+$0xD470] =	vst v16;
	v14 =	vadd.f32 v45, v14  }
0x202: {  	v16 =	vld [tilespmem:s6+$0xD870];
	[tilespmem:s6+$0xD800] =	vst v13;
	v12 =	vadd.f32 v46, v12  }
0x203: {  	v15 =	vld [tilespmem:s6+$0xDC00];
	v13 =	vadd.f32 v47, v17;
	[tilespmem:s6+$0xD810] =	vst v14  }
0x204: {  	v14 =	vld [tilespmem:s6+$0xDC10];
	[tilespmem:s6+$0xD820] =	vst v12;
	v12 =	vadd.f32 v48, v19  }
0x205: {  	[tilespmem:s6+$0xD830] =	vst v13;
	v13 =	vld [tilespmem:s6+$0xDC20];
	v18 =	vadd.f32 v49, v18  }
0x206: {  	s28 =	simm.s32 $0x1;
	v17 =	vadd.f32 v50, v20;
	[tilespmem:s6+$0xD840] =	vst v12;
	v12 =	vld [tilespmem:s6+$0xDC30]  }
.LBB2_7:
0x207: {  	s18 =	sshrl.u32 s28, $0x3;
	p0 =	sne.s32 s28, $0x1F;
	[tilespmem:s6+$0xD850] =	vst v18;
	v11 =	vadd.f32 v11, v16;
	v16 =	vld [tilespmem:s6+$0xDC40]  }
0x208: {  	s14 =	sadd.s32 $0x80, s14;
	s18 =	smul.u32 $0x1800, s18;
	[tilespmem:s6+$0xD860] =	vst v17;
	v10 =	vadd.f32 v10, v15;
	v15 =	vld [tilespmem:s6+$0xDC50]  }
0x209: {  	s30 =	sand.u32 $0x380, s14;
	[tilespmem:s6+$0xD870] =	vst v11;
	v9 =	vadd.f32 v9, v14;
	v11 =	vld [tilespmem:s6+$0xDC60]  }
0x20a: {  	s18 =	sor.u32 s30, s18;
	[tilespmem:s6+$0xDC00] =	vst v10;
	v8 =	vadd.f32 v8, v13;
	v10 =	vld [tilespmem:s6+$0xDC70]  }
0x20b: {  	v39 =	vld [tilespmem:s18+$0x800];
	[tilespmem:s6+$0xDC10] =	vst v9;
	v7 =	vadd.f32 v7, v12  }
0x20c: {  	v40 =	vld [tilespmem:s18+$0x810];
	[tilespmem:s6+$0xDC20] =	vst v8;
	v6 =	vadd.f32 v6, v16  }
0x20d: {  	v41 =	vld [tilespmem:s18+$0x820];
	[tilespmem:s6+$0xDC30] =	vst v7;
	v5 =	vadd.f32 v5, v15  }
0x20e: {  	v42 =	vld [tilespmem:s18+$0x830];
	[tilespmem:s6+$0xDC40] =	vst v6;
	v4 =	vadd.f32 v4, v11  }
0x20f: {  	v43 =	vld [tilespmem:s18+$0x840];
	[tilespmem:s6+$0xDC50] =	vst v5;
	v3 =	vadd.f32 v3, v10  }
0x210: {  	v44 =	vld [tilespmem:s18+$0x850];
	[tilespmem:s6+$0xDC60] =	vst v4  }
0x211: {  	v45 =	vld [tilespmem:s18+$0x860];
	[tilespmem:s6+$0xDC70] =	vst v3;
	s6 =	smov.u32 s18  }
0x212: {  	v46 =	vld [tilespmem:s6+$0x870]  }
0x213: {  	v47 =	vld [tilespmem:s6+$0xC00]  }
0x214: {  	v48 =	vld [tilespmem:s6+$0xC10]  }
0x215: {  	v49 =	vld [tilespmem:s6+$0xC20]  }
0x216: {  	v50 =	vld [tilespmem:s6+$0xC30]  }
0x217: {  	v38 =	vld [tilespmem:s6+$0xC40]  }
0x218: {  	v37 =	vld [tilespmem:s6+$0xC50]  }
0x219: {  	v36 =	vld [tilespmem:s6+$0xC60]  }
0x21a: {  	v35 =	vld [tilespmem:s6+$0xC70]  }
0x21b: {  	v34 =	vld [tilespmem:s6+$0x1000]  }
0x21c: {  	v33 =	vld [tilespmem:s6+$0x1010]  }
0x21d: {  	v32 =	vld [tilespmem:s6+$0x1020]  }
0x21e: {  	v31 =	vld [tilespmem:s6+$0x1030]  }
0x21f: {  	v30 =	vld [tilespmem:s6+$0x1040]  }
0x220: {  	v29 =	vld [tilespmem:s6+$0x1050]  }
0x221: {  	v28 =	vld [tilespmem:s6+$0x1060]  }
0x222: {  	v27 =	vld [tilespmem:s6+$0x1070]  }
0x223: {  	v26 =	vld [tilespmem:s6+$0x1400]  }
0x224: {  	v25 =	vld [tilespmem:s6+$0x1410]  }
0x225: {  	v24 =	vld [tilespmem:s6+$0x1420]  }
0x226: {  	v23 =	vld [tilespmem:s6+$0x1430]  }
0x227: {  	v22 =	vld [tilespmem:s6+$0x1440]  }
0x228: {  	v21 =	vld [tilespmem:s6+$0x1450]  }
0x229: {  	v20 =	vld [tilespmem:s6+$0x1460]  }
0x22a: {  	v19 =	vld [tilespmem:s6+$0x1470]  }
0x22b: {  	v18 =	vld [tilespmem:s6+$0x1800]  }
0x22c: {  	v17 =	vld [tilespmem:s6+$0x1810]  }
0x22d: {  	v16 =	vld [tilespmem:s6+$0x1820]  }
0x22e: {  	v15 =	vld [tilespmem:s6+$0x1830]  }
0x22f: {  	v14 =	vld [tilespmem:s6+$0x1840]  }
0x230: {  	v13 =	vld [tilespmem:s6+$0x1850]  }
0x231: {  	v12 =	vld [tilespmem:s6+$0x1860]  }
0x232: {  	v11 =	vld [tilespmem:s6+$0x1870]  }
0x233: {  	v10 =	vld [tilespmem:s6+$0x1C00]  }
0x234: {  	v9 =	vld [tilespmem:s6+$0x1C10]  }
0x235: {  	v8 =	vld [tilespmem:s6+$0x1C20]  }
0x236: {  	v7 =	vld [tilespmem:s6+$0x1C30]  }
0x237: {  	v6 =	vld [tilespmem:s6+$0x1C40]  }
0x238: {  	v5 =	vld [tilespmem:s6+$0x1C50]  }
0x239: {  	v4 =	vld [tilespmem:s6+$0x1C60]  }
0x23a: {  	v3 =	vld [tilespmem:s6+$0x1C70]  }
0x23b: {  	v51 =	vld [tilespmem:s6+$0xC800]  }
0x23c: {  	v52 =	vld [tilespmem:s6+$0xC810]  }
0x23d: {  	v53 =	vld [tilespmem:s6+$0xC820]  }
0x23e: {  	v54 =	vld [tilespmem:s6+$0xC830]  }
0x23f: {  	v55 =	vld [tilespmem:s6+$0xC840]  }
0x240: {  	v39 =	vadd.f32 v39, v51;
	v51 =	vld [tilespmem:s6+$0xC850]  }
0x241: {  	v40 =	vadd.f32 v40, v52;
	v52 =	vld [tilespmem:s6+$0xC860]  }
0x242: {  	[tilespmem:s6+$0xC800] =	vst v39;
	v39 =	vadd.f32 v41, v53;
	v41 =	vld [tilespmem:s6+$0xC870]  }
0x243: {  	[tilespmem:s6+$0xC810] =	vst v40;
	v40 =	vadd.f32 v42, v54;
	v42 =	vld [tilespmem:s6+$0xCC00]  }
0x244: {  	[tilespmem:s6+$0xC820] =	vst v39;
	v39 =	vadd.f32 v43, v55;
	v43 =	vld [tilespmem:s6+$0xCC10]  }
0x245: {  	[tilespmem:s6+$0xC830] =	vst v40;
	v40 =	vadd.f32 v44, v51;
	v44 =	vld [tilespmem:s6+$0xCC20]  }
0x246: {  	[tilespmem:s6+$0xC840] =	vst v39;
	v39 =	vadd.f32 v45, v52;
	v45 =	vld [tilespmem:s6+$0xCC30]  }
0x247: {  	[tilespmem:s6+$0xC850] =	vst v40;
	v40 =	vadd.f32 v46, v41;
	v41 =	vld [tilespmem:s6+$0xCC40]  }
0x248: {  	[tilespmem:s6+$0xC860] =	vst v39;
	v39 =	vadd.f32 v47, v42;
	v42 =	vld [tilespmem:s6+$0xCC50]  }
0x249: {  	[tilespmem:s6+$0xC870] =	vst v40;
	v40 =	vadd.f32 v48, v43;
	v43 =	vld [tilespmem:s6+$0xCC60]  }
0x24a: {  	[tilespmem:s6+$0xCC00] =	vst v39;
	v39 =	vadd.f32 v49, v44;
	v44 =	vld [tilespmem:s6+$0xCC70]  }
0x24b: {  	[tilespmem:s6+$0xCC10] =	vst v40;
	v40 =	vadd.f32 v50, v45;
	v45 =	vld [tilespmem:s6+$0xD000]  }
0x24c: {  	[tilespmem:s6+$0xCC20] =	vst v39;
	v38 =	vadd.f32 v38, v41;
	v39 =	vld [tilespmem:s6+$0xD010]  }
0x24d: {  	[tilespmem:s6+$0xCC30] =	vst v40;
	v37 =	vadd.f32 v37, v42;
	v40 =	vld [tilespmem:s6+$0xD020]  }
0x24e: {  	[tilespmem:s6+$0xCC40] =	vst v38;
	v36 =	vadd.f32 v36, v43;
	v38 =	vld [tilespmem:s6+$0xD030]  }
0x24f: {  	[tilespmem:s6+$0xCC50] =	vst v37;
	v35 =	vadd.f32 v35, v44;
	v37 =	vld [tilespmem:s6+$0xD040]  }
0x250: {  	[tilespmem:s6+$0xCC60] =	vst v36;
	v34 =	vadd.f32 v34, v45;
	v36 =	vld [tilespmem:s6+$0xD050]  }
0x251: {  	[tilespmem:s6+$0xCC70] =	vst v35;
	v33 =	vadd.f32 v33, v39;
	v35 =	vld [tilespmem:s6+$0xD060]  }
0x252: {  	[tilespmem:s6+$0xD000] =	vst v34;
	v32 =	vadd.f32 v32, v40;
	v34 =	vld [tilespmem:s6+$0xD070]  }
0x253: {  	[tilespmem:s6+$0xD010] =	vst v33;
	v31 =	vadd.f32 v31, v38;
	v33 =	vld [tilespmem:s6+$0xD400]  }
0x254: {  	[tilespmem:s6+$0xD020] =	vst v32;
	v30 =	vadd.f32 v30, v37;
	v32 =	vld [tilespmem:s6+$0xD410]  }
0x255: {  	[tilespmem:s6+$0xD030] =	vst v31;
	v29 =	vadd.f32 v29, v36;
	v31 =	vld [tilespmem:s6+$0xD420]  }
0x256: {  	[tilespmem:s6+$0xD040] =	vst v30;
	v28 =	vadd.f32 v28, v35;
	v30 =	vld [tilespmem:s6+$0xD430]  }
0x257: {  	[tilespmem:s6+$0xD050] =	vst v29;
	v27 =	vadd.f32 v27, v34;
	v29 =	vld [tilespmem:s6+$0xD440]  }
0x258: {  	[tilespmem:s6+$0xD060] =	vst v28;
	v26 =	vadd.f32 v26, v33;
	v28 =	vld [tilespmem:s6+$0xD450]  }
0x259: {  	[tilespmem:s6+$0xD070] =	vst v27;
	v25 =	vadd.f32 v25, v32;
	v27 =	vld [tilespmem:s6+$0xD460]  }
0x25a: {  	[tilespmem:s6+$0xD400] =	vst v26;
	v24 =	vadd.f32 v24, v31;
	v26 =	vld [tilespmem:s6+$0xD470]  }
0x25b: {  	[tilespmem:s6+$0xD410] =	vst v25;
	v23 =	vadd.f32 v23, v30;
	v25 =	vld [tilespmem:s6+$0xD800]  }
0x25c: {  	[tilespmem:s6+$0xD420] =	vst v24;
	v22 =	vadd.f32 v22, v29;
	v24 =	vld [tilespmem:s6+$0xD810]  }
0x25d: {  	[tilespmem:s6+$0xD430] =	vst v23;
	v21 =	vadd.f32 v21, v28;
	v23 =	vld [tilespmem:s6+$0xD820]  }
0x25e: {  	[tilespmem:s6+$0xD440] =	vst v22;
	v20 =	vadd.f32 v20, v27;
	v22 =	vld [tilespmem:s6+$0xD830]  }
0x25f: {  	[tilespmem:s6+$0xD450] =	vst v21;
	v19 =	vadd.f32 v19, v26;
	v21 =	vld [tilespmem:s6+$0xD840]  }
0x260: {  	[tilespmem:s6+$0xD460] =	vst v20;
	v18 =	vadd.f32 v18, v25;
	v20 =	vld [tilespmem:s6+$0xD850]  }
0x261: {  	[tilespmem:s6+$0xD470] =	vst v19;
	v17 =	vadd.f32 v17, v24;
	v19 =	vld [tilespmem:s6+$0xD860]  }
.Ltmp4:
0x262: {  	[tilespmem:s6+$0xD800] =	vst v18;
	v18 =	vadd.f32 v16, v23;
	v16 =	vld [tilespmem:s6+$0xD870];
	(pc) =	sbr.rel @p0 .LBB2_7-.Ltmp4, $4  }
0x263: {  	[tilespmem:s6+$0xD810] =	vst v17;
	v17 =	vadd.f32 v15, v22;
	v15 =	vld [tilespmem:s6+$0xDC00]  }
0x264: {  	[tilespmem:s6+$0xD820] =	vst v18;
	v21 =	vadd.f32 v14, v21;
	v14 =	vld [tilespmem:s6+$0xDC10]  }
0x265: {  	[tilespmem:s6+$0xD830] =	vst v17;
	v18 =	vadd.f32 v13, v20;
	v13 =	vld [tilespmem:s6+$0xDC20]  }
0x266: {  	s28 =	sadd.s32 $0x1, s28;
	[tilespmem:s6+$0xD840] =	vst v21;
	v17 =	vadd.f32 v12, v19;
	v12 =	vld [tilespmem:s6+$0xDC30]  }
0x267: {  	[tilespmem:s6+$0xD850] =	vst v18;
	v18 =	vld [tilespmem:s6+$0xDC40];
	v11 =	vadd.f32 v11, v16  }
0x268: {  	v16 =	vld [tilespmem:s6+$0xDC50];
	[tilespmem:s6+$0xD860] =	vst v17;
	v10 =	vadd.f32 v10, v15  }
0x269: {  	[tilespmem:s6+$0xD870] =	vst v11;
	v9 =	vadd.f32 v9, v14;
	v11 =	vld [tilespmem:s6+$0xDC60]  }
0x26a: {  	[tilespmem:s6+$0xDC00] =	vst v10;
	v8 =	vadd.f32 v8, v13;
	v10 =	vld [tilespmem:s6+$0xDC70]  }
0x26b: {  	[tilespmem:s6+$0xDC10] =	vst v9;
	v7 =	vadd.f32 v7, v12  }
0x26c: {  	[tilespmem:s6+$0xDC20] =	vst v8;
	v6 =	vadd.f32 v6, v18  }
0x26d: {  	v5 =	vadd.f32 v5, v16;
	[tilespmem:s6+$0xDC30] =	vst v7  }
0x26e: {  	[tilespmem:s6+$0xDC40] =	vst v6;
	v4 =	vadd.f32 v4, v11  }
0x26f: {  	[tilespmem:s6+$0xDC50] =	vst v5;
	v3 =	vadd.f32 v3, v10  }
0x270: {  	p0 =	seq.s32 s25, $0xF;
	[tilespmem:s6+$0xDC60] =	vst v4  }
0x271: {  	s18 =	sadd.s32 s11, s12;
	[tilespmem:s6+$0xDC70] =	vst v3;
	s6 =	simm.s32 @!p0 $0x5  }
0x272: {  	[hbm4b:s18+s4] =	stream.linear.scatter [tilespmem:s0], [sflag:$0x6], $0x6000, $0x38;
	[tilespmem:$0x1E800] =	vst v63  }
0x273: {  	_ =	swait.ge @!p0 [sflag:s6], $0x6000  }
0x274: {  	s14 =	sshll.u32 @!p0 s25, $0x7;
	[sflag:s6] =	ssyncset.done @!p0 $0x0  }
0x275: {  	s14 =	sand.u32 @!p0 $0x3FFFFF80, s14;
	[sflag:s6] =	ssyncadd.s32 @!p0 $0xFFFFA000  }
0x276: {  	v3 =	vld @!p0 [tilespmem:s14+$0x80];
	_ =	sdelay $0x4  }
0x277: {  	v4 =	vshrl.u32 @!p0 v3, $0x3  }
0x278: {  	v4 =	vmul.u32 @!p0 $0x30, v4  }
0x279: {  	v5 =	vlaneseq.u32 @!p0;
	v3 =	vand.u32 @!p0 $0x7, v3  }
0x27a: {  	v6 =	vshrl.u32 @!p0 v5, $0x3;
	v3 =	vor.u32 @!p0 v3, v4;
	v4 =	vand.u32 @!p0 $0x7, v5  }
0x27b: {  	v6 =	vmul.u32 @!p0 $0x8, v6;
	v7 =	vperm.xlane @!p0 v3, v4;
	_ =	sdelay $0x1  }
0x27c: {  	v7 =	vadd.s32 @!p0 v6, v7;
	_ =	sdelay $0x2  }
0x27d: {  	v5 =	vor.u32 @!p0 $0x8, v5  }
0x27e: {  	vm1 =	vmmov @!p0 $0xffff;
	s18 =	simm.s32 @!p0 $0x6800;
	s6 =	simm.s32 @!p0 $0x0;
	v3 =	vperm.xlane @!p0 v3, v5  }
0x27f: {  	[tilespmem:s18], [sflag:$0x1] =	stream.indirect_vreg.gather @!p0 [hbm4b:s1+s6], $0x80, v7, vm1, $0xb8;
	[tilespmem:$0x1E800] =	vst v63  }
0x280: {  	v3 =	vadd.s32 @!p0 v6, v3;
	s18 =	simm.s32 @!p0 $0x7000  }
0x281: {  	[tilespmem:s18], [sflag:$0x1] =	stream.indirect_vreg.gather @!p0 [hbm4b:s9+s6], $0x80, v7, vm1, $0xb8;
	[tilespmem:$0x1E800] =	vst v63  }
0x282: {  	s18 =	simm.s32 @!p0 $0x7800  }
0x283: {  	[tilespmem:s18], [sflag:$0x1] =	stream.indirect_vreg.gather @!p0 [hbm4b:s10+s6], $0x80, v7, vm1, $0xb8;
	[tilespmem:$0x1E800] =	vst v63  }
0x284: {  	s18 =	simm.s32 @!p0 $0x8000  }
0x285: {  	[tilespmem:s18], [sflag:$0x1] =	stream.indirect_vreg.gather @!p0 [hbm4b:s1+s6], $0x80, v3, vm1, $0xb8;
	[tilespmem:$0x1E800] =	vst v63  }
0x286: {  	s18 =	simm.s32 @!p0 $0x8800  }
0x287: {  	[tilespmem:s18], [sflag:$0x1] =	stream.indirect_vreg.gather @!p0 [hbm4b:s9+s6], $0x80, v3, vm1, $0xb8;
	[tilespmem:$0x1E800] =	vst v63  }
0x288: {  	s18 =	simm.s32 @!p0 $0x9000  }
0x289: {  	[tilespmem:s18], [sflag:$0x1] =	stream.indirect_vreg.gather @!p0 [hbm4b:s10+s6], $0x80, v3, vm1, $0xb8;
	[tilespmem:$0x1E800] =	vst v63  }
0x28a: {  	v3 =	vld @!p0 [tilespmem:s14+$0x90];
	_ =	sdelay $0x4  }
0x28b: {  	v7 =	vshrl.u32 @!p0 v3, $0x3  }
0x28c: {  	v7 =	vmul.u32 @!p0 $0x30, v7  }
0x28d: {  	v3 =	vand.u32 @!p0 $0x7, v3  }
0x28e: {  	v3 =	vor.u32 @!p0 v3, v7  }
0x28f: {  	v4 =	vperm.xlane @!p0 v3, v4;
	_ =	sdelay $0x1  }
0x290: {  	v4 =	vadd.s32 @!p0 v6, v4;
	_ =	sdelay $0x3  }
0x291: {  	s18 =	simm.s32 @!p0 $0x9800;
	v3 =	vperm.xlane @!p0 v3, v5  }
0x292: {  	[tilespmem:s18], [sflag:$0x1] =	stream.indirect_vreg.gather @!p0 [hbm4b:s1+s6], $0x80, v4, vm1, $0xb8;
	[tilespmem:$0x1E800] =	vst v63  }
0x293: {  	v3 =	vadd.s32 @!p0 v6, v3;
	s18 =	simm.s32 @!p0 $0xA000  }
0x294: {  	[tilespmem:s18], [sflag:$0x1] =	stream.indirect_vreg.gather @!p0 [hbm4b:s9+s6], $0x80, v4, vm1, $0xb8;
	[tilespmem:$0x1E800] =	vst v63  }
0x295: {  	s18 =	simm.s32 @!p0 $0xA800  }
0x296: {  	[tilespmem:s18], [sflag:$0x1] =	stream.indirect_vreg.gather @!p0 [hbm4b:s10+s6], $0x80, v4, vm1, $0xb8;
	[tilespmem:$0x1E800] =	vst v63  }
0x297: {  	s18 =	simm.s32 @!p0 $0xB000  }
0x298: {  	[tilespmem:s18], [sflag:$0x1] =	stream.indirect_vreg.gather @!p0 [hbm4b:s1+s6], $0x80, v3, vm1, $0xb8;
	[tilespmem:$0x1E800] =	vst v63  }
0x299: {  	s18 =	simm.s32 @!p0 $0xB800  }
0x29a: {  	[tilespmem:s18], [sflag:$0x1] =	stream.indirect_vreg.gather @!p0 [hbm4b:s9+s6], $0x80, v3, vm1, $0xb8;
	[tilespmem:$0x1E800] =	vst v63  }
0x29b: {  	s30 =	simm.s32 $0x0;
	s18 =	simm.s32 @!p0 $0xC000  }
0x29c: {  	[tilespmem:s18], [sflag:$0x1] =	stream.indirect_vreg.gather @!p0 [hbm4b:s10+s6], $0x80, v3, vm1, $0xb8;
	[tilespmem:$0x1E800] =	vst v63  }
0x29d: {  	s28 =	simm.s32 $0x0;
	s6 =	smul.u32 $0x1800, s30;
	_ =	swait.ge [sflag:s21], $0x6000  }
0x29e: {  	s31 =	sand.u32 $0x380, s28;
	[sflag:s21] =	ssyncset.done $0x0  }
0x29f: {  	s6 =	sor.u32 s31, s6;
	[sflag:s21] =	ssyncadd.s32 $0xFFFFA000  }
0x2a0: {  	v12 =	vld [tilespmem:s6+$0x800]  }
0x2a1: {  	v13 =	vld [tilespmem:s6+$0x810]  }
0x2a2: {  	v14 =	vld [tilespmem:s6+$0x820]  }
0x2a3: {  	v15 =	vld [tilespmem:s6+$0x830]  }
0x2a4: {  	v16 =	vld [tilespmem:s6+$0x840]  }
0x2a5: {  	v17 =	vld [tilespmem:s6+$0x850]  }
0x2a6: {  	v18 =	vld [tilespmem:s6+$0x860]  }
0x2a7: {  	v19 =	vld [tilespmem:s6+$0x870]  }
0x2a8: {  	v20 =	vld [tilespmem:s6+$0xC00]  }
0x2a9: {  	v21 =	vld [tilespmem:s6+$0xC10]  }
0x2aa: {  	v22 =	vld [tilespmem:s6+$0xC20]  }
0x2ab: {  	v23 =	vld [tilespmem:s6+$0xC30]  }
0x2ac: {  	v24 =	vld [tilespmem:s6+$0xC40]  }
0x2ad: {  	v25 =	vld [tilespmem:s6+$0xC50]  }
0x2ae: {  	v26 =	vld [tilespmem:s6+$0xC60]  }
0x2af: {  	v27 =	vld [tilespmem:s6+$0xC70]  }
0x2b0: {  	v28 =	vld [tilespmem:s6+$0x1000]  }
0x2b1: {  	v29 =	vld [tilespmem:s6+$0x1010]  }
0x2b2: {  	v30 =	vld [tilespmem:s6+$0x1020]  }
0x2b3: {  	v31 =	vld [tilespmem:s6+$0x1030]  }
0x2b4: {  	v32 =	vld [tilespmem:s6+$0x1040]  }
0x2b5: {  	v33 =	vld [tilespmem:s6+$0x1050]  }
0x2b6: {  	v34 =	vld [tilespmem:s6+$0x1060]  }
0x2b7: {  	v35 =	vld [tilespmem:s6+$0x1070]  }
0x2b8: {  	v36 =	vld [tilespmem:s6+$0x1400]  }
0x2b9: {  	v37 =	vld [tilespmem:s6+$0x1410]  }
0x2ba: {  	v38 =	vld [tilespmem:s6+$0x1420]  }
0x2bb: {  	v39 =	vld [tilespmem:s6+$0x1430]  }
0x2bc: {  	v40 =	vld [tilespmem:s6+$0x1440]  }
0x2bd: {  	v41 =	vld [tilespmem:s6+$0x1450]  }
0x2be: {  	v42 =	vld [tilespmem:s6+$0x1460]  }
0x2bf: {  	v43 =	vld [tilespmem:s6+$0x1470]  }
0x2c0: {  	v44 =	vld [tilespmem:s6+$0x1800]  }
0x2c1: {  	v45 =	vld [tilespmem:s6+$0x1810]  }
0x2c2: {  	v46 =	vld [tilespmem:s6+$0x1820]  }
0x2c3: {  	v47 =	vld [tilespmem:s6+$0x1830]  }
0x2c4: {  	v48 =	vld [tilespmem:s6+$0x1840]  }
0x2c5: {  	v49 =	vld [tilespmem:s6+$0x1850]  }
0x2c6: {  	v50 =	vld [tilespmem:s6+$0x1860]  }
0x2c7: {  	v11 =	vld [tilespmem:s6+$0x1870]  }
0x2c8: {  	v10 =	vld [tilespmem:s6+$0x1C00]  }
0x2c9: {  	v9 =	vld [tilespmem:s6+$0x1C10]  }
0x2ca: {  	v8 =	vld [tilespmem:s6+$0x1C20]  }
0x2cb: {  	v7 =	vld [tilespmem:s6+$0x1C30]  }
0x2cc: {  	v6 =	vld [tilespmem:s6+$0x1C40]  }
0x2cd: {  	v51 =	vld [tilespmem:s6+$0x12800]  }
0x2ce: {  	v52 =	vld [tilespmem:s6+$0x12810]  }
0x2cf: {  	v53 =	vld [tilespmem:s6+$0x12820]  }
0x2d0: {  	v54 =	vld [tilespmem:s6+$0x12830]  }
0x2d1: {  	v55 =	vld [tilespmem:s6+$0x12840]  }
0x2d2: {  	v62 =	vld [tilespmem:s6+$0x12850];
	v12 =	vadd.f32 v12, v51  }
0x2d3: {  	v63 =	vld [tilespmem:s6+$0x12860];
	v13 =	vadd.f32 v13, v52  }
0x2d4: {  	[tilespmem:s6+$0x12800] =	vst v12;
	v12 =	vadd.f32 v14, v53;
	v14 =	vld [tilespmem:s6+$0x12870]  }
0x2d5: {  	[tilespmem:s6+$0x12810] =	vst v13;
	v13 =	vadd.f32 v15, v54;
	v15 =	vld [tilespmem:s6+$0x12C00]  }
0x2d6: {  	[tilespmem:s6+$0x12820] =	vst v12;
	v12 =	vadd.f32 v16, v55;
	v16 =	vld [tilespmem:s6+$0x12C10]  }
0x2d7: {  	[tilespmem:s6+$0x12830] =	vst v13;
	v13 =	vadd.f32 v17, v62;
	v17 =	vld [tilespmem:s6+$0x12C20]  }
0x2d8: {  	v5 =	vld [tilespmem:s6+$0x1C50]  }
0x2d9: {  	[tilespmem:s6+$0x12840] =	vst v12;
	v12 =	vadd.f32 v18, v63;
	v18 =	vld [tilespmem:s6+$0x12C70]  }
0x2da: {  	[tilespmem:s6+$0x12850] =	vst v13;
	v13 =	vadd.f32 v19, v14;
	v14 =	vld [tilespmem:s6+$0x12C30]  }
0x2db: {  	[tilespmem:s6+$0x12860] =	vst v12;
	v12 =	vadd.f32 v20, v15;
	v15 =	vld [tilespmem:s6+$0x12C40]  }
0x2dc: {  	[tilespmem:s6+$0x12870] =	vst v13;
	v13 =	vadd.f32 v21, v16;
	v16 =	vadd.f32 v22, v17;
	v17 =	vld [tilespmem:s6+$0x12C60]  }
0x2dd: {  	[tilespmem:s6+$0x12C00] =	vst v12;
	v12 =	vld [tilespmem:s6+$0x12C50]  }
0x2de: {  	[tilespmem:s6+$0x12C10] =	vst v13;
	v13 =	vld [tilespmem:s6+$0x13000];
	v18 =	vadd.f32 v27, v18  }
0x2df: {  	[tilespmem:s6+$0x12C20] =	vst v16;
	v16 =	vld [tilespmem:s6+$0x13010];
	v14 =	vadd.f32 v23, v14  }
0x2e0: {  	v4 =	vld [tilespmem:s6+$0x1C60];
	v15 =	vadd.f32 v24, v15;
	[tilespmem:s6+$0x12C70] =	vst v18  }
0x2e1: {  	[tilespmem:s6+$0x12C30] =	vst v14;
	v14 =	vld [tilespmem:s6+$0x13020];
	v17 =	vadd.f32 v26, v17  }
0x2e2: {  	v12 =	vadd.f32 v25, v12;
	[tilespmem:s6+$0x12C40] =	vst v15;
	v15 =	vld [tilespmem:s6+$0x13030]  }
0x2e3: {  	v18 =	vld [tilespmem:s6+$0x13070];
	[tilespmem:s6+$0x12C60] =	vst v17;
	v13 =	vadd.f32 v28, v13  }
0x2e4: {  	v16 =	vadd.f32 v29, v16;
	[tilespmem:s6+$0x12C50] =	vst v12;
	v12 =	vld [tilespmem:s6+$0x13040]  }
0x2e5: {  	v17 =	vld [tilespmem:s6+$0x13050];
	[tilespmem:s6+$0x13000] =	vst v13  }
0x2e6: {  	[tilespmem:s6+$0x13010] =	vst v16;
	v16 =	vld [tilespmem:s6+$0x13060];
	v13 =	vadd.f32 v30, v14  }
0x2e7: {  	v14 =	vld [tilespmem:s6+$0x13400];
	v15 =	vadd.f32 v31, v15  }
0x2e8: {  	[tilespmem:s6+$0x13020] =	vst v13;
	v13 =	vld [tilespmem:s6+$0x13410]  }
0x2e9: {  	v12 =	vadd.f32 v32, v12;
	[tilespmem:s6+$0x13030] =	vst v15;
	v15 =	vld [tilespmem:s6+$0x13420]  }
0x2ea: {  	v3 =	vld [tilespmem:s6+$0x1C70];
	v17 =	vadd.f32 v33, v17  }
0x2eb: {  	v16 =	vadd.f32 v34, v16;
	[tilespmem:s6+$0x13040] =	vst v12;
	v12 =	vld [tilespmem:s6+$0x13430]  }
0x2ec: {  	[tilespmem:s6+$0x13050] =	vst v17;
	v17 =	vld [tilespmem:s6+$0x13440];
	v14 =	vadd.f32 v36, v14  }
0x2ed: {  	v18 =	vadd.f32 v35, v18;
	[tilespmem:s6+$0x13060] =	vst v16;
	v16 =	vld [tilespmem:s6+$0x13450]  }
0x2ee: {  	v13 =	vadd.f32 v37, v13;
	[tilespmem:s6+$0x13400] =	vst v14;
	v14 =	vadd.f32 v38, v15;
	v15 =	vld [tilespmem:s6+$0x13460]  }
0x2ef: {  	[tilespmem:s6+$0x13070] =	vst v18;
	v18 =	vld [tilespmem:s6+$0x13470]  }
0x2f0: {  	[tilespmem:s6+$0x13410] =	vst v13;
	v13 =	vld [tilespmem:s6+$0x13800];
	v12 =	vadd.f32 v39, v12  }
0x2f1: {  	v17 =	vadd.f32 v40, v17;
	[tilespmem:s6+$0x13420] =	vst v14;
	v14 =	vld [tilespmem:s6+$0x13810]  }
0x2f2: {  	v16 =	vadd.f32 v41, v16;
	[tilespmem:s6+$0x13430] =	vst v12;
	v12 =	vld [tilespmem:s6+$0x13820]  }
0x2f3: {  	[tilespmem:s6+$0x13440] =	vst v17;
	v17 =	vld [tilespmem:s6+$0x13830];
	v15 =	vadd.f32 v42, v15  }
0x2f4: {  	v19 =	vld [tilespmem:s6+$0x13840];
	[tilespmem:s6+$0x13450] =	vst v16;
	v16 =	vadd.f32 v43, v18  }
0x2f5: {  	v18 =	vld [tilespmem:s6+$0x13850];
	v13 =	vadd.f32 v44, v13;
	[tilespmem:s6+$0x13460] =	vst v15  }
0x2f6: {  	v20 =	vld [tilespmem:s6+$0x13860];
	[tilespmem:s6+$0x13470] =	vst v16;
	v14 =	vadd.f32 v45, v14  }
0x2f7: {  	v16 =	vld [tilespmem:s6+$0x13870];
	[tilespmem:s6+$0x13800] =	vst v13;
	v12 =	vadd.f32 v46, v12  }
0x2f8: {  	v15 =	vld [tilespmem:s6+$0x13C00];
	v13 =	vadd.f32 v47, v17;
	[tilespmem:s6+$0x13810] =	vst v14  }
0x2f9: {  	v14 =	vld [tilespmem:s6+$0x13C10];
	[tilespmem:s6+$0x13820] =	vst v12;
	v12 =	vadd.f32 v48, v19  }
0x2fa: {  	[tilespmem:s6+$0x13830] =	vst v13;
	v13 =	vld [tilespmem:s6+$0x13C20];
	v18 =	vadd.f32 v49, v18  }
0x2fb: {  	s18 =	simm.s32 $0x1;
	v17 =	vadd.f32 v50, v20;
	[tilespmem:s6+$0x13840] =	vst v12;
	v12 =	vld [tilespmem:s6+$0x13C30]  }
.LBB2_9:
0x2fc: {  	s30 =	sshrl.u32 s18, $0x3;
	p1 =	sne.s32 s18, $0x1F;
	[tilespmem:s6+$0x13850] =	vst v18;
	v11 =	vadd.f32 v11, v16;
	v16 =	vld [tilespmem:s6+$0x13C40]  }
0x2fd: {  	s28 =	sadd.s32 $0x80, s28;
	s30 =	smul.u32 $0x1800, s30;
	[tilespmem:s6+$0x13860] =	vst v17;
	v10 =	vadd.f32 v10, v15;
	v15 =	vld [tilespmem:s6+$0x13C50]  }
0x2fe: {  	s31 =	sand.u32 $0x380, s28;
	[tilespmem:s6+$0x13870] =	vst v11;
	v9 =	vadd.f32 v9, v14;
	v11 =	vld [tilespmem:s6+$0x13C60]  }
0x2ff: {  	s30 =	sor.u32 s31, s30;
	[tilespmem:s6+$0x13C00] =	vst v10;
	v8 =	vadd.f32 v8, v13;
	v10 =	vld [tilespmem:s6+$0x13C70]  }
0x300: {  	v39 =	vld [tilespmem:s30+$0x800];
	[tilespmem:s6+$0x13C10] =	vst v9;
	v7 =	vadd.f32 v7, v12  }
0x301: {  	v40 =	vld [tilespmem:s30+$0x810];
	[tilespmem:s6+$0x13C20] =	vst v8;
	v6 =	vadd.f32 v6, v16  }
0x302: {  	v41 =	vld [tilespmem:s30+$0x820];
	[tilespmem:s6+$0x13C30] =	vst v7;
	v5 =	vadd.f32 v5, v15  }
0x303: {  	v42 =	vld [tilespmem:s30+$0x830];
	[tilespmem:s6+$0x13C40] =	vst v6;
	v4 =	vadd.f32 v4, v11  }
0x304: {  	v43 =	vld [tilespmem:s30+$0x840];
	[tilespmem:s6+$0x13C50] =	vst v5;
	v3 =	vadd.f32 v3, v10  }
0x305: {  	v44 =	vld [tilespmem:s30+$0x850];
	[tilespmem:s6+$0x13C60] =	vst v4  }
0x306: {  	v45 =	vld [tilespmem:s30+$0x860];
	[tilespmem:s6+$0x13C70] =	vst v3;
	s6 =	smov.u32 s30  }
0x307: {  	v46 =	vld [tilespmem:s6+$0x870]  }
0x308: {  	v47 =	vld [tilespmem:s6+$0xC00]  }
0x309: {  	v48 =	vld [tilespmem:s6+$0xC10]  }
0x30a: {  	v49 =	vld [tilespmem:s6+$0xC20]  }
0x30b: {  	v50 =	vld [tilespmem:s6+$0xC30]  }
0x30c: {  	v38 =	vld [tilespmem:s6+$0xC40]  }
0x30d: {  	v37 =	vld [tilespmem:s6+$0xC50]  }
0x30e: {  	v36 =	vld [tilespmem:s6+$0xC60]  }
0x30f: {  	v35 =	vld [tilespmem:s6+$0xC70]  }
0x310: {  	v34 =	vld [tilespmem:s6+$0x1000]  }
0x311: {  	v33 =	vld [tilespmem:s6+$0x1010]  }
0x312: {  	v32 =	vld [tilespmem:s6+$0x1020]  }
0x313: {  	v31 =	vld [tilespmem:s6+$0x1030]  }
0x314: {  	v30 =	vld [tilespmem:s6+$0x1040]  }
0x315: {  	v29 =	vld [tilespmem:s6+$0x1050]  }
0x316: {  	v28 =	vld [tilespmem:s6+$0x1060]  }
0x317: {  	v27 =	vld [tilespmem:s6+$0x1070]  }
0x318: {  	v26 =	vld [tilespmem:s6+$0x1400]  }
0x319: {  	v25 =	vld [tilespmem:s6+$0x1410]  }
0x31a: {  	v24 =	vld [tilespmem:s6+$0x1420]  }
0x31b: {  	v23 =	vld [tilespmem:s6+$0x1430]  }
0x31c: {  	v22 =	vld [tilespmem:s6+$0x1440]  }
0x31d: {  	v21 =	vld [tilespmem:s6+$0x1450]  }
0x31e: {  	v20 =	vld [tilespmem:s6+$0x1460]  }
0x31f: {  	v19 =	vld [tilespmem:s6+$0x1470]  }
0x320: {  	v18 =	vld [tilespmem:s6+$0x1800]  }
0x321: {  	v17 =	vld [tilespmem:s6+$0x1810]  }
0x322: {  	v16 =	vld [tilespmem:s6+$0x1820]  }
0x323: {  	v15 =	vld [tilespmem:s6+$0x1830]  }
0x324: {  	v14 =	vld [tilespmem:s6+$0x1840]  }
0x325: {  	v13 =	vld [tilespmem:s6+$0x1850]  }
0x326: {  	v12 =	vld [tilespmem:s6+$0x1860]  }
0x327: {  	v11 =	vld [tilespmem:s6+$0x1870]  }
0x328: {  	v10 =	vld [tilespmem:s6+$0x1C00]  }
0x329: {  	v9 =	vld [tilespmem:s6+$0x1C10]  }
0x32a: {  	v8 =	vld [tilespmem:s6+$0x1C20]  }
0x32b: {  	v7 =	vld [tilespmem:s6+$0x1C30]  }
0x32c: {  	v6 =	vld [tilespmem:s6+$0x1C40]  }
0x32d: {  	v5 =	vld [tilespmem:s6+$0x1C50]  }
0x32e: {  	v4 =	vld [tilespmem:s6+$0x1C60]  }
0x32f: {  	v3 =	vld [tilespmem:s6+$0x1C70]  }
0x330: {  	v51 =	vld [tilespmem:s6+$0x12800]  }
0x331: {  	v52 =	vld [tilespmem:s6+$0x12810]  }
0x332: {  	v53 =	vld [tilespmem:s6+$0x12820]  }
0x333: {  	v54 =	vld [tilespmem:s6+$0x12830]  }
0x334: {  	v55 =	vld [tilespmem:s6+$0x12840]  }
0x335: {  	v39 =	vadd.f32 v39, v51;
	v51 =	vld [tilespmem:s6+$0x12850]  }
0x336: {  	v40 =	vadd.f32 v40, v52;
	v52 =	vld [tilespmem:s6+$0x12860]  }
0x337: {  	[tilespmem:s6+$0x12800] =	vst v39;
	v39 =	vadd.f32 v41, v53;
	v41 =	vld [tilespmem:s6+$0x12870]  }
0x338: {  	[tilespmem:s6+$0x12810] =	vst v40;
	v40 =	vadd.f32 v42, v54;
	v42 =	vld [tilespmem:s6+$0x12C00]  }
0x339: {  	[tilespmem:s6+$0x12820] =	vst v39;
	v39 =	vadd.f32 v43, v55;
	v43 =	vld [tilespmem:s6+$0x12C10]  }
0x33a: {  	[tilespmem:s6+$0x12830] =	vst v40;
	v40 =	vadd.f32 v44, v51;
	v44 =	vld [tilespmem:s6+$0x12C20]  }
0x33b: {  	[tilespmem:s6+$0x12840] =	vst v39;
	v39 =	vadd.f32 v45, v52;
	v45 =	vld [tilespmem:s6+$0x12C30]  }
0x33c: {  	[tilespmem:s6+$0x12850] =	vst v40;
	v40 =	vadd.f32 v46, v41;
	v41 =	vld [tilespmem:s6+$0x12C40]  }
0x33d: {  	[tilespmem:s6+$0x12860] =	vst v39;
	v39 =	vadd.f32 v47, v42;
	v42 =	vld [tilespmem:s6+$0x12C50]  }
0x33e: {  	[tilespmem:s6+$0x12870] =	vst v40;
	v40 =	vadd.f32 v48, v43;
	v43 =	vld [tilespmem:s6+$0x12C60]  }
0x33f: {  	[tilespmem:s6+$0x12C00] =	vst v39;
	v39 =	vadd.f32 v49, v44;
	v44 =	vld [tilespmem:s6+$0x12C70]  }
0x340: {  	[tilespmem:s6+$0x12C10] =	vst v40;
	v40 =	vadd.f32 v50, v45;
	v45 =	vld [tilespmem:s6+$0x13000]  }
0x341: {  	[tilespmem:s6+$0x12C20] =	vst v39;
	v38 =	vadd.f32 v38, v41;
	v39 =	vld [tilespmem:s6+$0x13010]  }
0x342: {  	[tilespmem:s6+$0x12C30] =	vst v40;
	v37 =	vadd.f32 v37, v42;
	v40 =	vld [tilespmem:s6+$0x13020]  }
0x343: {  	[tilespmem:s6+$0x12C40] =	vst v38;
	v36 =	vadd.f32 v36, v43;
	v38 =	vld [tilespmem:s6+$0x13030]  }
0x344: {  	[tilespmem:s6+$0x12C50] =	vst v37;
	v35 =	vadd.f32 v35, v44;
	v37 =	vld [tilespmem:s6+$0x13040]  }
0x345: {  	[tilespmem:s6+$0x12C60] =	vst v36;
	v34 =	vadd.f32 v34, v45;
	v36 =	vld [tilespmem:s6+$0x13050]  }
0x346: {  	[tilespmem:s6+$0x12C70] =	vst v35;
	v33 =	vadd.f32 v33, v39;
	v35 =	vld [tilespmem:s6+$0x13060]  }
0x347: {  	[tilespmem:s6+$0x13000] =	vst v34;
	v32 =	vadd.f32 v32, v40;
	v34 =	vld [tilespmem:s6+$0x13070]  }
0x348: {  	[tilespmem:s6+$0x13010] =	vst v33;
	v31 =	vadd.f32 v31, v38;
	v33 =	vld [tilespmem:s6+$0x13400]  }
0x349: {  	[tilespmem:s6+$0x13020] =	vst v32;
	v30 =	vadd.f32 v30, v37;
	v32 =	vld [tilespmem:s6+$0x13410]  }
0x34a: {  	[tilespmem:s6+$0x13030] =	vst v31;
	v29 =	vadd.f32 v29, v36;
	v31 =	vld [tilespmem:s6+$0x13420]  }
0x34b: {  	[tilespmem:s6+$0x13040] =	vst v30;
	v28 =	vadd.f32 v28, v35;
	v30 =	vld [tilespmem:s6+$0x13430]  }
0x34c: {  	[tilespmem:s6+$0x13050] =	vst v29;
	v27 =	vadd.f32 v27, v34;
	v29 =	vld [tilespmem:s6+$0x13440]  }
0x34d: {  	[tilespmem:s6+$0x13060] =	vst v28;
	v26 =	vadd.f32 v26, v33;
	v28 =	vld [tilespmem:s6+$0x13450]  }
0x34e: {  	[tilespmem:s6+$0x13070] =	vst v27;
	v25 =	vadd.f32 v25, v32;
	v27 =	vld [tilespmem:s6+$0x13460]  }
0x34f: {  	[tilespmem:s6+$0x13400] =	vst v26;
	v24 =	vadd.f32 v24, v31;
	v26 =	vld [tilespmem:s6+$0x13470]  }
0x350: {  	[tilespmem:s6+$0x13410] =	vst v25;
	v23 =	vadd.f32 v23, v30;
	v25 =	vld [tilespmem:s6+$0x13800]  }
0x351: {  	[tilespmem:s6+$0x13420] =	vst v24;
	v22 =	vadd.f32 v22, v29;
	v24 =	vld [tilespmem:s6+$0x13810]  }
0x352: {  	[tilespmem:s6+$0x13430] =	vst v23;
	v21 =	vadd.f32 v21, v28;
	v23 =	vld [tilespmem:s6+$0x13820]  }
0x353: {  	[tilespmem:s6+$0x13440] =	vst v22;
	v20 =	vadd.f32 v20, v27;
	v22 =	vld [tilespmem:s6+$0x13830]  }
0x354: {  	[tilespmem:s6+$0x13450] =	vst v21;
	v19 =	vadd.f32 v19, v26;
	v21 =	vld [tilespmem:s6+$0x13840]  }
0x355: {  	[tilespmem:s6+$0x13460] =	vst v20;
	v18 =	vadd.f32 v18, v25;
	v20 =	vld [tilespmem:s6+$0x13850]  }
0x356: {  	[tilespmem:s6+$0x13470] =	vst v19;
	v17 =	vadd.f32 v17, v24;
	v19 =	vld [tilespmem:s6+$0x13860]  }
.Ltmp5:
0x357: {  	[tilespmem:s6+$0x13800] =	vst v18;
	v18 =	vadd.f32 v16, v23;
	v16 =	vld [tilespmem:s6+$0x13870];
	(pc) =	sbr.rel @p1 .LBB2_9-.Ltmp5, $4  }
0x358: {  	[tilespmem:s6+$0x13810] =	vst v17;
	v17 =	vadd.f32 v15, v22;
	v15 =	vld [tilespmem:s6+$0x13C00]  }
0x359: {  	[tilespmem:s6+$0x13820] =	vst v18;
	v21 =	vadd.f32 v14, v21;
	v14 =	vld [tilespmem:s6+$0x13C10]  }
0x35a: {  	[tilespmem:s6+$0x13830] =	vst v17;
	v18 =	vadd.f32 v13, v20;
	v13 =	vld [tilespmem:s6+$0x13C20]  }
0x35b: {  	s18 =	sadd.s32 $0x1, s18;
	[tilespmem:s6+$0x13840] =	vst v21;
	v17 =	vadd.f32 v12, v19;
	v12 =	vld [tilespmem:s6+$0x13C30]  }
0x35c: {  	[tilespmem:s6+$0x13850] =	vst v18;
	v18 =	vld [tilespmem:s6+$0x13C40];
	v11 =	vadd.f32 v11, v16  }
0x35d: {  	v16 =	vld [tilespmem:s6+$0x13C50];
	[tilespmem:s6+$0x13860] =	vst v17;
	v10 =	vadd.f32 v10, v15  }
0x35e: {  	[tilespmem:s6+$0x13870] =	vst v11;
	v9 =	vadd.f32 v9, v14;
	v11 =	vld [tilespmem:s6+$0x13C60]  }
0x35f: {  	[tilespmem:s6+$0x13C00] =	vst v10;
	v8 =	vadd.f32 v8, v13;
	v10 =	vld [tilespmem:s6+$0x13C70]  }
0x360: {  	[tilespmem:s6+$0x13C10] =	vst v9;
	v7 =	vadd.f32 v7, v12  }
0x361: {  	[tilespmem:s6+$0x13C20] =	vst v8;
	v6 =	vadd.f32 v6, v18  }
0x362: {  	v5 =	vadd.f32 v5, v16;
	[tilespmem:s6+$0x13C30] =	vst v7  }
0x363: {  	[tilespmem:s6+$0x13C40] =	vst v6;
	v4 =	vadd.f32 v4, v11  }
0x364: {  	[tilespmem:s6+$0x13C50] =	vst v5;
	v3 =	vadd.f32 v3, v10  }
0x365: {  	[tilespmem:s6+$0x13C60] =	vst v4  }
0x366: {  	s28 =	sadd.s32 s11, s13;
	[tilespmem:s6+$0x13C70] =	vst v3;
	s6 =	simm.s32 @!p0 $0x6  }
0x367: {  	[hbm4b:s28+s4] =	stream.linear.scatter [tilespmem:s29], [sflag:$0x7], $0x6000, $0x38;
	[tilespmem:$0x1E800] =	vst v63  }
0x368: {  	_ =	swait.ge @!p0 [sflag:s6], $0x6000  }
0x369: {  	[sflag:s6] =	ssyncset.done @!p0 $0x0  }
0x36a: {  	[sflag:s6] =	ssyncadd.s32 @!p0 $0xFFFFA000  }
0x36b: {  	v3 =	vld @!p0 [tilespmem:s14+$0xA0];
	_ =	sdelay $0x4  }
0x36c: {  	v4 =	vshrl.u32 @!p0 v3, $0x3  }
0x36d: {  	v4 =	vmul.u32 @!p0 $0x30, v4  }
0x36e: {  	v5 =	vlaneseq.u32 @!p0;
	v3 =	vand.u32 @!p0 $0x7, v3  }
0x36f: {  	v6 =	vshrl.u32 @!p0 v5, $0x3;
	v3 =	vor.u32 @!p0 v3, v4;
	v4 =	vand.u32 @!p0 $0x7, v5  }
0x370: {  	v6 =	vmul.u32 @!p0 $0x8, v6;
	v7 =	vperm.xlane @!p0 v3, v4;
	_ =	sdelay $0x1  }
0x371: {  	v7 =	vadd.s32 @!p0 v6, v7;
	_ =	sdelay $0x2  }
0x372: {  	v5 =	vor.u32 @!p0 $0x8, v5  }
0x373: {  	s11 =	simm.s32 @!p0 $0xC800;
	s6 =	simm.s32 @!p0 $0x0;
	v3 =	vperm.xlane @!p0 v3, v5  }
0x374: {  	[tilespmem:s11], [sflag:$0x2] =	stream.indirect_vreg.gather @!p0 [hbm4b:s1+s6], $0x80, v7, vm1, $0xb8;
	[tilespmem:$0x1E800] =	vst v63  }
0x375: {  	v3 =	vadd.s32 @!p0 v6, v3;
	s11 =	simm.s32 @!p0 $0xD000  }
0x376: {  	[tilespmem:s11], [sflag:$0x2] =	stream.indirect_vreg.gather @!p0 [hbm4b:s9+s6], $0x80, v7, vm1, $0xb8;
	[tilespmem:$0x1E800] =	vst v63  }
0x377: {  	s11 =	simm.s32 @!p0 $0xD800  }
0x378: {  	[tilespmem:s11], [sflag:$0x2] =	stream.indirect_vreg.gather @!p0 [hbm4b:s10+s6], $0x80, v7, vm1, $0xb8;
	[tilespmem:$0x1E800] =	vst v63  }
0x379: {  	s11 =	simm.s32 @!p0 $0xE000  }
0x37a: {  	[tilespmem:s11], [sflag:$0x2] =	stream.indirect_vreg.gather @!p0 [hbm4b:s1+s6], $0x80, v3, vm1, $0xb8;
	[tilespmem:$0x1E800] =	vst v63  }
0x37b: {  	s11 =	simm.s32 @!p0 $0xE800  }
0x37c: {  	[tilespmem:s11], [sflag:$0x2] =	stream.indirect_vreg.gather @!p0 [hbm4b:s9+s6], $0x80, v3, vm1, $0xb8;
	[tilespmem:$0x1E800] =	vst v63  }
0x37d: {  	s11 =	simm.s32 @!p0 $0xF000  }
0x37e: {  	[tilespmem:s11], [sflag:$0x2] =	stream.indirect_vreg.gather @!p0 [hbm4b:s10+s6], $0x80, v3, vm1, $0xb8;
	[tilespmem:$0x1E800] =	vst v63  }
0x37f: {  	v3 =	vld @!p0 [tilespmem:s14+$0xB0];
	_ =	sdelay $0x4  }
0x380: {  	v7 =	vshrl.u32 @!p0 v3, $0x3  }
0x381: {  	v7 =	vmul.u32 @!p0 $0x30, v7  }
0x382: {  	v3 =	vand.u32 @!p0 $0x7, v3  }
0x383: {  	v3 =	vor.u32 @!p0 v3, v7  }
0x384: {  	v4 =	vperm.xlane @!p0 v3, v4;
	_ =	sdelay $0x1  }
0x385: {  	v4 =	vadd.s32 @!p0 v6, v4;
	_ =	sdelay $0x3  }
0x386: {  	s11 =	simm.s32 @!p0 $0xF800;
	v3 =	vperm.xlane @!p0 v3, v5  }
0x387: {  	[tilespmem:s11], [sflag:$0x2] =	stream.indirect_vreg.gather @!p0 [hbm4b:s1+s6], $0x80, v4, vm1, $0xb8;
	[tilespmem:$0x1E800] =	vst v63  }
0x388: {  	v3 =	vadd.s32 @!p0 v6, v3;
	s11 =	simm.s32 @!p0 $0x10000  }
0x389: {  	[tilespmem:s11], [sflag:$0x2] =	stream.indirect_vreg.gather @!p0 [hbm4b:s9+s6], $0x80, v4, vm1, $0xb8;
	[tilespmem:$0x1E800] =	vst v63  }
0x38a: {  	s11 =	simm.s32 @!p0 $0x10800  }
0x38b: {  	[tilespmem:s11], [sflag:$0x2] =	stream.indirect_vreg.gather @!p0 [hbm4b:s10+s6], $0x80, v4, vm1, $0xb8;
	[tilespmem:$0x1E800] =	vst v63  }
0x38c: {  	s11 =	simm.s32 @!p0 $0x11000  }
0x38d: {  	[tilespmem:s11], [sflag:$0x2] =	stream.indirect_vreg.gather @!p0 [hbm4b:s1+s6], $0x80, v3, vm1, $0xb8;
	[tilespmem:$0x1E800] =	vst v63  }
0x38e: {  	s11 =	simm.s32 @!p0 $0x11800  }
0x38f: {  	[tilespmem:s11], [sflag:$0x2] =	stream.indirect_vreg.gather @!p0 [hbm4b:s9+s6], $0x80, v3, vm1, $0xb8;
	[tilespmem:$0x1E800] =	vst v63  }
0x390: {  	s30 =	simm.s32 $0x0;
	s11 =	simm.s32 @!p0 $0x12000  }
0x391: {  	[tilespmem:s11], [sflag:$0x2] =	stream.indirect_vreg.gather @!p0 [hbm4b:s10+s6], $0x80, v3, vm1, $0xb8;
	[tilespmem:$0x1E800] =	vst v63  }
0x392: {  	s6 =	simm.s32 $0x0;
	s11 =	smul.u32 $0x1800, s30;
	_ =	swait.ge [sflag:s22], $0x6000  }
0x393: {  	s31 =	sand.u32 $0x380, s6;
	[sflag:s22] =	ssyncset.done $0x0  }
0x394: {  	s11 =	sor.u32 s31, s11;
	[sflag:s22] =	ssyncadd.s32 $0xFFFFA000  }
0x395: {  	v12 =	vld [tilespmem:s11+$0x800]  }
0x396: {  	v13 =	vld [tilespmem:s11+$0x810]  }
0x397: {  	v14 =	vld [tilespmem:s11+$0x820]  }
0x398: {  	v15 =	vld [tilespmem:s11+$0x830]  }
0x399: {  	v16 =	vld [tilespmem:s11+$0x840]  }
0x39a: {  	v17 =	vld [tilespmem:s11+$0x850]  }
0x39b: {  	v18 =	vld [tilespmem:s11+$0x860]  }
0x39c: {  	v19 =	vld [tilespmem:s11+$0x870]  }
0x39d: {  	v20 =	vld [tilespmem:s11+$0xC00]  }
0x39e: {  	v21 =	vld [tilespmem:s11+$0xC10]  }
0x39f: {  	v22 =	vld [tilespmem:s11+$0xC20]  }
0x3a0: {  	v23 =	vld [tilespmem:s11+$0xC30]  }
0x3a1: {  	v24 =	vld [tilespmem:s11+$0xC40]  }
0x3a2: {  	v25 =	vld [tilespmem:s11+$0xC50]  }
0x3a3: {  	v26 =	vld [tilespmem:s11+$0xC60]  }
0x3a4: {  	v27 =	vld [tilespmem:s11+$0xC70]  }
0x3a5: {  	v28 =	vld [tilespmem:s11+$0x1000]  }
0x3a6: {  	v29 =	vld [tilespmem:s11+$0x1010]  }
0x3a7: {  	v30 =	vld [tilespmem:s11+$0x1020]  }
0x3a8: {  	v31 =	vld [tilespmem:s11+$0x1030]  }
0x3a9: {  	v32 =	vld [tilespmem:s11+$0x1040]  }
0x3aa: {  	v33 =	vld [tilespmem:s11+$0x1050]  }
0x3ab: {  	v34 =	vld [tilespmem:s11+$0x1060]  }
0x3ac: {  	v35 =	vld [tilespmem:s11+$0x1070]  }
0x3ad: {  	v36 =	vld [tilespmem:s11+$0x1400]  }
0x3ae: {  	v37 =	vld [tilespmem:s11+$0x1410]  }
0x3af: {  	v38 =	vld [tilespmem:s11+$0x1420]  }
0x3b0: {  	v39 =	vld [tilespmem:s11+$0x1430]  }
0x3b1: {  	v40 =	vld [tilespmem:s11+$0x1440]  }
0x3b2: {  	v41 =	vld [tilespmem:s11+$0x1450]  }
0x3b3: {  	v42 =	vld [tilespmem:s11+$0x1460]  }
0x3b4: {  	v43 =	vld [tilespmem:s11+$0x1470]  }
0x3b5: {  	v44 =	vld [tilespmem:s11+$0x1800]  }
0x3b6: {  	v45 =	vld [tilespmem:s11+$0x1810]  }
0x3b7: {  	v46 =	vld [tilespmem:s11+$0x1820]  }
0x3b8: {  	v47 =	vld [tilespmem:s11+$0x1830]  }
0x3b9: {  	v48 =	vld [tilespmem:s11+$0x1840]  }
0x3ba: {  	v49 =	vld [tilespmem:s11+$0x1850]  }
0x3bb: {  	v50 =	vld [tilespmem:s11+$0x1860]  }
0x3bc: {  	v11 =	vld [tilespmem:s11+$0x1870]  }
0x3bd: {  	v10 =	vld [tilespmem:s11+$0x1C00]  }
0x3be: {  	v9 =	vld [tilespmem:s11+$0x1C10]  }
0x3bf: {  	v8 =	vld [tilespmem:s11+$0x1C20]  }
0x3c0: {  	v7 =	vld [tilespmem:s11+$0x1C30]  }
0x3c1: {  	v6 =	vld [tilespmem:s11+$0x1C40]  }
0x3c2: {  	v51 =	vld [tilespmem:s11+$0x18800]  }
0x3c3: {  	v52 =	vld [tilespmem:s11+$0x18810]  }
0x3c4: {  	v53 =	vld [tilespmem:s11+$0x18820]  }
0x3c5: {  	v54 =	vld [tilespmem:s11+$0x18830]  }
0x3c6: {  	v55 =	vld [tilespmem:s11+$0x18840]  }
0x3c7: {  	v62 =	vld [tilespmem:s11+$0x18850];
	v12 =	vadd.f32 v12, v51  }
0x3c8: {  	v63 =	vld [tilespmem:s11+$0x18860];
	v13 =	vadd.f32 v13, v52  }
0x3c9: {  	[tilespmem:s11+$0x18800] =	vst v12;
	v12 =	vadd.f32 v14, v53;
	v14 =	vld [tilespmem:s11+$0x18870]  }
0x3ca: {  	[tilespmem:s11+$0x18810] =	vst v13;
	v13 =	vadd.f32 v15, v54;
	v15 =	vld [tilespmem:s11+$0x18C00]  }
0x3cb: {  	[tilespmem:s11+$0x18820] =	vst v12;
	v12 =	vadd.f32 v16, v55;
	v16 =	vld [tilespmem:s11+$0x18C10]  }
0x3cc: {  	[tilespmem:s11+$0x18830] =	vst v13;
	v13 =	vadd.f32 v17, v62;
	v17 =	vld [tilespmem:s11+$0x18C20]  }
0x3cd: {  	v5 =	vld [tilespmem:s11+$0x1C50]  }
0x3ce: {  	[tilespmem:s11+$0x18840] =	vst v12;
	v12 =	vadd.f32 v18, v63;
	v18 =	vld [tilespmem:s11+$0x18C70]  }
0x3cf: {  	[tilespmem:s11+$0x18850] =	vst v13;
	v13 =	vadd.f32 v19, v14;
	v14 =	vld [tilespmem:s11+$0x18C30]  }
0x3d0: {  	[tilespmem:s11+$0x18860] =	vst v12;
	v12 =	vadd.f32 v20, v15;
	v15 =	vld [tilespmem:s11+$0x18C40]  }
0x3d1: {  	[tilespmem:s11+$0x18870] =	vst v13;
	v13 =	vadd.f32 v21, v16;
	v16 =	vadd.f32 v22, v17;
	v17 =	vld [tilespmem:s11+$0x18C60]  }
0x3d2: {  	[tilespmem:s11+$0x18C00] =	vst v12;
	v12 =	vld [tilespmem:s11+$0x18C50]  }
0x3d3: {  	[tilespmem:s11+$0x18C10] =	vst v13;
	v13 =	vld [tilespmem:s11+$0x19000];
	v18 =	vadd.f32 v27, v18  }
0x3d4: {  	[tilespmem:s11+$0x18C20] =	vst v16;
	v16 =	vld [tilespmem:s11+$0x19010];
	v14 =	vadd.f32 v23, v14  }
0x3d5: {  	v4 =	vld [tilespmem:s11+$0x1C60];
	v15 =	vadd.f32 v24, v15;
	[tilespmem:s11+$0x18C70] =	vst v18  }
0x3d6: {  	[tilespmem:s11+$0x18C30] =	vst v14;
	v14 =	vld [tilespmem:s11+$0x19020];
	v17 =	vadd.f32 v26, v17  }
0x3d7: {  	v12 =	vadd.f32 v25, v12;
	[tilespmem:s11+$0x18C40] =	vst v15;
	v15 =	vld [tilespmem:s11+$0x19030]  }
0x3d8: {  	v18 =	vld [tilespmem:s11+$0x19070];
	[tilespmem:s11+$0x18C60] =	vst v17;
	v13 =	vadd.f32 v28, v13  }
0x3d9: {  	v16 =	vadd.f32 v29, v16;
	[tilespmem:s11+$0x18C50] =	vst v12;
	v12 =	vld [tilespmem:s11+$0x19040]  }
0x3da: {  	v17 =	vld [tilespmem:s11+$0x19050];
	[tilespmem:s11+$0x19000] =	vst v13  }
0x3db: {  	[tilespmem:s11+$0x19010] =	vst v16;
	v16 =	vld [tilespmem:s11+$0x19060];
	v13 =	vadd.f32 v30, v14  }
0x3dc: {  	v14 =	vld [tilespmem:s11+$0x19400];
	v15 =	vadd.f32 v31, v15  }
0x3dd: {  	[tilespmem:s11+$0x19020] =	vst v13;
	v13 =	vld [tilespmem:s11+$0x19410]  }
0x3de: {  	v12 =	vadd.f32 v32, v12;
	[tilespmem:s11+$0x19030] =	vst v15;
	v15 =	vld [tilespmem:s11+$0x19420]  }
0x3df: {  	v3 =	vld [tilespmem:s11+$0x1C70];
	v17 =	vadd.f32 v33, v17  }
0x3e0: {  	v16 =	vadd.f32 v34, v16;
	[tilespmem:s11+$0x19040] =	vst v12;
	v12 =	vld [tilespmem:s11+$0x19430]  }
0x3e1: {  	[tilespmem:s11+$0x19050] =	vst v17;
	v17 =	vld [tilespmem:s11+$0x19440];
	v14 =	vadd.f32 v36, v14  }
0x3e2: {  	v18 =	vadd.f32 v35, v18;
	[tilespmem:s11+$0x19060] =	vst v16;
	v16 =	vld [tilespmem:s11+$0x19450]  }
0x3e3: {  	v13 =	vadd.f32 v37, v13;
	[tilespmem:s11+$0x19400] =	vst v14;
	v14 =	vadd.f32 v38, v15;
	v15 =	vld [tilespmem:s11+$0x19460]  }
0x3e4: {  	[tilespmem:s11+$0x19070] =	vst v18;
	v18 =	vld [tilespmem:s11+$0x19470]  }
0x3e5: {  	[tilespmem:s11+$0x19410] =	vst v13;
	v13 =	vld [tilespmem:s11+$0x19800];
	v12 =	vadd.f32 v39, v12  }
0x3e6: {  	v17 =	vadd.f32 v40, v17;
	[tilespmem:s11+$0x19420] =	vst v14;
	v14 =	vld [tilespmem:s11+$0x19810]  }
0x3e7: {  	v16 =	vadd.f32 v41, v16;
	[tilespmem:s11+$0x19430] =	vst v12;
	v12 =	vld [tilespmem:s11+$0x19820]  }
0x3e8: {  	[tilespmem:s11+$0x19440] =	vst v17;
	v17 =	vld [tilespmem:s11+$0x19830];
	v15 =	vadd.f32 v42, v15  }
0x3e9: {  	v19 =	vld [tilespmem:s11+$0x19840];
	[tilespmem:s11+$0x19450] =	vst v16;
	v16 =	vadd.f32 v43, v18  }
0x3ea: {  	v18 =	vld [tilespmem:s11+$0x19850];
	v13 =	vadd.f32 v44, v13;
	[tilespmem:s11+$0x19460] =	vst v15  }
0x3eb: {  	v20 =	vld [tilespmem:s11+$0x19860];
	[tilespmem:s11+$0x19470] =	vst v16;
	v14 =	vadd.f32 v45, v14  }
0x3ec: {  	v16 =	vld [tilespmem:s11+$0x19870];
	[tilespmem:s11+$0x19800] =	vst v13;
	v12 =	vadd.f32 v46, v12  }
0x3ed: {  	v15 =	vld [tilespmem:s11+$0x19C00];
	v13 =	vadd.f32 v47, v17;
	[tilespmem:s11+$0x19810] =	vst v14  }
0x3ee: {  	v14 =	vld [tilespmem:s11+$0x19C10];
	[tilespmem:s11+$0x19820] =	vst v12;
	v12 =	vadd.f32 v48, v19  }
0x3ef: {  	[tilespmem:s11+$0x19830] =	vst v13;
	v13 =	vld [tilespmem:s11+$0x19C20];
	v18 =	vadd.f32 v49, v18  }
0x3f0: {  	s14 =	simm.s32 $0x1;
	v17 =	vadd.f32 v50, v20;
	[tilespmem:s11+$0x19840] =	vst v12;
	v12 =	vld [tilespmem:s11+$0x19C30]  }
.LBB2_11:
0x3f1: {  	s18 =	sshrl.u32 s14, $0x3;
	p1 =	sne.s32 s14, $0x1F;
	[tilespmem:s11+$0x19850] =	vst v18;
	v11 =	vadd.f32 v11, v16;
	v16 =	vld [tilespmem:s11+$0x19C40]  }
0x3f2: {  	s6 =	sadd.s32 $0x80, s6;
	s18 =	smul.u32 $0x1800, s18;
	[tilespmem:s11+$0x19860] =	vst v17;
	v10 =	vadd.f32 v10, v15;
	v15 =	vld [tilespmem:s11+$0x19C50]  }
0x3f3: {  	s28 =	sand.u32 $0x380, s6;
	[tilespmem:s11+$0x19870] =	vst v11;
	v9 =	vadd.f32 v9, v14;
	v11 =	vld [tilespmem:s11+$0x19C60]  }
0x3f4: {  	s18 =	sor.u32 s28, s18;
	[tilespmem:s11+$0x19C00] =	vst v10;
	v8 =	vadd.f32 v8, v13;
	v10 =	vld [tilespmem:s11+$0x19C70]  }
0x3f5: {  	v39 =	vld [tilespmem:s18+$0x800];
	[tilespmem:s11+$0x19C10] =	vst v9;
	v7 =	vadd.f32 v7, v12  }
0x3f6: {  	v40 =	vld [tilespmem:s18+$0x810];
	[tilespmem:s11+$0x19C20] =	vst v8;
	v6 =	vadd.f32 v6, v16  }
0x3f7: {  	v41 =	vld [tilespmem:s18+$0x820];
	[tilespmem:s11+$0x19C30] =	vst v7;
	v5 =	vadd.f32 v5, v15  }
0x3f8: {  	v42 =	vld [tilespmem:s18+$0x830];
	[tilespmem:s11+$0x19C40] =	vst v6;
	v4 =	vadd.f32 v4, v11  }
0x3f9: {  	v43 =	vld [tilespmem:s18+$0x840];
	[tilespmem:s11+$0x19C50] =	vst v5;
	v3 =	vadd.f32 v3, v10  }
0x3fa: {  	v44 =	vld [tilespmem:s18+$0x850];
	[tilespmem:s11+$0x19C60] =	vst v4  }
0x3fb: {  	v45 =	vld [tilespmem:s18+$0x860];
	[tilespmem:s11+$0x19C70] =	vst v3;
	s11 =	smov.u32 s18  }
0x3fc: {  	v46 =	vld [tilespmem:s11+$0x870]  }
0x3fd: {  	v47 =	vld [tilespmem:s11+$0xC00]  }
0x3fe: {  	v48 =	vld [tilespmem:s11+$0xC10]  }
0x3ff: {  	v49 =	vld [tilespmem:s11+$0xC20]  }
0x400: {  	v50 =	vld [tilespmem:s11+$0xC30]  }
0x401: {  	v38 =	vld [tilespmem:s11+$0xC40]  }
0x402: {  	v37 =	vld [tilespmem:s11+$0xC50]  }
0x403: {  	v36 =	vld [tilespmem:s11+$0xC60]  }
0x404: {  	v35 =	vld [tilespmem:s11+$0xC70]  }
0x405: {  	v34 =	vld [tilespmem:s11+$0x1000]  }
0x406: {  	v33 =	vld [tilespmem:s11+$0x1010]  }
0x407: {  	v32 =	vld [tilespmem:s11+$0x1020]  }
0x408: {  	v31 =	vld [tilespmem:s11+$0x1030]  }
0x409: {  	v30 =	vld [tilespmem:s11+$0x1040]  }
0x40a: {  	v29 =	vld [tilespmem:s11+$0x1050]  }
0x40b: {  	v28 =	vld [tilespmem:s11+$0x1060]  }
0x40c: {  	v27 =	vld [tilespmem:s11+$0x1070]  }
0x40d: {  	v26 =	vld [tilespmem:s11+$0x1400]  }
0x40e: {  	v25 =	vld [tilespmem:s11+$0x1410]  }
0x40f: {  	v24 =	vld [tilespmem:s11+$0x1420]  }
0x410: {  	v23 =	vld [tilespmem:s11+$0x1430]  }
0x411: {  	v22 =	vld [tilespmem:s11+$0x1440]  }
0x412: {  	v21 =	vld [tilespmem:s11+$0x1450]  }
0x413: {  	v20 =	vld [tilespmem:s11+$0x1460]  }
0x414: {  	v19 =	vld [tilespmem:s11+$0x1470]  }
0x415: {  	v18 =	vld [tilespmem:s11+$0x1800]  }
0x416: {  	v17 =	vld [tilespmem:s11+$0x1810]  }
0x417: {  	v16 =	vld [tilespmem:s11+$0x1820]  }
0x418: {  	v15 =	vld [tilespmem:s11+$0x1830]  }
0x419: {  	v14 =	vld [tilespmem:s11+$0x1840]  }
0x41a: {  	v13 =	vld [tilespmem:s11+$0x1850]  }
0x41b: {  	v12 =	vld [tilespmem:s11+$0x1860]  }
0x41c: {  	v11 =	vld [tilespmem:s11+$0x1870]  }
0x41d: {  	v10 =	vld [tilespmem:s11+$0x1C00]  }
0x41e: {  	v9 =	vld [tilespmem:s11+$0x1C10]  }
0x41f: {  	v8 =	vld [tilespmem:s11+$0x1C20]  }
0x420: {  	v7 =	vld [tilespmem:s11+$0x1C30]  }
0x421: {  	v6 =	vld [tilespmem:s11+$0x1C40]  }
0x422: {  	v5 =	vld [tilespmem:s11+$0x1C50]  }
0x423: {  	v4 =	vld [tilespmem:s11+$0x1C60]  }
0x424: {  	v3 =	vld [tilespmem:s11+$0x1C70]  }
0x425: {  	v51 =	vld [tilespmem:s11+$0x18800]  }
0x426: {  	v52 =	vld [tilespmem:s11+$0x18810]  }
0x427: {  	v53 =	vld [tilespmem:s11+$0x18820]  }
0x428: {  	v54 =	vld [tilespmem:s11+$0x18830]  }
0x429: {  	v55 =	vld [tilespmem:s11+$0x18840]  }
0x42a: {  	v39 =	vadd.f32 v39, v51;
	v51 =	vld [tilespmem:s11+$0x18850]  }
0x42b: {  	v40 =	vadd.f32 v40, v52;
	v52 =	vld [tilespmem:s11+$0x18860]  }
0x42c: {  	[tilespmem:s11+$0x18800] =	vst v39;
	v39 =	vadd.f32 v41, v53;
	v41 =	vld [tilespmem:s11+$0x18870]  }
0x42d: {  	[tilespmem:s11+$0x18810] =	vst v40;
	v40 =	vadd.f32 v42, v54;
	v42 =	vld [tilespmem:s11+$0x18C00]  }
0x42e: {  	[tilespmem:s11+$0x18820] =	vst v39;
	v39 =	vadd.f32 v43, v55;
	v43 =	vld [tilespmem:s11+$0x18C10]  }
0x42f: {  	[tilespmem:s11+$0x18830] =	vst v40;
	v40 =	vadd.f32 v44, v51;
	v44 =	vld [tilespmem:s11+$0x18C20]  }
0x430: {  	[tilespmem:s11+$0x18840] =	vst v39;
	v39 =	vadd.f32 v45, v52;
	v45 =	vld [tilespmem:s11+$0x18C30]  }
0x431: {  	[tilespmem:s11+$0x18850] =	vst v40;
	v40 =	vadd.f32 v46, v41;
	v41 =	vld [tilespmem:s11+$0x18C40]  }
0x432: {  	[tilespmem:s11+$0x18860] =	vst v39;
	v39 =	vadd.f32 v47, v42;
	v42 =	vld [tilespmem:s11+$0x18C50]  }
0x433: {  	[tilespmem:s11+$0x18870] =	vst v40;
	v40 =	vadd.f32 v48, v43;
	v43 =	vld [tilespmem:s11+$0x18C60]  }
0x434: {  	[tilespmem:s11+$0x18C00] =	vst v39;
	v39 =	vadd.f32 v49, v44;
	v44 =	vld [tilespmem:s11+$0x18C70]  }
0x435: {  	[tilespmem:s11+$0x18C10] =	vst v40;
	v40 =	vadd.f32 v50, v45;
	v45 =	vld [tilespmem:s11+$0x19000]  }
0x436: {  	[tilespmem:s11+$0x18C20] =	vst v39;
	v38 =	vadd.f32 v38, v41;
	v39 =	vld [tilespmem:s11+$0x19010]  }
0x437: {  	[tilespmem:s11+$0x18C30] =	vst v40;
	v37 =	vadd.f32 v37, v42;
	v40 =	vld [tilespmem:s11+$0x19020]  }
0x438: {  	[tilespmem:s11+$0x18C40] =	vst v38;
	v36 =	vadd.f32 v36, v43;
	v38 =	vld [tilespmem:s11+$0x19030]  }
0x439: {  	[tilespmem:s11+$0x18C50] =	vst v37;
	v35 =	vadd.f32 v35, v44;
	v37 =	vld [tilespmem:s11+$0x19040]  }
0x43a: {  	[tilespmem:s11+$0x18C60] =	vst v36;
	v34 =	vadd.f32 v34, v45;
	v36 =	vld [tilespmem:s11+$0x19050]  }
0x43b: {  	[tilespmem:s11+$0x18C70] =	vst v35;
	v33 =	vadd.f32 v33, v39;
	v35 =	vld [tilespmem:s11+$0x19060]  }
0x43c: {  	[tilespmem:s11+$0x19000] =	vst v34;
	v32 =	vadd.f32 v32, v40;
	v34 =	vld [tilespmem:s11+$0x19070]  }
0x43d: {  	[tilespmem:s11+$0x19010] =	vst v33;
	v31 =	vadd.f32 v31, v38;
	v33 =	vld [tilespmem:s11+$0x19400]  }
0x43e: {  	[tilespmem:s11+$0x19020] =	vst v32;
	v30 =	vadd.f32 v30, v37;
	v32 =	vld [tilespmem:s11+$0x19410]  }
0x43f: {  	[tilespmem:s11+$0x19030] =	vst v31;
	v29 =	vadd.f32 v29, v36;
	v31 =	vld [tilespmem:s11+$0x19420]  }
0x440: {  	[tilespmem:s11+$0x19040] =	vst v30;
	v28 =	vadd.f32 v28, v35;
	v30 =	vld [tilespmem:s11+$0x19430]  }
0x441: {  	[tilespmem:s11+$0x19050] =	vst v29;
	v27 =	vadd.f32 v27, v34;
	v29 =	vld [tilespmem:s11+$0x19440]  }
0x442: {  	[tilespmem:s11+$0x19060] =	vst v28;
	v26 =	vadd.f32 v26, v33;
	v28 =	vld [tilespmem:s11+$0x19450]  }
0x443: {  	[tilespmem:s11+$0x19070] =	vst v27;
	v25 =	vadd.f32 v25, v32;
	v27 =	vld [tilespmem:s11+$0x19460]  }
0x444: {  	[tilespmem:s11+$0x19400] =	vst v26;
	v24 =	vadd.f32 v24, v31;
	v26 =	vld [tilespmem:s11+$0x19470]  }
0x445: {  	[tilespmem:s11+$0x19410] =	vst v25;
	v23 =	vadd.f32 v23, v30;
	v25 =	vld [tilespmem:s11+$0x19800]  }
0x446: {  	[tilespmem:s11+$0x19420] =	vst v24;
	v22 =	vadd.f32 v22, v29;
	v24 =	vld [tilespmem:s11+$0x19810]  }
0x447: {  	[tilespmem:s11+$0x19430] =	vst v23;
	v21 =	vadd.f32 v21, v28;
	v23 =	vld [tilespmem:s11+$0x19820]  }
0x448: {  	[tilespmem:s11+$0x19440] =	vst v22;
	v20 =	vadd.f32 v20, v27;
	v22 =	vld [tilespmem:s11+$0x19830]  }
0x449: {  	[tilespmem:s11+$0x19450] =	vst v21;
	v19 =	vadd.f32 v19, v26;
	v21 =	vld [tilespmem:s11+$0x19840]  }
0x44a: {  	[tilespmem:s11+$0x19460] =	vst v20;
	v18 =	vadd.f32 v18, v25;
	v20 =	vld [tilespmem:s11+$0x19850]  }
0x44b: {  	[tilespmem:s11+$0x19470] =	vst v19;
	v17 =	vadd.f32 v17, v24;
	v19 =	vld [tilespmem:s11+$0x19860]  }
.Ltmp6:
0x44c: {  	[tilespmem:s11+$0x19800] =	vst v18;
	v18 =	vadd.f32 v16, v23;
	v16 =	vld [tilespmem:s11+$0x19870];
	(pc) =	sbr.rel @p1 .LBB2_11-.Ltmp6, $4  }
0x44d: {  	[tilespmem:s11+$0x19810] =	vst v17;
	v17 =	vadd.f32 v15, v22;
	v15 =	vld [tilespmem:s11+$0x19C00]  }
0x44e: {  	[tilespmem:s11+$0x19820] =	vst v18;
	v21 =	vadd.f32 v14, v21;
	v14 =	vld [tilespmem:s11+$0x19C10]  }
0x44f: {  	[tilespmem:s11+$0x19830] =	vst v17;
	v18 =	vadd.f32 v13, v20;
	v13 =	vld [tilespmem:s11+$0x19C20]  }
0x450: {  	s14 =	sadd.s32 $0x1, s14;
	[tilespmem:s11+$0x19840] =	vst v21;
	v17 =	vadd.f32 v12, v19;
	v12 =	vld [tilespmem:s11+$0x19C30]  }
0x451: {  	[tilespmem:s11+$0x19850] =	vst v18;
	v60 =	vld [tilespmem:s11+$0x19C40];
	v11 =	vadd.f32 v11, v16  }
0x452: {  	v61 =	vld [tilespmem:s11+$0x19C50];
	[tilespmem:s11+$0x19860] =	vst v17;
	v10 =	vadd.f32 v10, v15  }
0x453: {  	v62 =	vld [tilespmem:s11+$0x19C60];
	[tilespmem:s11+$0x19870] =	vst v11;
	v9 =	vadd.f32 v9, v14  }
0x454: {  	v63 =	vld [tilespmem:s11+$0x19C70];
	[tilespmem:s11+$0x19C00] =	vst v10;
	v8 =	vadd.f32 v8, v13  }
0x455: {  	[tilespmem:s11+$0x19C10] =	vst v9;
	v7 =	vadd.f32 v7, v12  }
0x456: {  	s6 =	sshll.u32 s8, $0xA;
	[tilespmem:s11+$0x19C20] =	vst v8;
	v6 =	vadd.f32 v6, v60  }
0x457: {  	s6 =	sor.u32 s5, s6;
	v5 =	vadd.f32 v5, v61;
	[tilespmem:s11+$0x19C30] =	vst v7  }
.Ltmp7:
0x458: {  	s6 =	sshrl.u32 s6, $0x3;
	v4 =	vadd.f32 v4, v62;
	[tilespmem:s11+$0x19C40] =	vst v6;
	(pc) =	sbr.rel @p0 .LBB2_14-.Ltmp7, $4  }
0x459: {  	s6 =	smul.u32 $0x300, s6;
	v3 =	vadd.f32 v3, v63;
	[tilespmem:s11+$0x19C50] =	vst v5  }
0x45a: {  	[tilespmem:s11+$0x19C60] =	vst v4  }
0x45b: {  	s6 =	sadd.s32 s3, s6;
	[tilespmem:s11+$0x19C70] =	vst v3  }
0x45c: {  	[hbm4b:s6+s4] =	stream.linear.scatter [tilespmem:s7], [sflag:$0x8], $0x6000, $0x38;
	[tilespmem:$0x1E800] =	vst v63  }
0x45d: {  	_ =	swait.ge [sflag:s23], $0x6000  }
0x45e: {  	s6 =	sshll.u32 s25, $0x7;
	[sflag:s23] =	ssyncset.done $0x0  }
0x45f: {  	s6 =	sand.u32 $0x3FFFFF80, s6;
	[sflag:s23] =	ssyncadd.s32 $0xFFFFA000  }
0x460: {  	v3 =	vld [tilespmem:s6+$0xC0];
	_ =	sdelay $0x4  }
0x461: {  	v4 =	vshrl.u32 v3, $0x3  }
0x462: {  	v4 =	vmul.u32 $0x30, v4  }
0x463: {  	v3 =	vand.u32 $0x7, v3  }
0x464: {  	v3 =	vor.u32 v3, v4  }
0x465: {  	v4 =	vperm.xlane v3, v0;
	_ =	sdelay $0x1  }
0x466: {  	v4 =	vadd.s32 v1, v4;
	_ =	sdelay $0x3  }
0x467: {  	v3 =	vperm.xlane v3, v2  }
0x468: {  	[tilespmem:s29], [sflag:$0x3] =	stream.indirect_vreg.gather [hbm4b:s1+s4], $0x80, v4, vm0, $0xb8;
	[tilespmem:$0x1E800] =	vst v63  }
0x469: {  	s8 =	simm.s32 $0x13000;
	v3 =	vadd.s32 v1, v3  }
0x46a: {  	[tilespmem:s8], [sflag:$0x3] =	stream.indirect_vreg.gather [hbm4b:s9+s4], $0x80, v4, vm0, $0xb8;
	[tilespmem:$0x1E800] =	vst v63  }
0x46b: {  	s18 =	simm.s32 $0x13800  }
0x46c: {  	[tilespmem:s18], [sflag:$0x3] =	stream.indirect_vreg.gather [hbm4b:s10+s4], $0x80, v4, vm0, $0xb8;
	[tilespmem:$0x1E800] =	vst v63  }
0x46d: {  	s28 =	simm.s32 $0x14000  }
0x46e: {  	[tilespmem:s28], [sflag:$0x3] =	stream.indirect_vreg.gather [hbm4b:s1+s4], $0x80, v3, vm0, $0xb8;
	[tilespmem:$0x1E800] =	vst v63  }
0x46f: {  	s30 =	simm.s32 $0x14800  }
0x470: {  	[tilespmem:s30], [sflag:$0x3] =	stream.indirect_vreg.gather [hbm4b:s9+s4], $0x80, v3, vm0, $0xb8;
	[tilespmem:$0x1E800] =	vst v63  }
0x471: {  	s31 =	simm.s32 $0x15000  }
0x472: {  	[tilespmem:s31], [sflag:$0x3] =	stream.indirect_vreg.gather [hbm4b:s10+s4], $0x80, v3, vm0, $0xb8;
	[tilespmem:$0x1E800] =	vst v63  }
0x473: {  	v3 =	vld [tilespmem:s6+$0xD0];
	_ =	sdelay $0x4  }
0x474: {  	v63 =	vshrl.u32 v3, $0x3  }
0x475: {  	v4 =	vmul.u32 $0x30, v63  }
0x476: {  	v3 =	vand.u32 $0x7, v3  }
0x477: {  	v3 =	vor.u32 v3, v4  }
0x478: {  	v4 =	vperm.xlane v3, v0;
	_ =	sdelay $0x1  }
0x479: {  	v4 =	vadd.s32 v1, v4;
	_ =	sdelay $0x3  }
0x47a: {  	s11 =	simm.s32 $0x15800;
	v3 =	vperm.xlane v3, v2  }
0x47b: {  	[tilespmem:s11], [sflag:$0x3] =	stream.indirect_vreg.gather [hbm4b:s1+s4], $0x80, v4, vm0, $0xb8;
	[tilespmem:$0x1E800] =	vst v63  }
0x47c: {  	s14 =	simm.s32 $0x16000;
	v3 =	vadd.s32 v1, v3  }
0x47d: {  	[tilespmem:s14], [sflag:$0x3] =	stream.indirect_vreg.gather [hbm4b:s9+s4], $0x80, v4, vm0, $0xb8;
	[tilespmem:$0x1E800] =	vst v63  }
0x47e: {  	s18 =	simm.s32 $0x16800  }
0x47f: {  	[tilespmem:s18], [sflag:$0x3] =	stream.indirect_vreg.gather [hbm4b:s10+s4], $0x80, v4, vm0, $0xb8;
	[tilespmem:$0x1E800] =	vst v63  }
0x480: {  	s28 =	simm.s32 $0x17000  }
0x481: {  	[tilespmem:s28], [sflag:$0x3] =	stream.indirect_vreg.gather [hbm4b:s1+s4], $0x80, v3, vm0, $0xb8;
	[tilespmem:$0x1E800] =	vst v63  }
.Ltmp8:
0x482: {  	_ = 	snop;
	(pc) =	sbr.rel .LBB2_4-.Ltmp8, $4  }
0x483: {  	s30 =	simm.s32 $0x17800  }
0x484: {  	[tilespmem:s30], [sflag:$0x3] =	stream.indirect_vreg.gather [hbm4b:s9+s4], $0x80, v3, vm0, $0xb8;
	[tilespmem:$0x1E800] =	vst v63  }
0x485: {  	s25 =	sadd.s32 $0x1, s25;
	s31 =	simm.s32 $0x18000  }
0x486: {  	[tilespmem:s31], [sflag:$0x3] =	stream.indirect_vreg.gather [hbm4b:s10+s4], $0x80, v3, vm0, $0xb8;
	[tilespmem:$0x1E800] =	vst v63  }
.LBB2_15:
0x487: {  	_ =	sfence.sel $0x180000  }
0x488: {  	[bflag:$0x0] =	sbarrier.arrive $0xFFFF  }
0x489: {  	_ =	strace $0x90000047  }
0x48a: {  	s0 =	stileid.u32;
	[bflag:$0x2] =	sbarrier.arrive $0xFFFF  }
0x48b: {  	p0 =	sne.s32 s0, $0x0;
	s0 =	rddreg [dreg:$0x4]  }
0x48c: {  	s0 =	sadd.s32 @!p0 $0x100000, s0  }
0x48d: {  	[sflag:s0] =	ssyncadd.tile.s32 @!p0 $0x1;
	_ =	shalt  }
.Lfunc_end2:
_tile_overlayer_lowered:
.L_overlay_start_2:
0x48e: {  	(tag) =	ssettag $0x2  }
0x48f: {  	s0 =	rddreg [dreg:$0x0];
	s2 =	stileid.u32  }
0x490: {  	s1 =	rddreg [dreg:$0x1];
	p0 =	sne.s32 s2, $0x0  }
0x491: {  	s3 =	rddreg [dreg:$0x2];
	[bflag:$0x3] =	sbarrier.arrive $0xFFFF;
	s2 =	simm.s32 @!p0 $0x1C0A  }
0x492: {  	[timem:s3], [sflag:s2] =	dma.local @!p0 [hbm:s0], s1  }
0x493: {  	s0 =	simm.s32 @!p0 $0xA  }
0x494: {  	_ =	swait.ge @!p0 [sflag:s0], s1  }
0x495: {  	s1 =	ssub.s32 @!p0 $0x0, s1;
	[sflag:s0] =	ssyncset.done @!p0 $0x0  }
0x496: {  	[sflag:s0] =	ssyncadd.s32 @!p0 s1  }
0x497: {  	[bflag:$0x3] =	sbarrier.arrive $0xFFFF  }
0x498: {  	_ =	shalt  }

</sc_bundles>
